<compile_context>
chip_gen: v7x
topology: tpu7x:2x2x1
jax: 0.10.2.dev20260603
libtpu: 0.0.44.dev20260713+nightly
codegen_flags: <defaults>
</compile_context>

<pallas_src>
import functools

import jax
import jax.numpy as jnp
from jax import lax
from jax.experimental import pallas as pl
from jax.experimental.pallas import tpu as pltpu
from jax.experimental.pallas import tpu_sc as plsc

KNB = 16
B_ = 5
N_ = 2000
NT = B_ * N_
NPAD = 10240
NCOL = 2048
NEDGE = float(NT * KNB)

NW = 32
FG = 128

RT = 256
NTL = 256
NST = NPAD // NTL



def _knn_body(pts_ref, ptsT_ref, sqr_ref, sqc_ref, out_ref):
    b = pl.program_id(0)
    rt = pl.program_id(1)
    p = pts_ref[0]
    pT = ptsT_ref[0]
    dotm = jnp.dot(p, pT, preferred_element_type=jnp.float32)
    sq_r = sqr_ref[0]
    sq_c = sqc_ref[0]
    d = (sq_r + sq_c) - 2.0 * dotm
    rowid = rt * RT + lax.broadcasted_iota(jnp.int32, (RT, NCOL), 0)
    colid = lax.broadcasted_iota(jnp.int32, (RT, NCOL), 1)
    d = d + jnp.where(colid == rowid, jnp.float32(1e10), jnp.float32(0.0))
    d = jnp.where(colid >= N_, jnp.float32(jnp.inf), d)
    idxacc = jnp.zeros((RT, KNB), jnp.int32)
    col16 = lax.broadcasted_iota(jnp.int32, (RT, KNB), 1)
    for t in range(KNB):
        m = jnp.min(d, axis=1, keepdims=True)
        am = jnp.min(jnp.where(d == m, colid, jnp.int32(2**30)),
                     axis=1, keepdims=True)
        idxacc = jnp.where(col16 == t, am + b * N_, idxacc)
        d = jnp.where(colid == am, jnp.float32(jnp.inf), d)
    out_ref[0] = idxacc


def _knn(pos_pad, posT, sqr, sqc, *, interpret=False):
    return pl.pallas_call(
        _knn_body,
        grid=(B_, NCOL // RT),
        in_specs=[
            pl.BlockSpec((1, RT, 8), lambda b, r: (b, r, 0)),
            pl.BlockSpec((1, 8, NCOL), lambda b, r: (b, 0, 0)),
            pl.BlockSpec((1, RT, 1), lambda b, r: (b, r, 0)),
            pl.BlockSpec((1, 1, NCOL), lambda b, r: (b, 0, 0)),
        ],
        out_specs=pl.BlockSpec((1, RT, KNB), lambda b, r: (b, r, 0)),
        out_shape=jax.ShapeDtypeStruct((B_, NCOL, KNB), jnp.int32),
        interpret=interpret,
    )(pos_pad, posT, sqr, sqc)



def _normu_body(norm, fin, fpad, fout, y_ref, st_ref, g_ref, be_ref,
                wt_ref, bv_ref, x_ref, u_ref):
    y = y_ref[...]
    if norm:
        st = st_ref[...]
        mean = jnp.sum(st[:, 0], axis=0, keepdims=True) / NEDGE
        msq = jnp.sum(st[:, 1], axis=0, keepdims=True) / NEDGE
        var = msq - mean * mean
        xn = g_ref[...] * (y - mean) / jnp.sqrt(var + 1e-5) + be_ref[...]
    else:
        xn = y
    x_ref[:, 0:fin] = xn
    if fpad > fin:
        x_ref[:, fin:fpad] = jnp.zeros((x_ref.shape[0], fpad - fin),
                                       jnp.float32)
    u_ref[...] = jnp.dot(xn, wt_ref[...],
                         preferred_element_type=jnp.float32) + bv_ref[...]


def _normu(y, st, g, be, wt, bv, fin, fpad, fout, norm, *, interpret=False):
    MT = 1024
    body = functools.partial(_normu_body, norm, fin, fpad, fout)
    return pl.pallas_call(
        body,
        grid=(NPAD // MT,),
        in_specs=[
            pl.BlockSpec((MT, fin), lambda i: (i, 0)),
            pl.BlockSpec((NST, 2, fin), lambda i: (0, 0, 0)),
            pl.BlockSpec((1, fin), lambda i: (0, 0)),
            pl.BlockSpec((1, fin), lambda i: (0, 0)),
            pl.BlockSpec((fin, fout), lambda i: (0, 0)),
            pl.BlockSpec((1, fout), lambda i: (0, 0)),
        ],
        out_specs=[
            pl.BlockSpec((MT, fpad), lambda i: (i, 0)),
            pl.BlockSpec((MT, fout), lambda i: (i, 0)),
        ],
        out_shape=[
            jax.ShapeDtypeStruct((NPAD, fpad), jnp.float32),
            jax.ShapeDtypeStruct((NPAD, fout), jnp.float32),
        ],
        interpret=interpret,
    )(y, st, g, be, wt, bv)



NFW = KNB * NPAD // NW
GCH = 128
NGCH = NFW // GCH
NBUF = 5


@functools.lru_cache(maxsize=None)
def _make_gather_kernel():
    mesh = plsc.VectorSubcoreMesh(core_axis_name="c", subcore_axis_name="s")

    @functools.partial(
        pl.kernel,
        mesh=mesh,
        out_type=jax.ShapeDtypeStruct((KNB, NPAD, FG), jnp.float32),
        scratch_types=[
            pltpu.VMEM((NFW,), jnp.int32),
            pltpu.VMEM((NBUF, GCH, FG), jnp.float32),
            pltpu.SemaphoreType.DMA, pltpu.SemaphoreType.DMA,
            pltpu.SemaphoreType.DMA, pltpu.SemaphoreType.DMA,
            pltpu.SemaphoreType.DMA, pltpu.SemaphoreType.DMA,
            pltpu.SemaphoreType.DMA, pltpu.SemaphoreType.DMA,
            pltpu.SemaphoreType.DMA, pltpu.SemaphoreType.DMA,
        ],
    )
    def gather(idx_hbm, x_hbm, xj_hbm, idx_v, z_v,
               g0, g1, g2, g3, g4, w0, w1, w2, w3, w4):
        wid = lax.axis_index("s") * 2 + lax.axis_index("c")
        fbase = wid * NFW
        kslab = wid // 2
        row0 = (wid % 2) * NFW
        gsems = (g0, g1, g2, g3, g4)
        wsems = (w0, w1, w2, w3, w4)
        pltpu.sync_copy(idx_hbm.at[pl.ds(fbase, NFW)], idx_v)

        def fire_gather(ch, b):
            pltpu.async_copy(
                x_hbm.at[idx_v.at[pl.ds(ch * GCH, GCH)]],
                z_v.at[b], gsems[b])

        def wait_gather(b):
            pltpu.make_async_copy(
                x_hbm.at[pl.ds(0, GCH)], z_v.at[b], gsems[b]).wait()

        def fire_write(ch, b):
            pltpu.async_copy(
                z_v.at[b],
                xj_hbm.at[kslab, pl.ds(row0 + ch * GCH, GCH), :],
                wsems[b])

        def wait_write(b):
            pltpu.make_async_copy(
                z_v.at[b], xj_hbm.at[0, pl.ds(0, GCH), :], wsems[b]).wait()

        for b in range(NBUF - 1):
            fire_gather(b, b)

        def round_body(r, carry):
            for s in range(NBUF):
                ch = r * NBUF + s
                nx = ch + NBUF - 1
                bnx = (s + NBUF - 1) % NBUF

                @pl.when(nx < NGCH)
                def _():
                    @pl.when(nx >= NBUF)
                    def _():
                        wait_write(bnx)
                    fire_gather(nx, bnx)

                wait_gather(s)
                fire_write(ch, s)
            return carry

        lax.fori_loop(0, NGCH // NBUF, round_body, 0)
        for b in range(NBUF):
            wait_write(b)

    return gather



def _reduce_body(fout, u_ref, d_ref, x_ref, wb_ref, y_ref, st_ref):
    nt = pl.program_id(0)
    u = u_ref[...]
    x = x_ref[...]
    wb = wb_ref[...]
    nodeid = nt * NTL + lax.broadcasted_iota(jnp.int32, (NTL, fout), 0)
    valid = nodeid < NT
    macc = None
    s = None
    ss = None
    for k in range(KNB):
        v = jnp.dot(d_ref[k] - x, wb, preferred_element_type=jnp.float32)
        m = u + v
        lr = jnp.where(m >= 0, m, 0.2 * m)
        lrm = jnp.where(valid, lr, 0.0)
        sk = jnp.sum(lrm, axis=0, keepdims=True)
        ssk = jnp.sum(lrm * lrm, axis=0, keepdims=True)
        if k == 0:
            macc, s, ss = lr, sk, ssk
        else:
            macc = jnp.maximum(macc, lr)
            s = s + sk
            ss = ss + ssk
    y_ref[...] = macc
    st_ref[0, 0:1] = s
    st_ref[0, 1:2] = ss


def _reduce(u, xj, x, wb, fout, *, interpret=False):
    body = functools.partial(_reduce_body, fout)
    return pl.pallas_call(
        body,
        grid=(NST,),
        in_specs=[
            pl.BlockSpec((NTL, fout), lambda nt: (nt, 0)),
            pl.BlockSpec((KNB, NTL, FG), lambda nt: (0, nt, 0)),
            pl.BlockSpec((NTL, FG), lambda nt: (nt, 0)),
            pl.BlockSpec((FG, fout), lambda nt: (0, 0)),
        ],
        out_specs=[
            pl.BlockSpec((NTL, fout), lambda nt: (nt, 0)),
            pl.BlockSpec((1, 2, fout), lambda nt: (nt, 0, 0)),
        ],
        out_shape=[
            jax.ShapeDtypeStruct((NPAD, fout), jnp.float32),
            jax.ShapeDtypeStruct((NST, 2, fout), jnp.float32),
        ],
        interpret=interpret,
    )(u, xj, x, wb)



def _final_body(y1_ref, y2_ref, y3_ref, st1_ref, st2_ref, st3_ref,
                g1_ref, be1_ref, g2_ref, be2_ref, g3_ref, be3_ref,
                wf1_ref, bf1_ref, gf_ref, bef_ref, wf2_ref, bf2_ref,
                out_ref, gm1, gm2, gm3):
    b = pl.program_id(0)

    def norm_of(st_ref, g_ref, be_ref, v):
        st = st_ref[...]
        mean = jnp.sum(st[:, 0], axis=0, keepdims=True) / NEDGE
        msq = jnp.sum(st[:, 1], axis=0, keepdims=True) / NEDGE
        var = msq - mean * mean
        return g_ref[...] * (v - mean) / jnp.sqrt(var + 1e-5) + be_ref[...]

    for y_ref, st_ref, g_ref, be_ref, gm in (
            (y1_ref, st1_ref, g1_ref, be1_ref, gm1),
            (y2_ref, st2_ref, g2_ref, be2_ref, gm2),
            (y3_ref, st3_ref, g3_ref, be3_ref, gm3)):
        mx = jnp.max(y_ref[...], axis=0, keepdims=True)
        gn = norm_of(st_ref, g_ref, be_ref, mx)
        rows = lax.broadcasted_iota(jnp.int32, gm.shape, 0)
        gm[...] = jnp.where(rows == b, jnp.broadcast_to(gn, gm.shape),
                            gm[...])

    @pl.when(b == B_ - 1)
    def _():
        wf1 = wf1_ref[...]
        h = (jnp.dot(gm1[...], wf1[0:64], preferred_element_type=jnp.float32)
             + jnp.dot(gm2[...], wf1[64:192],
                       preferred_element_type=jnp.float32)
             + jnp.dot(gm3[...], wf1[192:448],
                       preferred_element_type=jnp.float32)) + bf1_ref[...]
        h = jnp.where(h >= 0, h, 0.2 * h)
        rows = lax.broadcasted_iota(jnp.int32, h.shape, 0)
        valid = rows < B_
        hm = jnp.where(valid, h, 0.0)
        mean = jnp.sum(hm, axis=0, keepdims=True) / float(B_)
        diff = h - mean
        var = jnp.sum(jnp.where(valid, diff * diff, 0.0), axis=0,
                      keepdims=True) / float(B_)
        hn = gf_ref[...] * diff / jnp.sqrt(var + 1e-5) + bef_ref[...]
        out_ref[...] = jnp.dot(hn, wf2_ref[...],
                               preferred_element_type=jnp.float32) + bf2_ref[...]


def _final(y1, y2, y3, st1, st2, st3, g1, be1, g2, be2, g3, be3,
           wf1, bf1, gf, bef, wf2, bf2, *, interpret=False):
    full = lambda shape: pl.BlockSpec(shape, lambda b: tuple(0 for _ in shape))
    return pl.pallas_call(
        _final_body,
        grid=(B_,),
        in_specs=[
            pl.BlockSpec((N_, 64), lambda b: (b, 0)),
            pl.BlockSpec((N_, 128), lambda b: (b, 0)),
            pl.BlockSpec((N_, 256), lambda b: (b, 0)),
            full((NST, 2, 64)), full((NST, 2, 128)), full((NST, 2, 256)),
            full((1, 64)), full((1, 64)),
            full((1, 128)), full((1, 128)),
            full((1, 256)), full((1, 256)),
            full((448, 512)), full((1, 512)), full((1, 512)), full((1, 512)),
            full((512, 128)), full((1, 128)),
        ],
        out_specs=pl.BlockSpec((8, 128), lambda b: (0, 0)),
        out_shape=jax.ShapeDtypeStruct((8, 128), jnp.float32),
        scratch_shapes=[
            pltpu.VMEM((8, 64), jnp.float32),
            pltpu.VMEM((8, 128), jnp.float32),
            pltpu.VMEM((8, 256), jnp.float32),
        ],
        interpret=interpret,
    )(y1, y2, y3, st1, st2, st3, g1, be1, g2, be2, g3, be3,
      wf1, bf1, gf, bef, wf2, bf2)



def _row2(v):
    return v.reshape(1, -1)


def kernel(points, W1, b1, g1, be1, W2, b2, g2, be2, W3, b3, g3, be3,
           Wf1, bf1, gf, bef, Wf2, bf2):
    pos = points[..., :3]
    pos_pad = jnp.zeros((B_, NCOL, 8), jnp.float32).at[:, :N_, :3].set(pos)
    posT = jnp.transpose(pos_pad, (0, 2, 1))
    sq = jnp.sum(pos * pos, axis=-1)
    sq_pad = jnp.zeros((B_, NCOL), jnp.float32).at[:, :N_].set(sq)
    sqr = sq_pad[:, :, None]
    sqc = sq_pad[:, None, :]

    idx = _knn(pos_pad, posT, sqr, sqc)
    idx = idx[:, :N_].reshape(NT, KNB)
    idx_pad = jnp.pad(idx, ((0, NPAD - NT), (0, 0)))
    idx_km = jnp.transpose(idx_pad, (1, 0)).reshape(-1)

    x0p = jnp.pad(points.reshape(NT, 5), ((0, NPAD - NT), (0, FG - 5)))
    dummy_st = jnp.zeros((NST, 2, FG), jnp.float32)
    one = jnp.ones((1, FG), jnp.float32)
    zero = jnp.zeros((1, FG), jnp.float32)

    Wt1p = jnp.pad(W1[:5], ((0, FG - 5), (0, 0)))
    Wb1p = jnp.pad(W1[5:], ((0, FG - 5), (0, 0)))
    Wt2, Wb2 = W2[:64], jnp.pad(W2[64:], ((0, 64), (0, 0)))
    Wt3, Wb3 = W3[:128], W3[128:]

    gather = _make_gather_kernel()

    _, U1 = _normu(x0p, dummy_st, one, zero, Wt1p, _row2(b1),
                   FG, FG, 64, False)
    J1 = gather(idx_km, x0p)
    Y1, ST1 = _reduce(U1, J1, x0p, Wb1p, 64)

    X2, U2 = _normu(Y1, ST1, _row2(g1), _row2(be1), Wt2, _row2(b2),
                    64, FG, 128, True)
    J2 = gather(idx_km, X2)
    Y2, ST2 = _reduce(U2, J2, X2, Wb2, 128)

    X3, U3 = _normu(Y2, ST2, _row2(g2), _row2(be2), Wt3, _row2(b3),
                    128, FG, 256, True)
    J3 = gather(idx_km, X3)
    Y3, ST3 = _reduce(U3, J3, X3, Wb3, 256)

    out8 = _final(Y1[:NT], Y2[:NT], Y3[:NT], ST1, ST2, ST3,
                  _row2(g1), _row2(be1), _row2(g2), _row2(be2),
                  _row2(g3), _row2(be3),
                  Wf1, _row2(bf1), _row2(gf), _row2(bef), Wf2, _row2(bf2))
    return out8[:B_]

# --- scband reference (transcript-rebuilt; emitter-appended) ---
"""Pipeline reference for scband-dgcnnencoder-58952721105076 (READ-ONLY COPY).

The authoritative reference and input builder live on the scoring server;
editing this copy changes nothing except your own understanding.
"""

import jax, jax.numpy as jnp
import numpy as np

K = 16


def setup_inputs(seed: int = 0) -> dict:
    key = jax.random.key(seed)
    ks = jax.random.split(key, 8)
    B, N, C = 5, 2000, 5
    def w(k_, shape, scale):
        return jax.random.normal(k_, shape, dtype=jnp.float32) * scale
    return {
        "points": jax.random.normal(ks[0], (B, N, C), dtype=jnp.float32),
        "W1": w(ks[1], (10, 64), 0.3), "b1": jnp.zeros((64,), jnp.float32),
        "g1": jnp.ones((64,), jnp.float32), "be1": jnp.zeros((64,), jnp.float32),
        "W2": w(ks[2], (128, 128), 0.1), "b2": jnp.zeros((128,), jnp.float32),
        "g2": jnp.ones((128,), jnp.float32), "be2": jnp.zeros((128,), jnp.float32),
        "W3": w(ks[3], (256, 256), 0.07), "b3": jnp.zeros((256,), jnp.float32),
        "g3": jnp.ones((256,), jnp.float32), "be3": jnp.zeros((256,), jnp.float32),
        "Wf1": w(ks[4], (448, 512), 0.05), "bf1": jnp.zeros((512,), jnp.float32),
        "gf": jnp.ones((512,), jnp.float32), "bef": jnp.zeros((512,), jnp.float32),
        "Wf2": w(ks[5], (512, 128), 0.05), "bf2": jnp.zeros((128,), jnp.float32),
    }


def _lrelu(x):
    return jnp.where(x >= 0, x, 0.2 * x)


def _bn(x, g, b):
    m = jnp.mean(x, axis=0)
    v = jnp.mean((x - m) ** 2, axis=0)
    return g * (x - m) / jnp.sqrt(v + 1e-5) + b


def _knn_edges(pos, B, N, k):
    srcs, dsts = [], []
    base = jnp.repeat(jnp.arange(N), k)
    for b in range(B):
        p = pos[b]
        sq = jnp.sum(p * p, axis=-1)
        d = sq[:, None] + sq[None, :] - 2.0 * (p @ p.T)
        d = d + jnp.eye(N, dtype=p.dtype) * 1e10
        _, idx = jax.lax.top_k(-d, k)
        srcs.append(idx.reshape(-1) + b * N)
        dsts.append(base + b * N)
    return jnp.concatenate(srcs), jnp.concatenate(dsts)


def _edge_conv(x, src, dst, W, b, g, be, num_nodes):
    xi = x[dst]
    xj = x[src]
    m = jnp.concatenate([xi, xj - xi], axis=1) @ W + b
    m = _bn(_lrelu(m), g, be)
    return jax.ops.segment_max(m, dst, num_segments=num_nodes)


def reference(points, W1, b1, g1, be1, W2, b2, g2, be2, W3, b3, g3, be3, Wf1, bf1, gf, bef, Wf2, bf2):
    B, N, C = points.shape
    x = points.reshape(B * N, C)
    pos = jax.lax.stop_gradient(points[..., :3])
    src, dst = _knn_edges(pos, B, N, K)
    x1 = _edge_conv(x, src, dst, W1, b1, g1, be1, B * N)
    x2 = _edge_conv(x1, src, dst, W2, b2, g2, be2, B * N)
    x3 = _edge_conv(x2, src, dst, W3, b3, g3, be3, B * N)
    xs = jnp.concatenate([x1, x2, x3], axis=1)
    gfeat = jnp.max(xs.reshape(B, N, -1), axis=1)
    h = _bn(_lrelu(gfeat @ Wf1 + bf1), gf, bef)
    return h @ Wf2 + bf2

if __name__ == "__main__":
    import jax
    _d = setup_inputs()
    print(jax.jit(kernel)(*tuple(_d.values())))

</pallas_src>

<mosaic_0001>
#map = affine_map<(d0, d1) -> (0)>
#map1 = affine_map<(d0, d1) -> (0, 0)>
#map2 = affine_map<(d0, d1) -> (0, 0, 0)>
module attributes {stable_mosaic.version = 14 : i64} {
  func.func @gather(%arg0: i32, %arg1: i32, %arg2: memref<163840xi32, #tpu.memory_space<hbm>>, %arg3: memref<10240x128xf32, #tpu.memory_space<hbm>>, %arg4: memref<16x10240x128xf32, #tpu.memory_space<hbm>>, %arg5: memref<5120xi32, #tpu.memory_space<vmem>>, %arg6: memref<5x128x128xf32, #tpu.memory_space<vmem>>, %arg7: memref<!tpu.dma_semaphore, #tpu.memory_space<semaphore_mem>>, %arg8: memref<!tpu.dma_semaphore, #tpu.memory_space<semaphore_mem>>, %arg9: memref<!tpu.dma_semaphore, #tpu.memory_space<semaphore_mem>>, %arg10: memref<!tpu.dma_semaphore, #tpu.memory_space<semaphore_mem>>, %arg11: memref<!tpu.dma_semaphore, #tpu.memory_space<semaphore_mem>>, %arg12: memref<!tpu.dma_semaphore, #tpu.memory_space<semaphore_mem>>, %arg13: memref<!tpu.dma_semaphore, #tpu.memory_space<semaphore_mem>>, %arg14: memref<!tpu.dma_semaphore, #tpu.memory_space<semaphore_mem>>, %arg15: memref<!tpu.dma_semaphore, #tpu.memory_space<semaphore_mem>>, %arg16: memref<!tpu.dma_semaphore, #tpu.memory_space<semaphore_mem>>) attributes {dimension_semantics = [#tpu.dimension_semantics<core_parallel>, #tpu.dimension_semantics<subcore_parallel>], iteration_bounds = array<i64: 2, 16>, scalar_prefetch = 0 : i64, scratch_operands = 12 : i64, tpu.core_type = #tpu.core_type<sc_vector_subcore>, window_params = [{transform_indices = #map}, {transform_indices = #map1}, {transform_indices = #map2}]} {
    %mul3A = arith.constant 2 : i32
    %mul3A_0 = arith.muli %arg1, %mul3A : i32
    %add3A = arith.addi %mul3A_0, %arg0 : i32
    %mul3A_1 = arith.constant 5120 : i32
    %mul3A_2 = arith.muli %add3A, %mul3A_1 : i32
    %jit3A = arith.constant 2 : i32
    %div3A = arith.divsi %add3A, %jit3A : i32
    %sign3A = arith.constant 0 : i32
    %sign3A_3 = arith.cmpi sgt, %add3A, %sign3A : i32
    %sign3A_4 = arith.extui %sign3A_3 : i1 to i32
    %sign3A_5 = arith.constant 0 : i32
    %sign3A_6 = arith.cmpi slt, %add3A, %sign3A_5 : i32
    %sign3A_7 = arith.extui %sign3A_6 : i1 to i32
    %sign3A_8 = arith.subi %sign3A_4, %sign3A_7 : i32
    %sign3A_9 = arith.constant 0 : i32
    %sign3A_10 = arith.cmpi sgt, %jit3A, %sign3A_9 : i32
    %sign3A_11 = arith.extui %sign3A_10 : i1 to i32
    %sign3A_12 = arith.constant 0 : i32
    %sign3A_13 = arith.cmpi slt, %jit3A, %sign3A_12 : i32
    %sign3A_14 = arith.extui %sign3A_13 : i1 to i32
    %sign3A_15 = arith.subi %sign3A_11, %sign3A_14 : i32
    %ne3A = arith.cmpi ne, %sign3A_8, %sign3A_15 : i32
    %rem3A = arith.remsi %add3A, %jit3A : i32
    %ne3A_16 = arith.constant 0 : i32
    %ne3A_17 = arith.cmpi ne, %rem3A, %ne3A_16 : i32
    %and3A = arith.andi %ne3A, %ne3A_17 : i1
    %sub3A = arith.constant 1 : i32
    %sub3A_18 = arith.subi %div3A, %sub3A : i32
    %select_n3A = arith.select %and3A, %sub3A_18, %div3A : i32
    %jit3A_19 = arith.constant 2 : i32
    %eq3A = arith.constant 0 : i32
    %eq3A_20 = arith.cmpi eq, %jit3A_19, %eq3A : i32
    %jit3A_21 = arith.constant 1 : i32
    %select_n3A_22 = arith.select %eq3A_20, %jit3A_21, %jit3A_19 : i32
    %rem3A_23 = arith.remsi %add3A, %select_n3A_22 : i32
    %ne3A_24 = arith.constant 0 : i32
    %ne3A_25 = arith.cmpi ne, %rem3A_23, %ne3A_24 : i32
    %lt3A = arith.constant 0 : i32
    %lt3A_26 = arith.cmpi slt, %rem3A_23, %lt3A : i32
    %lt3A_27 = arith.constant 0 : i32
    %lt3A_28 = arith.cmpi slt, %select_n3A_22, %lt3A_27 : i32
    %ne3A_29 = arith.xori %lt3A_26, %lt3A_28 : i1
    %and3A_30 = arith.andi %ne3A_29, %ne3A_25 : i1
    %add3A_31 = arith.addi %rem3A_23, %select_n3A_22 : i32
    %select_n3A_32 = arith.select %and3A_30, %add3A_31, %rem3A_23 : i32
    %mul3A_33 = arith.constant 5120 : i32
    %mul3A_34 = arith.muli %select_n3A_32, %mul3A_33 : i32
    "tpu.region"() ({
      %run_scoped3A = tpu.sem_alloc : memref<!tpu.dma_semaphore, #tpu.memory_space<semaphore_mem>>
      %dma_start3A_168 = tpu.memref_slice %arg2[%mul3A_2] : memref<163840xi32, #tpu.memory_space<hbm>> -> memref<5120xi32, #tpu.memory_space<hbm>>
      %dma_start3A_169 = tpu.memref_slice %arg2[%mul3A_2] : memref<163840xi32, #tpu.memory_space<hbm>> -> memref<5120xi32, #tpu.memory_space<hbm>>
      tpu.enqueue_dma source(%dma_start3A_169 : memref<5120xi32, #tpu.memory_space<hbm>>) target(%arg5 : memref<5120xi32, #tpu.memory_space<vmem>>) target_semaphore(%run_scoped3A : memref<!tpu.dma_semaphore, #tpu.memory_space<semaphore_mem>>)
      %dma_wait3A_170 = tpu.memref_slice %arg2[%mul3A_2] : memref<163840xi32, #tpu.memory_space<hbm>> -> memref<5120xi32, #tpu.memory_space<hbm>>
      %dma_wait3A_171 = tpu.memref_slice %arg2[%mul3A_2] : memref<163840xi32, #tpu.memory_space<hbm>> -> memref<5120xi32, #tpu.memory_space<hbm>>
      tpu.wait_dma2 semaphore(%run_scoped3A : memref<!tpu.dma_semaphore, #tpu.memory_space<semaphore_mem>>) src(%dma_wait3A_171 : memref<5120xi32, #tpu.memory_space<hbm>>) dst(%arg5 : memref<5120xi32, #tpu.memory_space<vmem>>)
      tpu.yield
    }) : () -> ()
    %dma_start3A = arith.constant 0 : i32
    %dma_start3A_35 = arith.constant 0 : i32
    %dma_start3A_36 = arith.constant 0 : i32
    %dma_start3A_37 = tpu.memref_slice %arg6[%dma_start3A, %dma_start3A_35, %dma_start3A_36] : memref<5x128x128xf32, #tpu.memory_space<vmem>> -> memref<1x128x128xf32, #tpu.memory_space<vmem>>
    %dma_start3A_38 = tpu.memref_squeeze %dma_start3A_37 : memref<1x128x128xf32, #tpu.memory_space<vmem>> -> memref<128x128xf32, #tpu.memory_space<vmem>>
    %dma_start3A_39 = arith.constant 0 : i32
    %dma_start3A_40 = tpu.memref_slice %arg5[%dma_start3A_39] : memref<5120xi32, #tpu.memory_space<vmem>> -> memref<128xi32, #tpu.memory_space<vmem>>
    %dma_start3A_41 = arith.constant 0 : i32
    %dma_start3A_42 = arith.constant 0 : i32
    %dma_start3A_43 = tpu.memref_slice %arg3[%dma_start3A_41, %dma_start3A_42] : memref<10240x128xf32, #tpu.memory_space<hbm>> -> memref<10240x128xf32, #tpu.memory_space<hbm>>
    tpu.enqueue_indirect_dma source(%dma_start3A_43 : memref<10240x128xf32, #tpu.memory_space<hbm>>) target(%dma_start3A_38 : memref<128x128xf32, #tpu.memory_space<vmem>>) offsets(%dma_start3A_40 : memref<128xi32, #tpu.memory_space<vmem>>) semaphore(%arg7 : memref<!tpu.dma_semaphore, #tpu.memory_space<semaphore_mem>>)
    %dma_start3A_44 = arith.constant 1 : i32
    %dma_start3A_45 = arith.constant 0 : i32
    %dma_start3A_46 = arith.constant 0 : i32
    %dma_start3A_47 = tpu.memref_slice %arg6[%dma_start3A_44, %dma_start3A_45, %dma_start3A_46] : memref<5x128x128xf32, #tpu.memory_space<vmem>> -> memref<1x128x128xf32, #tpu.memory_space<vmem>>
    %dma_start3A_48 = tpu.memref_squeeze %dma_start3A_47 : memref<1x128x128xf32, #tpu.memory_space<vmem>> -> memref<128x128xf32, #tpu.memory_space<vmem>>
    %dma_start3A_49 = arith.constant 128 : i32
    %dma_start3A_50 = tpu.memref_slice %arg5[%dma_start3A_49] : memref<5120xi32, #tpu.memory_space<vmem>> -> memref<128xi32, #tpu.memory_space<vmem>>
    %dma_start3A_51 = arith.constant 0 : i32
    %dma_start3A_52 = arith.constant 0 : i32
    %dma_start3A_53 = tpu.memref_slice %arg3[%dma_start3A_51, %dma_start3A_52] : memref<10240x128xf32, #tpu.memory_space<hbm>> -> memref<10240x128xf32, #tpu.memory_space<hbm>>
    tpu.enqueue_indirect_dma source(%dma_start3A_53 : memref<10240x128xf32, #tpu.memory_space<hbm>>) target(%dma_start3A_48 : memref<128x128xf32, #tpu.memory_space<vmem>>) offsets(%dma_start3A_50 : memref<128xi32, #tpu.memory_space<vmem>>) semaphore(%arg8 : memref<!tpu.dma_semaphore, #tpu.memory_space<semaphore_mem>>)
    %dma_start3A_54 = arith.constant 2 : i32
    %dma_start3A_55 = arith.constant 0 : i32
    %dma_start3A_56 = arith.constant 0 : i32
    %dma_start3A_57 = tpu.memref_slice %arg6[%dma_start3A_54, %dma_start3A_55, %dma_start3A_56] : memref<5x128x128xf32, #tpu.memory_space<vmem>> -> memref<1x128x128xf32, #tpu.memory_space<vmem>>
    %dma_start3A_58 = tpu.memref_squeeze %dma_start3A_57 : memref<1x128x128xf32, #tpu.memory_space<vmem>> -> memref<128x128xf32, #tpu.memory_space<vmem>>
    %dma_start3A_59 = arith.constant 256 : i32
    %dma_start3A_60 = tpu.memref_slice %arg5[%dma_start3A_59] : memref<5120xi32, #tpu.memory_space<vmem>> -> memref<128xi32, #tpu.memory_space<vmem>>
    %dma_start3A_61 = arith.constant 0 : i32
    %dma_start3A_62 = arith.constant 0 : i32
    %dma_start3A_63 = tpu.memref_slice %arg3[%dma_start3A_61, %dma_start3A_62] : memref<10240x128xf32, #tpu.memory_space<hbm>> -> memref<10240x128xf32, #tpu.memory_space<hbm>>
    tpu.enqueue_indirect_dma source(%dma_start3A_63 : memref<10240x128xf32, #tpu.memory_space<hbm>>) target(%dma_start3A_58 : memref<128x128xf32, #tpu.memory_space<vmem>>) offsets(%dma_start3A_60 : memref<128xi32, #tpu.memory_space<vmem>>) semaphore(%arg9 : memref<!tpu.dma_semaphore, #tpu.memory_space<semaphore_mem>>)
    %dma_start3A_64 = arith.constant 3 : i32
    %dma_start3A_65 = arith.constant 0 : i32
    %dma_start3A_66 = arith.constant 0 : i32
    %dma_start3A_67 = tpu.memref_slice %arg6[%dma_start3A_64, %dma_start3A_65, %dma_start3A_66] : memref<5x128x128xf32, #tpu.memory_space<vmem>> -> memref<1x128x128xf32, #tpu.memory_space<vmem>>
    %dma_start3A_68 = tpu.memref_squeeze %dma_start3A_67 : memref<1x128x128xf32, #tpu.memory_space<vmem>> -> memref<128x128xf32, #tpu.memory_space<vmem>>
    %dma_start3A_69 = arith.constant 384 : i32
    %dma_start3A_70 = tpu.memref_slice %arg5[%dma_start3A_69] : memref<5120xi32, #tpu.memory_space<vmem>> -> memref<128xi32, #tpu.memory_space<vmem>>
    %dma_start3A_71 = arith.constant 0 : i32
    %dma_start3A_72 = arith.constant 0 : i32
    %dma_start3A_73 = tpu.memref_slice %arg3[%dma_start3A_71, %dma_start3A_72] : memref<10240x128xf32, #tpu.memory_space<hbm>> -> memref<10240x128xf32, #tpu.memory_space<hbm>>
    tpu.enqueue_indirect_dma source(%dma_start3A_73 : memref<10240x128xf32, #tpu.memory_space<hbm>>) target(%dma_start3A_68 : memref<128x128xf32, #tpu.memory_space<vmem>>) offsets(%dma_start3A_70 : memref<128xi32, #tpu.memory_space<vmem>>) semaphore(%arg10 : memref<!tpu.dma_semaphore, #tpu.memory_space<semaphore_mem>>)
    %scan3A = arith.constant 0 : i32
    %scan3A_74 = arith.constant 0 : i32
    %scan3A_75 = arith.constant 8 : i32
    %scan3A_76 = arith.addi %scan3A_74, %scan3A_75 : i32
    %scan3A_77 = arith.constant 1 : i32
    scf.for %scan3A_168 = %scan3A_74 to %scan3A_76 step %scan3A_77  : i32 {
      %mul3A_169 = arith.constant 5 : i32
      %mul3A_170 = arith.muli %scan3A_168, %mul3A_169 : i32
      %add3A_171 = arith.constant 0 : i32
      %add3A_172 = arith.addi %mul3A_170, %add3A_171 : i32
      %add3A_173 = arith.constant 5 : i32
      %add3A_174 = arith.addi %add3A_172, %add3A_173 : i32
      %sub3A_175 = arith.constant 1 : i32
      %sub3A_176 = arith.subi %add3A_174, %sub3A_175 : i32
      %lt3A_177 = arith.constant 40 : i32
      %lt3A_178 = arith.cmpi slt, %sub3A_176, %lt3A_177 : i32
      %convert_element_type3A = arith.extui %lt3A_178 : i1 to i32
      %cond3A = arith.constant 0 : i32
      %cond3A_179 = arith.cmpi ne, %convert_element_type3A, %cond3A : i32
      scf.if %cond3A_179 {
        %ge3A = arith.constant 5 : i32
        %ge3A_397 = arith.cmpi sge, %sub3A_176, %ge3A : i32
        %convert_element_type3A_398 = arith.extui %ge3A_397 : i1 to i32
        %cond3A_399 = arith.constant 0 : i32
        %cond3A_400 = arith.cmpi ne, %convert_element_type3A_398, %cond3A_399 : i32
        scf.if %cond3A_400 {
          %dma_wait3A_412 = arith.constant 4 : i32
          %dma_wait3A_413 = arith.constant 0 : i32
          %dma_wait3A_414 = arith.constant 0 : i32
          %dma_wait3A_415 = arith.constant 0 : i32
          %dma_wait3A_416 = tpu.memref_slice %arg6[%dma_wait3A_412, %dma_wait3A_414, %dma_wait3A_415] : memref<5x128x128xf32, #tpu.memory_space<vmem>> -> memref<1x128x128xf32, #tpu.memory_space<vmem>>
          %dma_wait3A_417 = tpu.memref_squeeze %dma_wait3A_416 : memref<1x128x128xf32, #tpu.memory_space<vmem>> -> memref<128x128xf32, #tpu.memory_space<vmem>>
          %dma_wait3A_418 = arith.constant 0 : i32
          %dma_wait3A_419 = arith.constant 0 : i32
          %dma_wait3A_420 = tpu.memref_slice %arg4[%dma_wait3A_413, %dma_wait3A_418, %dma_wait3A_419] : memref<16x10240x128xf32, #tpu.memory_space<hbm>> -> memref<1x128x128xf32, #tpu.memory_space<hbm>>
          %dma_wait3A_421 = tpu.memref_squeeze %dma_wait3A_420 : memref<1x128x128xf32, #tpu.memory_space<hbm>> -> memref<128x128xf32, #tpu.memory_space<hbm>>
          %dma_wait3A_422 = arith.constant 0 : i32
          %dma_wait3A_423 = arith.constant 0 : i32
          %dma_wait3A_424 = tpu.memref_slice %arg4[%dma_wait3A_413, %dma_wait3A_422, %dma_wait3A_423] : memref<16x10240x128xf32, #tpu.memory_space<hbm>> -> memref<1x128x128xf32, #tpu.memory_space<hbm>>
          %dma_wait3A_425 = tpu.memref_squeeze %dma_wait3A_424 : memref<1x128x128xf32, #tpu.memory_space<hbm>> -> memref<128x128xf32, #tpu.memory_space<hbm>>
          %dma_wait3A_426 = arith.constant 0 : i32
          %dma_wait3A_427 = arith.constant 0 : i32
          %dma_wait3A_428 = tpu.memref_slice %arg6[%dma_wait3A_412, %dma_wait3A_426, %dma_wait3A_427] : memref<5x128x128xf32, #tpu.memory_space<vmem>> -> memref<1x128x128xf32, #tpu.memory_space<vmem>>
          %dma_wait3A_429 = tpu.memref_squeeze %dma_wait3A_428 : memref<1x128x128xf32, #tpu.memory_space<vmem>> -> memref<128x128xf32, #tpu.memory_space<vmem>>
          tpu.wait_dma2 semaphore(%arg16 : memref<!tpu.dma_semaphore, #tpu.memory_space<semaphore_mem>>) src(%dma_wait3A_429 : memref<128x128xf32, #tpu.memory_space<vmem>>) dst(%dma_wait3A_425 : memref<128x128xf32, #tpu.memory_space<hbm>>)
        } else {
        }
        %mul3A_401 = arith.constant 128 : i32
        %mul3A_402 = arith.muli %sub3A_176, %mul3A_401 : i32
        %dma_start3A_403 = arith.constant 4 : i32
        %dma_start3A_404 = arith.constant 0 : i32
        %dma_start3A_405 = arith.constant 0 : i32
        %dma_start3A_406 = tpu.memref_slice %arg6[%dma_start3A_403, %dma_start3A_404, %dma_start3A_405] : memref<5x128x128xf32, #tpu.memory_space<vmem>> -> memref<1x128x128xf32, #tpu.memory_space<vmem>>
        %dma_start3A_407 = tpu.memref_squeeze %dma_start3A_406 : memref<1x128x128xf32, #tpu.memory_space<vmem>> -> memref<128x128xf32, #tpu.memory_space<vmem>>
        %dma_start3A_408 = tpu.memref_slice %arg5[%mul3A_402] : memref<5120xi32, #tpu.memory_space<vmem>> -> memref<128xi32, #tpu.memory_space<vmem>>
        %dma_start3A_409 = arith.constant 0 : i32
        %dma_start3A_410 = arith.constant 0 : i32
        %dma_start3A_411 = tpu.memref_slice %arg3[%dma_start3A_409, %dma_start3A_410] : memref<10240x128xf32, #tpu.memory_space<hbm>> -> memref<10240x128xf32, #tpu.memory_space<hbm>>
        tpu.enqueue_indirect_dma source(%dma_start3A_411 : memref<10240x128xf32, #tpu.memory_space<hbm>>) target(%dma_start3A_407 : memref<128x128xf32, #tpu.memory_space<vmem>>) offsets(%dma_start3A_408 : memref<128xi32, #tpu.memory_space<vmem>>) semaphore(%arg11 : memref<!tpu.dma_semaphore, #tpu.memory_space<semaphore_mem>>)
      } else {
      }
      %dma_wait3A_180 = arith.constant 0 : i32
      %dma_wait3A_181 = arith.constant 0 : i32
      %dma_wait3A_182 = arith.constant 0 : i32
      %dma_wait3A_183 = tpu.memref_slice %arg6[%dma_wait3A_180, %dma_wait3A_181, %dma_wait3A_182] : memref<5x128x128xf32, #tpu.memory_space<vmem>> -> memref<1x128x128xf32, #tpu.memory_space<vmem>>
      %dma_wait3A_184 = tpu.memref_squeeze %dma_wait3A_183 : memref<1x128x128xf32, #tpu.memory_space<vmem>> -> memref<128x128xf32, #tpu.memory_space<vmem>>
      %dma_wait3A_185 = arith.constant 0 : i32
      %dma_wait3A_186 = arith.constant 0 : i32
      %dma_wait3A_187 = tpu.memref_slice %arg3[%dma_wait3A_185, %dma_wait3A_186] : memref<10240x128xf32, #tpu.memory_space<hbm>> -> memref<128x128xf32, #tpu.memory_space<hbm>>
      %dma_wait3A_188 = arith.constant 0 : i32
      %dma_wait3A_189 = arith.constant 0 : i32
      %dma_wait3A_190 = tpu.memref_slice %arg6[%dma_wait3A_180, %dma_wait3A_188, %dma_wait3A_189] : memref<5x128x128xf32, #tpu.memory_space<vmem>> -> memref<1x128x128xf32, #tpu.memory_space<vmem>>
      %dma_wait3A_191 = tpu.memref_squeeze %dma_wait3A_190 : memref<1x128x128xf32, #tpu.memory_space<vmem>> -> memref<128x128xf32, #tpu.memory_space<vmem>>
      %dma_wait3A_192 = arith.constant 0 : i32
      %dma_wait3A_193 = arith.constant 0 : i32
      %dma_wait3A_194 = tpu.memref_slice %arg3[%dma_wait3A_192, %dma_wait3A_193] : memref<10240x128xf32, #tpu.memory_space<hbm>> -> memref<128x128xf32, #tpu.memory_space<hbm>>
      tpu.wait_dma2 semaphore(%arg7 : memref<!tpu.dma_semaphore, #tpu.memory_space<semaphore_mem>>) src(%dma_wait3A_194 : memref<128x128xf32, #tpu.memory_space<hbm>>) dst(%dma_wait3A_191 : memref<128x128xf32, #tpu.memory_space<vmem>>)
      %mul3A_195 = arith.constant 128 : i32
      %mul3A_196 = arith.muli %add3A_172, %mul3A_195 : i32
      %add3A_197 = arith.addi %mul3A_34, %mul3A_196 : i32
      %dma_start3A_198 = arith.constant 0 : i32
      %dma_start3A_199 = arith.constant 0 : i32
      %dma_start3A_200 = arith.constant 0 : i32
      %dma_start3A_201 = tpu.memref_slice %arg6[%dma_start3A_198, %dma_start3A_199, %dma_start3A_200] : memref<5x128x128xf32, #tpu.memory_space<vmem>> -> memref<1x128x128xf32, #tpu.memory_space<vmem>>
      %dma_start3A_202 = tpu.memref_squeeze %dma_start3A_201 : memref<1x128x128xf32, #tpu.memory_space<vmem>> -> memref<128x128xf32, #tpu.memory_space<vmem>>
      %dma_start3A_203 = arith.constant 0 : i32
      %dma_start3A_204 = tpu.memref_slice %arg4[%select_n3A, %add3A_197, %dma_start3A_203] : memref<16x10240x128xf32, #tpu.memory_space<hbm>> -> memref<1x128x128xf32, #tpu.memory_space<hbm>>
      %dma_start3A_205 = tpu.memref_squeeze %dma_start3A_204 : memref<1x128x128xf32, #tpu.memory_space<hbm>> -> memref<128x128xf32, #tpu.memory_space<hbm>>
      %dma_start3A_206 = arith.constant 0 : i32
      %dma_start3A_207 = tpu.memref_slice %arg4[%select_n3A, %add3A_197, %dma_start3A_206] : memref<16x10240x128xf32, #tpu.memory_space<hbm>> -> memref<1x128x128xf32, #tpu.memory_space<hbm>>
      %dma_start3A_208 = tpu.memref_squeeze %dma_start3A_207 : memref<1x128x128xf32, #tpu.memory_space<hbm>> -> memref<128x128xf32, #tpu.memory_space<hbm>>
      %dma_start3A_209 = arith.constant 0 : i32
      %dma_start3A_210 = arith.constant 0 : i32
      %dma_start3A_211 = tpu.memref_slice %arg6[%dma_start3A_198, %dma_start3A_209, %dma_start3A_210] : memref<5x128x128xf32, #tpu.memory_space<vmem>> -> memref<1x128x128xf32, #tpu.memory_space<vmem>>
      %dma_start3A_212 = tpu.memref_squeeze %dma_start3A_211 : memref<1x128x128xf32, #tpu.memory_space<vmem>> -> memref<128x128xf32, #tpu.memory_space<vmem>>
      tpu.enqueue_dma source(%dma_start3A_212 : memref<128x128xf32, #tpu.memory_space<vmem>>) target(%dma_start3A_208 : memref<128x128xf32, #tpu.memory_space<hbm>>) target_semaphore(%arg12 : memref<!tpu.dma_semaphore, #tpu.memory_space<semaphore_mem>>)
      %mul3A_213 = arith.constant 5 : i32
      %mul3A_214 = arith.muli %scan3A_168, %mul3A_213 : i32
      %add3A_215 = arith.constant 1 : i32
      %add3A_216 = arith.addi %mul3A_214, %add3A_215 : i32
      %add3A_217 = arith.constant 5 : i32
      %add3A_218 = arith.addi %add3A_216, %add3A_217 : i32
      %sub3A_219 = arith.constant 1 : i32
      %sub3A_220 = arith.subi %add3A_218, %sub3A_219 : i32
      %lt3A_221 = arith.constant 40 : i32
      %lt3A_222 = arith.cmpi slt, %sub3A_220, %lt3A_221 : i32
      %convert_element_type3A_223 = arith.extui %lt3A_222 : i1 to i32
      %cond3A_224 = arith.constant 0 : i32
      %cond3A_225 = arith.cmpi ne, %convert_element_type3A_223, %cond3A_224 : i32
      scf.if %cond3A_225 {
        %ge3A = arith.constant 5 : i32
        %ge3A_397 = arith.cmpi sge, %sub3A_220, %ge3A : i32
        %convert_element_type3A_398 = arith.extui %ge3A_397 : i1 to i32
        %cond3A_399 = arith.constant 0 : i32
        %cond3A_400 = arith.cmpi ne, %convert_element_type3A_398, %cond3A_399 : i32
        scf.if %cond3A_400 {
          %dma_wait3A_412 = arith.constant 0 : i32
          %dma_wait3A_413 = arith.constant 0 : i32
          %dma_wait3A_414 = arith.constant 0 : i32
          %dma_wait3A_415 = arith.constant 0 : i32
          %dma_wait3A_416 = tpu.memref_slice %arg6[%dma_wait3A_412, %dma_wait3A_414, %dma_wait3A_415] : memref<5x128x128xf32, #tpu.memory_space<vmem>> -> memref<1x128x128xf32, #tpu.memory_space<vmem>>
          %dma_wait3A_417 = tpu.memref_squeeze %dma_wait3A_416 : memref<1x128x128xf32, #tpu.memory_space<vmem>> -> memref<128x128xf32, #tpu.memory_space<vmem>>
          %dma_wait3A_418 = arith.constant 0 : i32
          %dma_wait3A_419 = arith.constant 0 : i32
          %dma_wait3A_420 = tpu.memref_slice %arg4[%dma_wait3A_413, %dma_wait3A_418, %dma_wait3A_419] : memref<16x10240x128xf32, #tpu.memory_space<hbm>> -> memref<1x128x128xf32, #tpu.memory_space<hbm>>
          %dma_wait3A_421 = tpu.memref_squeeze %dma_wait3A_420 : memref<1x128x128xf32, #tpu.memory_space<hbm>> -> memref<128x128xf32, #tpu.memory_space<hbm>>
          %dma_wait3A_422 = arith.constant 0 : i32
          %dma_wait3A_423 = arith.constant 0 : i32
          %dma_wait3A_424 = tpu.memref_slice %arg4[%dma_wait3A_413, %dma_wait3A_422, %dma_wait3A_423] : memref<16x10240x128xf32, #tpu.memory_space<hbm>> -> memref<1x128x128xf32, #tpu.memory_space<hbm>>
          %dma_wait3A_425 = tpu.memref_squeeze %dma_wait3A_424 : memref<1x128x128xf32, #tpu.memory_space<hbm>> -> memref<128x128xf32, #tpu.memory_space<hbm>>
          %dma_wait3A_426 = arith.constant 0 : i32
          %dma_wait3A_427 = arith.constant 0 : i32
          %dma_wait3A_428 = tpu.memref_slice %arg6[%dma_wait3A_412, %dma_wait3A_426, %dma_wait3A_427] : memref<5x128x128xf32, #tpu.memory_space<vmem>> -> memref<1x128x128xf32, #tpu.memory_space<vmem>>
          %dma_wait3A_429 = tpu.memref_squeeze %dma_wait3A_428 : memref<1x128x128xf32, #tpu.memory_space<vmem>> -> memref<128x128xf32, #tpu.memory_space<vmem>>
          tpu.wait_dma2 semaphore(%arg12 : memref<!tpu.dma_semaphore, #tpu.memory_space<semaphore_mem>>) src(%dma_wait3A_429 : memref<128x128xf32, #tpu.memory_space<vmem>>) dst(%dma_wait3A_425 : memref<128x128xf32, #tpu.memory_space<hbm>>)
        } else {
        }
        %mul3A_401 = arith.constant 128 : i32
        %mul3A_402 = arith.muli %sub3A_220, %mul3A_401 : i32
        %dma_start3A_403 = arith.constant 0 : i32
        %dma_start3A_404 = arith.constant 0 : i32
        %dma_start3A_405 = arith.constant 0 : i32
        %dma_start3A_406 = tpu.memref_slice %arg6[%dma_start3A_403, %dma_start3A_404, %dma_start3A_405] : memref<5x128x128xf32, #tpu.memory_space<vmem>> -> memref<1x128x128xf32, #tpu.memory_space<vmem>>
        %dma_start3A_407 = tpu.memref_squeeze %dma_start3A_406 : memref<1x128x128xf32, #tpu.memory_space<vmem>> -> memref<128x128xf32, #tpu.memory_space<vmem>>
        %dma_start3A_408 = tpu.memref_slice %arg5[%mul3A_402] : memref<5120xi32, #tpu.memory_space<vmem>> -> memref<128xi32, #tpu.memory_space<vmem>>
        %dma_start3A_409 = arith.constant 0 : i32
        %dma_start3A_410 = arith.constant 0 : i32
        %dma_start3A_411 = tpu.memref_slice %arg3[%dma_start3A_409, %dma_start3A_410] : memref<10240x128xf32, #tpu.memory_space<hbm>> -> memref<10240x128xf32, #tpu.memory_space<hbm>>
        tpu.enqueue_indirect_dma source(%dma_start3A_411 : memref<10240x128xf32, #tpu.memory_space<hbm>>) target(%dma_start3A_407 : memref<128x128xf32, #tpu.memory_space<vmem>>) offsets(%dma_start3A_408 : memref<128xi32, #tpu.memory_space<vmem>>) semaphore(%arg7 : memref<!tpu.dma_semaphore, #tpu.memory_space<semaphore_mem>>)
      } else {
      }
      %dma_wait3A_226 = arith.constant 1 : i32
      %dma_wait3A_227 = arith.constant 0 : i32
      %dma_wait3A_228 = arith.constant 0 : i32
      %dma_wait3A_229 = tpu.memref_slice %arg6[%dma_wait3A_226, %dma_wait3A_227, %dma_wait3A_228] : memref<5x128x128xf32, #tpu.memory_space<vmem>> -> memref<1x128x128xf32, #tpu.memory_space<vmem>>
      %dma_wait3A_230 = tpu.memref_squeeze %dma_wait3A_229 : memref<1x128x128xf32, #tpu.memory_space<vmem>> -> memref<128x128xf32, #tpu.memory_space<vmem>>
      %dma_wait3A_231 = arith.constant 0 : i32
      %dma_wait3A_232 = arith.constant 0 : i32
      %dma_wait3A_233 = tpu.memref_slice %arg3[%dma_wait3A_231, %dma_wait3A_232] : memref<10240x128xf32, #tpu.memory_space<hbm>> -> memref<128x128xf32, #tpu.memory_space<hbm>>
      %dma_wait3A_234 = arith.constant 0 : i32
      %dma_wait3A_235 = arith.constant 0 : i32
      %dma_wait3A_236 = tpu.memref_slice %arg6[%dma_wait3A_226, %dma_wait3A_234, %dma_wait3A_235] : memref<5x128x128xf32, #tpu.memory_space<vmem>> -> memref<1x128x128xf32, #tpu.memory_space<vmem>>
      %dma_wait3A_237 = tpu.memref_squeeze %dma_wait3A_236 : memref<1x128x128xf32, #tpu.memory_space<vmem>> -> memref<128x128xf32, #tpu.memory_space<vmem>>
      %dma_wait3A_238 = arith.constant 0 : i32
      %dma_wait3A_239 = arith.constant 0 : i32
      %dma_wait3A_240 = tpu.memref_slice %arg3[%dma_wait3A_238, %dma_wait3A_239] : memref<10240x128xf32, #tpu.memory_space<hbm>> -> memref<128x128xf32, #tpu.memory_space<hbm>>
      tpu.wait_dma2 semaphore(%arg8 : memref<!tpu.dma_semaphore, #tpu.memory_space<semaphore_mem>>) src(%dma_wait3A_240 : memref<128x128xf32, #tpu.memory_space<hbm>>) dst(%dma_wait3A_237 : memref<128x128xf32, #tpu.memory_space<vmem>>)
      %mul3A_241 = arith.constant 128 : i32
      %mul3A_242 = arith.muli %add3A_216, %mul3A_241 : i32
      %add3A_243 = arith.addi %mul3A_34, %mul3A_242 : i32
      %dma_start3A_244 = arith.constant 1 : i32
      %dma_start3A_245 = arith.constant 0 : i32
      %dma_start3A_246 = arith.constant 0 : i32
      %dma_start3A_247 = tpu.memref_slice %arg6[%dma_start3A_244, %dma_start3A_245, %dma_start3A_246] : memref<5x128x128xf32, #tpu.memory_space<vmem>> -> memref<1x128x128xf32, #tpu.memory_space<vmem>>
      %dma_start3A_248 = tpu.memref_squeeze %dma_start3A_247 : memref<1x128x128xf32, #tpu.memory_space<vmem>> -> memref<128x128xf32, #tpu.memory_space<vmem>>
      %dma_start3A_249 = arith.constant 0 : i32
      %dma_start3A_250 = tpu.memref_slice %arg4[%select_n3A, %add3A_243, %dma_start3A_249] : memref<16x10240x128xf32, #tpu.memory_space<hbm>> -> memref<1x128x128xf32, #tpu.memory_space<hbm>>
      %dma_start3A_251 = tpu.memref_squeeze %dma_start3A_250 : memref<1x128x128xf32, #tpu.memory_space<hbm>> -> memref<128x128xf32, #tpu.memory_space<hbm>>
      %dma_start3A_252 = arith.constant 0 : i32
      %dma_start3A_253 = tpu.memref_slice %arg4[%select_n3A, %add3A_243, %dma_start3A_252] : memref<16x10240x128xf32, #tpu.memory_space<hbm>> -> memref<1x128x128xf32, #tpu.memory_space<hbm>>
      %dma_start3A_254 = tpu.memref_squeeze %dma_start3A_253 : memref<1x128x128xf32, #tpu.memory_space<hbm>> -> memref<128x128xf32, #tpu.memory_space<hbm>>
      %dma_start3A_255 = arith.constant 0 : i32
      %dma_start3A_256 = arith.constant 0 : i32
      %dma_start3A_257 = tpu.memref_slice %arg6[%dma_start3A_244, %dma_start3A_255, %dma_start3A_256] : memref<5x128x128xf32, #tpu.memory_space<vmem>> -> memref<1x128x128xf32, #tpu.memory_space<vmem>>
      %dma_start3A_258 = tpu.memref_squeeze %dma_start3A_257 : memref<1x128x128xf32, #tpu.memory_space<vmem>> -> memref<128x128xf32, #tpu.memory_space<vmem>>
      tpu.enqueue_dma source(%dma_start3A_258 : memref<128x128xf32, #tpu.memory_space<vmem>>) target(%dma_start3A_254 : memref<128x128xf32, #tpu.memory_space<hbm>>) target_semaphore(%arg13 : memref<!tpu.dma_semaphore, #tpu.memory_space<semaphore_mem>>)
      %mul3A_259 = arith.constant 5 : i32
      %mul3A_260 = arith.muli %scan3A_168, %mul3A_259 : i32
      %add3A_261 = arith.constant 2 : i32
      %add3A_262 = arith.addi %mul3A_260, %add3A_261 : i32
      %add3A_263 = arith.constant 5 : i32
      %add3A_264 = arith.addi %add3A_262, %add3A_263 : i32
      %sub3A_265 = arith.constant 1 : i32
      %sub3A_266 = arith.subi %add3A_264, %sub3A_265 : i32
      %lt3A_267 = arith.constant 40 : i32
      %lt3A_268 = arith.cmpi slt, %sub3A_266, %lt3A_267 : i32
      %convert_element_type3A_269 = arith.extui %lt3A_268 : i1 to i32
      %cond3A_270 = arith.constant 0 : i32
      %cond3A_271 = arith.cmpi ne, %convert_element_type3A_269, %cond3A_270 : i32
      scf.if %cond3A_271 {
        %ge3A = arith.constant 5 : i32
        %ge3A_397 = arith.cmpi sge, %sub3A_266, %ge3A : i32
        %convert_element_type3A_398 = arith.extui %ge3A_397 : i1 to i32
        %cond3A_399 = arith.constant 0 : i32
        %cond3A_400 = arith.cmpi ne, %convert_element_type3A_398, %cond3A_399 : i32
        scf.if %cond3A_400 {
          %dma_wait3A_412 = arith.constant 1 : i32
          %dma_wait3A_413 = arith.constant 0 : i32
          %dma_wait3A_414 = arith.constant 0 : i32
          %dma_wait3A_415 = arith.constant 0 : i32
          %dma_wait3A_416 = tpu.memref_slice %arg6[%dma_wait3A_412, %dma_wait3A_414, %dma_wait3A_415] : memref<5x128x128xf32, #tpu.memory_space<vmem>> -> memref<1x128x128xf32, #tpu.memory_space<vmem>>
          %dma_wait3A_417 = tpu.memref_squeeze %dma_wait3A_416 : memref<1x128x128xf32, #tpu.memory_space<vmem>> -> memref<128x128xf32, #tpu.memory_space<vmem>>
          %dma_wait3A_418 = arith.constant 0 : i32
          %dma_wait3A_419 = arith.constant 0 : i32
          %dma_wait3A_420 = tpu.memref_slice %arg4[%dma_wait3A_413, %dma_wait3A_418, %dma_wait3A_419] : memref<16x10240x128xf32, #tpu.memory_space<hbm>> -> memref<1x128x128xf32, #tpu.memory_space<hbm>>
          %dma_wait3A_421 = tpu.memref_squeeze %dma_wait3A_420 : memref<1x128x128xf32, #tpu.memory_space<hbm>> -> memref<128x128xf32, #tpu.memory_space<hbm>>
          %dma_wait3A_422 = arith.constant 0 : i32
          %dma_wait3A_423 = arith.constant 0 : i32
          %dma_wait3A_424 = tpu.memref_slice %arg4[%dma_wait3A_413, %dma_wait3A_422, %dma_wait3A_423] : memref<16x10240x128xf32, #tpu.memory_space<hbm>> -> memref<1x128x128xf32, #tpu.memory_space<hbm>>
          %dma_wait3A_425 = tpu.memref_squeeze %dma_wait3A_424 : memref<1x128x128xf32, #tpu.memory_space<hbm>> -> memref<128x128xf32, #tpu.memory_space<hbm>>
          %dma_wait3A_426 = arith.constant 0 : i32
          %dma_wait3A_427 = arith.constant 0 : i32
          %dma_wait3A_428 = tpu.memref_slice %arg6[%dma_wait3A_412, %dma_wait3A_426, %dma_wait3A_427] : memref<5x128x128xf32, #tpu.memory_space<vmem>> -> memref<1x128x128xf32, #tpu.memory_space<vmem>>
          %dma_wait3A_429 = tpu.memref_squeeze %dma_wait3A_428 : memref<1x128x128xf32, #tpu.memory_space<vmem>> -> memref<128x128xf32, #tpu.memory_space<vmem>>
          tpu.wait_dma2 semaphore(%arg13 : memref<!tpu.dma_semaphore, #tpu.memory_space<semaphore_mem>>) src(%dma_wait3A_429 : memref<128x128xf32, #tpu.memory_space<vmem>>) dst(%dma_wait3A_425 : memref<128x128xf32, #tpu.memory_space<hbm>>)
        } else {
        }
        %mul3A_401 = arith.constant 128 : i32
        %mul3A_402 = arith.muli %sub3A_266, %mul3A_401 : i32
        %dma_start3A_403 = arith.constant 1 : i32
        %dma_start3A_404 = arith.constant 0 : i32
        %dma_start3A_405 = arith.constant 0 : i32
        %dma_start3A_406 = tpu.memref_slice %arg6[%dma_start3A_403, %dma_start3A_404, %dma_start3A_405] : memref<5x128x128xf32, #tpu.memory_space<vmem>> -> memref<1x128x128xf32, #tpu.memory_space<vmem>>
        %dma_start3A_407 = tpu.memref_squeeze %dma_start3A_406 : memref<1x128x128xf32, #tpu.memory_space<vmem>> -> memref<128x128xf32, #tpu.memory_space<vmem>>
        %dma_start3A_408 = tpu.memref_slice %arg5[%mul3A_402] : memref<5120xi32, #tpu.memory_space<vmem>> -> memref<128xi32, #tpu.memory_space<vmem>>
        %dma_start3A_409 = arith.constant 0 : i32
        %dma_start3A_410 = arith.constant 0 : i32
        %dma_start3A_411 = tpu.memref_slice %arg3[%dma_start3A_409, %dma_start3A_410] : memref<10240x128xf32, #tpu.memory_space<hbm>> -> memref<10240x128xf32, #tpu.memory_space<hbm>>
        tpu.enqueue_indirect_dma source(%dma_start3A_411 : memref<10240x128xf32, #tpu.memory_space<hbm>>) target(%dma_start3A_407 : memref<128x128xf32, #tpu.memory_space<vmem>>) offsets(%dma_start3A_408 : memref<128xi32, #tpu.memory_space<vmem>>) semaphore(%arg8 : memref<!tpu.dma_semaphore, #tpu.memory_space<semaphore_mem>>)
      } else {
      }
      %dma_wait3A_272 = arith.constant 2 : i32
      %dma_wait3A_273 = arith.constant 0 : i32
      %dma_wait3A_274 = arith.constant 0 : i32
      %dma_wait3A_275 = tpu.memref_slice %arg6[%dma_wait3A_272, %dma_wait3A_273, %dma_wait3A_274] : memref<5x128x128xf32, #tpu.memory_space<vmem>> -> memref<1x128x128xf32, #tpu.memory_space<vmem>>
      %dma_wait3A_276 = tpu.memref_squeeze %dma_wait3A_275 : memref<1x128x128xf32, #tpu.memory_space<vmem>> -> memref<128x128xf32, #tpu.memory_space<vmem>>
      %dma_wait3A_277 = arith.constant 0 : i32
      %dma_wait3A_278 = arith.constant 0 : i32
      %dma_wait3A_279 = tpu.memref_slice %arg3[%dma_wait3A_277, %dma_wait3A_278] : memref<10240x128xf32, #tpu.memory_space<hbm>> -> memref<128x128xf32, #tpu.memory_space<hbm>>
      %dma_wait3A_280 = arith.constant 0 : i32
      %dma_wait3A_281 = arith.constant 0 : i32
      %dma_wait3A_282 = tpu.memref_slice %arg6[%dma_wait3A_272, %dma_wait3A_280, %dma_wait3A_281] : memref<5x128x128xf32, #tpu.memory_space<vmem>> -> memref<1x128x128xf32, #tpu.memory_space<vmem>>
      %dma_wait3A_283 = tpu.memref_squeeze %dma_wait3A_282 : memref<1x128x128xf32, #tpu.memory_space<vmem>> -> memref<128x128xf32, #tpu.memory_space<vmem>>
      %dma_wait3A_284 = arith.constant 0 : i32
      %dma_wait3A_285 = arith.constant 0 : i32
      %dma_wait3A_286 = tpu.memref_slice %arg3[%dma_wait3A_284, %dma_wait3A_285] : memref<10240x128xf32, #tpu.memory_space<hbm>> -> memref<128x128xf32, #tpu.memory_space<hbm>>
      tpu.wait_dma2 semaphore(%arg9 : memref<!tpu.dma_semaphore, #tpu.memory_space<semaphore_mem>>) src(%dma_wait3A_286 : memref<128x128xf32, #tpu.memory_space<hbm>>) dst(%dma_wait3A_283 : memref<128x128xf32, #tpu.memory_space<vmem>>)
      %mul3A_287 = arith.constant 128 : i32
      %mul3A_288 = arith.muli %add3A_262, %mul3A_287 : i32
      %add3A_289 = arith.addi %mul3A_34, %mul3A_288 : i32
      %dma_start3A_290 = arith.constant 2 : i32
      %dma_start3A_291 = arith.constant 0 : i32
      %dma_start3A_292 = arith.constant 0 : i32
      %dma_start3A_293 = tpu.memref_slice %arg6[%dma_start3A_290, %dma_start3A_291, %dma_start3A_292] : memref<5x128x128xf32, #tpu.memory_space<vmem>> -> memref<1x128x128xf32, #tpu.memory_space<vmem>>
      %dma_start3A_294 = tpu.memref_squeeze %dma_start3A_293 : memref<1x128x128xf32, #tpu.memory_space<vmem>> -> memref<128x128xf32, #tpu.memory_space<vmem>>
      %dma_start3A_295 = arith.constant 0 : i32
      %dma_start3A_296 = tpu.memref_slice %arg4[%select_n3A, %add3A_289, %dma_start3A_295] : memref<16x10240x128xf32, #tpu.memory_space<hbm>> -> memref<1x128x128xf32, #tpu.memory_space<hbm>>
      %dma_start3A_297 = tpu.memref_squeeze %dma_start3A_296 : memref<1x128x128xf32, #tpu.memory_space<hbm>> -> memref<128x128xf32, #tpu.memory_space<hbm>>
      %dma_start3A_298 = arith.constant 0 : i32
      %dma_start3A_299 = tpu.memref_slice %arg4[%select_n3A, %add3A_289, %dma_start3A_298] : memref<16x10240x128xf32, #tpu.memory_space<hbm>> -> memref<1x128x128xf32, #tpu.memory_space<hbm>>
      %dma_start3A_300 = tpu.memref_squeeze %dma_start3A_299 : memref<1x128x128xf32, #tpu.memory_space<hbm>> -> memref<128x128xf32, #tpu.memory_space<hbm>>
      %dma_start3A_301 = arith.constant 0 : i32
      %dma_start3A_302 = arith.constant 0 : i32
      %dma_start3A_303 = tpu.memref_slice %arg6[%dma_start3A_290, %dma_start3A_301, %dma_start3A_302] : memref<5x128x128xf32, #tpu.memory_space<vmem>> -> memref<1x128x128xf32, #tpu.memory_space<vmem>>
      %dma_start3A_304 = tpu.memref_squeeze %dma_start3A_303 : memref<1x128x128xf32, #tpu.memory_space<vmem>> -> memref<128x128xf32, #tpu.memory_space<vmem>>
      tpu.enqueue_dma source(%dma_start3A_304 : memref<128x128xf32, #tpu.memory_space<vmem>>) target(%dma_start3A_300 : memref<128x128xf32, #tpu.memory_space<hbm>>) target_semaphore(%arg14 : memref<!tpu.dma_semaphore, #tpu.memory_space<semaphore_mem>>)
      %mul3A_305 = arith.constant 5 : i32
      %mul3A_306 = arith.muli %scan3A_168, %mul3A_305 : i32
      %add3A_307 = arith.constant 3 : i32
      %add3A_308 = arith.addi %mul3A_306, %add3A_307 : i32
      %add3A_309 = arith.constant 5 : i32
      %add3A_310 = arith.addi %add3A_308, %add3A_309 : i32
      %sub3A_311 = arith.constant 1 : i32
      %sub3A_312 = arith.subi %add3A_310, %sub3A_311 : i32
      %lt3A_313 = arith.constant 40 : i32
      %lt3A_314 = arith.cmpi slt, %sub3A_312, %lt3A_313 : i32
      %convert_element_type3A_315 = arith.extui %lt3A_314 : i1 to i32
      %cond3A_316 = arith.constant 0 : i32
      %cond3A_317 = arith.cmpi ne, %convert_element_type3A_315, %cond3A_316 : i32
      scf.if %cond3A_317 {
        %ge3A = arith.constant 5 : i32
        %ge3A_397 = arith.cmpi sge, %sub3A_312, %ge3A : i32
        %convert_element_type3A_398 = arith.extui %ge3A_397 : i1 to i32
        %cond3A_399 = arith.constant 0 : i32
        %cond3A_400 = arith.cmpi ne, %convert_element_type3A_398, %cond3A_399 : i32
        scf.if %cond3A_400 {
          %dma_wait3A_412 = arith.constant 2 : i32
          %dma_wait3A_413 = arith.constant 0 : i32
          %dma_wait3A_414 = arith.constant 0 : i32
          %dma_wait3A_415 = arith.constant 0 : i32
          %dma_wait3A_416 = tpu.memref_slice %arg6[%dma_wait3A_412, %dma_wait3A_414, %dma_wait3A_415] : memref<5x128x128xf32, #tpu.memory_space<vmem>> -> memref<1x128x128xf32, #tpu.memory_space<vmem>>
          %dma_wait3A_417 = tpu.memref_squeeze %dma_wait3A_416 : memref<1x128x128xf32, #tpu.memory_space<vmem>> -> memref<128x128xf32, #tpu.memory_space<vmem>>
          %dma_wait3A_418 = arith.constant 0 : i32
          %dma_wait3A_419 = arith.constant 0 : i32
          %dma_wait3A_420 = tpu.memref_slice %arg4[%dma_wait3A_413, %dma_wait3A_418, %dma_wait3A_419] : memref<16x10240x128xf32, #tpu.memory_space<hbm>> -> memref<1x128x128xf32, #tpu.memory_space<hbm>>
          %dma_wait3A_421 = tpu.memref_squeeze %dma_wait3A_420 : memref<1x128x128xf32, #tpu.memory_space<hbm>> -> memref<128x128xf32, #tpu.memory_space<hbm>>
          %dma_wait3A_422 = arith.constant 0 : i32
          %dma_wait3A_423 = arith.constant 0 : i32
          %dma_wait3A_424 = tpu.memref_slice %arg4[%dma_wait3A_413, %dma_wait3A_422, %dma_wait3A_423] : memref<16x10240x128xf32, #tpu.memory_space<hbm>> -> memref<1x128x128xf32, #tpu.memory_space<hbm>>
          %dma_wait3A_425 = tpu.memref_squeeze %dma_wait3A_424 : memref<1x128x128xf32, #tpu.memory_space<hbm>> -> memref<128x128xf32, #tpu.memory_space<hbm>>
          %dma_wait3A_426 = arith.constant 0 : i32
          %dma_wait3A_427 = arith.constant 0 : i32
          %dma_wait3A_428 = tpu.memref_slice %arg6[%dma_wait3A_412, %dma_wait3A_426, %dma_wait3A_427] : memref<5x128x128xf32, #tpu.memory_space<vmem>> -> memref<1x128x128xf32, #tpu.memory_space<vmem>>
          %dma_wait3A_429 = tpu.memref_squeeze %dma_wait3A_428 : memref<1x128x128xf32, #tpu.memory_space<vmem>> -> memref<128x128xf32, #tpu.memory_space<vmem>>
          tpu.wait_dma2 semaphore(%arg14 : memref<!tpu.dma_semaphore, #tpu.memory_space<semaphore_mem>>) src(%dma_wait3A_429 : memref<128x128xf32, #tpu.memory_space<vmem>>) dst(%dma_wait3A_425 : memref<128x128xf32, #tpu.memory_space<hbm>>)
        } else {
        }
        %mul3A_401 = arith.constant 128 : i32
        %mul3A_402 = arith.muli %sub3A_312, %mul3A_401 : i32
        %dma_start3A_403 = arith.constant 2 : i32
        %dma_start3A_404 = arith.constant 0 : i32
        %dma_start3A_405 = arith.constant 0 : i32
        %dma_start3A_406 = tpu.memref_slice %arg6[%dma_start3A_403, %dma_start3A_404, %dma_start3A_405] : memref<5x128x128xf32, #tpu.memory_space<vmem>> -> memref<1x128x128xf32, #tpu.memory_space<vmem>>
        %dma_start3A_407 = tpu.memref_squeeze %dma_start3A_406 : memref<1x128x128xf32, #tpu.memory_space<vmem>> -> memref<128x128xf32, #tpu.memory_space<vmem>>
        %dma_start3A_408 = tpu.memref_slice %arg5[%mul3A_402] : memref<5120xi32, #tpu.memory_space<vmem>> -> memref<128xi32, #tpu.memory_space<vmem>>
        %dma_start3A_409 = arith.constant 0 : i32
        %dma_start3A_410 = arith.constant 0 : i32
        %dma_start3A_411 = tpu.memref_slice %arg3[%dma_start3A_409, %dma_start3A_410] : memref<10240x128xf32, #tpu.memory_space<hbm>> -> memref<10240x128xf32, #tpu.memory_space<hbm>>
        tpu.enqueue_indirect_dma source(%dma_start3A_411 : memref<10240x128xf32, #tpu.memory_space<hbm>>) target(%dma_start3A_407 : memref<128x128xf32, #tpu.memory_space<vmem>>) offsets(%dma_start3A_408 : memref<128xi32, #tpu.memory_space<vmem>>) semaphore(%arg9 : memref<!tpu.dma_semaphore, #tpu.memory_space<semaphore_mem>>)
      } else {
      }
      %dma_wait3A_318 = arith.constant 3 : i32
      %dma_wait3A_319 = arith.constant 0 : i32
      %dma_wait3A_320 = arith.constant 0 : i32
      %dma_wait3A_321 = tpu.memref_slice %arg6[%dma_wait3A_318, %dma_wait3A_319, %dma_wait3A_320] : memref<5x128x128xf32, #tpu.memory_space<vmem>> -> memref<1x128x128xf32, #tpu.memory_space<vmem>>
      %dma_wait3A_322 = tpu.memref_squeeze %dma_wait3A_321 : memref<1x128x128xf32, #tpu.memory_space<vmem>> -> memref<128x128xf32, #tpu.memory_space<vmem>>
      %dma_wait3A_323 = arith.constant 0 : i32
      %dma_wait3A_324 = arith.constant 0 : i32
      %dma_wait3A_325 = tpu.memref_slice %arg3[%dma_wait3A_323, %dma_wait3A_324] : memref<10240x128xf32, #tpu.memory_space<hbm>> -> memref<128x128xf32, #tpu.memory_space<hbm>>
      %dma_wait3A_326 = arith.constant 0 : i32
      %dma_wait3A_327 = arith.constant 0 : i32
      %dma_wait3A_328 = tpu.memref_slice %arg6[%dma_wait3A_318, %dma_wait3A_326, %dma_wait3A_327] : memref<5x128x128xf32, #tpu.memory_space<vmem>> -> memref<1x128x128xf32, #tpu.memory_space<vmem>>
      %dma_wait3A_329 = tpu.memref_squeeze %dma_wait3A_328 : memref<1x128x128xf32, #tpu.memory_space<vmem>> -> memref<128x128xf32, #tpu.memory_space<vmem>>
      %dma_wait3A_330 = arith.constant 0 : i32
      %dma_wait3A_331 = arith.constant 0 : i32
      %dma_wait3A_332 = tpu.memref_slice %arg3[%dma_wait3A_330, %dma_wait3A_331] : memref<10240x128xf32, #tpu.memory_space<hbm>> -> memref<128x128xf32, #tpu.memory_space<hbm>>
      tpu.wait_dma2 semaphore(%arg10 : memref<!tpu.dma_semaphore, #tpu.memory_space<semaphore_mem>>) src(%dma_wait3A_332 : memref<128x128xf32, #tpu.memory_space<hbm>>) dst(%dma_wait3A_329 : memref<128x128xf32, #tpu.memory_space<vmem>>)
      %mul3A_333 = arith.constant 128 : i32
      %mul3A_334 = arith.muli %add3A_308, %mul3A_333 : i32
      %add3A_335 = arith.addi %mul3A_34, %mul3A_334 : i32
      %dma_start3A_336 = arith.constant 3 : i32
      %dma_start3A_337 = arith.constant 0 : i32
      %dma_start3A_338 = arith.constant 0 : i32
      %dma_start3A_339 = tpu.memref_slice %arg6[%dma_start3A_336, %dma_start3A_337, %dma_start3A_338] : memref<5x128x128xf32, #tpu.memory_space<vmem>> -> memref<1x128x128xf32, #tpu.memory_space<vmem>>
      %dma_start3A_340 = tpu.memref_squeeze %dma_start3A_339 : memref<1x128x128xf32, #tpu.memory_space<vmem>> -> memref<128x128xf32, #tpu.memory_space<vmem>>
      %dma_start3A_341 = arith.constant 0 : i32
      %dma_start3A_342 = tpu.memref_slice %arg4[%select_n3A, %add3A_335, %dma_start3A_341] : memref<16x10240x128xf32, #tpu.memory_space<hbm>> -> memref<1x128x128xf32, #tpu.memory_space<hbm>>
      %dma_start3A_343 = tpu.memref_squeeze %dma_start3A_342 : memref<1x128x128xf32, #tpu.memory_space<hbm>> -> memref<128x128xf32, #tpu.memory_space<hbm>>
      %dma_start3A_344 = arith.constant 0 : i32
      %dma_start3A_345 = tpu.memref_slice %arg4[%select_n3A, %add3A_335, %dma_start3A_344] : memref<16x10240x128xf32, #tpu.memory_space<hbm>> -> memref<1x128x128xf32, #tpu.memory_space<hbm>>
      %dma_start3A_346 = tpu.memref_squeeze %dma_start3A_345 : memref<1x128x128xf32, #tpu.memory_space<hbm>> -> memref<128x128xf32, #tpu.memory_space<hbm>>
      %dma_start3A_347 = arith.constant 0 : i32
      %dma_start3A_348 = arith.constant 0 : i32
      %dma_start3A_349 = tpu.memref_slice %arg6[%dma_start3A_336, %dma_start3A_347, %dma_start3A_348] : memref<5x128x128xf32, #tpu.memory_space<vmem>> -> memref<1x128x128xf32, #tpu.memory_space<vmem>>
      %dma_start3A_350 = tpu.memref_squeeze %dma_start3A_349 : memref<1x128x128xf32, #tpu.memory_space<vmem>> -> memref<128x128xf32, #tpu.memory_space<vmem>>
      tpu.enqueue_dma source(%dma_start3A_350 : memref<128x128xf32, #tpu.memory_space<vmem>>) target(%dma_start3A_346 : memref<128x128xf32, #tpu.memory_space<hbm>>) target_semaphore(%arg15 : memref<!tpu.dma_semaphore, #tpu.memory_space<semaphore_mem>>)
      %mul3A_351 = arith.constant 5 : i32
      %mul3A_352 = arith.muli %scan3A_168, %mul3A_351 : i32
      %add3A_353 = arith.constant 4 : i32
      %add3A_354 = arith.addi %mul3A_352, %add3A_353 : i32
      %add3A_355 = arith.constant 5 : i32
      %add3A_356 = arith.addi %add3A_354, %add3A_355 : i32
      %sub3A_357 = arith.constant 1 : i32
      %sub3A_358 = arith.subi %add3A_356, %sub3A_357 : i32
      %lt3A_359 = arith.constant 40 : i32
      %lt3A_360 = arith.cmpi slt, %sub3A_358, %lt3A_359 : i32
      %convert_element_type3A_361 = arith.extui %lt3A_360 : i1 to i32
      %cond3A_362 = arith.constant 0 : i32
      %cond3A_363 = arith.cmpi ne, %convert_element_type3A_361, %cond3A_362 : i32
      scf.if %cond3A_363 {
        %ge3A = arith.constant 5 : i32
        %ge3A_397 = arith.cmpi sge, %sub3A_358, %ge3A : i32
        %convert_element_type3A_398 = arith.extui %ge3A_397 : i1 to i32
        %cond3A_399 = arith.constant 0 : i32
        %cond3A_400 = arith.cmpi ne, %convert_element_type3A_398, %cond3A_399 : i32
        scf.if %cond3A_400 {
          %dma_wait3A_412 = arith.constant 3 : i32
          %dma_wait3A_413 = arith.constant 0 : i32
          %dma_wait3A_414 = arith.constant 0 : i32
          %dma_wait3A_415 = arith.constant 0 : i32
          %dma_wait3A_416 = tpu.memref_slice %arg6[%dma_wait3A_412, %dma_wait3A_414, %dma_wait3A_415] : memref<5x128x128xf32, #tpu.memory_space<vmem>> -> memref<1x128x128xf32, #tpu.memory_space<vmem>>
          %dma_wait3A_417 = tpu.memref_squeeze %dma_wait3A_416 : memref<1x128x128xf32, #tpu.memory_space<vmem>> -> memref<128x128xf32, #tpu.memory_space<vmem>>
          %dma_wait3A_418 = arith.constant 0 : i32
          %dma_wait3A_419 = arith.constant 0 : i32
          %dma_wait3A_420 = tpu.memref_slice %arg4[%dma_wait3A_413, %dma_wait3A_418, %dma_wait3A_419] : memref<16x10240x128xf32, #tpu.memory_space<hbm>> -> memref<1x128x128xf32, #tpu.memory_space<hbm>>
          %dma_wait3A_421 = tpu.memref_squeeze %dma_wait3A_420 : memref<1x128x128xf32, #tpu.memory_space<hbm>> -> memref<128x128xf32, #tpu.memory_space<hbm>>
          %dma_wait3A_422 = arith.constant 0 : i32
          %dma_wait3A_423 = arith.constant 0 : i32
          %dma_wait3A_424 = tpu.memref_slice %arg4[%dma_wait3A_413, %dma_wait3A_422, %dma_wait3A_423] : memref<16x10240x128xf32, #tpu.memory_space<hbm>> -> memref<1x128x128xf32, #tpu.memory_space<hbm>>
          %dma_wait3A_425 = tpu.memref_squeeze %dma_wait3A_424 : memref<1x128x128xf32, #tpu.memory_space<hbm>> -> memref<128x128xf32, #tpu.memory_space<hbm>>
          %dma_wait3A_426 = arith.constant 0 : i32
          %dma_wait3A_427 = arith.constant 0 : i32
          %dma_wait3A_428 = tpu.memref_slice %arg6[%dma_wait3A_412, %dma_wait3A_426, %dma_wait3A_427] : memref<5x128x128xf32, #tpu.memory_space<vmem>> -> memref<1x128x128xf32, #tpu.memory_space<vmem>>
          %dma_wait3A_429 = tpu.memref_squeeze %dma_wait3A_428 : memref<1x128x128xf32, #tpu.memory_space<vmem>> -> memref<128x128xf32, #tpu.memory_space<vmem>>
          tpu.wait_dma2 semaphore(%arg15 : memref<!tpu.dma_semaphore, #tpu.memory_space<semaphore_mem>>) src(%dma_wait3A_429 : memref<128x128xf32, #tpu.memory_space<vmem>>) dst(%dma_wait3A_425 : memref<128x128xf32, #tpu.memory_space<hbm>>)
        } else {
        }
        %mul3A_401 = arith.constant 128 : i32
        %mul3A_402 = arith.muli %sub3A_358, %mul3A_401 : i32
        %dma_start3A_403 = arith.constant 3 : i32
        %dma_start3A_404 = arith.constant 0 : i32
        %dma_start3A_405 = arith.constant 0 : i32
        %dma_start3A_406 = tpu.memref_slice %arg6[%dma_start3A_403, %dma_start3A_404, %dma_start3A_405] : memref<5x128x128xf32, #tpu.memory_space<vmem>> -> memref<1x128x128xf32, #tpu.memory_space<vmem>>
        %dma_start3A_407 = tpu.memref_squeeze %dma_start3A_406 : memref<1x128x128xf32, #tpu.memory_space<vmem>> -> memref<128x128xf32, #tpu.memory_space<vmem>>
        %dma_start3A_408 = tpu.memref_slice %arg5[%mul3A_402] : memref<5120xi32, #tpu.memory_space<vmem>> -> memref<128xi32, #tpu.memory_space<vmem>>
        %dma_start3A_409 = arith.constant 0 : i32
        %dma_start3A_410 = arith.constant 0 : i32
        %dma_start3A_411 = tpu.memref_slice %arg3[%dma_start3A_409, %dma_start3A_410] : memref<10240x128xf32, #tpu.memory_space<hbm>> -> memref<10240x128xf32, #tpu.memory_space<hbm>>
        tpu.enqueue_indirect_dma source(%dma_start3A_411 : memref<10240x128xf32, #tpu.memory_space<hbm>>) target(%dma_start3A_407 : memref<128x128xf32, #tpu.memory_space<vmem>>) offsets(%dma_start3A_408 : memref<128xi32, #tpu.memory_space<vmem>>) semaphore(%arg10 : memref<!tpu.dma_semaphore, #tpu.memory_space<semaphore_mem>>)
      } else {
      }
      %dma_wait3A_364 = arith.constant 4 : i32
      %dma_wait3A_365 = arith.constant 0 : i32
      %dma_wait3A_366 = arith.constant 0 : i32
      %dma_wait3A_367 = tpu.memref_slice %arg6[%dma_wait3A_364, %dma_wait3A_365, %dma_wait3A_366] : memref<5x128x128xf32, #tpu.memory_space<vmem>> -> memref<1x128x128xf32, #tpu.memory_space<vmem>>
      %dma_wait3A_368 = tpu.memref_squeeze %dma_wait3A_367 : memref<1x128x128xf32, #tpu.memory_space<vmem>> -> memref<128x128xf32, #tpu.memory_space<vmem>>
      %dma_wait3A_369 = arith.constant 0 : i32
      %dma_wait3A_370 = arith.constant 0 : i32
      %dma_wait3A_371 = tpu.memref_slice %arg3[%dma_wait3A_369, %dma_wait3A_370] : memref<10240x128xf32, #tpu.memory_space<hbm>> -> memref<128x128xf32, #tpu.memory_space<hbm>>
      %dma_wait3A_372 = arith.constant 0 : i32
      %dma_wait3A_373 = arith.constant 0 : i32
      %dma_wait3A_374 = tpu.memref_slice %arg6[%dma_wait3A_364, %dma_wait3A_372, %dma_wait3A_373] : memref<5x128x128xf32, #tpu.memory_space<vmem>> -> memref<1x128x128xf32, #tpu.memory_space<vmem>>
      %dma_wait3A_375 = tpu.memref_squeeze %dma_wait3A_374 : memref<1x128x128xf32, #tpu.memory_space<vmem>> -> memref<128x128xf32, #tpu.memory_space<vmem>>
      %dma_wait3A_376 = arith.constant 0 : i32
      %dma_wait3A_377 = arith.constant 0 : i32
      %dma_wait3A_378 = tpu.memref_slice %arg3[%dma_wait3A_376, %dma_wait3A_377] : memref<10240x128xf32, #tpu.memory_space<hbm>> -> memref<128x128xf32, #tpu.memory_space<hbm>>
      tpu.wait_dma2 semaphore(%arg11 : memref<!tpu.dma_semaphore, #tpu.memory_space<semaphore_mem>>) src(%dma_wait3A_378 : memref<128x128xf32, #tpu.memory_space<hbm>>) dst(%dma_wait3A_375 : memref<128x128xf32, #tpu.memory_space<vmem>>)
      %mul3A_379 = arith.constant 128 : i32
      %mul3A_380 = arith.muli %add3A_354, %mul3A_379 : i32
      %add3A_381 = arith.addi %mul3A_34, %mul3A_380 : i32
      %dma_start3A_382 = arith.constant 4 : i32
      %dma_start3A_383 = arith.constant 0 : i32
      %dma_start3A_384 = arith.constant 0 : i32
      %dma_start3A_385 = tpu.memref_slice %arg6[%dma_start3A_382, %dma_start3A_383, %dma_start3A_384] : memref<5x128x128xf32, #tpu.memory_space<vmem>> -> memref<1x128x128xf32, #tpu.memory_space<vmem>>
      %dma_start3A_386 = tpu.memref_squeeze %dma_start3A_385 : memref<1x128x128xf32, #tpu.memory_space<vmem>> -> memref<128x128xf32, #tpu.memory_space<vmem>>
      %dma_start3A_387 = arith.constant 0 : i32
      %dma_start3A_388 = tpu.memref_slice %arg4[%select_n3A, %add3A_381, %dma_start3A_387] : memref<16x10240x128xf32, #tpu.memory_space<hbm>> -> memref<1x128x128xf32, #tpu.memory_space<hbm>>
      %dma_start3A_389 = tpu.memref_squeeze %dma_start3A_388 : memref<1x128x128xf32, #tpu.memory_space<hbm>> -> memref<128x128xf32, #tpu.memory_space<hbm>>
      %dma_start3A_390 = arith.constant 0 : i32
      %dma_start3A_391 = tpu.memref_slice %arg4[%select_n3A, %add3A_381, %dma_start3A_390] : memref<16x10240x128xf32, #tpu.memory_space<hbm>> -> memref<1x128x128xf32, #tpu.memory_space<hbm>>
      %dma_start3A_392 = tpu.memref_squeeze %dma_start3A_391 : memref<1x128x128xf32, #tpu.memory_space<hbm>> -> memref<128x128xf32, #tpu.memory_space<hbm>>
      %dma_start3A_393 = arith.constant 0 : i32
      %dma_start3A_394 = arith.constant 0 : i32
      %dma_start3A_395 = tpu.memref_slice %arg6[%dma_start3A_382, %dma_start3A_393, %dma_start3A_394] : memref<5x128x128xf32, #tpu.memory_space<vmem>> -> memref<1x128x128xf32, #tpu.memory_space<vmem>>
      %dma_start3A_396 = tpu.memref_squeeze %dma_start3A_395 : memref<1x128x128xf32, #tpu.memory_space<vmem>> -> memref<128x128xf32, #tpu.memory_space<vmem>>
      tpu.enqueue_dma source(%dma_start3A_396 : memref<128x128xf32, #tpu.memory_space<vmem>>) target(%dma_start3A_392 : memref<128x128xf32, #tpu.memory_space<hbm>>) target_semaphore(%arg16 : memref<!tpu.dma_semaphore, #tpu.memory_space<semaphore_mem>>)
    }
    %scan3A_78 = arith.constant 8 : i32
    %dma_wait3A = arith.constant 0 : i32
    %dma_wait3A_79 = arith.constant 0 : i32
    %dma_wait3A_80 = arith.constant 0 : i32
    %dma_wait3A_81 = arith.constant 0 : i32
    %dma_wait3A_82 = tpu.memref_slice %arg6[%dma_wait3A, %dma_wait3A_80, %dma_wait3A_81] : memref<5x128x128xf32, #tpu.memory_space<vmem>> -> memref<1x128x128xf32, #tpu.memory_space<vmem>>
    %dma_wait3A_83 = tpu.memref_squeeze %dma_wait3A_82 : memref<1x128x128xf32, #tpu.memory_space<vmem>> -> memref<128x128xf32, #tpu.memory_space<vmem>>
    %dma_wait3A_84 = arith.constant 0 : i32
    %dma_wait3A_85 = arith.constant 0 : i32
    %dma_wait3A_86 = tpu.memref_slice %arg4[%dma_wait3A_79, %dma_wait3A_84, %dma_wait3A_85] : memref<16x10240x128xf32, #tpu.memory_space<hbm>> -> memref<1x128x128xf32, #tpu.memory_space<hbm>>
    %dma_wait3A_87 = tpu.memref_squeeze %dma_wait3A_86 : memref<1x128x128xf32, #tpu.memory_space<hbm>> -> memref<128x128xf32, #tpu.memory_space<hbm>>
    %dma_wait3A_88 = arith.constant 0 : i32
    %dma_wait3A_89 = arith.constant 0 : i32
    %dma_wait3A_90 = tpu.memref_slice %arg4[%dma_wait3A_79, %dma_wait3A_88, %dma_wait3A_89] : memref<16x10240x128xf32, #tpu.memory_space<hbm>> -> memref<1x128x128xf32, #tpu.memory_space<hbm>>
    %dma_wait3A_91 = tpu.memref_squeeze %dma_wait3A_90 : memref<1x128x128xf32, #tpu.memory_space<hbm>> -> memref<128x128xf32, #tpu.memory_space<hbm>>
    %dma_wait3A_92 = arith.constant 0 : i32
    %dma_wait3A_93 = arith.constant 0 : i32
    %dma_wait3A_94 = tpu.memref_slice %arg6[%dma_wait3A, %dma_wait3A_92, %dma_wait3A_93] : memref<5x128x128xf32, #tpu.memory_space<vmem>> -> memref<1x128x128xf32, #tpu.memory_space<vmem>>
    %dma_wait3A_95 = tpu.memref_squeeze %dma_wait3A_94 : memref<1x128x128xf32, #tpu.memory_space<vmem>> -> memref<128x128xf32, #tpu.memory_space<vmem>>
    tpu.wait_dma2 semaphore(%arg12 : memref<!tpu.dma_semaphore, #tpu.memory_space<semaphore_mem>>) src(%dma_wait3A_95 : memref<128x128xf32, #tpu.memory_space<vmem>>) dst(%dma_wait3A_91 : memref<128x128xf32, #tpu.memory_space<hbm>>)
    %dma_wait3A_96 = arith.constant 1 : i32
    %dma_wait3A_97 = arith.constant 0 : i32
    %dma_wait3A_98 = arith.constant 0 : i32
    %dma_wait3A_99 = arith.constant 0 : i32
    %dma_wait3A_100 = tpu.memref_slice %arg6[%dma_wait3A_96, %dma_wait3A_98, %dma_wait3A_99] : memref<5x128x128xf32, #tpu.memory_space<vmem>> -> memref<1x128x128xf32, #tpu.memory_space<vmem>>
    %dma_wait3A_101 = tpu.memref_squeeze %dma_wait3A_100 : memref<1x128x128xf32, #tpu.memory_space<vmem>> -> memref<128x128xf32, #tpu.memory_space<vmem>>
    %dma_wait3A_102 = arith.constant 0 : i32
    %dma_wait3A_103 = arith.constant 0 : i32
    %dma_wait3A_104 = tpu.memref_slice %arg4[%dma_wait3A_97, %dma_wait3A_102, %dma_wait3A_103] : memref<16x10240x128xf32, #tpu.memory_space<hbm>> -> memref<1x128x128xf32, #tpu.memory_space<hbm>>
    %dma_wait3A_105 = tpu.memref_squeeze %dma_wait3A_104 : memref<1x128x128xf32, #tpu.memory_space<hbm>> -> memref<128x128xf32, #tpu.memory_space<hbm>>
    %dma_wait3A_106 = arith.constant 0 : i32
    %dma_wait3A_107 = arith.constant 0 : i32
    %dma_wait3A_108 = tpu.memref_slice %arg4[%dma_wait3A_97, %dma_wait3A_106, %dma_wait3A_107] : memref<16x10240x128xf32, #tpu.memory_space<hbm>> -> memref<1x128x128xf32, #tpu.memory_space<hbm>>
    %dma_wait3A_109 = tpu.memref_squeeze %dma_wait3A_108 : memref<1x128x128xf32, #tpu.memory_space<hbm>> -> memref<128x128xf32, #tpu.memory_space<hbm>>
    %dma_wait3A_110 = arith.constant 0 : i32
    %dma_wait3A_111 = arith.constant 0 : i32
    %dma_wait3A_112 = tpu.memref_slice %arg6[%dma_wait3A_96, %dma_wait3A_110, %dma_wait3A_111] : memref<5x128x128xf32, #tpu.memory_space<vmem>> -> memref<1x128x128xf32, #tpu.memory_space<vmem>>
    %dma_wait3A_113 = tpu.memref_squeeze %dma_wait3A_112 : memref<1x128x128xf32, #tpu.memory_space<vmem>> -> memref<128x128xf32, #tpu.memory_space<vmem>>
    tpu.wait_dma2 semaphore(%arg13 : memref<!tpu.dma_semaphore, #tpu.memory_space<semaphore_mem>>) src(%dma_wait3A_113 : memref<128x128xf32, #tpu.memory_space<vmem>>) dst(%dma_wait3A_109 : memref<128x128xf32, #tpu.memory_space<hbm>>)
    %dma_wait3A_114 = arith.constant 2 : i32
    %dma_wait3A_115 = arith.constant 0 : i32
    %dma_wait3A_116 = arith.constant 0 : i32
    %dma_wait3A_117 = arith.constant 0 : i32
    %dma_wait3A_118 = tpu.memref_slice %arg6[%dma_wait3A_114, %dma_wait3A_116, %dma_wait3A_117] : memref<5x128x128xf32, #tpu.memory_space<vmem>> -> memref<1x128x128xf32, #tpu.memory_space<vmem>>
    %dma_wait3A_119 = tpu.memref_squeeze %dma_wait3A_118 : memref<1x128x128xf32, #tpu.memory_space<vmem>> -> memref<128x128xf32, #tpu.memory_space<vmem>>
    %dma_wait3A_120 = arith.constant 0 : i32
    %dma_wait3A_121 = arith.constant 0 : i32
    %dma_wait3A_122 = tpu.memref_slice %arg4[%dma_wait3A_115, %dma_wait3A_120, %dma_wait3A_121] : memref<16x10240x128xf32, #tpu.memory_space<hbm>> -> memref<1x128x128xf32, #tpu.memory_space<hbm>>
    %dma_wait3A_123 = tpu.memref_squeeze %dma_wait3A_122 : memref<1x128x128xf32, #tpu.memory_space<hbm>> -> memref<128x128xf32, #tpu.memory_space<hbm>>
    %dma_wait3A_124 = arith.constant 0 : i32
    %dma_wait3A_125 = arith.constant 0 : i32
    %dma_wait3A_126 = tpu.memref_slice %arg4[%dma_wait3A_115, %dma_wait3A_124, %dma_wait3A_125] : memref<16x10240x128xf32, #tpu.memory_space<hbm>> -> memref<1x128x128xf32, #tpu.memory_space<hbm>>
    %dma_wait3A_127 = tpu.memref_squeeze %dma_wait3A_126 : memref<1x128x128xf32, #tpu.memory_space<hbm>> -> memref<128x128xf32, #tpu.memory_space<hbm>>
    %dma_wait3A_128 = arith.constant 0 : i32
    %dma_wait3A_129 = arith.constant 0 : i32
    %dma_wait3A_130 = tpu.memref_slice %arg6[%dma_wait3A_114, %dma_wait3A_128, %dma_wait3A_129] : memref<5x128x128xf32, #tpu.memory_space<vmem>> -> memref<1x128x128xf32, #tpu.memory_space<vmem>>
    %dma_wait3A_131 = tpu.memref_squeeze %dma_wait3A_130 : memref<1x128x128xf32, #tpu.memory_space<vmem>> -> memref<128x128xf32, #tpu.memory_space<vmem>>
    tpu.wait_dma2 semaphore(%arg14 : memref<!tpu.dma_semaphore, #tpu.memory_space<semaphore_mem>>) src(%dma_wait3A_131 : memref<128x128xf32, #tpu.memory_space<vmem>>) dst(%dma_wait3A_127 : memref<128x128xf32, #tpu.memory_space<hbm>>)
    %dma_wait3A_132 = arith.constant 3 : i32
    %dma_wait3A_133 = arith.constant 0 : i32
    %dma_wait3A_134 = arith.constant 0 : i32
    %dma_wait3A_135 = arith.constant 0 : i32
    %dma_wait3A_136 = tpu.memref_slice %arg6[%dma_wait3A_132, %dma_wait3A_134, %dma_wait3A_135] : memref<5x128x128xf32, #tpu.memory_space<vmem>> -> memref<1x128x128xf32, #tpu.memory_space<vmem>>
    %dma_wait3A_137 = tpu.memref_squeeze %dma_wait3A_136 : memref<1x128x128xf32, #tpu.memory_space<vmem>> -> memref<128x128xf32, #tpu.memory_space<vmem>>
    %dma_wait3A_138 = arith.constant 0 : i32
    %dma_wait3A_139 = arith.constant 0 : i32
    %dma_wait3A_140 = tpu.memref_slice %arg4[%dma_wait3A_133, %dma_wait3A_138, %dma_wait3A_139] : memref<16x10240x128xf32, #tpu.memory_space<hbm>> -> memref<1x128x128xf32, #tpu.memory_space<hbm>>
    %dma_wait3A_141 = tpu.memref_squeeze %dma_wait3A_140 : memref<1x128x128xf32, #tpu.memory_space<hbm>> -> memref<128x128xf32, #tpu.memory_space<hbm>>
    %dma_wait3A_142 = arith.constant 0 : i32
    %dma_wait3A_143 = arith.constant 0 : i32
    %dma_wait3A_144 = tpu.memref_slice %arg4[%dma_wait3A_133, %dma_wait3A_142, %dma_wait3A_143] : memref<16x10240x128xf32, #tpu.memory_space<hbm>> -> memref<1x128x128xf32, #tpu.memory_space<hbm>>
    %dma_wait3A_145 = tpu.memref_squeeze %dma_wait3A_144 : memref<1x128x128xf32, #tpu.memory_space<hbm>> -> memref<128x128xf32, #tpu.memory_space<hbm>>
    %dma_wait3A_146 = arith.constant 0 : i32
    %dma_wait3A_147 = arith.constant 0 : i32
    %dma_wait3A_148 = tpu.memref_slice %arg6[%dma_wait3A_132, %dma_wait3A_146, %dma_wait3A_147] : memref<5x128x128xf32, #tpu.memory_space<vmem>> -> memref<1x128x128xf32, #tpu.memory_space<vmem>>
    %dma_wait3A_149 = tpu.memref_squeeze %dma_wait3A_148 : memref<1x128x128xf32, #tpu.memory_space<vmem>> -> memref<128x128xf32, #tpu.memory_space<vmem>>
    tpu.wait_dma2 semaphore(%arg15 : memref<!tpu.dma_semaphore, #tpu.memory_space<semaphore_mem>>) src(%dma_wait3A_149 : memref<128x128xf32, #tpu.memory_space<vmem>>) dst(%dma_wait3A_145 : memref<128x128xf32, #tpu.memory_space<hbm>>)
    %dma_wait3A_150 = arith.constant 4 : i32
    %dma_wait3A_151 = arith.constant 0 : i32
    %dma_wait3A_152 = arith.constant 0 : i32
    %dma_wait3A_153 = arith.constant 0 : i32
    %dma_wait3A_154 = tpu.memref_slice %arg6[%dma_wait3A_150, %dma_wait3A_152, %dma_wait3A_153] : memref<5x128x128xf32, #tpu.memory_space<vmem>> -> memref<1x128x128xf32, #tpu.memory_space<vmem>>
    %dma_wait3A_155 = tpu.memref_squeeze %dma_wait3A_154 : memref<1x128x128xf32, #tpu.memory_space<vmem>> -> memref<128x128xf32, #tpu.memory_space<vmem>>
    %dma_wait3A_156 = arith.constant 0 : i32
    %dma_wait3A_157 = arith.constant 0 : i32
    %dma_wait3A_158 = tpu.memref_slice %arg4[%dma_wait3A_151, %dma_wait3A_156, %dma_wait3A_157] : memref<16x10240x128xf32, #tpu.memory_space<hbm>> -> memref<1x128x128xf32, #tpu.memory_space<hbm>>
    %dma_wait3A_159 = tpu.memref_squeeze %dma_wait3A_158 : memref<1x128x128xf32, #tpu.memory_space<hbm>> -> memref<128x128xf32, #tpu.memory_space<hbm>>
    %dma_wait3A_160 = arith.constant 0 : i32
    %dma_wait3A_161 = arith.constant 0 : i32
    %dma_wait3A_162 = tpu.memref_slice %arg4[%dma_wait3A_151, %dma_wait3A_160, %dma_wait3A_161] : memref<16x10240x128xf32, #tpu.memory_space<hbm>> -> memref<1x128x128xf32, #tpu.memory_space<hbm>>
    %dma_wait3A_163 = tpu.memref_squeeze %dma_wait3A_162 : memref<1x128x128xf32, #tpu.memory_space<hbm>> -> memref<128x128xf32, #tpu.memory_space<hbm>>
    %dma_wait3A_164 = arith.constant 0 : i32
    %dma_wait3A_165 = arith.constant 0 : i32
    %dma_wait3A_166 = tpu.memref_slice %arg6[%dma_wait3A_150, %dma_wait3A_164, %dma_wait3A_165] : memref<5x128x128xf32, #tpu.memory_space<vmem>> -> memref<1x128x128xf32, #tpu.memory_space<vmem>>
    %dma_wait3A_167 = tpu.memref_squeeze %dma_wait3A_166 : memref<1x128x128xf32, #tpu.memory_space<vmem>> -> memref<128x128xf32, #tpu.memory_space<vmem>>
    tpu.wait_dma2 semaphore(%arg16 : memref<!tpu.dma_semaphore, #tpu.memory_space<semaphore_mem>>) src(%dma_wait3A_167 : memref<128x128xf32, #tpu.memory_space<vmem>>) dst(%dma_wait3A_163 : memref<128x128xf32, #tpu.memory_space<hbm>>)
    return
  }
}

#map = affine_map<(d0, d1) -> (0)>
#map1 = affine_map<(d0, d1) -> (0, 0)>
#map2 = affine_map<(d0, d1) -> (0, 0, 0)>
module attributes {stable_mosaic.version = 14 : i64} {
  func.func @gather(%arg0: i32, %arg1: i32, %arg2: memref<163840xi32, #tpu.memory_space<hbm>>, %arg3: memref<10240x128xf32, #tpu.memory_space<hbm>>, %arg4: memref<16x10240x128xf32, #tpu.memory_space<hbm>>, %arg5: memref<5120xi32, #tpu.memory_space<vmem>>, %arg6: memref<5x128x128xf32, #tpu.memory_space<vmem>>, %arg7: memref<!tpu.dma_semaphore, #tpu.memory_space<semaphore_mem>>, %arg8: memref<!tpu.dma_semaphore, #tpu.memory_space<semaphore_mem>>, %arg9: memref<!tpu.dma_semaphore, #tpu.memory_space<semaphore_mem>>, %arg10: memref<!tpu.dma_semaphore, #tpu.memory_space<semaphore_mem>>, %arg11: memref<!tpu.dma_semaphore, #tpu.memory_space<semaphore_mem>>, %arg12: memref<!tpu.dma_semaphore, #tpu.memory_space<semaphore_mem>>, %arg13: memref<!tpu.dma_semaphore, #tpu.memory_space<semaphore_mem>>, %arg14: memref<!tpu.dma_semaphore, #tpu.memory_space<semaphore_mem>>, %arg15: memref<!tpu.dma_semaphore, #tpu.memory_space<semaphore_mem>>, %arg16: memref<!tpu.dma_semaphore, #tpu.memory_space<semaphore_mem>>) attributes {dimension_semantics = [#tpu.dimension_semantics<core_parallel>, #tpu.dimension_semantics<subcore_parallel>], iteration_bounds = array<i64: 2, 16>, scalar_prefetch = 0 : i64, scratch_operands = 12 : i64, tpu.core_type = #tpu.core_type<sc_vector_subcore>, window_params = [{transform_indices = #map}, {transform_indices = #map1}, {transform_indices = #map2}]} {
    %mul3A = arith.constant 2 : i32
    %mul3A_0 = arith.muli %arg1, %mul3A : i32
    %add3A = arith.addi %mul3A_0, %arg0 : i32
    %mul3A_1 = arith.constant 5120 : i32
    %mul3A_2 = arith.muli %add3A, %mul3A_1 : i32
    %jit3A = arith.constant 2 : i32
    %div3A = arith.divsi %add3A, %jit3A : i32
    %sign3A = arith.constant 0 : i32
    %sign3A_3 = arith.cmpi sgt, %add3A, %sign3A : i32
    %sign3A_4 = arith.extui %sign3A_3 : i1 to i32
    %sign3A_5 = arith.constant 0 : i32
    %sign3A_6 = arith.cmpi slt, %add3A, %sign3A_5 : i32
    %sign3A_7 = arith.extui %sign3A_6 : i1 to i32
    %sign3A_8 = arith.subi %sign3A_4, %sign3A_7 : i32
    %sign3A_9 = arith.constant 0 : i32
    %sign3A_10 = arith.cmpi sgt, %jit3A, %sign3A_9 : i32
    %sign3A_11 = arith.extui %sign3A_10 : i1 to i32
    %sign3A_12 = arith.constant 0 : i32
    %sign3A_13 = arith.cmpi slt, %jit3A, %sign3A_12 : i32
    %sign3A_14 = arith.extui %sign3A_13 : i1 to i32
    %sign3A_15 = arith.subi %sign3A_11, %sign3A_14 : i32
    %ne3A = arith.cmpi ne, %sign3A_8, %sign3A_15 : i32
    %rem3A = arith.remsi %add3A, %jit3A : i32
    %ne3A_16 = arith.constant 0 : i32
    %ne3A_17 = arith.cmpi ne, %rem3A, %ne3A_16 : i32
    %and3A = arith.andi %ne3A, %ne3A_17 : i1
    %sub3A = arith.constant 1 : i32
    %sub3A_18 = arith.subi %div3A, %sub3A : i32
    %select_n3A = arith.select %and3A, %sub3A_18, %div3A : i32
    %jit3A_19 = arith.constant 2 : i32
    %eq3A = arith.constant 0 : i32
    %eq3A_20 = arith.cmpi eq, %jit3A_19, %eq3A : i32
    %jit3A_21 = arith.constant 1 : i32
    %select_n3A_22 = arith.select %eq3A_20, %jit3A_21, %jit3A_19 : i32
    %rem3A_23 = arith.remsi %add3A, %select_n3A_22 : i32
    %ne3A_24 = arith.constant 0 : i32
    %ne3A_25 = arith.cmpi ne, %rem3A_23, %ne3A_24 : i32
    %lt3A = arith.constant 0 : i32
    %lt3A_26 = arith.cmpi slt, %rem3A_23, %lt3A : i32
    %lt3A_27 = arith.constant 0 : i32
    %lt3A_28 = arith.cmpi slt, %select_n3A_22, %lt3A_27 : i32
    %ne3A_29 = arith.xori %lt3A_26, %lt3A_28 : i1
    %and3A_30 = arith.andi %ne3A_29, %ne3A_25 : i1
    %add3A_31 = arith.addi %rem3A_23, %select_n3A_22 : i32
    %select_n3A_32 = arith.select %and3A_30, %add3A_31, %rem3A_23 : i32
    %mul3A_33 = arith.constant 5120 : i32
    %mul3A_34 = arith.muli %select_n3A_32, %mul3A_33 : i32
    "tpu.region"() ({
      %run_scoped3A = tpu.sem_alloc : memref<!tpu.dma_semaphore, #tpu.memory_space<semaphore_mem>>
      %dma_start3A_168 = tpu.memref_slice %arg2[%mul3A_2] : memref<163840xi32, #tpu.memory_space<hbm>> -> memref<5120xi32, #tpu.memory_space<hbm>>
      %dma_start3A_169 = tpu.memref_slice %arg2[%mul3A_2] : memref<163840xi32, #tpu.memory_space<hbm>> -> memref<5120xi32, #tpu.memory_space<hbm>>
      tpu.enqueue_dma source(%dma_start3A_169 : memref<5120xi32, #tpu.memory_space<hbm>>) target(%arg5 : memref<5120xi32, #tpu.memory_space<vmem>>) target_semaphore(%run_scoped3A : memref<!tpu.dma_semaphore, #tpu.memory_space<semaphore_mem>>)
      %dma_wait3A_170 = tpu.memref_slice %arg2[%mul3A_2] : memref<163840xi32, #tpu.memory_space<hbm>> -> memref<5120xi32, #tpu.memory_space<hbm>>
      %dma_wait3A_171 = tpu.memref_slice %arg2[%mul3A_2] : memref<163840xi32, #tpu.memory_space<hbm>> -> memref<5120xi32, #tpu.memory_space<hbm>>
      tpu.wait_dma2 semaphore(%run_scoped3A : memref<!tpu.dma_semaphore, #tpu.memory_space<semaphore_mem>>) src(%dma_wait3A_171 : memref<5120xi32, #tpu.memory_space<hbm>>) dst(%arg5 : memref<5120xi32, #tpu.memory_space<vmem>>)
      tpu.yield
    }) : () -> ()
    %dma_start3A = arith.constant 0 : i32
    %dma_start3A_35 = arith.constant 0 : i32
    %dma_start3A_36 = arith.constant 0 : i32
    %dma_start3A_37 = tpu.memref_slice %arg6[%dma_start3A, %dma_start3A_35, %dma_start3A_36] : memref<5x128x128xf32, #tpu.memory_space<vmem>> -> memref<1x128x128xf32, #tpu.memory_space<vmem>>
    %dma_start3A_38 = tpu.memref_squeeze %dma_start3A_37 : memref<1x128x128xf32, #tpu.memory_space<vmem>> -> memref<128x128xf32, #tpu.memory_space<vmem>>
    %dma_start3A_39 = arith.constant 0 : i32
    %dma_start3A_40 = tpu.memref_slice %arg5[%dma_start3A_39] : memref<5120xi32, #tpu.memory_space<vmem>> -> memref<128xi32, #tpu.memory_space<vmem>>
    %dma_start3A_41 = arith.constant 0 : i32
    %dma_start3A_42 = arith.constant 0 : i32
    %dma_start3A_43 = tpu.memref_slice %arg3[%dma_start3A_41, %dma_start3A_42] : memref<10240x128xf32, #tpu.memory_space<hbm>> -> memref<10240x128xf32, #tpu.memory_space<hbm>>
    tpu.enqueue_indirect_dma source(%dma_start3A_43 : memref<10240x128xf32, #tpu.memory_space<hbm>>) target(%dma_start3A_38 : memref<128x128xf32, #tpu.memory_space<vmem>>) offsets(%dma_start3A_40 : memref<128xi32, #tpu.memory_space<vmem>>) semaphore(%arg7 : memref<!tpu.dma_semaphore, #tpu.memory_space<semaphore_mem>>)
    %dma_start3A_44 = arith.constant 1 : i32
    %dma_start3A_45 = arith.constant 0 : i32
    %dma_start3A_46 = arith.constant 0 : i32
    %dma_start3A_47 = tpu.memref_slice %arg6[%dma_start3A_44, %dma_start3A_45, %dma_start3A_46] : memref<5x128x128xf32, #tpu.memory_space<vmem>> -> memref<1x128x128xf32, #tpu.memory_space<vmem>>
    %dma_start3A_48 = tpu.memref_squeeze %dma_start3A_47 : memref<1x128x128xf32, #tpu.memory_space<vmem>> -> memref<128x128xf32, #tpu.memory_space<vmem>>
    %dma_start3A_49 = arith.constant 128 : i32
    %dma_start3A_50 = tpu.memref_slice %arg5[%dma_start3A_49] : memref<5120xi32, #tpu.memory_space<vmem>> -> memref<128xi32, #tpu.memory_space<vmem>>
    %dma_start3A_51 = arith.constant 0 : i32
    %dma_start3A_52 = arith.constant 0 : i32
    %dma_start3A_53 = tpu.memref_slice %arg3[%dma_start3A_51, %dma_start3A_52] : memref<10240x128xf32, #tpu.memory_space<hbm>> -> memref<10240x128xf32, #tpu.memory_space<hbm>>
    tpu.enqueue_indirect_dma source(%dma_start3A_53 : memref<10240x128xf32, #tpu.memory_space<hbm>>) target(%dma_start3A_48 : memref<128x128xf32, #tpu.memory_space<vmem>>) offsets(%dma_start3A_50 : memref<128xi32, #tpu.memory_space<vmem>>) semaphore(%arg8 : memref<!tpu.dma_semaphore, #tpu.memory_space<semaphore_mem>>)
    %dma_start3A_54 = arith.constant 2 : i32
    %dma_start3A_55 = arith.constant 0 : i32
    %dma_start3A_56 = arith.constant 0 : i32
    %dma_start3A_57 = tpu.memref_slice %arg6[%dma_start3A_54, %dma_start3A_55, %dma_start3A_56] : memref<5x128x128xf32, #tpu.memory_space<vmem>> -> memref<1x128x128xf32, #tpu.memory_space<vmem>>
    %dma_start3A_58 = tpu.memref_squeeze %dma_start3A_57 : memref<1x128x128xf32, #tpu.memory_space<vmem>> -> memref<128x128xf32, #tpu.memory_space<vmem>>
    %dma_start3A_59 = arith.constant 256 : i32
    %dma_start3A_60 = tpu.memref_slice %arg5[%dma_start3A_59] : memref<5120xi32, #tpu.memory_space<vmem>> -> memref<128xi32, #tpu.memory_space<vmem>>
    %dma_start3A_61 = arith.constant 0 : i32
    %dma_start3A_62 = arith.constant 0 : i32
    %dma_start3A_63 = tpu.memref_slice %arg3[%dma_start3A_61, %dma_start3A_62] : memref<10240x128xf32, #tpu.memory_space<hbm>> -> memref<10240x128xf32, #tpu.memory_space<hbm>>
    tpu.enqueue_indirect_dma source(%dma_start3A_63 : memref<10240x128xf32, #tpu.memory_space<hbm>>) target(%dma_start3A_58 : memref<128x128xf32, #tpu.memory_space<vmem>>) offsets(%dma_start3A_60 : memref<128xi32, #tpu.memory_space<vmem>>) semaphore(%arg9 : memref<!tpu.dma_semaphore, #tpu.memory_space<semaphore_mem>>)
    %dma_start3A_64 = arith.constant 3 : i32
    %dma_start3A_65 = arith.constant 0 : i32
    %dma_start3A_66 = arith.constant 0 : i32
    %dma_start3A_67 = tpu.memref_slice %arg6[%dma_start3A_64, %dma_start3A_65, %dma_start3A_66] : memref<5x128x128xf32, #tpu.memory_space<vmem>> -> memref<1x128x128xf32, #tpu.memory_space<vmem>>
    %dma_start3A_68 = tpu.memref_squeeze %dma_start3A_67 : memref<1x128x128xf32, #tpu.memory_space<vmem>> -> memref<128x128xf32, #tpu.memory_space<vmem>>
    %dma_start3A_69 = arith.constant 384 : i32
    %dma_start3A_70 = tpu.memref_slice %arg5[%dma_start3A_69] : memref<5120xi32, #tpu.memory_space<vmem>> -> memref<128xi32, #tpu.memory_space<vmem>>
    %dma_start3A_71 = arith.constant 0 : i32
    %dma_start3A_72 = arith.constant 0 : i32
    %dma_start3A_73 = tpu.memref_slice %arg3[%dma_start3A_71, %dma_start3A_72] : memref<10240x128xf32, #tpu.memory_space<hbm>> -> memref<10240x128xf32, #tpu.memory_space<hbm>>
    tpu.enqueue_indirect_dma source(%dma_start3A_73 : memref<10240x128xf32, #tpu.memory_space<hbm>>) target(%dma_start3A_68 : memref<128x128xf32, #tpu.memory_space<vmem>>) offsets(%dma_start3A_70 : memref<128xi32, #tpu.memory_space<vmem>>) semaphore(%arg10 : memref<!tpu.dma_semaphore, #tpu.memory_space<semaphore_mem>>)
    %scan3A = arith.constant 0 : i32
    %scan3A_74 = arith.constant 0 : i32
    %scan3A_75 = arith.constant 8 : i32
    %scan3A_76 = arith.addi %scan3A_74, %scan3A_75 : i32
    %scan3A_77 = arith.constant 1 : i32
    scf.for %scan3A_168 = %scan3A_74 to %scan3A_76 step %scan3A_77  : i32 {
      %mul3A_169 = arith.constant 5 : i32
      %mul3A_170 = arith.muli %scan3A_168, %mul3A_169 : i32
      %add3A_171 = arith.constant 0 : i32
      %add3A_172 = arith.addi %mul3A_170, %add3A_171 : i32
      %add3A_173 = arith.constant 5 : i32
      %add3A_174 = arith.addi %add3A_172, %add3A_173 : i32
      %sub3A_175 = arith.constant 1 : i32
      %sub3A_176 = arith.subi %add3A_174, %sub3A_175 : i32
      %lt3A_177 = arith.constant 40 : i32
      %lt3A_178 = arith.cmpi slt, %sub3A_176, %lt3A_177 : i32
      %convert_element_type3A = arith.extui %lt3A_178 : i1 to i32
      %cond3A = arith.constant 0 : i32
      %cond3A_179 = arith.cmpi ne, %convert_element_type3A, %cond3A : i32
      scf.if %cond3A_179 {
        %ge3A = arith.constant 5 : i32
        %ge3A_397 = arith.cmpi sge, %sub3A_176, %ge3A : i32
        %convert_element_type3A_398 = arith.extui %ge3A_397 : i1 to i32
        %cond3A_399 = arith.constant 0 : i32
        %cond3A_400 = arith.cmpi ne, %convert_element_type3A_398, %cond3A_399 : i32
        scf.if %cond3A_400 {
          %dma_wait3A_412 = arith.constant 4 : i32
          %dma_wait3A_413 = arith.constant 0 : i32
          %dma_wait3A_414 = arith.constant 0 : i32
          %dma_wait3A_415 = arith.constant 0 : i32
          %dma_wait3A_416 = tpu.memref_slice %arg6[%dma_wait3A_412, %dma_wait3A_414, %dma_wait3A_415] : memref<5x128x128xf32, #tpu.memory_space<vmem>> -> memref<1x128x128xf32, #tpu.memory_space<vmem>>
          %dma_wait3A_417 = tpu.memref_squeeze %dma_wait3A_416 : memref<1x128x128xf32, #tpu.memory_space<vmem>> -> memref<128x128xf32, #tpu.memory_space<vmem>>
          %dma_wait3A_418 = arith.constant 0 : i32
          %dma_wait3A_419 = arith.constant 0 : i32
          %dma_wait3A_420 = tpu.memref_slice %arg4[%dma_wait3A_413, %dma_wait3A_418, %dma_wait3A_419] : memref<16x10240x128xf32, #tpu.memory_space<hbm>> -> memref<1x128x128xf32, #tpu.memory_space<hbm>>
          %dma_wait3A_421 = tpu.memref_squeeze %dma_wait3A_420 : memref<1x128x128xf32, #tpu.memory_space<hbm>> -> memref<128x128xf32, #tpu.memory_space<hbm>>
          %dma_wait3A_422 = arith.constant 0 : i32
          %dma_wait3A_423 = arith.constant 0 : i32
          %dma_wait3A_424 = tpu.memref_slice %arg4[%dma_wait3A_413, %dma_wait3A_422, %dma_wait3A_423] : memref<16x10240x128xf32, #tpu.memory_space<hbm>> -> memref<1x128x128xf32, #tpu.memory_space<hbm>>
          %dma_wait3A_425 = tpu.memref_squeeze %dma_wait3A_424 : memref<1x128x128xf32, #tpu.memory_space<hbm>> -> memref<128x128xf32, #tpu.memory_space<hbm>>
          %dma_wait3A_426 = arith.constant 0 : i32
          %dma_wait3A_427 = arith.constant 0 : i32
          %dma_wait3A_428 = tpu.memref_slice %arg6[%dma_wait3A_412, %dma_wait3A_426, %dma_wait3A_427] : memref<5x128x128xf32, #tpu.memory_space<vmem>> -> memref<1x128x128xf32, #tpu.memory_space<vmem>>
          %dma_wait3A_429 = tpu.memref_squeeze %dma_wait3A_428 : memref<1x128x128xf32, #tpu.memory_space<vmem>> -> memref<128x128xf32, #tpu.memory_space<vmem>>
          tpu.wait_dma2 semaphore(%arg16 : memref<!tpu.dma_semaphore, #tpu.memory_space<semaphore_mem>>) src(%dma_wait3A_429 : memref<128x128xf32, #tpu.memory_space<vmem>>) dst(%dma_wait3A_425 : memref<128x128xf32, #tpu.memory_space<hbm>>)
        } else {
        }
        %mul3A_401 = arith.constant 128 : i32
        %mul3A_402 = arith.muli %sub3A_176, %mul3A_401 : i32
        %dma_start3A_403 = arith.constant 4 : i32
        %dma_start3A_404 = arith.constant 0 : i32
        %dma_start3A_405 = arith.constant 0 : i32
        %dma_start3A_406 = tpu.memref_slice %arg6[%dma_start3A_403, %dma_start3A_404, %dma_start3A_405] : memref<5x128x128xf32, #tpu.memory_space<vmem>> -> memref<1x128x128xf32, #tpu.memory_space<vmem>>
        %dma_start3A_407 = tpu.memref_squeeze %dma_start3A_406 : memref<1x128x128xf32, #tpu.memory_space<vmem>> -> memref<128x128xf32, #tpu.memory_space<vmem>>
        %dma_start3A_408 = tpu.memref_slice %arg5[%mul3A_402] : memref<5120xi32, #tpu.memory_space<vmem>> -> memref<128xi32, #tpu.memory_space<vmem>>
        %dma_start3A_409 = arith.constant 0 : i32
        %dma_start3A_410 = arith.constant 0 : i32
        %dma_start3A_411 = tpu.memref_slice %arg3[%dma_start3A_409, %dma_start3A_410] : memref<10240x128xf32, #tpu.memory_space<hbm>> -> memref<10240x128xf32, #tpu.memory_space<hbm>>
        tpu.enqueue_indirect_dma source(%dma_start3A_411 : memref<10240x128xf32, #tpu.memory_space<hbm>>) target(%dma_start3A_407 : memref<128x128xf32, #tpu.memory_space<vmem>>) offsets(%dma_start3A_408 : memref<128xi32, #tpu.memory_space<vmem>>) semaphore(%arg11 : memref<!tpu.dma_semaphore, #tpu.memory_space<semaphore_mem>>)
      } else {
      }
      %dma_wait3A_180 = arith.constant 0 : i32
      %dma_wait3A_181 = arith.constant 0 : i32
      %dma_wait3A_182 = arith.constant 0 : i32
      %dma_wait3A_183 = tpu.memref_slice %arg6[%dma_wait3A_180, %dma_wait3A_181, %dma_wait3A_182] : memref<5x128x128xf32, #tpu.memory_space<vmem>> -> memref<1x128x128xf32, #tpu.memory_space<vmem>>
      %dma_wait3A_184 = tpu.memref_squeeze %dma_wait3A_183 : memref<1x128x128xf32, #tpu.memory_space<vmem>> -> memref<128x128xf32, #tpu.memory_space<vmem>>
      %dma_wait3A_185 = arith.constant 0 : i32
      %dma_wait3A_186 = arith.constant 0 : i32
      %dma_wait3A_187 = tpu.memref_slice %arg3[%dma_wait3A_185, %dma_wait3A_186] : memref<10240x128xf32, #tpu.memory_space<hbm>> -> memref<128x128xf32, #tpu.memory_space<hbm>>
      %dma_wait3A_188 = arith.constant 0 : i32
      %dma_wait3A_189 = arith.constant 0 : i32
      %dma_wait3A_190 = tpu.memref_slice %arg6[%dma_wait3A_180, %dma_wait3A_188, %dma_wait3A_189] : memref<5x128x128xf32, #tpu.memory_space<vmem>> -> memref<1x128x128xf32, #tpu.memory_space<vmem>>
      %dma_wait3A_191 = tpu.memref_squeeze %dma_wait3A_190 : memref<1x128x128xf32, #tpu.memory_space<vmem>> -> memref<128x128xf32, #tpu.memory_space<vmem>>
      %dma_wait3A_192 = arith.constant 0 : i32
      %dma_wait3A_193 = arith.constant 0 : i32
      %dma_wait3A_194 = tpu.memref_slice %arg3[%dma_wait3A_192, %dma_wait3A_193] : memref<10240x128xf32, #tpu.memory_space<hbm>> -> memref<128x128xf32, #tpu.memory_space<hbm>>
      tpu.wait_dma2 semaphore(%arg7 : memref<!tpu.dma_semaphore, #tpu.memory_space<semaphore_mem>>) src(%dma_wait3A_194 : memref<128x128xf32, #tpu.memory_space<hbm>>) dst(%dma_wait3A_191 : memref<128x128xf32, #tpu.memory_space<vmem>>)
      %mul3A_195 = arith.constant 128 : i32
      %mul3A_196 = arith.muli %add3A_172, %mul3A_195 : i32
      %add3A_197 = arith.addi %mul3A_34, %mul3A_196 : i32
      %dma_start3A_198 = arith.constant 0 : i32
      %dma_start3A_199 = arith.constant 0 : i32
      %dma_start3A_200 = arith.constant 0 : i32
      %dma_start3A_201 = tpu.memref_slice %arg6[%dma_start3A_198, %dma_start3A_199, %dma_start3A_200] : memref<5x128x128xf32, #tpu.memory_space<vmem>> -> memref<1x128x128xf32, #tpu.memory_space<vmem>>
      %dma_start3A_202 = tpu.memref_squeeze %dma_start3A_201 : memref<1x128x128xf32, #tpu.memory_space<vmem>> -> memref<128x128xf32, #tpu.memory_space<vmem>>
      %dma_start3A_203 = arith.constant 0 : i32
      %dma_start3A_204 = tpu.memref_slice %arg4[%select_n3A, %add3A_197, %dma_start3A_203] : memref<16x10240x128xf32, #tpu.memory_space<hbm>> -> memref<1x128x128xf32, #tpu.memory_space<hbm>>
      %dma_start3A_205 = tpu.memref_squeeze %dma_start3A_204 : memref<1x128x128xf32, #tpu.memory_space<hbm>> -> memref<128x128xf32, #tpu.memory_space<hbm>>
      %dma_start3A_206 = arith.constant 0 : i32
      %dma_start3A_207 = tpu.memref_slice %arg4[%select_n3A, %add3A_197, %dma_start3A_206] : memref<16x10240x128xf32, #tpu.memory_space<hbm>> -> memref<1x128x128xf32, #tpu.memory_space<hbm>>
      %dma_start3A_208 = tpu.memref_squeeze %dma_start3A_207 : memref<1x128x128xf32, #tpu.memory_space<hbm>> -> memref<128x128xf32, #tpu.memory_space<hbm>>
      %dma_start3A_209 = arith.constant 0 : i32
      %dma_start3A_210 = arith.constant 0 : i32
      %dma_start3A_211 = tpu.memref_slice %arg6[%dma_start3A_198, %dma_start3A_209, %dma_start3A_210] : memref<5x128x128xf32, #tpu.memory_space<vmem>> -> memref<1x128x128xf32, #tpu.memory_space<vmem>>
      %dma_start3A_212 = tpu.memref_squeeze %dma_start3A_211 : memref<1x128x128xf32, #tpu.memory_space<vmem>> -> memref<128x128xf32, #tpu.memory_space<vmem>>
      tpu.enqueue_dma source(%dma_start3A_212 : memref<128x128xf32, #tpu.memory_space<vmem>>) target(%dma_start3A_208 : memref<128x128xf32, #tpu.memory_space<hbm>>) target_semaphore(%arg12 : memref<!tpu.dma_semaphore, #tpu.memory_space<semaphore_mem>>)
      %mul3A_213 = arith.constant 5 : i32
      %mul3A_214 = arith.muli %scan3A_168, %mul3A_213 : i32
      %add3A_215 = arith.constant 1 : i32
      %add3A_216 = arith.addi %mul3A_214, %add3A_215 : i32
      %add3A_217 = arith.constant 5 : i32
      %add3A_218 = arith.addi %add3A_216, %add3A_217 : i32
      %sub3A_219 = arith.constant 1 : i32
      %sub3A_220 = arith.subi %add3A_218, %sub3A_219 : i32
      %lt3A_221 = arith.constant 40 : i32
      %lt3A_222 = arith.cmpi slt, %sub3A_220, %lt3A_221 : i32
      %convert_element_type3A_223 = arith.extui %lt3A_222 : i1 to i32
      %cond3A_224 = arith.constant 0 : i32
      %cond3A_225 = arith.cmpi ne, %convert_element_type3A_223, %cond3A_224 : i32
      scf.if %cond3A_225 {
        %ge3A = arith.constant 5 : i32
        %ge3A_397 = arith.cmpi sge, %sub3A_220, %ge3A : i32
        %convert_element_type3A_398 = arith.extui %ge3A_397 : i1 to i32
        %cond3A_399 = arith.constant 0 : i32
        %cond3A_400 = arith.cmpi ne, %convert_element_type3A_398, %cond3A_399 : i32
        scf.if %cond3A_400 {
          %dma_wait3A_412 = arith.constant 0 : i32
          %dma_wait3A_413 = arith.constant 0 : i32
          %dma_wait3A_414 = arith.constant 0 : i32
          %dma_wait3A_415 = arith.constant 0 : i32
          %dma_wait3A_416 = tpu.memref_slice %arg6[%dma_wait3A_412, %dma_wait3A_414, %dma_wait3A_415] : memref<5x128x128xf32, #tpu.memory_space<vmem>> -> memref<1x128x128xf32, #tpu.memory_space<vmem>>
          %dma_wait3A_417 = tpu.memref_squeeze %dma_wait3A_416 : memref<1x128x128xf32, #tpu.memory_space<vmem>> -> memref<128x128xf32, #tpu.memory_space<vmem>>
          %dma_wait3A_418 = arith.constant 0 : i32
          %dma_wait3A_419 = arith.constant 0 : i32
          %dma_wait3A_420 = tpu.memref_slice %arg4[%dma_wait3A_413, %dma_wait3A_418, %dma_wait3A_419] : memref<16x10240x128xf32, #tpu.memory_space<hbm>> -> memref<1x128x128xf32, #tpu.memory_space<hbm>>
          %dma_wait3A_421 = tpu.memref_squeeze %dma_wait3A_420 : memref<1x128x128xf32, #tpu.memory_space<hbm>> -> memref<128x128xf32, #tpu.memory_space<hbm>>
          %dma_wait3A_422 = arith.constant 0 : i32
          %dma_wait3A_423 = arith.constant 0 : i32
          %dma_wait3A_424 = tpu.memref_slice %arg4[%dma_wait3A_413, %dma_wait3A_422, %dma_wait3A_423] : memref<16x10240x128xf32, #tpu.memory_space<hbm>> -> memref<1x128x128xf32, #tpu.memory_space<hbm>>
          %dma_wait3A_425 = tpu.memref_squeeze %dma_wait3A_424 : memref<1x128x128xf32, #tpu.memory_space<hbm>> -> memref<128x128xf32, #tpu.memory_space<hbm>>
          %dma_wait3A_426 = arith.constant 0 : i32
          %dma_wait3A_427 = arith.constant 0 : i32
          %dma_wait3A_428 = tpu.memref_slice %arg6[%dma_wait3A_412, %dma_wait3A_426, %dma_wait3A_427] : memref<5x128x128xf32, #tpu.memory_space<vmem>> -> memref<1x128x128xf32, #tpu.memory_space<vmem>>
          %dma_wait3A_429 = tpu.memref_squeeze %dma_wait3A_428 : memref<1x128x128xf32, #tpu.memory_space<vmem>> -> memref<128x128xf32, #tpu.memory_space<vmem>>
          tpu.wait_dma2 semaphore(%arg12 : memref<!tpu.dma_semaphore, #tpu.memory_space<semaphore_mem>>) src(%dma_wait3A_429 : memref<128x128xf32, #tpu.memory_space<vmem>>) dst(%dma_wait3A_425 : memref<128x128xf32, #tpu.memory_space<hbm>>)
        } else {
        }
        %mul3A_401 = arith.constant 128 : i32
        %mul3A_402 = arith.muli %sub3A_220, %mul3A_401 : i32
        %dma_start3A_403 = arith.constant 0 : i32
        %dma_start3A_404 = arith.constant 0 : i32
        %dma_start3A_405 = arith.constant 0 : i32
        %dma_start3A_406 = tpu.memref_slice %arg6[%dma_start3A_403, %dma_start3A_404, %dma_start3A_405] : memref<5x128x128xf32, #tpu.memory_space<vmem>> -> memref<1x128x128xf32, #tpu.memory_space<vmem>>
        %dma_start3A_407 = tpu.memref_squeeze %dma_start3A_406 : memref<1x128x128xf32, #tpu.memory_space<vmem>> -> memref<128x128xf32, #tpu.memory_space<vmem>>
        %dma_start3A_408 = tpu.memref_slice %arg5[%mul3A_402] : memref<5120xi32, #tpu.memory_space<vmem>> -> memref<128xi32, #tpu.memory_space<vmem>>
        %dma_start3A_409 = arith.constant 0 : i32
        %dma_start3A_410 = arith.constant 0 : i32
        %dma_start3A_411 = tpu.memref_slice %arg3[%dma_start3A_409, %dma_start3A_410] : memref<10240x128xf32, #tpu.memory_space<hbm>> -> memref<10240x128xf32, #tpu.memory_space<hbm>>
        tpu.enqueue_indirect_dma source(%dma_start3A_411 : memref<10240x128xf32, #tpu.memory_space<hbm>>) target(%dma_start3A_407 : memref<128x128xf32, #tpu.memory_space<vmem>>) offsets(%dma_start3A_408 : memref<128xi32, #tpu.memory_space<vmem>>) semaphore(%arg7 : memref<!tpu.dma_semaphore, #tpu.memory_space<semaphore_mem>>)
      } else {
      }
      %dma_wait3A_226 = arith.constant 1 : i32
      %dma_wait3A_227 = arith.constant 0 : i32
      %dma_wait3A_228 = arith.constant 0 : i32
      %dma_wait3A_229 = tpu.memref_slice %arg6[%dma_wait3A_226, %dma_wait3A_227, %dma_wait3A_228] : memref<5x128x128xf32, #tpu.memory_space<vmem>> -> memref<1x128x128xf32, #tpu.memory_space<vmem>>
      %dma_wait3A_230 = tpu.memref_squeeze %dma_wait3A_229 : memref<1x128x128xf32, #tpu.memory_space<vmem>> -> memref<128x128xf32, #tpu.memory_space<vmem>>
      %dma_wait3A_231 = arith.constant 0 : i32
      %dma_wait3A_232 = arith.constant 0 : i32
      %dma_wait3A_233 = tpu.memref_slice %arg3[%dma_wait3A_231, %dma_wait3A_232] : memref<10240x128xf32, #tpu.memory_space<hbm>> -> memref<128x128xf32, #tpu.memory_space<hbm>>
      %dma_wait3A_234 = arith.constant 0 : i32
      %dma_wait3A_235 = arith.constant 0 : i32
      %dma_wait3A_236 = tpu.memref_slice %arg6[%dma_wait3A_226, %dma_wait3A_234, %dma_wait3A_235] : memref<5x128x128xf32, #tpu.memory_space<vmem>> -> memref<1x128x128xf32, #tpu.memory_space<vmem>>
      %dma_wait3A_237 = tpu.memref_squeeze %dma_wait3A_236 : memref<1x128x128xf32, #tpu.memory_space<vmem>> -> memref<128x128xf32, #tpu.memory_space<vmem>>
      %dma_wait3A_238 = arith.constant 0 : i32
      %dma_wait3A_239 = arith.constant 0 : i32
      %dma_wait3A_240 = tpu.memref_slice %arg3[%dma_wait3A_238, %dma_wait3A_239] : memref<10240x128xf32, #tpu.memory_space<hbm>> -> memref<128x128xf32, #tpu.memory_space<hbm>>
      tpu.wait_dma2 semaphore(%arg8 : memref<!tpu.dma_semaphore, #tpu.memory_space<semaphore_mem>>) src(%dma_wait3A_240 : memref<128x128xf32, #tpu.memory_space<hbm>>) dst(%dma_wait3A_237 : memref<128x128xf32, #tpu.memory_space<vmem>>)
      %mul3A_241 = arith.constant 128 : i32
      %mul3A_242 = arith.muli %add3A_216, %mul3A_241 : i32
      %add3A_243 = arith.addi %mul3A_34, %mul3A_242 : i32
      %dma_start3A_244 = arith.constant 1 : i32
      %dma_start3A_245 = arith.constant 0 : i32
      %dma_start3A_246 = arith.constant 0 : i32
      %dma_start3A_247 = tpu.memref_slice %arg6[%dma_start3A_244, %dma_start3A_245, %dma_start3A_246] : memref<5x128x128xf32, #tpu.memory_space<vmem>> -> memref<1x128x128xf32, #tpu.memory_space<vmem>>
      %dma_start3A_248 = tpu.memref_squeeze %dma_start3A_247 : memref<1x128x128xf32, #tpu.memory_space<vmem>> -> memref<128x128xf32, #tpu.memory_space<vmem>>
      %dma_start3A_249 = arith.constant 0 : i32
      %dma_start3A_250 = tpu.memref_slice %arg4[%select_n3A, %add3A_243, %dma_start3A_249] : memref<16x10240x128xf32, #tpu.memory_space<hbm>> -> memref<1x128x128xf32, #tpu.memory_space<hbm>>
      %dma_start3A_251 = tpu.memref_squeeze %dma_start3A_250 : memref<1x128x128xf32, #tpu.memory_space<hbm>> -> memref<128x128xf32, #tpu.memory_space<hbm>>
      %dma_start3A_252 = arith.constant 0 : i32
      %dma_start3A_253 = tpu.memref_slice %arg4[%select_n3A, %add3A_243, %dma_start3A_252] : memref<16x10240x128xf32, #tpu.memory_space<hbm>> -> memref<1x128x128xf32, #tpu.memory_space<hbm>>
      %dma_start3A_254 = tpu.memref_squeeze %dma_start3A_253 : memref<1x128x128xf32, #tpu.memory_space<hbm>> -> memref<128x128xf32, #tpu.memory_space<hbm>>
      %dma_start3A_255 = arith.constant 0 : i32
      %dma_start3A_256 = arith.constant 0 : i32
      %dma_start3A_257 = tpu.memref_slice %arg6[%dma_start3A_244, %dma_start3A_255, %dma_start3A_256] : memref<5x128x128xf32, #tpu.memory_space<vmem>> -> memref<1x128x128xf32, #tpu.memory_space<vmem>>
      %dma_start3A_258 = tpu.memref_squeeze %dma_start3A_257 : memref<1x128x128xf32, #tpu.memory_space<vmem>> -> memref<128x128xf32, #tpu.memory_space<vmem>>
      tpu.enqueue_dma source(%dma_start3A_258 : memref<128x128xf32, #tpu.memory_space<vmem>>) target(%dma_start3A_254 : memref<128x128xf32, #tpu.memory_space<hbm>>) target_semaphore(%arg13 : memref<!tpu.dma_semaphore, #tpu.memory_space<semaphore_mem>>)
      %mul3A_259 = arith.constant 5 : i32
      %mul3A_260 = arith.muli %scan3A_168, %mul3A_259 : i32
      %add3A_261 = arith.constant 2 : i32
      %add3A_262 = arith.addi %mul3A_260, %add3A_261 : i32
      %add3A_263 = arith.constant 5 : i32
      %add3A_264 = arith.addi %add3A_262, %add3A_263 : i32
      %sub3A_265 = arith.constant 1 : i32
      %sub3A_266 = arith.subi %add3A_264, %sub3A_265 : i32
      %lt3A_267 = arith.constant 40 : i32
      %lt3A_268 = arith.cmpi slt, %sub3A_266, %lt3A_267 : i32
      %convert_element_type3A_269 = arith.extui %lt3A_268 : i1 to i32
      %cond3A_270 = arith.constant 0 : i32
      %cond3A_271 = arith.cmpi ne, %convert_element_type3A_269, %cond3A_270 : i32
      scf.if %cond3A_271 {
        %ge3A = arith.constant 5 : i32
        %ge3A_397 = arith.cmpi sge, %sub3A_266, %ge3A : i32
        %convert_element_type3A_398 = arith.extui %ge3A_397 : i1 to i32
        %cond3A_399 = arith.constant 0 : i32
        %cond3A_400 = arith.cmpi ne, %convert_element_type3A_398, %cond3A_399 : i32
        scf.if %cond3A_400 {
          %dma_wait3A_412 = arith.constant 1 : i32
          %dma_wait3A_413 = arith.constant 0 : i32
          %dma_wait3A_414 = arith.constant 0 : i32
          %dma_wait3A_415 = arith.constant 0 : i32
          %dma_wait3A_416 = tpu.memref_slice %arg6[%dma_wait3A_412, %dma_wait3A_414, %dma_wait3A_415] : memref<5x128x128xf32, #tpu.memory_space<vmem>> -> memref<1x128x128xf32, #tpu.memory_space<vmem>>
          %dma_wait3A_417 = tpu.memref_squeeze %dma_wait3A_416 : memref<1x128x128xf32, #tpu.memory_space<vmem>> -> memref<128x128xf32, #tpu.memory_space<vmem>>
          %dma_wait3A_418 = arith.constant 0 : i32
          %dma_wait3A_419 = arith.constant 0 : i32
          %dma_wait3A_420 = tpu.memref_slice %arg4[%dma_wait3A_413, %dma_wait3A_418, %dma_wait3A_419] : memref<16x10240x128xf32, #tpu.memory_space<hbm>> -> memref<1x128x128xf32, #tpu.memory_space<hbm>>
          %dma_wait3A_421 = tpu.memref_squeeze %dma_wait3A_420 : memref<1x128x128xf32, #tpu.memory_space<hbm>> -> memref<128x128xf32, #tpu.memory_space<hbm>>
          %dma_wait3A_422 = arith.constant 0 : i32
          %dma_wait3A_423 = arith.constant 0 : i32
          %dma_wait3A_424 = tpu.memref_slice %arg4[%dma_wait3A_413, %dma_wait3A_422, %dma_wait3A_423] : memref<16x10240x128xf32, #tpu.memory_space<hbm>> -> memref<1x128x128xf32, #tpu.memory_space<hbm>>
          %dma_wait3A_425 = tpu.memref_squeeze %dma_wait3A_424 : memref<1x128x128xf32, #tpu.memory_space<hbm>> -> memref<128x128xf32, #tpu.memory_space<hbm>>
          %dma_wait3A_426 = arith.constant 0 : i32
          %dma_wait3A_427 = arith.constant 0 : i32
          %dma_wait3A_428 = tpu.memref_slice %arg6[%dma_wait3A_412, %dma_wait3A_426, %dma_wait3A_427] : memref<5x128x128xf32, #tpu.memory_space<vmem>> -> memref<1x128x128xf32, #tpu.memory_space<vmem>>
          %dma_wait3A_429 = tpu.memref_squeeze %dma_wait3A_428 : memref<1x128x128xf32, #tpu.memory_space<vmem>> -> memref<128x128xf32, #tpu.memory_space<vmem>>
          tpu.wait_dma2 semaphore(%arg13 : memref<!tpu.dma_semaphore, #tpu.memory_space<semaphore_mem>>) src(%dma_wait3A_429 : memref<128x128xf32, #tpu.memory_space<vmem>>) dst(%dma_wait3A_425 : memref<128x128xf32, #tpu.memory_space<hbm>>)
        } else {
        }
        %mul3A_401 = arith.constant 128 : i32
        %mul3A_402 = arith.muli %sub3A_266, %mul3A_401 : i32
        %dma_start3A_403 = arith.constant 1 : i32
        %dma_start3A_404 = arith.constant 0 : i32
        %dma_start3A_405 = arith.constant 0 : i32
        %dma_start3A_406 = tpu.memref_slice %arg6[%dma_start3A_403, %dma_start3A_404, %dma_start3A_405] : memref<5x128x128xf32, #tpu.memory_space<vmem>> -> memref<1x128x128xf32, #tpu.memory_space<vmem>>
        %dma_start3A_407 = tpu.memref_squeeze %dma_start3A_406 : memref<1x128x128xf32, #tpu.memory_space<vmem>> -> memref<128x128xf32, #tpu.memory_space<vmem>>
        %dma_start3A_408 = tpu.memref_slice %arg5[%mul3A_402] : memref<5120xi32, #tpu.memory_space<vmem>> -> memref<128xi32, #tpu.memory_space<vmem>>
        %dma_start3A_409 = arith.constant 0 : i32
        %dma_start3A_410 = arith.constant 0 : i32
        %dma_start3A_411 = tpu.memref_slice %arg3[%dma_start3A_409, %dma_start3A_410] : memref<10240x128xf32, #tpu.memory_space<hbm>> -> memref<10240x128xf32, #tpu.memory_space<hbm>>
        tpu.enqueue_indirect_dma source(%dma_start3A_411 : memref<10240x128xf32, #tpu.memory_space<hbm>>) target(%dma_start3A_407 : memref<128x128xf32, #tpu.memory_space<vmem>>) offsets(%dma_start3A_408 : memref<128xi32, #tpu.memory_space<vmem>>) semaphore(%arg8 : memref<!tpu.dma_semaphore, #tpu.memory_space<semaphore_mem>>)
      } else {
      }
      %dma_wait3A_272 = arith.constant 2 : i32
      %dma_wait3A_273 = arith.constant 0 : i32
      %dma_wait3A_274 = arith.constant 0 : i32
      %dma_wait3A_275 = tpu.memref_slice %arg6[%dma_wait3A_272, %dma_wait3A_273, %dma_wait3A_274] : memref<5x128x128xf32, #tpu.memory_space<vmem>> -> memref<1x128x128xf32, #tpu.memory_space<vmem>>
      %dma_wait3A_276 = tpu.memref_squeeze %dma_wait3A_275 : memref<1x128x128xf32, #tpu.memory_space<vmem>> -> memref<128x128xf32, #tpu.memory_space<vmem>>
      %dma_wait3A_277 = arith.constant 0 : i32
      %dma_wait3A_278 = arith.constant 0 : i32
      %dma_wait3A_279 = tpu.memref_slice %arg3[%dma_wait3A_277, %dma_wait3A_278] : memref<10240x128xf32, #tpu.memory_space<hbm>> -> memref<128x128xf32, #tpu.memory_space<hbm>>
      %dma_wait3A_280 = arith.constant 0 : i32
      %dma_wait3A_281 = arith.constant 0 : i32
      %dma_wait3A_282 = tpu.memref_slice %arg6[%dma_wait3A_272, %dma_wait3A_280, %dma_wait3A_281] : memref<5x128x128xf32, #tpu.memory_space<vmem>> -> memref<1x128x128xf32, #tpu.memory_space<vmem>>
      %dma_wait3A_283 = tpu.memref_squeeze %dma_wait3A_282 : memref<1x128x128xf32, #tpu.memory_space<vmem>> -> memref<128x128xf32, #tpu.memory_space<vmem>>
      %dma_wait3A_284 = arith.constant 0 : i32
      %dma_wait3A_285 = arith.constant 0 : i32
      %dma_wait3A_286 = tpu.memref_slice %arg3[%dma_wait3A_284, %dma_wait3A_285] : memref<10240x128xf32, #tpu.memory_space<hbm>> -> memref<128x128xf32, #tpu.memory_space<hbm>>
      tpu.wait_dma2 semaphore(%arg9 : memref<!tpu.dma_semaphore, #tpu.memory_space<semaphore_mem>>) src(%dma_wait3A_286 : memref<128x128xf32, #tpu.memory_space<hbm>>) dst(%dma_wait3A_283 : memref<128x128xf32, #tpu.memory_space<vmem>>)
      %mul3A_287 = arith.constant 128 : i32
      %mul3A_288 = arith.muli %add3A_262, %mul3A_287 : i32
      %add3A_289 = arith.addi %mul3A_34, %mul3A_288 : i32
      %dma_start3A_290 = arith.constant 2 : i32
      %dma_start3A_291 = arith.constant 0 : i32
      %dma_start3A_292 = arith.constant 0 : i32
      %dma_start3A_293 = tpu.memref_slice %arg6[%dma_start3A_290, %dma_start3A_291, %dma_start3A_292] : memref<5x128x128xf32, #tpu.memory_space<vmem>> -> memref<1x128x128xf32, #tpu.memory_space<vmem>>
      %dma_start3A_294 = tpu.memref_squeeze %dma_start3A_293 : memref<1x128x128xf32, #tpu.memory_space<vmem>> -> memref<128x128xf32, #tpu.memory_space<vmem>>
      %dma_start3A_295 = arith.constant 0 : i32
      %dma_start3A_296 = tpu.memref_slice %arg4[%select_n3A, %add3A_289, %dma_start3A_295] : memref<16x10240x128xf32, #tpu.memory_space<hbm>> -> memref<1x128x128xf32, #tpu.memory_space<hbm>>
      %dma_start3A_297 = tpu.memref_squeeze %dma_start3A_296 : memref<1x128x128xf32, #tpu.memory_space<hbm>> -> memref<128x128xf32, #tpu.memory_space<hbm>>
      %dma_start3A_298 = arith.constant 0 : i32
      %dma_start3A_299 = tpu.memref_slice %arg4[%select_n3A, %add3A_289, %dma_start3A_298] : memref<16x10240x128xf32, #tpu.memory_space<hbm>> -> memref<1x128x128xf32, #tpu.memory_space<hbm>>
      %dma_start3A_300 = tpu.memref_squeeze %dma_start3A_299 : memref<1x128x128xf32, #tpu.memory_space<hbm>> -> memref<128x128xf32, #tpu.memory_space<hbm>>
      %dma_start3A_301 = arith.constant 0 : i32
      %dma_start3A_302 = arith.constant 0 : i32
      %dma_start3A_303 = tpu.memref_slice %arg6[%dma_start3A_290, %dma_start3A_301, %dma_start3A_302] : memref<5x128x128xf32, #tpu.memory_space<vmem>> -> memref<1x128x128xf32, #tpu.memory_space<vmem>>
      %dma_start3A_304 = tpu.memref_squeeze %dma_start3A_303 : memref<1x128x128xf32, #tpu.memory_space<vmem>> -> memref<128x128xf32, #tpu.memory_space<vmem>>
      tpu.enqueue_dma source(%dma_start3A_304 : memref<128x128xf32, #tpu.memory_space<vmem>>) target(%dma_start3A_300 : memref<128x128xf32, #tpu.memory_space<hbm>>) target_semaphore(%arg14 : memref<!tpu.dma_semaphore, #tpu.memory_space<semaphore_mem>>)
      %mul3A_305 = arith.constant 5 : i32
      %mul3A_306 = arith.muli %scan3A_168, %mul3A_305 : i32
      %add3A_307 = arith.constant 3 : i32
      %add3A_308 = arith.addi %mul3A_306, %add3A_307 : i32
      %add3A_309 = arith.constant 5 : i32
      %add3A_310 = arith.addi %add3A_308, %add3A_309 : i32
      %sub3A_311 = arith.constant 1 : i32
      %sub3A_312 = arith.subi %add3A_310, %sub3A_311 : i32
      %lt3A_313 = arith.constant 40 : i32
      %lt3A_314 = arith.cmpi slt, %sub3A_312, %lt3A_313 : i32
      %convert_element_type3A_315 = arith.extui %lt3A_314 : i1 to i32
      %cond3A_316 = arith.constant 0 : i32
      %cond3A_317 = arith.cmpi ne, %convert_element_type3A_315, %cond3A_316 : i32
      scf.if %cond3A_317 {
        %ge3A = arith.constant 5 : i32
        %ge3A_397 = arith.cmpi sge, %sub3A_312, %ge3A : i32
        %convert_element_type3A_398 = arith.extui %ge3A_397 : i1 to i32
        %cond3A_399 = arith.constant 0 : i32
        %cond3A_400 = arith.cmpi ne, %convert_element_type3A_398, %cond3A_399 : i32
        scf.if %cond3A_400 {
          %dma_wait3A_412 = arith.constant 2 : i32
          %dma_wait3A_413 = arith.constant 0 : i32
          %dma_wait3A_414 = arith.constant 0 : i32
          %dma_wait3A_415 = arith.constant 0 : i32
          %dma_wait3A_416 = tpu.memref_slice %arg6[%dma_wait3A_412, %dma_wait3A_414, %dma_wait3A_415] : memref<5x128x128xf32, #tpu.memory_space<vmem>> -> memref<1x128x128xf32, #tpu.memory_space<vmem>>
          %dma_wait3A_417 = tpu.memref_squeeze %dma_wait3A_416 : memref<1x128x128xf32, #tpu.memory_space<vmem>> -> memref<128x128xf32, #tpu.memory_space<vmem>>
          %dma_wait3A_418 = arith.constant 0 : i32
          %dma_wait3A_419 = arith.constant 0 : i32
          %dma_wait3A_420 = tpu.memref_slice %arg4[%dma_wait3A_413, %dma_wait3A_418, %dma_wait3A_419] : memref<16x10240x128xf32, #tpu.memory_space<hbm>> -> memref<1x128x128xf32, #tpu.memory_space<hbm>>
          %dma_wait3A_421 = tpu.memref_squeeze %dma_wait3A_420 : memref<1x128x128xf32, #tpu.memory_space<hbm>> -> memref<128x128xf32, #tpu.memory_space<hbm>>
          %dma_wait3A_422 = arith.constant 0 : i32
          %dma_wait3A_423 = arith.constant 0 : i32
          %dma_wait3A_424 = tpu.memref_slice %arg4[%dma_wait3A_413, %dma_wait3A_422, %dma_wait3A_423] : memref<16x10240x128xf32, #tpu.memory_space<hbm>> -> memref<1x128x128xf32, #tpu.memory_space<hbm>>
          %dma_wait3A_425 = tpu.memref_squeeze %dma_wait3A_424 : memref<1x128x128xf32, #tpu.memory_space<hbm>> -> memref<128x128xf32, #tpu.memory_space<hbm>>
          %dma_wait3A_426 = arith.constant 0 : i32
          %dma_wait3A_427 = arith.constant 0 : i32
          %dma_wait3A_428 = tpu.memref_slice %arg6[%dma_wait3A_412, %dma_wait3A_426, %dma_wait3A_427] : memref<5x128x128xf32, #tpu.memory_space<vmem>> -> memref<1x128x128xf32, #tpu.memory_space<vmem>>
          %dma_wait3A_429 = tpu.memref_squeeze %dma_wait3A_428 : memref<1x128x128xf32, #tpu.memory_space<vmem>> -> memref<128x128xf32, #tpu.memory_space<vmem>>
          tpu.wait_dma2 semaphore(%arg14 : memref<!tpu.dma_semaphore, #tpu.memory_space<semaphore_mem>>) src(%dma_wait3A_429 : memref<128x128xf32, #tpu.memory_space<vmem>>) dst(%dma_wait3A_425 : memref<128x128xf32, #tpu.memory_space<hbm>>)
        } else {
        }
        %mul3A_401 = arith.constant 128 : i32
        %mul3A_402 = arith.muli %sub3A_312, %mul3A_401 : i32
        %dma_start3A_403 = arith.constant 2 : i32
        %dma_start3A_404 = arith.constant 0 : i32
        %dma_start3A_405 = arith.constant 0 : i32
        %dma_start3A_406 = tpu.memref_slice %arg6[%dma_start3A_403, %dma_start3A_404, %dma_start3A_405] : memref<5x128x128xf32, #tpu.memory_space<vmem>> -> memref<1x128x128xf32, #tpu.memory_space<vmem>>
        %dma_start3A_407 = tpu.memref_squeeze %dma_start3A_406 : memref<1x128x128xf32, #tpu.memory_space<vmem>> -> memref<128x128xf32, #tpu.memory_space<vmem>>
        %dma_start3A_408 = tpu.memref_slice %arg5[%mul3A_402] : memref<5120xi32, #tpu.memory_space<vmem>> -> memref<128xi32, #tpu.memory_space<vmem>>
        %dma_start3A_409 = arith.constant 0 : i32
        %dma_start3A_410 = arith.constant 0 : i32
        %dma_start3A_411 = tpu.memref_slice %arg3[%dma_start3A_409, %dma_start3A_410] : memref<10240x128xf32, #tpu.memory_space<hbm>> -> memref<10240x128xf32, #tpu.memory_space<hbm>>
        tpu.enqueue_indirect_dma source(%dma_start3A_411 : memref<10240x128xf32, #tpu.memory_space<hbm>>) target(%dma_start3A_407 : memref<128x128xf32, #tpu.memory_space<vmem>>) offsets(%dma_start3A_408 : memref<128xi32, #tpu.memory_space<vmem>>) semaphore(%arg9 : memref<!tpu.dma_semaphore, #tpu.memory_space<semaphore_mem>>)
      } else {
      }
      %dma_wait3A_318 = arith.constant 3 : i32
      %dma_wait3A_319 = arith.constant 0 : i32
      %dma_wait3A_320 = arith.constant 0 : i32
      %dma_wait3A_321 = tpu.memref_slice %arg6[%dma_wait3A_318, %dma_wait3A_319, %dma_wait3A_320] : memref<5x128x128xf32, #tpu.memory_space<vmem>> -> memref<1x128x128xf32, #tpu.memory_space<vmem>>
      %dma_wait3A_322 = tpu.memref_squeeze %dma_wait3A_321 : memref<1x128x128xf32, #tpu.memory_space<vmem>> -> memref<128x128xf32, #tpu.memory_space<vmem>>
      %dma_wait3A_323 = arith.constant 0 : i32
      %dma_wait3A_324 = arith.constant 0 : i32
      %dma_wait3A_325 = tpu.memref_slice %arg3[%dma_wait3A_323, %dma_wait3A_324] : memref<10240x128xf32, #tpu.memory_space<hbm>> -> memref<128x128xf32, #tpu.memory_space<hbm>>
      %dma_wait3A_326 = arith.constant 0 : i32
      %dma_wait3A_327 = arith.constant 0 : i32
      %dma_wait3A_328 = tpu.memref_slice %arg6[%dma_wait3A_318, %dma_wait3A_326, %dma_wait3A_327] : memref<5x128x128xf32, #tpu.memory_space<vmem>> -> memref<1x128x128xf32, #tpu.memory_space<vmem>>
      %dma_wait3A_329 = tpu.memref_squeeze %dma_wait3A_328 : memref<1x128x128xf32, #tpu.memory_space<vmem>> -> memref<128x128xf32, #tpu.memory_space<vmem>>
      %dma_wait3A_330 = arith.constant 0 : i32
      %dma_wait3A_331 = arith.constant 0 : i32
      %dma_wait3A_332 = tpu.memref_slice %arg3[%dma_wait3A_330, %dma_wait3A_331] : memref<10240x128xf32, #tpu.memory_space<hbm>> -> memref<128x128xf32, #tpu.memory_space<hbm>>
      tpu.wait_dma2 semaphore(%arg10 : memref<!tpu.dma_semaphore, #tpu.memory_space<semaphore_mem>>) src(%dma_wait3A_332 : memref<128x128xf32, #tpu.memory_space<hbm>>) dst(%dma_wait3A_329 : memref<128x128xf32, #tpu.memory_space<vmem>>)
      %mul3A_333 = arith.constant 128 : i32
      %mul3A_334 = arith.muli %add3A_308, %mul3A_333 : i32
      %add3A_335 = arith.addi %mul3A_34, %mul3A_334 : i32
      %dma_start3A_336 = arith.constant 3 : i32
      %dma_start3A_337 = arith.constant 0 : i32
      %dma_start3A_338 = arith.constant 0 : i32
      %dma_start3A_339 = tpu.memref_slice %arg6[%dma_start3A_336, %dma_start3A_337, %dma_start3A_338] : memref<5x128x128xf32, #tpu.memory_space<vmem>> -> memref<1x128x128xf32, #tpu.memory_space<vmem>>
      %dma_start3A_340 = tpu.memref_squeeze %dma_start3A_339 : memref<1x128x128xf32, #tpu.memory_space<vmem>> -> memref<128x128xf32, #tpu.memory_space<vmem>>
      %dma_start3A_341 = arith.constant 0 : i32
      %dma_start3A_342 = tpu.memref_slice %arg4[%select_n3A, %add3A_335, %dma_start3A_341] : memref<16x10240x128xf32, #tpu.memory_space<hbm>> -> memref<1x128x128xf32, #tpu.memory_space<hbm>>
      %dma_start3A_343 = tpu.memref_squeeze %dma_start3A_342 : memref<1x128x128xf32, #tpu.memory_space<hbm>> -> memref<128x128xf32, #tpu.memory_space<hbm>>
      %dma_start3A_344 = arith.constant 0 : i32
      %dma_start3A_345 = tpu.memref_slice %arg4[%select_n3A, %add3A_335, %dma_start3A_344] : memref<16x10240x128xf32, #tpu.memory_space<hbm>> -> memref<1x128x128xf32, #tpu.memory_space<hbm>>
      %dma_start3A_346 = tpu.memref_squeeze %dma_start3A_345 : memref<1x128x128xf32, #tpu.memory_space<hbm>> -> memref<128x128xf32, #tpu.memory_space<hbm>>
      %dma_start3A_347 = arith.constant 0 : i32
      %dma_start3A_348 = arith.constant 0 : i32
      %dma_start3A_349 = tpu.memref_slice %arg6[%dma_start3A_336, %dma_start3A_347, %dma_start3A_348] : memref<5x128x128xf32, #tpu.memory_space<vmem>> -> memref<1x128x128xf32, #tpu.memory_space<vmem>>
      %dma_start3A_350 = tpu.memref_squeeze %dma_start3A_349 : memref<1x128x128xf32, #tpu.memory_space<vmem>> -> memref<128x128xf32, #tpu.memory_space<vmem>>
      tpu.enqueue_dma source(%dma_start3A_350 : memref<128x128xf32, #tpu.memory_space<vmem>>) target(%dma_start3A_346 : memref<128x128xf32, #tpu.memory_space<hbm>>) target_semaphore(%arg15 : memref<!tpu.dma_semaphore, #tpu.memory_space<semaphore_mem>>)
      %mul3A_351 = arith.constant 5 : i32
      %mul3A_352 = arith.muli %scan3A_168, %mul3A_351 : i32
      %add3A_353 = arith.constant 4 : i32
      %add3A_354 = arith.addi %mul3A_352, %add3A_353 : i32
      %add3A_355 = arith.constant 5 : i32
      %add3A_356 = arith.addi %add3A_354, %add3A_355 : i32
      %sub3A_357 = arith.constant 1 : i32
      %sub3A_358 = arith.subi %add3A_356, %sub3A_357 : i32
      %lt3A_359 = arith.constant 40 : i32
      %lt3A_360 = arith.cmpi slt, %sub3A_358, %lt3A_359 : i32
      %convert_element_type3A_361 = arith.extui %lt3A_360 : i1 to i32
      %cond3A_362 = arith.constant 0 : i32
      %cond3A_363 = arith.cmpi ne, %convert_element_type3A_361, %cond3A_362 : i32
      scf.if %cond3A_363 {
        %ge3A = arith.constant 5 : i32
        %ge3A_397 = arith.cmpi sge, %sub3A_358, %ge3A : i32
        %convert_element_type3A_398 = arith.extui %ge3A_397 : i1 to i32
        %cond3A_399 = arith.constant 0 : i32
        %cond3A_400 = arith.cmpi ne, %convert_element_type3A_398, %cond3A_399 : i32
        scf.if %cond3A_400 {
          %dma_wait3A_412 = arith.constant 3 : i32
          %dma_wait3A_413 = arith.constant 0 : i32
          %dma_wait3A_414 = arith.constant 0 : i32
          %dma_wait3A_415 = arith.constant 0 : i32
          %dma_wait3A_416 = tpu.memref_slice %arg6[%dma_wait3A_412, %dma_wait3A_414, %dma_wait3A_415] : memref<5x128x128xf32, #tpu.memory_space<vmem>> -> memref<1x128x128xf32, #tpu.memory_space<vmem>>
          %dma_wait3A_417 = tpu.memref_squeeze %dma_wait3A_416 : memref<1x128x128xf32, #tpu.memory_space<vmem>> -> memref<128x128xf32, #tpu.memory_space<vmem>>
          %dma_wait3A_418 = arith.constant 0 : i32
          %dma_wait3A_419 = arith.constant 0 : i32
          %dma_wait3A_420 = tpu.memref_slice %arg4[%dma_wait3A_413, %dma_wait3A_418, %dma_wait3A_419] : memref<16x10240x128xf32, #tpu.memory_space<hbm>> -> memref<1x128x128xf32, #tpu.memory_space<hbm>>
          %dma_wait3A_421 = tpu.memref_squeeze %dma_wait3A_420 : memref<1x128x128xf32, #tpu.memory_space<hbm>> -> memref<128x128xf32, #tpu.memory_space<hbm>>
          %dma_wait3A_422 = arith.constant 0 : i32
          %dma_wait3A_423 = arith.constant 0 : i32
          %dma_wait3A_424 = tpu.memref_slice %arg4[%dma_wait3A_413, %dma_wait3A_422, %dma_wait3A_423] : memref<16x10240x128xf32, #tpu.memory_space<hbm>> -> memref<1x128x128xf32, #tpu.memory_space<hbm>>
          %dma_wait3A_425 = tpu.memref_squeeze %dma_wait3A_424 : memref<1x128x128xf32, #tpu.memory_space<hbm>> -> memref<128x128xf32, #tpu.memory_space<hbm>>
          %dma_wait3A_426 = arith.constant 0 : i32
          %dma_wait3A_427 = arith.constant 0 : i32
          %dma_wait3A_428 = tpu.memref_slice %arg6[%dma_wait3A_412, %dma_wait3A_426, %dma_wait3A_427] : memref<5x128x128xf32, #tpu.memory_space<vmem>> -> memref<1x128x128xf32, #tpu.memory_space<vmem>>
          %dma_wait3A_429 = tpu.memref_squeeze %dma_wait3A_428 : memref<1x128x128xf32, #tpu.memory_space<vmem>> -> memref<128x128xf32, #tpu.memory_space<vmem>>
          tpu.wait_dma2 semaphore(%arg15 : memref<!tpu.dma_semaphore, #tpu.memory_space<semaphore_mem>>) src(%dma_wait3A_429 : memref<128x128xf32, #tpu.memory_space<vmem>>) dst(%dma_wait3A_425 : memref<128x128xf32, #tpu.memory_space<hbm>>)
        } else {
        }
        %mul3A_401 = arith.constant 128 : i32
        %mul3A_402 = arith.muli %sub3A_358, %mul3A_401 : i32
        %dma_start3A_403 = arith.constant 3 : i32
        %dma_start3A_404 = arith.constant 0 : i32
        %dma_start3A_405 = arith.constant 0 : i32
        %dma_start3A_406 = tpu.memref_slice %arg6[%dma_start3A_403, %dma_start3A_404, %dma_start3A_405] : memref<5x128x128xf32, #tpu.memory_space<vmem>> -> memref<1x128x128xf32, #tpu.memory_space<vmem>>
        %dma_start3A_407 = tpu.memref_squeeze %dma_start3A_406 : memref<1x128x128xf32, #tpu.memory_space<vmem>> -> memref<128x128xf32, #tpu.memory_space<vmem>>
        %dma_start3A_408 = tpu.memref_slice %arg5[%mul3A_402] : memref<5120xi32, #tpu.memory_space<vmem>> -> memref<128xi32, #tpu.memory_space<vmem>>
        %dma_start3A_409 = arith.constant 0 : i32
        %dma_start3A_410 = arith.constant 0 : i32
        %dma_start3A_411 = tpu.memref_slice %arg3[%dma_start3A_409, %dma_start3A_410] : memref<10240x128xf32, #tpu.memory_space<hbm>> -> memref<10240x128xf32, #tpu.memory_space<hbm>>
        tpu.enqueue_indirect_dma source(%dma_start3A_411 : memref<10240x128xf32, #tpu.memory_space<hbm>>) target(%dma_start3A_407 : memref<128x128xf32, #tpu.memory_space<vmem>>) offsets(%dma_start3A_408 : memref<128xi32, #tpu.memory_space<vmem>>) semaphore(%arg10 : memref<!tpu.dma_semaphore, #tpu.memory_space<semaphore_mem>>)
      } else {
      }
      %dma_wait3A_364 = arith.constant 4 : i32
      %dma_wait3A_365 = arith.constant 0 : i32
      %dma_wait3A_366 = arith.constant 0 : i32
      %dma_wait3A_367 = tpu.memref_slice %arg6[%dma_wait3A_364, %dma_wait3A_365, %dma_wait3A_366] : memref<5x128x128xf32, #tpu.memory_space<vmem>> -> memref<1x128x128xf32, #tpu.memory_space<vmem>>
      %dma_wait3A_368 = tpu.memref_squeeze %dma_wait3A_367 : memref<1x128x128xf32, #tpu.memory_space<vmem>> -> memref<128x128xf32, #tpu.memory_space<vmem>>
      %dma_wait3A_369 = arith.constant 0 : i32
      %dma_wait3A_370 = arith.constant 0 : i32
      %dma_wait3A_371 = tpu.memref_slice %arg3[%dma_wait3A_369, %dma_wait3A_370] : memref<10240x128xf32, #tpu.memory_space<hbm>> -> memref<128x128xf32, #tpu.memory_space<hbm>>
      %dma_wait3A_372 = arith.constant 0 : i32
      %dma_wait3A_373 = arith.constant 0 : i32
      %dma_wait3A_374 = tpu.memref_slice %arg6[%dma_wait3A_364, %dma_wait3A_372, %dma_wait3A_373] : memref<5x128x128xf32, #tpu.memory_space<vmem>> -> memref<1x128x128xf32, #tpu.memory_space<vmem>>
      %dma_wait3A_375 = tpu.memref_squeeze %dma_wait3A_374 : memref<1x128x128xf32, #tpu.memory_space<vmem>> -> memref<128x128xf32, #tpu.memory_space<vmem>>
      %dma_wait3A_376 = arith.constant 0 : i32
      %dma_wait3A_377 = arith.constant 0 : i32
      %dma_wait3A_378 = tpu.memref_slice %arg3[%dma_wait3A_376, %dma_wait3A_377] : memref<10240x128xf32, #tpu.memory_space<hbm>> -> memref<128x128xf32, #tpu.memory_space<hbm>>
      tpu.wait_dma2 semaphore(%arg11 : memref<!tpu.dma_semaphore, #tpu.memory_space<semaphore_mem>>) src(%dma_wait3A_378 : memref<128x128xf32, #tpu.memory_space<hbm>>) dst(%dma_wait3A_375 : memref<128x128xf32, #tpu.memory_space<vmem>>)
      %mul3A_379 = arith.constant 128 : i32
      %mul3A_380 = arith.muli %add3A_354, %mul3A_379 : i32
      %add3A_381 = arith.addi %mul3A_34, %mul3A_380 : i32
      %dma_start3A_382 = arith.constant 4 : i32
      %dma_start3A_383 = arith.constant 0 : i32
      %dma_start3A_384 = arith.constant 0 : i32
      %dma_start3A_385 = tpu.memref_slice %arg6[%dma_start3A_382, %dma_start3A_383, %dma_start3A_384] : memref<5x128x128xf32, #tpu.memory_space<vmem>> -> memref<1x128x128xf32, #tpu.memory_space<vmem>>
      %dma_start3A_386 = tpu.memref_squeeze %dma_start3A_385 : memref<1x128x128xf32, #tpu.memory_space<vmem>> -> memref<128x128xf32, #tpu.memory_space<vmem>>
      %dma_start3A_387 = arith.constant 0 : i32
      %dma_start3A_388 = tpu.memref_slice %arg4[%select_n3A, %add3A_381, %dma_start3A_387] : memref<16x10240x128xf32, #tpu.memory_space<hbm>> -> memref<1x128x128xf32, #tpu.memory_space<hbm>>
      %dma_start3A_389 = tpu.memref_squeeze %dma_start3A_388 : memref<1x128x128xf32, #tpu.memory_space<hbm>> -> memref<128x128xf32, #tpu.memory_space<hbm>>
      %dma_start3A_390 = arith.constant 0 : i32
      %dma_start3A_391 = tpu.memref_slice %arg4[%select_n3A, %add3A_381, %dma_start3A_390] : memref<16x10240x128xf32, #tpu.memory_space<hbm>> -> memref<1x128x128xf32, #tpu.memory_space<hbm>>
      %dma_start3A_392 = tpu.memref_squeeze %dma_start3A_391 : memref<1x128x128xf32, #tpu.memory_space<hbm>> -> memref<128x128xf32, #tpu.memory_space<hbm>>
      %dma_start3A_393 = arith.constant 0 : i32
      %dma_start3A_394 = arith.constant 0 : i32
      %dma_start3A_395 = tpu.memref_slice %arg6[%dma_start3A_382, %dma_start3A_393, %dma_start3A_394] : memref<5x128x128xf32, #tpu.memory_space<vmem>> -> memref<1x128x128xf32, #tpu.memory_space<vmem>>
      %dma_start3A_396 = tpu.memref_squeeze %dma_start3A_395 : memref<1x128x128xf32, #tpu.memory_space<vmem>> -> memref<128x128xf32, #tpu.memory_space<vmem>>
      tpu.enqueue_dma source(%dma_start3A_396 : memref<128x128xf32, #tpu.memory_space<vmem>>) target(%dma_start3A_392 : memref<128x128xf32, #tpu.memory_space<hbm>>) target_semaphore(%arg16 : memref<!tpu.dma_semaphore, #tpu.memory_space<semaphore_mem>>)
    }
    %scan3A_78 = arith.constant 8 : i32
    %dma_wait3A = arith.constant 0 : i32
    %dma_wait3A_79 = arith.constant 0 : i32
    %dma_wait3A_80 = arith.constant 0 : i32
    %dma_wait3A_81 = arith.constant 0 : i32
    %dma_wait3A_82 = tpu.memref_slice %arg6[%dma_wait3A, %dma_wait3A_80, %dma_wait3A_81] : memref<5x128x128xf32, #tpu.memory_space<vmem>> -> memref<1x128x128xf32, #tpu.memory_space<vmem>>
    %dma_wait3A_83 = tpu.memref_squeeze %dma_wait3A_82 : memref<1x128x128xf32, #tpu.memory_space<vmem>> -> memref<128x128xf32, #tpu.memory_space<vmem>>
    %dma_wait3A_84 = arith.constant 0 : i32
    %dma_wait3A_85 = arith.constant 0 : i32
    %dma_wait3A_86 = tpu.memref_slice %arg4[%dma_wait3A_79, %dma_wait3A_84, %dma_wait3A_85] : memref<16x10240x128xf32, #tpu.memory_space<hbm>> -> memref<1x128x128xf32, #tpu.memory_space<hbm>>
    %dma_wait3A_87 = tpu.memref_squeeze %dma_wait3A_86 : memref<1x128x128xf32, #tpu.memory_space<hbm>> -> memref<128x128xf32, #tpu.memory_space<hbm>>
    %dma_wait3A_88 = arith.constant 0 : i32
    %dma_wait3A_89 = arith.constant 0 : i32
    %dma_wait3A_90 = tpu.memref_slice %arg4[%dma_wait3A_79, %dma_wait3A_88, %dma_wait3A_89] : memref<16x10240x128xf32, #tpu.memory_space<hbm>> -> memref<1x128x128xf32, #tpu.memory_space<hbm>>
    %dma_wait3A_91 = tpu.memref_squeeze %dma_wait3A_90 : memref<1x128x128xf32, #tpu.memory_space<hbm>> -> memref<128x128xf32, #tpu.memory_space<hbm>>
    %dma_wait3A_92 = arith.constant 0 : i32
    %dma_wait3A_93 = arith.constant 0 : i32
    %dma_wait3A_94 = tpu.memref_slice %arg6[%dma_wait3A, %dma_wait3A_92, %dma_wait3A_93] : memref<5x128x128xf32, #tpu.memory_space<vmem>> -> memref<1x128x128xf32, #tpu.memory_space<vmem>>
    %dma_wait3A_95 = tpu.memref_squeeze %dma_wait3A_94 : memref<1x128x128xf32, #tpu.memory_space<vmem>> -> memref<128x128xf32, #tpu.memory_space<vmem>>
    tpu.wait_dma2 semaphore(%arg12 : memref<!tpu.dma_semaphore, #tpu.memory_space<semaphore_mem>>) src(%dma_wait3A_95 : memref<128x128xf32, #tpu.memory_space<vmem>>) dst(%dma_wait3A_91 : memref<128x128xf32, #tpu.memory_space<hbm>>)
    %dma_wait3A_96 = arith.constant 1 : i32
    %dma_wait3A_97 = arith.constant 0 : i32
    %dma_wait3A_98 = arith.constant 0 : i32
    %dma_wait3A_99 = arith.constant 0 : i32
    %dma_wait3A_100 = tpu.memref_slice %arg6[%dma_wait3A_96, %dma_wait3A_98, %dma_wait3A_99] : memref<5x128x128xf32, #tpu.memory_space<vmem>> -> memref<1x128x128xf32, #tpu.memory_space<vmem>>
    %dma_wait3A_101 = tpu.memref_squeeze %dma_wait3A_100 : memref<1x128x128xf32, #tpu.memory_space<vmem>> -> memref<128x128xf32, #tpu.memory_space<vmem>>
    %dma_wait3A_102 = arith.constant 0 : i32
    %dma_wait3A_103 = arith.constant 0 : i32
    %dma_wait3A_104 = tpu.memref_slice %arg4[%dma_wait3A_97, %dma_wait3A_102, %dma_wait3A_103] : memref<16x10240x128xf32, #tpu.memory_space<hbm>> -> memref<1x128x128xf32, #tpu.memory_space<hbm>>
    %dma_wait3A_105 = tpu.memref_squeeze %dma_wait3A_104 : memref<1x128x128xf32, #tpu.memory_space<hbm>> -> memref<128x128xf32, #tpu.memory_space<hbm>>
    %dma_wait3A_106 = arith.constant 0 : i32
    %dma_wait3A_107 = arith.constant 0 : i32
    %dma_wait3A_108 = tpu.memref_slice %arg4[%dma_wait3A_97, %dma_wait3A_106, %dma_wait3A_107] : memref<16x10240x128xf32, #tpu.memory_space<hbm>> -> memref<1x128x128xf32, #tpu.memory_space<hbm>>
    %dma_wait3A_109 = tpu.memref_squeeze %dma_wait3A_108 : memref<1x128x128xf32, #tpu.memory_space<hbm>> -> memref<128x128xf32, #tpu.memory_space<hbm>>
    %dma_wait3A_110 = arith.constant 0 : i32
    %dma_wait3A_111 = arith.constant 0 : i32
    %dma_wait3A_112 = tpu.memref_slice %arg6[%dma_wait3A_96, %dma_wait3A_110, %dma_wait3A_111] : memref<5x128x128xf32, #tpu.memory_space<vmem>> -> memref<1x128x128xf32, #tpu.memory_space<vmem>>
    %dma_wait3A_113 = tpu.memref_squeeze %dma_wait3A_112 : memref<1x128x128xf32, #tpu.memory_space<vmem>> -> memref<128x128xf32, #tpu.memory_space<vmem>>
    tpu.wait_dma2 semaphore(%arg13 : memref<!tpu.dma_semaphore, #tpu.memory_space<semaphore_mem>>) src(%dma_wait3A_113 : memref<128x128xf32, #tpu.memory_space<vmem>>) dst(%dma_wait3A_109 : memref<128x128xf32, #tpu.memory_space<hbm>>)
    %dma_wait3A_114 = arith.constant 2 : i32
    %dma_wait3A_115 = arith.constant 0 : i32
    %dma_wait3A_116 = arith.constant 0 : i32
    %dma_wait3A_117 = arith.constant 0 : i32
    %dma_wait3A_118 = tpu.memref_slice %arg6[%dma_wait3A_114, %dma_wait3A_116, %dma_wait3A_117] : memref<5x128x128xf32, #tpu.memory_space<vmem>> -> memref<1x128x128xf32, #tpu.memory_space<vmem>>
    %dma_wait3A_119 = tpu.memref_squeeze %dma_wait3A_118 : memref<1x128x128xf32, #tpu.memory_space<vmem>> -> memref<128x128xf32, #tpu.memory_space<vmem>>
    %dma_wait3A_120 = arith.constant 0 : i32
    %dma_wait3A_121 = arith.constant 0 : i32
    %dma_wait3A_122 = tpu.memref_slice %arg4[%dma_wait3A_115, %dma_wait3A_120, %dma_wait3A_121] : memref<16x10240x128xf32, #tpu.memory_space<hbm>> -> memref<1x128x128xf32, #tpu.memory_space<hbm>>
    %dma_wait3A_123 = tpu.memref_squeeze %dma_wait3A_122 : memref<1x128x128xf32, #tpu.memory_space<hbm>> -> memref<128x128xf32, #tpu.memory_space<hbm>>
    %dma_wait3A_124 = arith.constant 0 : i32
    %dma_wait3A_125 = arith.constant 0 : i32
    %dma_wait3A_126 = tpu.memref_slice %arg4[%dma_wait3A_115, %dma_wait3A_124, %dma_wait3A_125] : memref<16x10240x128xf32, #tpu.memory_space<hbm>> -> memref<1x128x128xf32, #tpu.memory_space<hbm>>
    %dma_wait3A_127 = tpu.memref_squeeze %dma_wait3A_126 : memref<1x128x128xf32, #tpu.memory_space<hbm>> -> memref<128x128xf32, #tpu.memory_space<hbm>>
    %dma_wait3A_128 = arith.constant 0 : i32
    %dma_wait3A_129 = arith.constant 0 : i32
    %dma_wait3A_130 = tpu.memref_slice %arg6[%dma_wait3A_114, %dma_wait3A_128, %dma_wait3A_129] : memref<5x128x128xf32, #tpu.memory_space<vmem>> -> memref<1x128x128xf32, #tpu.memory_space<vmem>>
    %dma_wait3A_131 = tpu.memref_squeeze %dma_wait3A_130 : memref<1x128x128xf32, #tpu.memory_space<vmem>> -> memref<128x128xf32, #tpu.memory_space<vmem>>
    tpu.wait_dma2 semaphore(%arg14 : memref<!tpu.dma_semaphore, #tpu.memory_space<semaphore_mem>>) src(%dma_wait3A_131 : memref<128x128xf32, #tpu.memory_space<vmem>>) dst(%dma_wait3A_127 : memref<128x128xf32, #tpu.memory_space<hbm>>)
    %dma_wait3A_132 = arith.constant 3 : i32
    %dma_wait3A_133 = arith.constant 0 : i32
    %dma_wait3A_134 = arith.constant 0 : i32
    %dma_wait3A_135 = arith.constant 0 : i32
    %dma_wait3A_136 = tpu.memref_slice %arg6[%dma_wait3A_132, %dma_wait3A_134, %dma_wait3A_135] : memref<5x128x128xf32, #tpu.memory_space<vmem>> -> memref<1x128x128xf32, #tpu.memory_space<vmem>>
    %dma_wait3A_137 = tpu.memref_squeeze %dma_wait3A_136 : memref<1x128x128xf32, #tpu.memory_space<vmem>> -> memref<128x128xf32, #tpu.memory_space<vmem>>
    %dma_wait3A_138 = arith.constant 0 : i32
    %dma_wait3A_139 = arith.constant 0 : i32
    %dma_wait3A_140 = tpu.memref_slice %arg4[%dma_wait3A_133, %dma_wait3A_138, %dma_wait3A_139] : memref<16x10240x128xf32, #tpu.memory_space<hbm>> -> memref<1x128x128xf32, #tpu.memory_space<hbm>>
    %dma_wait3A_141 = tpu.memref_squeeze %dma_wait3A_140 : memref<1x128x128xf32, #tpu.memory_space<hbm>> -> memref<128x128xf32, #tpu.memory_space<hbm>>
    %dma_wait3A_142 = arith.constant 0 : i32
    %dma_wait3A_143 = arith.constant 0 : i32
    %dma_wait3A_144 = tpu.memref_slice %arg4[%dma_wait3A_133, %dma_wait3A_142, %dma_wait3A_143] : memref<16x10240x128xf32, #tpu.memory_space<hbm>> -> memref<1x128x128xf32, #tpu.memory_space<hbm>>
    %dma_wait3A_145 = tpu.memref_squeeze %dma_wait3A_144 : memref<1x128x128xf32, #tpu.memory_space<hbm>> -> memref<128x128xf32, #tpu.memory_space<hbm>>
    %dma_wait3A_146 = arith.constant 0 : i32
    %dma_wait3A_147 = arith.constant 0 : i32
    %dma_wait3A_148 = tpu.memref_slice %arg6[%dma_wait3A_132, %dma_wait3A_146, %dma_wait3A_147] : memref<5x128x128xf32, #tpu.memory_space<vmem>> -> memref<1x128x128xf32, #tpu.memory_space<vmem>>
    %dma_wait3A_149 = tpu.memref_squeeze %dma_wait3A_148 : memref<1x128x128xf32, #tpu.memory_space<vmem>> -> memref<128x128xf32, #tpu.memory_space<vmem>>
    tpu.wait_dma2 semaphore(%arg15 : memref<!tpu.dma_semaphore, #tpu.memory_space<semaphore_mem>>) src(%dma_wait3A_149 : memref<128x128xf32, #tpu.memory_space<vmem>>) dst(%dma_wait3A_145 : memref<128x128xf32, #tpu.memory_space<hbm>>)
    %dma_wait3A_150 = arith.constant 4 : i32
    %dma_wait3A_151 = arith.constant 0 : i32
    %dma_wait3A_152 = arith.constant 0 : i32
    %dma_wait3A_153 = arith.constant 0 : i32
    %dma_wait3A_154 = tpu.memref_slice %arg6[%dma_wait3A_150, %dma_wait3A_152, %dma_wait3A_153] : memref<5x128x128xf32, #tpu.memory_space<vmem>> -> memref<1x128x128xf32, #tpu.memory_space<vmem>>
    %dma_wait3A_155 = tpu.memref_squeeze %dma_wait3A_154 : memref<1x128x128xf32, #tpu.memory_space<vmem>> -> memref<128x128xf32, #tpu.memory_space<vmem>>
    %dma_wait3A_156 = arith.constant 0 : i32
    %dma_wait3A_157 = arith.constant 0 : i32
    %dma_wait3A_158 = tpu.memref_slice %arg4[%dma_wait3A_151, %dma_wait3A_156, %dma_wait3A_157] : memref<16x10240x128xf32, #tpu.memory_space<hbm>> -> memref<1x128x128xf32, #tpu.memory_space<hbm>>
    %dma_wait3A_159 = tpu.memref_squeeze %dma_wait3A_158 : memref<1x128x128xf32, #tpu.memory_space<hbm>> -> memref<128x128xf32, #tpu.memory_space<hbm>>
    %dma_wait3A_160 = arith.constant 0 : i32
    %dma_wait3A_161 = arith.constant 0 : i32
    %dma_wait3A_162 = tpu.memref_slice %arg4[%dma_wait3A_151, %dma_wait3A_160, %dma_wait3A_161] : memref<16x10240x128xf32, #tpu.memory_space<hbm>> -> memref<1x128x128xf32, #tpu.memory_space<hbm>>
    %dma_wait3A_163 = tpu.memref_squeeze %dma_wait3A_162 : memref<1x128x128xf32, #tpu.memory_space<hbm>> -> memref<128x128xf32, #tpu.memory_space<hbm>>
    %dma_wait3A_164 = arith.constant 0 : i32
    %dma_wait3A_165 = arith.constant 0 : i32
    %dma_wait3A_166 = tpu.memref_slice %arg6[%dma_wait3A_150, %dma_wait3A_164, %dma_wait3A_165] : memref<5x128x128xf32, #tpu.memory_space<vmem>> -> memref<1x128x128xf32, #tpu.memory_space<vmem>>
    %dma_wait3A_167 = tpu.memref_squeeze %dma_wait3A_166 : memref<1x128x128xf32, #tpu.memory_space<vmem>> -> memref<128x128xf32, #tpu.memory_space<vmem>>
    tpu.wait_dma2 semaphore(%arg16 : memref<!tpu.dma_semaphore, #tpu.memory_space<semaphore_mem>>) src(%dma_wait3A_167 : memref<128x128xf32, #tpu.memory_space<vmem>>) dst(%dma_wait3A_163 : memref<128x128xf32, #tpu.memory_space<hbm>>)
    return
  }
}

#map = affine_map<(d0, d1) -> (0)>
#map1 = affine_map<(d0, d1) -> (0, 0)>
#map2 = affine_map<(d0, d1) -> (0, 0, 0)>
module attributes {stable_mosaic.version = 14 : i64} {
  func.func @gather(%arg0: i32, %arg1: i32, %arg2: memref<163840xi32, #tpu.memory_space<hbm>>, %arg3: memref<10240x128xf32, #tpu.memory_space<hbm>>, %arg4: memref<16x10240x128xf32, #tpu.memory_space<hbm>>, %arg5: memref<5120xi32, #tpu.memory_space<vmem>>, %arg6: memref<5x128x128xf32, #tpu.memory_space<vmem>>, %arg7: memref<!tpu.dma_semaphore, #tpu.memory_space<semaphore_mem>>, %arg8: memref<!tpu.dma_semaphore, #tpu.memory_space<semaphore_mem>>, %arg9: memref<!tpu.dma_semaphore, #tpu.memory_space<semaphore_mem>>, %arg10: memref<!tpu.dma_semaphore, #tpu.memory_space<semaphore_mem>>, %arg11: memref<!tpu.dma_semaphore, #tpu.memory_space<semaphore_mem>>, %arg12: memref<!tpu.dma_semaphore, #tpu.memory_space<semaphore_mem>>, %arg13: memref<!tpu.dma_semaphore, #tpu.memory_space<semaphore_mem>>, %arg14: memref<!tpu.dma_semaphore, #tpu.memory_space<semaphore_mem>>, %arg15: memref<!tpu.dma_semaphore, #tpu.memory_space<semaphore_mem>>, %arg16: memref<!tpu.dma_semaphore, #tpu.memory_space<semaphore_mem>>) attributes {dimension_semantics = [#tpu.dimension_semantics<core_parallel>, #tpu.dimension_semantics<subcore_parallel>], iteration_bounds = array<i64: 2, 16>, scalar_prefetch = 0 : i64, scratch_operands = 12 : i64, tpu.core_type = #tpu.core_type<sc_vector_subcore>, window_params = [{transform_indices = #map}, {transform_indices = #map1}, {transform_indices = #map2}]} {
    %mul3A = arith.constant 2 : i32
    %mul3A_0 = arith.muli %arg1, %mul3A : i32
    %add3A = arith.addi %mul3A_0, %arg0 : i32
    %mul3A_1 = arith.constant 5120 : i32
    %mul3A_2 = arith.muli %add3A, %mul3A_1 : i32
    %jit3A = arith.constant 2 : i32
    %div3A = arith.divsi %add3A, %jit3A : i32
    %sign3A = arith.constant 0 : i32
    %sign3A_3 = arith.cmpi sgt, %add3A, %sign3A : i32
    %sign3A_4 = arith.extui %sign3A_3 : i1 to i32
    %sign3A_5 = arith.constant 0 : i32
    %sign3A_6 = arith.cmpi slt, %add3A, %sign3A_5 : i32
    %sign3A_7 = arith.extui %sign3A_6 : i1 to i32
    %sign3A_8 = arith.subi %sign3A_4, %sign3A_7 : i32
    %sign3A_9 = arith.constant 0 : i32
    %sign3A_10 = arith.cmpi sgt, %jit3A, %sign3A_9 : i32
    %sign3A_11 = arith.extui %sign3A_10 : i1 to i32
    %sign3A_12 = arith.constant 0 : i32
    %sign3A_13 = arith.cmpi slt, %jit3A, %sign3A_12 : i32
    %sign3A_14 = arith.extui %sign3A_13 : i1 to i32
    %sign3A_15 = arith.subi %sign3A_11, %sign3A_14 : i32
    %ne3A = arith.cmpi ne, %sign3A_8, %sign3A_15 : i32
    %rem3A = arith.remsi %add3A, %jit3A : i32
    %ne3A_16 = arith.constant 0 : i32
    %ne3A_17 = arith.cmpi ne, %rem3A, %ne3A_16 : i32
    %and3A = arith.andi %ne3A, %ne3A_17 : i1
    %sub3A = arith.constant 1 : i32
    %sub3A_18 = arith.subi %div3A, %sub3A : i32
    %select_n3A = arith.select %and3A, %sub3A_18, %div3A : i32
    %jit3A_19 = arith.constant 2 : i32
    %eq3A = arith.constant 0 : i32
    %eq3A_20 = arith.cmpi eq, %jit3A_19, %eq3A : i32
    %jit3A_21 = arith.constant 1 : i32
    %select_n3A_22 = arith.select %eq3A_20, %jit3A_21, %jit3A_19 : i32
    %rem3A_23 = arith.remsi %add3A, %select_n3A_22 : i32
    %ne3A_24 = arith.constant 0 : i32
    %ne3A_25 = arith.cmpi ne, %rem3A_23, %ne3A_24 : i32
    %lt3A = arith.constant 0 : i32
    %lt3A_26 = arith.cmpi slt, %rem3A_23, %lt3A : i32
    %lt3A_27 = arith.constant 0 : i32
    %lt3A_28 = arith.cmpi slt, %select_n3A_22, %lt3A_27 : i32
    %ne3A_29 = arith.xori %lt3A_26, %lt3A_28 : i1
    %and3A_30 = arith.andi %ne3A_29, %ne3A_25 : i1
    %add3A_31 = arith.addi %rem3A_23, %select_n3A_22 : i32
    %select_n3A_32 = arith.select %and3A_30, %add3A_31, %rem3A_23 : i32
    %mul3A_33 = arith.constant 5120 : i32
    %mul3A_34 = arith.muli %select_n3A_32, %mul3A_33 : i32
    "tpu.region"() ({
      %run_scoped3A = tpu.sem_alloc : memref<!tpu.dma_semaphore, #tpu.memory_space<semaphore_mem>>
      %dma_start3A_168 = tpu.memref_slice %arg2[%mul3A_2] : memref<163840xi32, #tpu.memory_space<hbm>> -> memref<5120xi32, #tpu.memory_space<hbm>>
      %dma_start3A_169 = tpu.memref_slice %arg2[%mul3A_2] : memref<163840xi32, #tpu.memory_space<hbm>> -> memref<5120xi32, #tpu.memory_space<hbm>>
      tpu.enqueue_dma source(%dma_start3A_169 : memref<5120xi32, #tpu.memory_space<hbm>>) target(%arg5 : memref<5120xi32, #tpu.memory_space<vmem>>) target_semaphore(%run_scoped3A : memref<!tpu.dma_semaphore, #tpu.memory_space<semaphore_mem>>)
      %dma_wait3A_170 = tpu.memref_slice %arg2[%mul3A_2] : memref<163840xi32, #tpu.memory_space<hbm>> -> memref<5120xi32, #tpu.memory_space<hbm>>
      %dma_wait3A_171 = tpu.memref_slice %arg2[%mul3A_2] : memref<163840xi32, #tpu.memory_space<hbm>> -> memref<5120xi32, #tpu.memory_space<hbm>>
      tpu.wait_dma2 semaphore(%run_scoped3A : memref<!tpu.dma_semaphore, #tpu.memory_space<semaphore_mem>>) src(%dma_wait3A_171 : memref<5120xi32, #tpu.memory_space<hbm>>) dst(%arg5 : memref<5120xi32, #tpu.memory_space<vmem>>)
      tpu.yield
    }) : () -> ()
    %dma_start3A = arith.constant 0 : i32
    %dma_start3A_35 = arith.constant 0 : i32
    %dma_start3A_36 = arith.constant 0 : i32
    %dma_start3A_37 = tpu.memref_slice %arg6[%dma_start3A, %dma_start3A_35, %dma_start3A_36] : memref<5x128x128xf32, #tpu.memory_space<vmem>> -> memref<1x128x128xf32, #tpu.memory_space<vmem>>
    %dma_start3A_38 = tpu.memref_squeeze %dma_start3A_37 : memref<1x128x128xf32, #tpu.memory_space<vmem>> -> memref<128x128xf32, #tpu.memory_space<vmem>>
    %dma_start3A_39 = arith.constant 0 : i32
    %dma_start3A_40 = tpu.memref_slice %arg5[%dma_start3A_39] : memref<5120xi32, #tpu.memory_space<vmem>> -> memref<128xi32, #tpu.memory_space<vmem>>
    %dma_start3A_41 = arith.constant 0 : i32
    %dma_start3A_42 = arith.constant 0 : i32
    %dma_start3A_43 = tpu.memref_slice %arg3[%dma_start3A_41, %dma_start3A_42] : memref<10240x128xf32, #tpu.memory_space<hbm>> -> memref<10240x128xf32, #tpu.memory_space<hbm>>
    tpu.enqueue_indirect_dma source(%dma_start3A_43 : memref<10240x128xf32, #tpu.memory_space<hbm>>) target(%dma_start3A_38 : memref<128x128xf32, #tpu.memory_space<vmem>>) offsets(%dma_start3A_40 : memref<128xi32, #tpu.memory_space<vmem>>) semaphore(%arg7 : memref<!tpu.dma_semaphore, #tpu.memory_space<semaphore_mem>>)
    %dma_start3A_44 = arith.constant 1 : i32
    %dma_start3A_45 = arith.constant 0 : i32
    %dma_start3A_46 = arith.constant 0 : i32
    %dma_start3A_47 = tpu.memref_slice %arg6[%dma_start3A_44, %dma_start3A_45, %dma_start3A_46] : memref<5x128x128xf32, #tpu.memory_space<vmem>> -> memref<1x128x128xf32, #tpu.memory_space<vmem>>
    %dma_start3A_48 = tpu.memref_squeeze %dma_start3A_47 : memref<1x128x128xf32, #tpu.memory_space<vmem>> -> memref<128x128xf32, #tpu.memory_space<vmem>>
    %dma_start3A_49 = arith.constant 128 : i32
    %dma_start3A_50 = tpu.memref_slice %arg5[%dma_start3A_49] : memref<5120xi32, #tpu.memory_space<vmem>> -> memref<128xi32, #tpu.memory_space<vmem>>
    %dma_start3A_51 = arith.constant 0 : i32
    %dma_start3A_52 = arith.constant 0 : i32
    %dma_start3A_53 = tpu.memref_slice %arg3[%dma_start3A_51, %dma_start3A_52] : memref<10240x128xf32, #tpu.memory_space<hbm>> -> memref<10240x128xf32, #tpu.memory_space<hbm>>
    tpu.enqueue_indirect_dma source(%dma_start3A_53 : memref<10240x128xf32, #tpu.memory_space<hbm>>) target(%dma_start3A_48 : memref<128x128xf32, #tpu.memory_space<vmem>>) offsets(%dma_start3A_50 : memref<128xi32, #tpu.memory_space<vmem>>) semaphore(%arg8 : memref<!tpu.dma_semaphore, #tpu.memory_space<semaphore_mem>>)
    %dma_start3A_54 = arith.constant 2 : i32
    %dma_start3A_55 = arith.constant 0 : i32
    %dma_start3A_56 = arith.constant 0 : i32
    %dma_start3A_57 = tpu.memref_slice %arg6[%dma_start3A_54, %dma_start3A_55, %dma_start3A_56] : memref<5x128x128xf32, #tpu.memory_space<vmem>> -> memref<1x128x128xf32, #tpu.memory_space<vmem>>
    %dma_start3A_58 = tpu.memref_squeeze %dma_start3A_57 : memref<1x128x128xf32, #tpu.memory_space<vmem>> -> memref<128x128xf32, #tpu.memory_space<vmem>>
    %dma_start3A_59 = arith.constant 256 : i32
    %dma_start3A_60 = tpu.memref_slice %arg5[%dma_start3A_59] : memref<5120xi32, #tpu.memory_space<vmem>> -> memref<128xi32, #tpu.memory_space<vmem>>
    %dma_start3A_61 = arith.constant 0 : i32
    %dma_start3A_62 = arith.constant 0 : i32
    %dma_start3A_63 = tpu.memref_slice %arg3[%dma_start3A_61, %dma_start3A_62] : memref<10240x128xf32, #tpu.memory_space<hbm>> -> memref<10240x128xf32, #tpu.memory_space<hbm>>
    tpu.enqueue_indirect_dma source(%dma_start3A_63 : memref<10240x128xf32, #tpu.memory_space<hbm>>) target(%dma_start3A_58 : memref<128x128xf32, #tpu.memory_space<vmem>>) offsets(%dma_start3A_60 : memref<128xi32, #tpu.memory_space<vmem>>) semaphore(%arg9 : memref<!tpu.dma_semaphore, #tpu.memory_space<semaphore_mem>>)
    %dma_start3A_64 = arith.constant 3 : i32
    %dma_start3A_65 = arith.constant 0 : i32
    %dma_start3A_66 = arith.constant 0 : i32
    %dma_start3A_67 = tpu.memref_slice %arg6[%dma_start3A_64, %dma_start3A_65, %dma_start3A_66] : memref<5x128x128xf32, #tpu.memory_space<vmem>> -> memref<1x128x128xf32, #tpu.memory_space<vmem>>
    %dma_start3A_68 = tpu.memref_squeeze %dma_start3A_67 : memref<1x128x128xf32, #tpu.memory_space<vmem>> -> memref<128x128xf32, #tpu.memory_space<vmem>>
    %dma_start3A_69 = arith.constant 384 : i32
    %dma_start3A_70 = tpu.memref_slice %arg5[%dma_start3A_69] : memref<5120xi32, #tpu.memory_space<vmem>> -> memref<128xi32, #tpu.memory_space<vmem>>
    %dma_start3A_71 = arith.constant 0 : i32
    %dma_start3A_72 = arith.constant 0 : i32
    %dma_start3A_73 = tpu.memref_slice %arg3[%dma_start3A_71, %dma_start3A_72] : memref<10240x128xf32, #tpu.memory_space<hbm>> -> memref<10240x128xf32, #tpu.memory_space<hbm>>
    tpu.enqueue_indirect_dma source(%dma_start3A_73 : memref<10240x128xf32, #tpu.memory_space<hbm>>) target(%dma_start3A_68 : memref<128x128xf32, #tpu.memory_space<vmem>>) offsets(%dma_start3A_70 : memref<128xi32, #tpu.memory_space<vmem>>) semaphore(%arg10 : memref<!tpu.dma_semaphore, #tpu.memory_space<semaphore_mem>>)
    %scan3A = arith.constant 0 : i32
    %scan3A_74 = arith.constant 0 : i32
    %scan3A_75 = arith.constant 8 : i32
    %scan3A_76 = arith.addi %scan3A_74, %scan3A_75 : i32
    %scan3A_77 = arith.constant 1 : i32
    scf.for %scan3A_168 = %scan3A_74 to %scan3A_76 step %scan3A_77  : i32 {
      %mul3A_169 = arith.constant 5 : i32
      %mul3A_170 = arith.muli %scan3A_168, %mul3A_169 : i32
      %add3A_171 = arith.constant 0 : i32
      %add3A_172 = arith.addi %mul3A_170, %add3A_171 : i32
      %add3A_173 = arith.constant 5 : i32
      %add3A_174 = arith.addi %add3A_172, %add3A_173 : i32
      %sub3A_175 = arith.constant 1 : i32
      %sub3A_176 = arith.subi %add3A_174, %sub3A_175 : i32
      %lt3A_177 = arith.constant 40 : i32
      %lt3A_178 = arith.cmpi slt, %sub3A_176, %lt3A_177 : i32
      %convert_element_type3A = arith.extui %lt3A_178 : i1 to i32
      %cond3A = arith.constant 0 : i32
      %cond3A_179 = arith.cmpi ne, %convert_element_type3A, %cond3A : i32
      scf.if %cond3A_179 {
        %ge3A = arith.constant 5 : i32
        %ge3A_397 = arith.cmpi sge, %sub3A_176, %ge3A : i32
        %convert_element_type3A_398 = arith.extui %ge3A_397 : i1 to i32
        %cond3A_399 = arith.constant 0 : i32
        %cond3A_400 = arith.cmpi ne, %convert_element_type3A_398, %cond3A_399 : i32
        scf.if %cond3A_400 {
          %dma_wait3A_412 = arith.constant 4 : i32
          %dma_wait3A_413 = arith.constant 0 : i32
          %dma_wait3A_414 = arith.constant 0 : i32
          %dma_wait3A_415 = arith.constant 0 : i32
          %dma_wait3A_416 = tpu.memref_slice %arg6[%dma_wait3A_412, %dma_wait3A_414, %dma_wait3A_415] : memref<5x128x128xf32, #tpu.memory_space<vmem>> -> memref<1x128x128xf32, #tpu.memory_space<vmem>>
          %dma_wait3A_417 = tpu.memref_squeeze %dma_wait3A_416 : memref<1x128x128xf32, #tpu.memory_space<vmem>> -> memref<128x128xf32, #tpu.memory_space<vmem>>
          %dma_wait3A_418 = arith.constant 0 : i32
          %dma_wait3A_419 = arith.constant 0 : i32
          %dma_wait3A_420 = tpu.memref_slice %arg4[%dma_wait3A_413, %dma_wait3A_418, %dma_wait3A_419] : memref<16x10240x128xf32, #tpu.memory_space<hbm>> -> memref<1x128x128xf32, #tpu.memory_space<hbm>>
          %dma_wait3A_421 = tpu.memref_squeeze %dma_wait3A_420 : memref<1x128x128xf32, #tpu.memory_space<hbm>> -> memref<128x128xf32, #tpu.memory_space<hbm>>
          %dma_wait3A_422 = arith.constant 0 : i32
          %dma_wait3A_423 = arith.constant 0 : i32
          %dma_wait3A_424 = tpu.memref_slice %arg4[%dma_wait3A_413, %dma_wait3A_422, %dma_wait3A_423] : memref<16x10240x128xf32, #tpu.memory_space<hbm>> -> memref<1x128x128xf32, #tpu.memory_space<hbm>>
          %dma_wait3A_425 = tpu.memref_squeeze %dma_wait3A_424 : memref<1x128x128xf32, #tpu.memory_space<hbm>> -> memref<128x128xf32, #tpu.memory_space<hbm>>
          %dma_wait3A_426 = arith.constant 0 : i32
          %dma_wait3A_427 = arith.constant 0 : i32
          %dma_wait3A_428 = tpu.memref_slice %arg6[%dma_wait3A_412, %dma_wait3A_426, %dma_wait3A_427] : memref<5x128x128xf32, #tpu.memory_space<vmem>> -> memref<1x128x128xf32, #tpu.memory_space<vmem>>
          %dma_wait3A_429 = tpu.memref_squeeze %dma_wait3A_428 : memref<1x128x128xf32, #tpu.memory_space<vmem>> -> memref<128x128xf32, #tpu.memory_space<vmem>>
          tpu.wait_dma2 semaphore(%arg16 : memref<!tpu.dma_semaphore, #tpu.memory_space<semaphore_mem>>) src(%dma_wait3A_429 : memref<128x128xf32, #tpu.memory_space<vmem>>) dst(%dma_wait3A_425 : memref<128x128xf32, #tpu.memory_space<hbm>>)
        } else {
        }
        %mul3A_401 = arith.constant 128 : i32
        %mul3A_402 = arith.muli %sub3A_176, %mul3A_401 : i32
        %dma_start3A_403 = arith.constant 4 : i32
        %dma_start3A_404 = arith.constant 0 : i32
        %dma_start3A_405 = arith.constant 0 : i32
        %dma_start3A_406 = tpu.memref_slice %arg6[%dma_start3A_403, %dma_start3A_404, %dma_start3A_405] : memref<5x128x128xf32, #tpu.memory_space<vmem>> -> memref<1x128x128xf32, #tpu.memory_space<vmem>>
        %dma_start3A_407 = tpu.memref_squeeze %dma_start3A_406 : memref<1x128x128xf32, #tpu.memory_space<vmem>> -> memref<128x128xf32, #tpu.memory_space<vmem>>
        %dma_start3A_408 = tpu.memref_slice %arg5[%mul3A_402] : memref<5120xi32, #tpu.memory_space<vmem>> -> memref<128xi32, #tpu.memory_space<vmem>>
        %dma_start3A_409 = arith.constant 0 : i32
        %dma_start3A_410 = arith.constant 0 : i32
        %dma_start3A_411 = tpu.memref_slice %arg3[%dma_start3A_409, %dma_start3A_410] : memref<10240x128xf32, #tpu.memory_space<hbm>> -> memref<10240x128xf32, #tpu.memory_space<hbm>>
        tpu.enqueue_indirect_dma source(%dma_start3A_411 : memref<10240x128xf32, #tpu.memory_space<hbm>>) target(%dma_start3A_407 : memref<128x128xf32, #tpu.memory_space<vmem>>) offsets(%dma_start3A_408 : memref<128xi32, #tpu.memory_space<vmem>>) semaphore(%arg11 : memref<!tpu.dma_semaphore, #tpu.memory_space<semaphore_mem>>)
      } else {
      }
      %dma_wait3A_180 = arith.constant 0 : i32
      %dma_wait3A_181 = arith.constant 0 : i32
      %dma_wait3A_182 = arith.constant 0 : i32
      %dma_wait3A_183 = tpu.memref_slice %arg6[%dma_wait3A_180, %dma_wait3A_181, %dma_wait3A_182] : memref<5x128x128xf32, #tpu.memory_space<vmem>> -> memref<1x128x128xf32, #tpu.memory_space<vmem>>
      %dma_wait3A_184 = tpu.memref_squeeze %dma_wait3A_183 : memref<1x128x128xf32, #tpu.memory_space<vmem>> -> memref<128x128xf32, #tpu.memory_space<vmem>>
      %dma_wait3A_185 = arith.constant 0 : i32
      %dma_wait3A_186 = arith.constant 0 : i32
      %dma_wait3A_187 = tpu.memref_slice %arg3[%dma_wait3A_185, %dma_wait3A_186] : memref<10240x128xf32, #tpu.memory_space<hbm>> -> memref<128x128xf32, #tpu.memory_space<hbm>>
      %dma_wait3A_188 = arith.constant 0 : i32
      %dma_wait3A_189 = arith.constant 0 : i32
      %dma_wait3A_190 = tpu.memref_slice %arg6[%dma_wait3A_180, %dma_wait3A_188, %dma_wait3A_189] : memref<5x128x128xf32, #tpu.memory_space<vmem>> -> memref<1x128x128xf32, #tpu.memory_space<vmem>>
      %dma_wait3A_191 = tpu.memref_squeeze %dma_wait3A_190 : memref<1x128x128xf32, #tpu.memory_space<vmem>> -> memref<128x128xf32, #tpu.memory_space<vmem>>
      %dma_wait3A_192 = arith.constant 0 : i32
      %dma_wait3A_193 = arith.constant 0 : i32
      %dma_wait3A_194 = tpu.memref_slice %arg3[%dma_wait3A_192, %dma_wait3A_193] : memref<10240x128xf32, #tpu.memory_space<hbm>> -> memref<128x128xf32, #tpu.memory_space<hbm>>
      tpu.wait_dma2 semaphore(%arg7 : memref<!tpu.dma_semaphore, #tpu.memory_space<semaphore_mem>>) src(%dma_wait3A_194 : memref<128x128xf32, #tpu.memory_space<hbm>>) dst(%dma_wait3A_191 : memref<128x128xf32, #tpu.memory_space<vmem>>)
      %mul3A_195 = arith.constant 128 : i32
      %mul3A_196 = arith.muli %add3A_172, %mul3A_195 : i32
      %add3A_197 = arith.addi %mul3A_34, %mul3A_196 : i32
      %dma_start3A_198 = arith.constant 0 : i32
      %dma_start3A_199 = arith.constant 0 : i32
      %dma_start3A_200 = arith.constant 0 : i32
      %dma_start3A_201 = tpu.memref_slice %arg6[%dma_start3A_198, %dma_start3A_199, %dma_start3A_200] : memref<5x128x128xf32, #tpu.memory_space<vmem>> -> memref<1x128x128xf32, #tpu.memory_space<vmem>>
      %dma_start3A_202 = tpu.memref_squeeze %dma_start3A_201 : memref<1x128x128xf32, #tpu.memory_space<vmem>> -> memref<128x128xf32, #tpu.memory_space<vmem>>
      %dma_start3A_203 = arith.constant 0 : i32
      %dma_start3A_204 = tpu.memref_slice %arg4[%select_n3A, %add3A_197, %dma_start3A_203] : memref<16x10240x128xf32, #tpu.memory_space<hbm>> -> memref<1x128x128xf32, #tpu.memory_space<hbm>>
      %dma_start3A_205 = tpu.memref_squeeze %dma_start3A_204 : memref<1x128x128xf32, #tpu.memory_space<hbm>> -> memref<128x128xf32, #tpu.memory_space<hbm>>
      %dma_start3A_206 = arith.constant 0 : i32
      %dma_start3A_207 = tpu.memref_slice %arg4[%select_n3A, %add3A_197, %dma_start3A_206] : memref<16x10240x128xf32, #tpu.memory_space<hbm>> -> memref<1x128x128xf32, #tpu.memory_space<hbm>>
      %dma_start3A_208 = tpu.memref_squeeze %dma_start3A_207 : memref<1x128x128xf32, #tpu.memory_space<hbm>> -> memref<128x128xf32, #tpu.memory_space<hbm>>
      %dma_start3A_209 = arith.constant 0 : i32
      %dma_start3A_210 = arith.constant 0 : i32
      %dma_start3A_211 = tpu.memref_slice %arg6[%dma_start3A_198, %dma_start3A_209, %dma_start3A_210] : memref<5x128x128xf32, #tpu.memory_space<vmem>> -> memref<1x128x128xf32, #tpu.memory_space<vmem>>
      %dma_start3A_212 = tpu.memref_squeeze %dma_start3A_211 : memref<1x128x128xf32, #tpu.memory_space<vmem>> -> memref<128x128xf32, #tpu.memory_space<vmem>>
      tpu.enqueue_dma source(%dma_start3A_212 : memref<128x128xf32, #tpu.memory_space<vmem>>) target(%dma_start3A_208 : memref<128x128xf32, #tpu.memory_space<hbm>>) target_semaphore(%arg12 : memref<!tpu.dma_semaphore, #tpu.memory_space<semaphore_mem>>)
      %mul3A_213 = arith.constant 5 : i32
      %mul3A_214 = arith.muli %scan3A_168, %mul3A_213 : i32
      %add3A_215 = arith.constant 1 : i32
      %add3A_216 = arith.addi %mul3A_214, %add3A_215 : i32
      %add3A_217 = arith.constant 5 : i32
      %add3A_218 = arith.addi %add3A_216, %add3A_217 : i32
      %sub3A_219 = arith.constant 1 : i32
      %sub3A_220 = arith.subi %add3A_218, %sub3A_219 : i32
      %lt3A_221 = arith.constant 40 : i32
      %lt3A_222 = arith.cmpi slt, %sub3A_220, %lt3A_221 : i32
      %convert_element_type3A_223 = arith.extui %lt3A_222 : i1 to i32
      %cond3A_224 = arith.constant 0 : i32
      %cond3A_225 = arith.cmpi ne, %convert_element_type3A_223, %cond3A_224 : i32
      scf.if %cond3A_225 {
        %ge3A = arith.constant 5 : i32
        %ge3A_397 = arith.cmpi sge, %sub3A_220, %ge3A : i32
        %convert_element_type3A_398 = arith.extui %ge3A_397 : i1 to i32
        %cond3A_399 = arith.constant 0 : i32
        %cond3A_400 = arith.cmpi ne, %convert_element_type3A_398, %cond3A_399 : i32
        scf.if %cond3A_400 {
          %dma_wait3A_412 = arith.constant 0 : i32
          %dma_wait3A_413 = arith.constant 0 : i32
          %dma_wait3A_414 = arith.constant 0 : i32
          %dma_wait3A_415 = arith.constant 0 : i32
          %dma_wait3A_416 = tpu.memref_slice %arg6[%dma_wait3A_412, %dma_wait3A_414, %dma_wait3A_415] : memref<5x128x128xf32, #tpu.memory_space<vmem>> -> memref<1x128x128xf32, #tpu.memory_space<vmem>>
          %dma_wait3A_417 = tpu.memref_squeeze %dma_wait3A_416 : memref<1x128x128xf32, #tpu.memory_space<vmem>> -> memref<128x128xf32, #tpu.memory_space<vmem>>
          %dma_wait3A_418 = arith.constant 0 : i32
          %dma_wait3A_419 = arith.constant 0 : i32
          %dma_wait3A_420 = tpu.memref_slice %arg4[%dma_wait3A_413, %dma_wait3A_418, %dma_wait3A_419] : memref<16x10240x128xf32, #tpu.memory_space<hbm>> -> memref<1x128x128xf32, #tpu.memory_space<hbm>>
          %dma_wait3A_421 = tpu.memref_squeeze %dma_wait3A_420 : memref<1x128x128xf32, #tpu.memory_space<hbm>> -> memref<128x128xf32, #tpu.memory_space<hbm>>
          %dma_wait3A_422 = arith.constant 0 : i32
          %dma_wait3A_423 = arith.constant 0 : i32
          %dma_wait3A_424 = tpu.memref_slice %arg4[%dma_wait3A_413, %dma_wait3A_422, %dma_wait3A_423] : memref<16x10240x128xf32, #tpu.memory_space<hbm>> -> memref<1x128x128xf32, #tpu.memory_space<hbm>>
          %dma_wait3A_425 = tpu.memref_squeeze %dma_wait3A_424 : memref<1x128x128xf32, #tpu.memory_space<hbm>> -> memref<128x128xf32, #tpu.memory_space<hbm>>
          %dma_wait3A_426 = arith.constant 0 : i32
          %dma_wait3A_427 = arith.constant 0 : i32
          %dma_wait3A_428 = tpu.memref_slice %arg6[%dma_wait3A_412, %dma_wait3A_426, %dma_wait3A_427] : memref<5x128x128xf32, #tpu.memory_space<vmem>> -> memref<1x128x128xf32, #tpu.memory_space<vmem>>
          %dma_wait3A_429 = tpu.memref_squeeze %dma_wait3A_428 : memref<1x128x128xf32, #tpu.memory_space<vmem>> -> memref<128x128xf32, #tpu.memory_space<vmem>>
          tpu.wait_dma2 semaphore(%arg12 : memref<!tpu.dma_semaphore, #tpu.memory_space<semaphore_mem>>) src(%dma_wait3A_429 : memref<128x128xf32, #tpu.memory_space<vmem>>) dst(%dma_wait3A_425 : memref<128x128xf32, #tpu.memory_space<hbm>>)
        } else {
        }
        %mul3A_401 = arith.constant 128 : i32
        %mul3A_402 = arith.muli %sub3A_220, %mul3A_401 : i32
        %dma_start3A_403 = arith.constant 0 : i32
        %dma_start3A_404 = arith.constant 0 : i32
        %dma_start3A_405 = arith.constant 0 : i32
        %dma_start3A_406 = tpu.memref_slice %arg6[%dma_start3A_403, %dma_start3A_404, %dma_start3A_405] : memref<5x128x128xf32, #tpu.memory_space<vmem>> -> memref<1x128x128xf32, #tpu.memory_space<vmem>>
        %dma_start3A_407 = tpu.memref_squeeze %dma_start3A_406 : memref<1x128x128xf32, #tpu.memory_space<vmem>> -> memref<128x128xf32, #tpu.memory_space<vmem>>
        %dma_start3A_408 = tpu.memref_slice %arg5[%mul3A_402] : memref<5120xi32, #tpu.memory_space<vmem>> -> memref<128xi32, #tpu.memory_space<vmem>>
        %dma_start3A_409 = arith.constant 0 : i32
        %dma_start3A_410 = arith.constant 0 : i32
        %dma_start3A_411 = tpu.memref_slice %arg3[%dma_start3A_409, %dma_start3A_410] : memref<10240x128xf32, #tpu.memory_space<hbm>> -> memref<10240x128xf32, #tpu.memory_space<hbm>>
        tpu.enqueue_indirect_dma source(%dma_start3A_411 : memref<10240x128xf32, #tpu.memory_space<hbm>>) target(%dma_start3A_407 : memref<128x128xf32, #tpu.memory_space<vmem>>) offsets(%dma_start3A_408 : memref<128xi32, #tpu.memory_space<vmem>>) semaphore(%arg7 : memref<!tpu.dma_semaphore, #tpu.memory_space<semaphore_mem>>)
      } else {
      }
      %dma_wait3A_226 = arith.constant 1 : i32
      %dma_wait3A_227 = arith.constant 0 : i32
      %dma_wait3A_228 = arith.constant 0 : i32
      %dma_wait3A_229 = tpu.memref_slice %arg6[%dma_wait3A_226, %dma_wait3A_227, %dma_wait3A_228] : memref<5x128x128xf32, #tpu.memory_space<vmem>> -> memref<1x128x128xf32, #tpu.memory_space<vmem>>
      %dma_wait3A_230 = tpu.memref_squeeze %dma_wait3A_229 : memref<1x128x128xf32, #tpu.memory_space<vmem>> -> memref<128x128xf32, #tpu.memory_space<vmem>>
      %dma_wait3A_231 = arith.constant 0 : i32
      %dma_wait3A_232 = arith.constant 0 : i32
      %dma_wait3A_233 = tpu.memref_slice %arg3[%dma_wait3A_231, %dma_wait3A_232] : memref<10240x128xf32, #tpu.memory_space<hbm>> -> memref<128x128xf32, #tpu.memory_space<hbm>>
      %dma_wait3A_234 = arith.constant 0 : i32
      %dma_wait3A_235 = arith.constant 0 : i32
      %dma_wait3A_236 = tpu.memref_slice %arg6[%dma_wait3A_226, %dma_wait3A_234, %dma_wait3A_235] : memref<5x128x128xf32, #tpu.memory_space<vmem>> -> memref<1x128x128xf32, #tpu.memory_space<vmem>>
      %dma_wait3A_237 = tpu.memref_squeeze %dma_wait3A_236 : memref<1x128x128xf32, #tpu.memory_space<vmem>> -> memref<128x128xf32, #tpu.memory_space<vmem>>
      %dma_wait3A_238 = arith.constant 0 : i32
      %dma_wait3A_239 = arith.constant 0 : i32
      %dma_wait3A_240 = tpu.memref_slice %arg3[%dma_wait3A_238, %dma_wait3A_239] : memref<10240x128xf32, #tpu.memory_space<hbm>> -> memref<128x128xf32, #tpu.memory_space<hbm>>
      tpu.wait_dma2 semaphore(%arg8 : memref<!tpu.dma_semaphore, #tpu.memory_space<semaphore_mem>>) src(%dma_wait3A_240 : memref<128x128xf32, #tpu.memory_space<hbm>>) dst(%dma_wait3A_237 : memref<128x128xf32, #tpu.memory_space<vmem>>)
      %mul3A_241 = arith.constant 128 : i32
      %mul3A_242 = arith.muli %add3A_216, %mul3A_241 : i32
      %add3A_243 = arith.addi %mul3A_34, %mul3A_242 : i32
      %dma_start3A_244 = arith.constant 1 : i32
      %dma_start3A_245 = arith.constant 0 : i32
      %dma_start3A_246 = arith.constant 0 : i32
      %dma_start3A_247 = tpu.memref_slice %arg6[%dma_start3A_244, %dma_start3A_245, %dma_start3A_246] : memref<5x128x128xf32, #tpu.memory_space<vmem>> -> memref<1x128x128xf32, #tpu.memory_space<vmem>>
      %dma_start3A_248 = tpu.memref_squeeze %dma_start3A_247 : memref<1x128x128xf32, #tpu.memory_space<vmem>> -> memref<128x128xf32, #tpu.memory_space<vmem>>
      %dma_start3A_249 = arith.constant 0 : i32
      %dma_start3A_250 = tpu.memref_slice %arg4[%select_n3A, %add3A_243, %dma_start3A_249] : memref<16x10240x128xf32, #tpu.memory_space<hbm>> -> memref<1x128x128xf32, #tpu.memory_space<hbm>>
      %dma_start3A_251 = tpu.memref_squeeze %dma_start3A_250 : memref<1x128x128xf32, #tpu.memory_space<hbm>> -> memref<128x128xf32, #tpu.memory_space<hbm>>
      %dma_start3A_252 = arith.constant 0 : i32
      %dma_start3A_253 = tpu.memref_slice %arg4[%select_n3A, %add3A_243, %dma_start3A_252] : memref<16x10240x128xf32, #tpu.memory_space<hbm>> -> memref<1x128x128xf32, #tpu.memory_space<hbm>>
      %dma_start3A_254 = tpu.memref_squeeze %dma_start3A_253 : memref<1x128x128xf32, #tpu.memory_space<hbm>> -> memref<128x128xf32, #tpu.memory_space<hbm>>
      %dma_start3A_255 = arith.constant 0 : i32
      %dma_start3A_256 = arith.constant 0 : i32
      %dma_start3A_257 = tpu.memref_slice %arg6[%dma_start3A_244, %dma_start3A_255, %dma_start3A_256] : memref<5x128x128xf32, #tpu.memory_space<vmem>> -> memref<1x128x128xf32, #tpu.memory_space<vmem>>
      %dma_start3A_258 = tpu.memref_squeeze %dma_start3A_257 : memref<1x128x128xf32, #tpu.memory_space<vmem>> -> memref<128x128xf32, #tpu.memory_space<vmem>>
      tpu.enqueue_dma source(%dma_start3A_258 : memref<128x128xf32, #tpu.memory_space<vmem>>) target(%dma_start3A_254 : memref<128x128xf32, #tpu.memory_space<hbm>>) target_semaphore(%arg13 : memref<!tpu.dma_semaphore, #tpu.memory_space<semaphore_mem>>)
      %mul3A_259 = arith.constant 5 : i32
      %mul3A_260 = arith.muli %scan3A_168, %mul3A_259 : i32
      %add3A_261 = arith.constant 2 : i32
      %add3A_262 = arith.addi %mul3A_260, %add3A_261 : i32
      %add3A_263 = arith.constant 5 : i32
      %add3A_264 = arith.addi %add3A_262, %add3A_263 : i32
      %sub3A_265 = arith.constant 1 : i32
      %sub3A_266 = arith.subi %add3A_264, %sub3A_265 : i32
      %lt3A_267 = arith.constant 40 : i32
      %lt3A_268 = arith.cmpi slt, %sub3A_266, %lt3A_267 : i32
      %convert_element_type3A_269 = arith.extui %lt3A_268 : i1 to i32
      %cond3A_270 = arith.constant 0 : i32
      %cond3A_271 = arith.cmpi ne, %convert_element_type3A_269, %cond3A_270 : i32
      scf.if %cond3A_271 {
        %ge3A = arith.constant 5 : i32
        %ge3A_397 = arith.cmpi sge, %sub3A_266, %ge3A : i32
        %convert_element_type3A_398 = arith.extui %ge3A_397 : i1 to i32
        %cond3A_399 = arith.constant 0 : i32
        %cond3A_400 = arith.cmpi ne, %convert_element_type3A_398, %cond3A_399 : i32
        scf.if %cond3A_400 {
          %dma_wait3A_412 = arith.constant 1 : i32
          %dma_wait3A_413 = arith.constant 0 : i32
          %dma_wait3A_414 = arith.constant 0 : i32
          %dma_wait3A_415 = arith.constant 0 : i32
          %dma_wait3A_416 = tpu.memref_slice %arg6[%dma_wait3A_412, %dma_wait3A_414, %dma_wait3A_415] : memref<5x128x128xf32, #tpu.memory_space<vmem>> -> memref<1x128x128xf32, #tpu.memory_space<vmem>>
          %dma_wait3A_417 = tpu.memref_squeeze %dma_wait3A_416 : memref<1x128x128xf32, #tpu.memory_space<vmem>> -> memref<128x128xf32, #tpu.memory_space<vmem>>
          %dma_wait3A_418 = arith.constant 0 : i32
          %dma_wait3A_419 = arith.constant 0 : i32
          %dma_wait3A_420 = tpu.memref_slice %arg4[%dma_wait3A_413, %dma_wait3A_418, %dma_wait3A_419] : memref<16x10240x128xf32, #tpu.memory_space<hbm>> -> memref<1x128x128xf32, #tpu.memory_space<hbm>>
          %dma_wait3A_421 = tpu.memref_squeeze %dma_wait3A_420 : memref<1x128x128xf32, #tpu.memory_space<hbm>> -> memref<128x128xf32, #tpu.memory_space<hbm>>
          %dma_wait3A_422 = arith.constant 0 : i32
          %dma_wait3A_423 = arith.constant 0 : i32
          %dma_wait3A_424 = tpu.memref_slice %arg4[%dma_wait3A_413, %dma_wait3A_422, %dma_wait3A_423] : memref<16x10240x128xf32, #tpu.memory_space<hbm>> -> memref<1x128x128xf32, #tpu.memory_space<hbm>>
          %dma_wait3A_425 = tpu.memref_squeeze %dma_wait3A_424 : memref<1x128x128xf32, #tpu.memory_space<hbm>> -> memref<128x128xf32, #tpu.memory_space<hbm>>
          %dma_wait3A_426 = arith.constant 0 : i32
          %dma_wait3A_427 = arith.constant 0 : i32
          %dma_wait3A_428 = tpu.memref_slice %arg6[%dma_wait3A_412, %dma_wait3A_426, %dma_wait3A_427] : memref<5x128x128xf32, #tpu.memory_space<vmem>> -> memref<1x128x128xf32, #tpu.memory_space<vmem>>
          %dma_wait3A_429 = tpu.memref_squeeze %dma_wait3A_428 : memref<1x128x128xf32, #tpu.memory_space<vmem>> -> memref<128x128xf32, #tpu.memory_space<vmem>>
          tpu.wait_dma2 semaphore(%arg13 : memref<!tpu.dma_semaphore, #tpu.memory_space<semaphore_mem>>) src(%dma_wait3A_429 : memref<128x128xf32, #tpu.memory_space<vmem>>) dst(%dma_wait3A_425 : memref<128x128xf32, #tpu.memory_space<hbm>>)
        } else {
        }
        %mul3A_401 = arith.constant 128 : i32
        %mul3A_402 = arith.muli %sub3A_266, %mul3A_401 : i32
        %dma_start3A_403 = arith.constant 1 : i32
        %dma_start3A_404 = arith.constant 0 : i32
        %dma_start3A_405 = arith.constant 0 : i32
        %dma_start3A_406 = tpu.memref_slice %arg6[%dma_start3A_403, %dma_start3A_404, %dma_start3A_405] : memref<5x128x128xf32, #tpu.memory_space<vmem>> -> memref<1x128x128xf32, #tpu.memory_space<vmem>>
        %dma_start3A_407 = tpu.memref_squeeze %dma_start3A_406 : memref<1x128x128xf32, #tpu.memory_space<vmem>> -> memref<128x128xf32, #tpu.memory_space<vmem>>
        %dma_start3A_408 = tpu.memref_slice %arg5[%mul3A_402] : memref<5120xi32, #tpu.memory_space<vmem>> -> memref<128xi32, #tpu.memory_space<vmem>>
        %dma_start3A_409 = arith.constant 0 : i32
        %dma_start3A_410 = arith.constant 0 : i32
        %dma_start3A_411 = tpu.memref_slice %arg3[%dma_start3A_409, %dma_start3A_410] : memref<10240x128xf32, #tpu.memory_space<hbm>> -> memref<10240x128xf32, #tpu.memory_space<hbm>>
        tpu.enqueue_indirect_dma source(%dma_start3A_411 : memref<10240x128xf32, #tpu.memory_space<hbm>>) target(%dma_start3A_407 : memref<128x128xf32, #tpu.memory_space<vmem>>) offsets(%dma_start3A_408 : memref<128xi32, #tpu.memory_space<vmem>>) semaphore(%arg8 : memref<!tpu.dma_semaphore, #tpu.memory_space<semaphore_mem>>)
      } else {
      }
      %dma_wait3A_272 = arith.constant 2 : i32
      %dma_wait3A_273 = arith.constant 0 : i32
      %dma_wait3A_274 = arith.constant 0 : i32
      %dma_wait3A_275 = tpu.memref_slice %arg6[%dma_wait3A_272, %dma_wait3A_273, %dma_wait3A_274] : memref<5x128x128xf32, #tpu.memory_space<vmem>> -> memref<1x128x128xf32, #tpu.memory_space<vmem>>
      %dma_wait3A_276 = tpu.memref_squeeze %dma_wait3A_275 : memref<1x128x128xf32, #tpu.memory_space<vmem>> -> memref<128x128xf32, #tpu.memory_space<vmem>>
      %dma_wait3A_277 = arith.constant 0 : i32
      %dma_wait3A_278 = arith.constant 0 : i32
      %dma_wait3A_279 = tpu.memref_slice %arg3[%dma_wait3A_277, %dma_wait3A_278] : memref<10240x128xf32, #tpu.memory_space<hbm>> -> memref<128x128xf32, #tpu.memory_space<hbm>>
      %dma_wait3A_280 = arith.constant 0 : i32
      %dma_wait3A_281 = arith.constant 0 : i32
      %dma_wait3A_282 = tpu.memref_slice %arg6[%dma_wait3A_272, %dma_wait3A_280, %dma_wait3A_281] : memref<5x128x128xf32, #tpu.memory_space<vmem>> -> memref<1x128x128xf32, #tpu.memory_space<vmem>>
      %dma_wait3A_283 = tpu.memref_squeeze %dma_wait3A_282 : memref<1x128x128xf32, #tpu.memory_space<vmem>> -> memref<128x128xf32, #tpu.memory_space<vmem>>
      %dma_wait3A_284 = arith.constant 0 : i32
      %dma_wait3A_285 = arith.constant 0 : i32
      %dma_wait3A_286 = tpu.memref_slice %arg3[%dma_wait3A_284, %dma_wait3A_285] : memref<10240x128xf32, #tpu.memory_space<hbm>> -> memref<128x128xf32, #tpu.memory_space<hbm>>
      tpu.wait_dma2 semaphore(%arg9 : memref<!tpu.dma_semaphore, #tpu.memory_space<semaphore_mem>>) src(%dma_wait3A_286 : memref<128x128xf32, #tpu.memory_space<hbm>>) dst(%dma_wait3A_283 : memref<128x128xf32, #tpu.memory_space<vmem>>)
      %mul3A_287 = arith.constant 128 : i32
      %mul3A_288 = arith.muli %add3A_262, %mul3A_287 : i32
      %add3A_289 = arith.addi %mul3A_34, %mul3A_288 : i32
      %dma_start3A_290 = arith.constant 2 : i32
      %dma_start3A_291 = arith.constant 0 : i32
      %dma_start3A_292 = arith.constant 0 : i32
      %dma_start3A_293 = tpu.memref_slice %arg6[%dma_start3A_290, %dma_start3A_291, %dma_start3A_292] : memref<5x128x128xf32, #tpu.memory_space<vmem>> -> memref<1x128x128xf32, #tpu.memory_space<vmem>>
      %dma_start3A_294 = tpu.memref_squeeze %dma_start3A_293 : memref<1x128x128xf32, #tpu.memory_space<vmem>> -> memref<128x128xf32, #tpu.memory_space<vmem>>
      %dma_start3A_295 = arith.constant 0 : i32
      %dma_start3A_296 = tpu.memref_slice %arg4[%select_n3A, %add3A_289, %dma_start3A_295] : memref<16x10240x128xf32, #tpu.memory_space<hbm>> -> memref<1x128x128xf32, #tpu.memory_space<hbm>>
      %dma_start3A_297 = tpu.memref_squeeze %dma_start3A_296 : memref<1x128x128xf32, #tpu.memory_space<hbm>> -> memref<128x128xf32, #tpu.memory_space<hbm>>
      %dma_start3A_298 = arith.constant 0 : i32
      %dma_start3A_299 = tpu.memref_slice %arg4[%select_n3A, %add3A_289, %dma_start3A_298] : memref<16x10240x128xf32, #tpu.memory_space<hbm>> -> memref<1x128x128xf32, #tpu.memory_space<hbm>>
      %dma_start3A_300 = tpu.memref_squeeze %dma_start3A_299 : memref<1x128x128xf32, #tpu.memory_space<hbm>> -> memref<128x128xf32, #tpu.memory_space<hbm>>
      %dma_start3A_301 = arith.constant 0 : i32
      %dma_start3A_302 = arith.constant 0 : i32
      %dma_start3A_303 = tpu.memref_slice %arg6[%dma_start3A_290, %dma_start3A_301, %dma_start3A_302] : memref<5x128x128xf32, #tpu.memory_space<vmem>> -> memref<1x128x128xf32, #tpu.memory_space<vmem>>
      %dma_start3A_304 = tpu.memref_squeeze %dma_start3A_303 : memref<1x128x128xf32, #tpu.memory_space<vmem>> -> memref<128x128xf32, #tpu.memory_space<vmem>>
      tpu.enqueue_dma source(%dma_start3A_304 : memref<128x128xf32, #tpu.memory_space<vmem>>) target(%dma_start3A_300 : memref<128x128xf32, #tpu.memory_space<hbm>>) target_semaphore(%arg14 : memref<!tpu.dma_semaphore, #tpu.memory_space<semaphore_mem>>)
      %mul3A_305 = arith.constant 5 : i32
      %mul3A_306 = arith.muli %scan3A_168, %mul3A_305 : i32
      %add3A_307 = arith.constant 3 : i32
      %add3A_308 = arith.addi %mul3A_306, %add3A_307 : i32
      %add3A_309 = arith.constant 5 : i32
      %add3A_310 = arith.addi %add3A_308, %add3A_309 : i32
      %sub3A_311 = arith.constant 1 : i32
      %sub3A_312 = arith.subi %add3A_310, %sub3A_311 : i32
      %lt3A_313 = arith.constant 40 : i32
      %lt3A_314 = arith.cmpi slt, %sub3A_312, %lt3A_313 : i32
      %convert_element_type3A_315 = arith.extui %lt3A_314 : i1 to i32
      %cond3A_316 = arith.constant 0 : i32
      %cond3A_317 = arith.cmpi ne, %convert_element_type3A_315, %cond3A_316 : i32
      scf.if %cond3A_317 {
        %ge3A = arith.constant 5 : i32
        %ge3A_397 = arith.cmpi sge, %sub3A_312, %ge3A : i32
        %convert_element_type3A_398 = arith.extui %ge3A_397 : i1 to i32
        %cond3A_399 = arith.constant 0 : i32
        %cond3A_400 = arith.cmpi ne, %convert_element_type3A_398, %cond3A_399 : i32
        scf.if %cond3A_400 {
          %dma_wait3A_412 = arith.constant 2 : i32
          %dma_wait3A_413 = arith.constant 0 : i32
          %dma_wait3A_414 = arith.constant 0 : i32
          %dma_wait3A_415 = arith.constant 0 : i32
          %dma_wait3A_416 = tpu.memref_slice %arg6[%dma_wait3A_412, %dma_wait3A_414, %dma_wait3A_415] : memref<5x128x128xf32, #tpu.memory_space<vmem>> -> memref<1x128x128xf32, #tpu.memory_space<vmem>>
          %dma_wait3A_417 = tpu.memref_squeeze %dma_wait3A_416 : memref<1x128x128xf32, #tpu.memory_space<vmem>> -> memref<128x128xf32, #tpu.memory_space<vmem>>
          %dma_wait3A_418 = arith.constant 0 : i32
          %dma_wait3A_419 = arith.constant 0 : i32
          %dma_wait3A_420 = tpu.memref_slice %arg4[%dma_wait3A_413, %dma_wait3A_418, %dma_wait3A_419] : memref<16x10240x128xf32, #tpu.memory_space<hbm>> -> memref<1x128x128xf32, #tpu.memory_space<hbm>>
          %dma_wait3A_421 = tpu.memref_squeeze %dma_wait3A_420 : memref<1x128x128xf32, #tpu.memory_space<hbm>> -> memref<128x128xf32, #tpu.memory_space<hbm>>
          %dma_wait3A_422 = arith.constant 0 : i32
          %dma_wait3A_423 = arith.constant 0 : i32
          %dma_wait3A_424 = tpu.memref_slice %arg4[%dma_wait3A_413, %dma_wait3A_422, %dma_wait3A_423] : memref<16x10240x128xf32, #tpu.memory_space<hbm>> -> memref<1x128x128xf32, #tpu.memory_space<hbm>>
          %dma_wait3A_425 = tpu.memref_squeeze %dma_wait3A_424 : memref<1x128x128xf32, #tpu.memory_space<hbm>> -> memref<128x128xf32, #tpu.memory_space<hbm>>
          %dma_wait3A_426 = arith.constant 0 : i32
          %dma_wait3A_427 = arith.constant 0 : i32
          %dma_wait3A_428 = tpu.memref_slice %arg6[%dma_wait3A_412, %dma_wait3A_426, %dma_wait3A_427] : memref<5x128x128xf32, #tpu.memory_space<vmem>> -> memref<1x128x128xf32, #tpu.memory_space<vmem>>
          %dma_wait3A_429 = tpu.memref_squeeze %dma_wait3A_428 : memref<1x128x128xf32, #tpu.memory_space<vmem>> -> memref<128x128xf32, #tpu.memory_space<vmem>>
          tpu.wait_dma2 semaphore(%arg14 : memref<!tpu.dma_semaphore, #tpu.memory_space<semaphore_mem>>) src(%dma_wait3A_429 : memref<128x128xf32, #tpu.memory_space<vmem>>) dst(%dma_wait3A_425 : memref<128x128xf32, #tpu.memory_space<hbm>>)
        } else {
        }
        %mul3A_401 = arith.constant 128 : i32
        %mul3A_402 = arith.muli %sub3A_312, %mul3A_401 : i32
        %dma_start3A_403 = arith.constant 2 : i32
        %dma_start3A_404 = arith.constant 0 : i32
        %dma_start3A_405 = arith.constant 0 : i32
        %dma_start3A_406 = tpu.memref_slice %arg6[%dma_start3A_403, %dma_start3A_404, %dma_start3A_405] : memref<5x128x128xf32, #tpu.memory_space<vmem>> -> memref<1x128x128xf32, #tpu.memory_space<vmem>>
        %dma_start3A_407 = tpu.memref_squeeze %dma_start3A_406 : memref<1x128x128xf32, #tpu.memory_space<vmem>> -> memref<128x128xf32, #tpu.memory_space<vmem>>
        %dma_start3A_408 = tpu.memref_slice %arg5[%mul3A_402] : memref<5120xi32, #tpu.memory_space<vmem>> -> memref<128xi32, #tpu.memory_space<vmem>>
        %dma_start3A_409 = arith.constant 0 : i32
        %dma_start3A_410 = arith.constant 0 : i32
        %dma_start3A_411 = tpu.memref_slice %arg3[%dma_start3A_409, %dma_start3A_410] : memref<10240x128xf32, #tpu.memory_space<hbm>> -> memref<10240x128xf32, #tpu.memory_space<hbm>>
        tpu.enqueue_indirect_dma source(%dma_start3A_411 : memref<10240x128xf32, #tpu.memory_space<hbm>>) target(%dma_start3A_407 : memref<128x128xf32, #tpu.memory_space<vmem>>) offsets(%dma_start3A_408 : memref<128xi32, #tpu.memory_space<vmem>>) semaphore(%arg9 : memref<!tpu.dma_semaphore, #tpu.memory_space<semaphore_mem>>)
      } else {
      }
      %dma_wait3A_318 = arith.constant 3 : i32
      %dma_wait3A_319 = arith.constant 0 : i32
      %dma_wait3A_320 = arith.constant 0 : i32
      %dma_wait3A_321 = tpu.memref_slice %arg6[%dma_wait3A_318, %dma_wait3A_319, %dma_wait3A_320] : memref<5x128x128xf32, #tpu.memory_space<vmem>> -> memref<1x128x128xf32, #tpu.memory_space<vmem>>
      %dma_wait3A_322 = tpu.memref_squeeze %dma_wait3A_321 : memref<1x128x128xf32, #tpu.memory_space<vmem>> -> memref<128x128xf32, #tpu.memory_space<vmem>>
      %dma_wait3A_323 = arith.constant 0 : i32
      %dma_wait3A_324 = arith.constant 0 : i32
      %dma_wait3A_325 = tpu.memref_slice %arg3[%dma_wait3A_323, %dma_wait3A_324] : memref<10240x128xf32, #tpu.memory_space<hbm>> -> memref<128x128xf32, #tpu.memory_space<hbm>>
      %dma_wait3A_326 = arith.constant 0 : i32
      %dma_wait3A_327 = arith.constant 0 : i32
      %dma_wait3A_328 = tpu.memref_slice %arg6[%dma_wait3A_318, %dma_wait3A_326, %dma_wait3A_327] : memref<5x128x128xf32, #tpu.memory_space<vmem>> -> memref<1x128x128xf32, #tpu.memory_space<vmem>>
      %dma_wait3A_329 = tpu.memref_squeeze %dma_wait3A_328 : memref<1x128x128xf32, #tpu.memory_space<vmem>> -> memref<128x128xf32, #tpu.memory_space<vmem>>
      %dma_wait3A_330 = arith.constant 0 : i32
      %dma_wait3A_331 = arith.constant 0 : i32
      %dma_wait3A_332 = tpu.memref_slice %arg3[%dma_wait3A_330, %dma_wait3A_331] : memref<10240x128xf32, #tpu.memory_space<hbm>> -> memref<128x128xf32, #tpu.memory_space<hbm>>
      tpu.wait_dma2 semaphore(%arg10 : memref<!tpu.dma_semaphore, #tpu.memory_space<semaphore_mem>>) src(%dma_wait3A_332 : memref<128x128xf32, #tpu.memory_space<hbm>>) dst(%dma_wait3A_329 : memref<128x128xf32, #tpu.memory_space<vmem>>)
      %mul3A_333 = arith.constant 128 : i32
      %mul3A_334 = arith.muli %add3A_308, %mul3A_333 : i32
      %add3A_335 = arith.addi %mul3A_34, %mul3A_334 : i32
      %dma_start3A_336 = arith.constant 3 : i32
      %dma_start3A_337 = arith.constant 0 : i32
      %dma_start3A_338 = arith.constant 0 : i32
      %dma_start3A_339 = tpu.memref_slice %arg6[%dma_start3A_336, %dma_start3A_337, %dma_start3A_338] : memref<5x128x128xf32, #tpu.memory_space<vmem>> -> memref<1x128x128xf32, #tpu.memory_space<vmem>>
      %dma_start3A_340 = tpu.memref_squeeze %dma_start3A_339 : memref<1x128x128xf32, #tpu.memory_space<vmem>> -> memref<128x128xf32, #tpu.memory_space<vmem>>
      %dma_start3A_341 = arith.constant 0 : i32
      %dma_start3A_342 = tpu.memref_slice %arg4[%select_n3A, %add3A_335, %dma_start3A_341] : memref<16x10240x128xf32, #tpu.memory_space<hbm>> -> memref<1x128x128xf32, #tpu.memory_space<hbm>>
      %dma_start3A_343 = tpu.memref_squeeze %dma_start3A_342 : memref<1x128x128xf32, #tpu.memory_space<hbm>> -> memref<128x128xf32, #tpu.memory_space<hbm>>
      %dma_start3A_344 = arith.constant 0 : i32
      %dma_start3A_345 = tpu.memref_slice %arg4[%select_n3A, %add3A_335, %dma_start3A_344] : memref<16x10240x128xf32, #tpu.memory_space<hbm>> -> memref<1x128x128xf32, #tpu.memory_space<hbm>>
      %dma_start3A_346 = tpu.memref_squeeze %dma_start3A_345 : memref<1x128x128xf32, #tpu.memory_space<hbm>> -> memref<128x128xf32, #tpu.memory_space<hbm>>
      %dma_start3A_347 = arith.constant 0 : i32
      %dma_start3A_348 = arith.constant 0 : i32
      %dma_start3A_349 = tpu.memref_slice %arg6[%dma_start3A_336, %dma_start3A_347, %dma_start3A_348] : memref<5x128x128xf32, #tpu.memory_space<vmem>> -> memref<1x128x128xf32, #tpu.memory_space<vmem>>
      %dma_start3A_350 = tpu.memref_squeeze %dma_start3A_349 : memref<1x128x128xf32, #tpu.memory_space<vmem>> -> memref<128x128xf32, #tpu.memory_space<vmem>>
      tpu.enqueue_dma source(%dma_start3A_350 : memref<128x128xf32, #tpu.memory_space<vmem>>) target(%dma_start3A_346 : memref<128x128xf32, #tpu.memory_space<hbm>>) target_semaphore(%arg15 : memref<!tpu.dma_semaphore, #tpu.memory_space<semaphore_mem>>)
      %mul3A_351 = arith.constant 5 : i32
      %mul3A_352 = arith.muli %scan3A_168, %mul3A_351 : i32
      %add3A_353 = arith.constant 4 : i32
      %add3A_354 = arith.addi %mul3A_352, %add3A_353 : i32
      %add3A_355 = arith.constant 5 : i32
      %add3A_356 = arith.addi %add3A_354, %add3A_355 : i32
      %sub3A_357 = arith.constant 1 : i32
      %sub3A_358 = arith.subi %add3A_356, %sub3A_357 : i32
      %lt3A_359 = arith.constant 40 : i32
      %lt3A_360 = arith.cmpi slt, %sub3A_358, %lt3A_359 : i32
      %convert_element_type3A_361 = arith.extui %lt3A_360 : i1 to i32
      %cond3A_362 = arith.constant 0 : i32
      %cond3A_363 = arith.cmpi ne, %convert_element_type3A_361, %cond3A_362 : i32
      scf.if %cond3A_363 {
        %ge3A = arith.constant 5 : i32
        %ge3A_397 = arith.cmpi sge, %sub3A_358, %ge3A : i32
        %convert_element_type3A_398 = arith.extui %ge3A_397 : i1 to i32
        %cond3A_399 = arith.constant 0 : i32
        %cond3A_400 = arith.cmpi ne, %convert_element_type3A_398, %cond3A_399 : i32
        scf.if %cond3A_400 {
          %dma_wait3A_412 = arith.constant 3 : i32
          %dma_wait3A_413 = arith.constant 0 : i32
          %dma_wait3A_414 = arith.constant 0 : i32
          %dma_wait3A_415 = arith.constant 0 : i32
          %dma_wait3A_416 = tpu.memref_slice %arg6[%dma_wait3A_412, %dma_wait3A_414, %dma_wait3A_415] : memref<5x128x128xf32, #tpu.memory_space<vmem>> -> memref<1x128x128xf32, #tpu.memory_space<vmem>>
          %dma_wait3A_417 = tpu.memref_squeeze %dma_wait3A_416 : memref<1x128x128xf32, #tpu.memory_space<vmem>> -> memref<128x128xf32, #tpu.memory_space<vmem>>
          %dma_wait3A_418 = arith.constant 0 : i32
          %dma_wait3A_419 = arith.constant 0 : i32
          %dma_wait3A_420 = tpu.memref_slice %arg4[%dma_wait3A_413, %dma_wait3A_418, %dma_wait3A_419] : memref<16x10240x128xf32, #tpu.memory_space<hbm>> -> memref<1x128x128xf32, #tpu.memory_space<hbm>>
          %dma_wait3A_421 = tpu.memref_squeeze %dma_wait3A_420 : memref<1x128x128xf32, #tpu.memory_space<hbm>> -> memref<128x128xf32, #tpu.memory_space<hbm>>
          %dma_wait3A_422 = arith.constant 0 : i32
          %dma_wait3A_423 = arith.constant 0 : i32
          %dma_wait3A_424 = tpu.memref_slice %arg4[%dma_wait3A_413, %dma_wait3A_422, %dma_wait3A_423] : memref<16x10240x128xf32, #tpu.memory_space<hbm>> -> memref<1x128x128xf32, #tpu.memory_space<hbm>>
          %dma_wait3A_425 = tpu.memref_squeeze %dma_wait3A_424 : memref<1x128x128xf32, #tpu.memory_space<hbm>> -> memref<128x128xf32, #tpu.memory_space<hbm>>
          %dma_wait3A_426 = arith.constant 0 : i32
          %dma_wait3A_427 = arith.constant 0 : i32
          %dma_wait3A_428 = tpu.memref_slice %arg6[%dma_wait3A_412, %dma_wait3A_426, %dma_wait3A_427] : memref<5x128x128xf32, #tpu.memory_space<vmem>> -> memref<1x128x128xf32, #tpu.memory_space<vmem>>
          %dma_wait3A_429 = tpu.memref_squeeze %dma_wait3A_428 : memref<1x128x128xf32, #tpu.memory_space<vmem>> -> memref<128x128xf32, #tpu.memory_space<vmem>>
          tpu.wait_dma2 semaphore(%arg15 : memref<!tpu.dma_semaphore, #tpu.memory_space<semaphore_mem>>) src(%dma_wait3A_429 : memref<128x128xf32, #tpu.memory_space<vmem>>) dst(%dma_wait3A_425 : memref<128x128xf32, #tpu.memory_space<hbm>>)
        } else {
        }
        %mul3A_401 = arith.constant 128 : i32
        %mul3A_402 = arith.muli %sub3A_358, %mul3A_401 : i32
        %dma_start3A_403 = arith.constant 3 : i32
        %dma_start3A_404 = arith.constant 0 : i32
        %dma_start3A_405 = arith.constant 0 : i32
        %dma_start3A_406 = tpu.memref_slice %arg6[%dma_start3A_403, %dma_start3A_404, %dma_start3A_405] : memref<5x128x128xf32, #tpu.memory_space<vmem>> -> memref<1x128x128xf32, #tpu.memory_space<vmem>>
        %dma_start3A_407 = tpu.memref_squeeze %dma_start3A_406 : memref<1x128x128xf32, #tpu.memory_space<vmem>> -> memref<128x128xf32, #tpu.memory_space<vmem>>
        %dma_start3A_408 = tpu.memref_slice %arg5[%mul3A_402] : memref<5120xi32, #tpu.memory_space<vmem>> -> memref<128xi32, #tpu.memory_space<vmem>>
        %dma_start3A_409 = arith.constant 0 : i32
        %dma_start3A_410 = arith.constant 0 : i32
        %dma_start3A_411 = tpu.memref_slice %arg3[%dma_start3A_409, %dma_start3A_410] : memref<10240x128xf32, #tpu.memory_space<hbm>> -> memref<10240x128xf32, #tpu.memory_space<hbm>>
        tpu.enqueue_indirect_dma source(%dma_start3A_411 : memref<10240x128xf32, #tpu.memory_space<hbm>>) target(%dma_start3A_407 : memref<128x128xf32, #tpu.memory_space<vmem>>) offsets(%dma_start3A_408 : memref<128xi32, #tpu.memory_space<vmem>>) semaphore(%arg10 : memref<!tpu.dma_semaphore, #tpu.memory_space<semaphore_mem>>)
      } else {
      }
      %dma_wait3A_364 = arith.constant 4 : i32
      %dma_wait3A_365 = arith.constant 0 : i32
      %dma_wait3A_366 = arith.constant 0 : i32
      %dma_wait3A_367 = tpu.memref_slice %arg6[%dma_wait3A_364, %dma_wait3A_365, %dma_wait3A_366] : memref<5x128x128xf32, #tpu.memory_space<vmem>> -> memref<1x128x128xf32, #tpu.memory_space<vmem>>
      %dma_wait3A_368 = tpu.memref_squeeze %dma_wait3A_367 : memref<1x128x128xf32, #tpu.memory_space<vmem>> -> memref<128x128xf32, #tpu.memory_space<vmem>>
      %dma_wait3A_369 = arith.constant 0 : i32
      %dma_wait3A_370 = arith.constant 0 : i32
      %dma_wait3A_371 = tpu.memref_slice %arg3[%dma_wait3A_369, %dma_wait3A_370] : memref<10240x128xf32, #tpu.memory_space<hbm>> -> memref<128x128xf32, #tpu.memory_space<hbm>>
      %dma_wait3A_372 = arith.constant 0 : i32
      %dma_wait3A_373 = arith.constant 0 : i32
      %dma_wait3A_374 = tpu.memref_slice %arg6[%dma_wait3A_364, %dma_wait3A_372, %dma_wait3A_373] : memref<5x128x128xf32, #tpu.memory_space<vmem>> -> memref<1x128x128xf32, #tpu.memory_space<vmem>>
      %dma_wait3A_375 = tpu.memref_squeeze %dma_wait3A_374 : memref<1x128x128xf32, #tpu.memory_space<vmem>> -> memref<128x128xf32, #tpu.memory_space<vmem>>
      %dma_wait3A_376 = arith.constant 0 : i32
      %dma_wait3A_377 = arith.constant 0 : i32
      %dma_wait3A_378 = tpu.memref_slice %arg3[%dma_wait3A_376, %dma_wait3A_377] : memref<10240x128xf32, #tpu.memory_space<hbm>> -> memref<128x128xf32, #tpu.memory_space<hbm>>
      tpu.wait_dma2 semaphore(%arg11 : memref<!tpu.dma_semaphore, #tpu.memory_space<semaphore_mem>>) src(%dma_wait3A_378 : memref<128x128xf32, #tpu.memory_space<hbm>>) dst(%dma_wait3A_375 : memref<128x128xf32, #tpu.memory_space<vmem>>)
      %mul3A_379 = arith.constant 128 : i32
      %mul3A_380 = arith.muli %add3A_354, %mul3A_379 : i32
      %add3A_381 = arith.addi %mul3A_34, %mul3A_380 : i32
      %dma_start3A_382 = arith.constant 4 : i32
      %dma_start3A_383 = arith.constant 0 : i32
      %dma_start3A_384 = arith.constant 0 : i32
      %dma_start3A_385 = tpu.memref_slice %arg6[%dma_start3A_382, %dma_start3A_383, %dma_start3A_384] : memref<5x128x128xf32, #tpu.memory_space<vmem>> -> memref<1x128x128xf32, #tpu.memory_space<vmem>>
      %dma_start3A_386 = tpu.memref_squeeze %dma_start3A_385 : memref<1x128x128xf32, #tpu.memory_space<vmem>> -> memref<128x128xf32, #tpu.memory_space<vmem>>
      %dma_start3A_387 = arith.constant 0 : i32
      %dma_start3A_388 = tpu.memref_slice %arg4[%select_n3A, %add3A_381, %dma_start3A_387] : memref<16x10240x128xf32, #tpu.memory_space<hbm>> -> memref<1x128x128xf32, #tpu.memory_space<hbm>>
      %dma_start3A_389 = tpu.memref_squeeze %dma_start3A_388 : memref<1x128x128xf32, #tpu.memory_space<hbm>> -> memref<128x128xf32, #tpu.memory_space<hbm>>
      %dma_start3A_390 = arith.constant 0 : i32
      %dma_start3A_391 = tpu.memref_slice %arg4[%select_n3A, %add3A_381, %dma_start3A_390] : memref<16x10240x128xf32, #tpu.memory_space<hbm>> -> memref<1x128x128xf32, #tpu.memory_space<hbm>>
      %dma_start3A_392 = tpu.memref_squeeze %dma_start3A_391 : memref<1x128x128xf32, #tpu.memory_space<hbm>> -> memref<128x128xf32, #tpu.memory_space<hbm>>
      %dma_start3A_393 = arith.constant 0 : i32
      %dma_start3A_394 = arith.constant 0 : i32
      %dma_start3A_395 = tpu.memref_slice %arg6[%dma_start3A_382, %dma_start3A_393, %dma_start3A_394] : memref<5x128x128xf32, #tpu.memory_space<vmem>> -> memref<1x128x128xf32, #tpu.memory_space<vmem>>
      %dma_start3A_396 = tpu.memref_squeeze %dma_start3A_395 : memref<1x128x128xf32, #tpu.memory_space<vmem>> -> memref<128x128xf32, #tpu.memory_space<vmem>>
      tpu.enqueue_dma source(%dma_start3A_396 : memref<128x128xf32, #tpu.memory_space<vmem>>) target(%dma_start3A_392 : memref<128x128xf32, #tpu.memory_space<hbm>>) target_semaphore(%arg16 : memref<!tpu.dma_semaphore, #tpu.memory_space<semaphore_mem>>)
    }
    %scan3A_78 = arith.constant 8 : i32
    %dma_wait3A = arith.constant 0 : i32
    %dma_wait3A_79 = arith.constant 0 : i32
    %dma_wait3A_80 = arith.constant 0 : i32
    %dma_wait3A_81 = arith.constant 0 : i32
    %dma_wait3A_82 = tpu.memref_slice %arg6[%dma_wait3A, %dma_wait3A_80, %dma_wait3A_81] : memref<5x128x128xf32, #tpu.memory_space<vmem>> -> memref<1x128x128xf32, #tpu.memory_space<vmem>>
    %dma_wait3A_83 = tpu.memref_squeeze %dma_wait3A_82 : memref<1x128x128xf32, #tpu.memory_space<vmem>> -> memref<128x128xf32, #tpu.memory_space<vmem>>
    %dma_wait3A_84 = arith.constant 0 : i32
    %dma_wait3A_85 = arith.constant 0 : i32
    %dma_wait3A_86 = tpu.memref_slice %arg4[%dma_wait3A_79, %dma_wait3A_84, %dma_wait3A_85] : memref<16x10240x128xf32, #tpu.memory_space<hbm>> -> memref<1x128x128xf32, #tpu.memory_space<hbm>>
    %dma_wait3A_87 = tpu.memref_squeeze %dma_wait3A_86 : memref<1x128x128xf32, #tpu.memory_space<hbm>> -> memref<128x128xf32, #tpu.memory_space<hbm>>
    %dma_wait3A_88 = arith.constant 0 : i32
    %dma_wait3A_89 = arith.constant 0 : i32
    %dma_wait3A_90 = tpu.memref_slice %arg4[%dma_wait3A_79, %dma_wait3A_88, %dma_wait3A_89] : memref<16x10240x128xf32, #tpu.memory_space<hbm>> -> memref<1x128x128xf32, #tpu.memory_space<hbm>>
    %dma_wait3A_91 = tpu.memref_squeeze %dma_wait3A_90 : memref<1x128x128xf32, #tpu.memory_space<hbm>> -> memref<128x128xf32, #tpu.memory_space<hbm>>
    %dma_wait3A_92 = arith.constant 0 : i32
    %dma_wait3A_93 = arith.constant 0 : i32
    %dma_wait3A_94 = tpu.memref_slice %arg6[%dma_wait3A, %dma_wait3A_92, %dma_wait3A_93] : memref<5x128x128xf32, #tpu.memory_space<vmem>> -> memref<1x128x128xf32, #tpu.memory_space<vmem>>
    %dma_wait3A_95 = tpu.memref_squeeze %dma_wait3A_94 : memref<1x128x128xf32, #tpu.memory_space<vmem>> -> memref<128x128xf32, #tpu.memory_space<vmem>>
    tpu.wait_dma2 semaphore(%arg12 : memref<!tpu.dma_semaphore, #tpu.memory_space<semaphore_mem>>) src(%dma_wait3A_95 : memref<128x128xf32, #tpu.memory_space<vmem>>) dst(%dma_wait3A_91 : memref<128x128xf32, #tpu.memory_space<hbm>>)
    %dma_wait3A_96 = arith.constant 1 : i32
    %dma_wait3A_97 = arith.constant 0 : i32
    %dma_wait3A_98 = arith.constant 0 : i32
    %dma_wait3A_99 = arith.constant 0 : i32
    %dma_wait3A_100 = tpu.memref_slice %arg6[%dma_wait3A_96, %dma_wait3A_98, %dma_wait3A_99] : memref<5x128x128xf32, #tpu.memory_space<vmem>> -> memref<1x128x128xf32, #tpu.memory_space<vmem>>
    %dma_wait3A_101 = tpu.memref_squeeze %dma_wait3A_100 : memref<1x128x128xf32, #tpu.memory_space<vmem>> -> memref<128x128xf32, #tpu.memory_space<vmem>>
    %dma_wait3A_102 = arith.constant 0 : i32
    %dma_wait3A_103 = arith.constant 0 : i32
    %dma_wait3A_104 = tpu.memref_slice %arg4[%dma_wait3A_97, %dma_wait3A_102, %dma_wait3A_103] : memref<16x10240x128xf32, #tpu.memory_space<hbm>> -> memref<1x128x128xf32, #tpu.memory_space<hbm>>
    %dma_wait3A_105 = tpu.memref_squeeze %dma_wait3A_104 : memref<1x128x128xf32, #tpu.memory_space<hbm>> -> memref<128x128xf32, #tpu.memory_space<hbm>>
    %dma_wait3A_106 = arith.constant 0 : i32
    %dma_wait3A_107 = arith.constant 0 : i32
    %dma_wait3A_108 = tpu.memref_slice %arg4[%dma_wait3A_97, %dma_wait3A_106, %dma_wait3A_107] : memref<16x10240x128xf32, #tpu.memory_space<hbm>> -> memref<1x128x128xf32, #tpu.memory_space<hbm>>
    %dma_wait3A_109 = tpu.memref_squeeze %dma_wait3A_108 : memref<1x128x128xf32, #tpu.memory_space<hbm>> -> memref<128x128xf32, #tpu.memory_space<hbm>>
    %dma_wait3A_110 = arith.constant 0 : i32
    %dma_wait3A_111 = arith.constant 0 : i32
    %dma_wait3A_112 = tpu.memref_slice %arg6[%dma_wait3A_96, %dma_wait3A_110, %dma_wait3A_111] : memref<5x128x128xf32, #tpu.memory_space<vmem>> -> memref<1x128x128xf32, #tpu.memory_space<vmem>>
    %dma_wait3A_113 = tpu.memref_squeeze %dma_wait3A_112 : memref<1x128x128xf32, #tpu.memory_space<vmem>> -> memref<128x128xf32, #tpu.memory_space<vmem>>
    tpu.wait_dma2 semaphore(%arg13 : memref<!tpu.dma_semaphore, #tpu.memory_space<semaphore_mem>>) src(%dma_wait3A_113 : memref<128x128xf32, #tpu.memory_space<vmem>>) dst(%dma_wait3A_109 : memref<128x128xf32, #tpu.memory_space<hbm>>)
    %dma_wait3A_114 = arith.constant 2 : i32
    %dma_wait3A_115 = arith.constant 0 : i32
    %dma_wait3A_116 = arith.constant 0 : i32
    %dma_wait3A_117 = arith.constant 0 : i32
    %dma_wait3A_118 = tpu.memref_slice %arg6[%dma_wait3A_114, %dma_wait3A_116, %dma_wait3A_117] : memref<5x128x128xf32, #tpu.memory_space<vmem>> -> memref<1x128x128xf32, #tpu.memory_space<vmem>>
    %dma_wait3A_119 = tpu.memref_squeeze %dma_wait3A_118 : memref<1x128x128xf32, #tpu.memory_space<vmem>> -> memref<128x128xf32, #tpu.memory_space<vmem>>
    %dma_wait3A_120 = arith.constant 0 : i32
    %dma_wait3A_121 = arith.constant 0 : i32
    %dma_wait3A_122 = tpu.memref_slice %arg4[%dma_wait3A_115, %dma_wait3A_120, %dma_wait3A_121] : memref<16x10240x128xf32, #tpu.memory_space<hbm>> -> memref<1x128x128xf32, #tpu.memory_space<hbm>>
    %dma_wait3A_123 = tpu.memref_squeeze %dma_wait3A_122 : memref<1x128x128xf32, #tpu.memory_space<hbm>> -> memref<128x128xf32, #tpu.memory_space<hbm>>
    %dma_wait3A_124 = arith.constant 0 : i32
    %dma_wait3A_125 = arith.constant 0 : i32
    %dma_wait3A_126 = tpu.memref_slice %arg4[%dma_wait3A_115, %dma_wait3A_124, %dma_wait3A_125] : memref<16x10240x128xf32, #tpu.memory_space<hbm>> -> memref<1x128x128xf32, #tpu.memory_space<hbm>>
    %dma_wait3A_127 = tpu.memref_squeeze %dma_wait3A_126 : memref<1x128x128xf32, #tpu.memory_space<hbm>> -> memref<128x128xf32, #tpu.memory_space<hbm>>
    %dma_wait3A_128 = arith.constant 0 : i32
    %dma_wait3A_129 = arith.constant 0 : i32
    %dma_wait3A_130 = tpu.memref_slice %arg6[%dma_wait3A_114, %dma_wait3A_128, %dma_wait3A_129] : memref<5x128x128xf32, #tpu.memory_space<vmem>> -> memref<1x128x128xf32, #tpu.memory_space<vmem>>
    %dma_wait3A_131 = tpu.memref_squeeze %dma_wait3A_130 : memref<1x128x128xf32, #tpu.memory_space<vmem>> -> memref<128x128xf32, #tpu.memory_space<vmem>>
    tpu.wait_dma2 semaphore(%arg14 : memref<!tpu.dma_semaphore, #tpu.memory_space<semaphore_mem>>) src(%dma_wait3A_131 : memref<128x128xf32, #tpu.memory_space<vmem>>) dst(%dma_wait3A_127 : memref<128x128xf32, #tpu.memory_space<hbm>>)
    %dma_wait3A_132 = arith.constant 3 : i32
    %dma_wait3A_133 = arith.constant 0 : i32
    %dma_wait3A_134 = arith.constant 0 : i32
    %dma_wait3A_135 = arith.constant 0 : i32
    %dma_wait3A_136 = tpu.memref_slice %arg6[%dma_wait3A_132, %dma_wait3A_134, %dma_wait3A_135] : memref<5x128x128xf32, #tpu.memory_space<vmem>> -> memref<1x128x128xf32, #tpu.memory_space<vmem>>
    %dma_wait3A_137 = tpu.memref_squeeze %dma_wait3A_136 : memref<1x128x128xf32, #tpu.memory_space<vmem>> -> memref<128x128xf32, #tpu.memory_space<vmem>>
    %dma_wait3A_138 = arith.constant 0 : i32
    %dma_wait3A_139 = arith.constant 0 : i32
    %dma_wait3A_140 = tpu.memref_slice %arg4[%dma_wait3A_133, %dma_wait3A_138, %dma_wait3A_139] : memref<16x10240x128xf32, #tpu.memory_space<hbm>> -> memref<1x128x128xf32, #tpu.memory_space<hbm>>
    %dma_wait3A_141 = tpu.memref_squeeze %dma_wait3A_140 : memref<1x128x128xf32, #tpu.memory_space<hbm>> -> memref<128x128xf32, #tpu.memory_space<hbm>>
    %dma_wait3A_142 = arith.constant 0 : i32
    %dma_wait3A_143 = arith.constant 0 : i32
    %dma_wait3A_144 = tpu.memref_slice %arg4[%dma_wait3A_133, %dma_wait3A_142, %dma_wait3A_143] : memref<16x10240x128xf32, #tpu.memory_space<hbm>> -> memref<1x128x128xf32, #tpu.memory_space<hbm>>
    %dma_wait3A_145 = tpu.memref_squeeze %dma_wait3A_144 : memref<1x128x128xf32, #tpu.memory_space<hbm>> -> memref<128x128xf32, #tpu.memory_space<hbm>>
    %dma_wait3A_146 = arith.constant 0 : i32
    %dma_wait3A_147 = arith.constant 0 : i32
    %dma_wait3A_148 = tpu.memref_slice %arg6[%dma_wait3A_132, %dma_wait3A_146, %dma_wait3A_147] : memref<5x128x128xf32, #tpu.memory_space<vmem>> -> memref<1x128x128xf32, #tpu.memory_space<vmem>>
    %dma_wait3A_149 = tpu.memref_squeeze %dma_wait3A_148 : memref<1x128x128xf32, #tpu.memory_space<vmem>> -> memref<128x128xf32, #tpu.memory_space<vmem>>
    tpu.wait_dma2 semaphore(%arg15 : memref<!tpu.dma_semaphore, #tpu.memory_space<semaphore_mem>>) src(%dma_wait3A_149 : memref<128x128xf32, #tpu.memory_space<vmem>>) dst(%dma_wait3A_145 : memref<128x128xf32, #tpu.memory_space<hbm>>)
    %dma_wait3A_150 = arith.constant 4 : i32
    %dma_wait3A_151 = arith.constant 0 : i32
    %dma_wait3A_152 = arith.constant 0 : i32
    %dma_wait3A_153 = arith.constant 0 : i32
    %dma_wait3A_154 = tpu.memref_slice %arg6[%dma_wait3A_150, %dma_wait3A_152, %dma_wait3A_153] : memref<5x128x128xf32, #tpu.memory_space<vmem>> -> memref<1x128x128xf32, #tpu.memory_space<vmem>>
    %dma_wait3A_155 = tpu.memref_squeeze %dma_wait3A_154 : memref<1x128x128xf32, #tpu.memory_space<vmem>> -> memref<128x128xf32, #tpu.memory_space<vmem>>
    %dma_wait3A_156 = arith.constant 0 : i32
    %dma_wait3A_157 = arith.constant 0 : i32
    %dma_wait3A_158 = tpu.memref_slice %arg4[%dma_wait3A_151, %dma_wait3A_156, %dma_wait3A_157] : memref<16x10240x128xf32, #tpu.memory_space<hbm>> -> memref<1x128x128xf32, #tpu.memory_space<hbm>>
    %dma_wait3A_159 = tpu.memref_squeeze %dma_wait3A_158 : memref<1x128x128xf32, #tpu.memory_space<hbm>> -> memref<128x128xf32, #tpu.memory_space<hbm>>
    %dma_wait3A_160 = arith.constant 0 : i32
    %dma_wait3A_161 = arith.constant 0 : i32
    %dma_wait3A_162 = tpu.memref_slice %arg4[%dma_wait3A_151, %dma_wait3A_160, %dma_wait3A_161] : memref<16x10240x128xf32, #tpu.memory_space<hbm>> -> memref<1x128x128xf32, #tpu.memory_space<hbm>>
    %dma_wait3A_163 = tpu.memref_squeeze %dma_wait3A_162 : memref<1x128x128xf32, #tpu.memory_space<hbm>> -> memref<128x128xf32, #tpu.memory_space<hbm>>
    %dma_wait3A_164 = arith.constant 0 : i32
    %dma_wait3A_165 = arith.constant 0 : i32
    %dma_wait3A_166 = tpu.memref_slice %arg6[%dma_wait3A_150, %dma_wait3A_164, %dma_wait3A_165] : memref<5x128x128xf32, #tpu.memory_space<vmem>> -> memref<1x128x128xf32, #tpu.memory_space<vmem>>
    %dma_wait3A_167 = tpu.memref_squeeze %dma_wait3A_166 : memref<1x128x128xf32, #tpu.memory_space<vmem>> -> memref<128x128xf32, #tpu.memory_space<vmem>>
    tpu.wait_dma2 semaphore(%arg16 : memref<!tpu.dma_semaphore, #tpu.memory_space<semaphore_mem>>) src(%dma_wait3A_167 : memref<128x128xf32, #tpu.memory_space<vmem>>) dst(%dma_wait3A_163 : memref<128x128xf32, #tpu.memory_space<hbm>>)
    return
  }
}

module attributes {stable_mosaic.version = 14 : i64} {
  func.func @_knn_body(%arg0: i32, %arg1: i32, %arg2: memref<1x256x8xf32, #tpu.memory_space<vmem>>, %arg3: memref<1x8x2048xf32, #tpu.memory_space<vmem>>, %arg4: memref<1x256x1xf32, #tpu.memory_space<vmem>>, %arg5: memref<1x1x2048xf32, #tpu.memory_space<vmem>>, %arg6: memref<1x256x16xi32, #tpu.memory_space<vmem>>) attributes {dimension_semantics = [#tpu.dimension_semantics<arbitrary>, #tpu.dimension_semantics<arbitrary>], iteration_bounds = array<i64: 5, 8>, scalar_prefetch = 0 : i64, scratch_operands = 0 : i64, tpu.core_type = #tpu.core_type<tc>, window_params = [{transform_indices = @transform_0, window_bounds = array<i64: 1, 256, 8>}, {transform_indices = @transform_1, window_bounds = array<i64: 1, 8, 2048>}, {transform_indices = @transform_2, window_bounds = array<i64: 1, 256, 1>}, {transform_indices = @transform_3, window_bounds = array<i64: 1, 1, 2048>}, {transform_indices = @transform_4, window_bounds = array<i64: 1, 256, 16>}]} {
    %get3A = arith.constant 0 : index
    %get3A_0 = arith.constant 0 : index
    %get3A_1 = arith.constant 0 : index
    %get3A_2 = vector.load %arg2[%get3A, %get3A_0, %get3A_1] : memref<1x256x8xf32, #tpu.memory_space<vmem>>, vector<1x256x8xf32>
    %get3A_3 = vector.shape_cast %get3A_2 : vector<1x256x8xf32> to vector<256x8xf32>
    %get3A_4 = arith.constant 0 : index
    %get3A_5 = arith.constant 0 : index
    %get3A_6 = arith.constant 0 : index
    %get3A_7 = vector.load %arg3[%get3A_4, %get3A_5, %get3A_6] : memref<1x8x2048xf32, #tpu.memory_space<vmem>>, vector<1x8x2048xf32>
    %get3A_8 = vector.shape_cast %get3A_7 : vector<1x8x2048xf32> to vector<8x2048xf32>
    %dot_general3A = arith.constant dense<0.000000e+00> : vector<256x2048xf32>
    %dot_general3A_9 = tpu.matmul %get3A_3, %get3A_8, %dot_general3A {dimension_numbers = #tpu.dot_dimension_numbers<[1], [0], [0], [1], [0, 0, 1, 1], [], []>, transpose_lhs_hint = false} : vector<256x8xf32>, vector<8x2048xf32>, vector<256x2048xf32> -> vector<256x2048xf32>
    %get3A_10 = arith.constant 0 : index
    %get3A_11 = arith.constant 0 : index
    %get3A_12 = arith.constant 0 : index
    %get3A_13 = vector.load %arg4[%get3A_10, %get3A_11, %get3A_12] : memref<1x256x1xf32, #tpu.memory_space<vmem>>, vector<1x256x1xf32>
    %get3A_14 = vector.shape_cast %get3A_13 : vector<1x256x1xf32> to vector<256x1xf32>
    %get3A_15 = arith.constant 0 : index
    %get3A_16 = arith.constant 0 : index
    %get3A_17 = arith.constant 0 : index
    %get3A_18 = vector.load %arg5[%get3A_15, %get3A_16, %get3A_17] : memref<1x1x2048xf32, #tpu.memory_space<vmem>>, vector<1x1x2048xf32>
    %get3A_19 = vector.shape_cast %get3A_18 : vector<1x1x2048xf32> to vector<1x2048xf32>
    %add3A = vector.broadcast %get3A_14 : vector<256x1xf32> to vector<256x2048xf32>
    %add3A_20 = vector.broadcast %get3A_19 : vector<1x2048xf32> to vector<256x2048xf32>
    %add3A_21 = arith.addf %add3A, %add3A_20 : vector<256x2048xf32>
    %mul3A = arith.constant 2.000000e+00 : f32
    %mul3A_22 = vector.broadcast %mul3A : f32 to vector<256x2048xf32>
    %mul3A_23 = arith.mulf %mul3A_22, %dot_general3A_9 : vector<256x2048xf32>
    %sub3A = arith.subf %add3A_21, %mul3A_23 : vector<256x2048xf32>
    %mul3A_24 = arith.constant 256 : i32
    %mul3A_25 = arith.muli %arg1, %mul3A_24 : i32
    %iota3A = tpu.iota {dimensions = array<i32: 0>} : vector<256x2048xi32>
    %add3A_26 = vector.broadcast %mul3A_25 : i32 to vector<256x2048xi32>
    %add3A_27 = arith.addi %add3A_26, %iota3A : vector<256x2048xi32>
    %iota3A_28 = tpu.iota {dimensions = array<i32: 1>} : vector<256x2048xi32>
    %eq3A = arith.cmpi eq, %iota3A_28, %add3A_27 : vector<256x2048xi32>
    %jit3A = arith.constant 1.000000e+10 : f32
    %jit3A_29 = arith.constant 0.000000e+00 : f32
    %broadcast_in_dim3A = vector.broadcast %jit3A : f32 to vector<256x2048xf32>
    %broadcast_in_dim3A_30 = vector.broadcast %jit3A_29 : f32 to vector<256x2048xf32>
    %select_n3A = arith.select %eq3A, %broadcast_in_dim3A, %broadcast_in_dim3A_30 : vector<256x2048xi1>, vector<256x2048xf32>
    %add3A_31 = arith.addf %sub3A, %select_n3A : vector<256x2048xf32>
    %ge3A = arith.constant 2000 : i32
    %ge3A_32 = vector.broadcast %ge3A : i32 to vector<256x2048xi32>
    %ge3A_33 = arith.cmpi sge, %iota3A_28, %ge3A_32 : vector<256x2048xi32>
    %jit3A_34 = arith.constant 0x7F800000 : f32
    %broadcast_in_dim3A_35 = vector.broadcast %jit3A_34 : f32 to vector<256x2048xf32>
    %select_n3A_36 = arith.select %ge3A_33, %broadcast_in_dim3A_35, %add3A_31 : vector<256x2048xi1>, vector<256x2048xf32>
    %broadcast_in_dim3A_37 = arith.constant 0 : i32
    %broadcast_in_dim3A_38 = vector.broadcast %broadcast_in_dim3A_37 : i32 to vector<256x16xi32>
    %iota3A_39 = tpu.iota {dimensions = array<i32: 1>} : vector<256x16xi32>
    %reduce_min3A = arith.constant dense<0x7F800000> : vector<256xf32>
    %reduce_min3A_40 = vector.multi_reduction <minimumf>, %select_n3A_36, %reduce_min3A [1] : vector<256x2048xf32> to vector<256xf32>
    %broadcast_in_dim3A_41 = vector.shape_cast %reduce_min3A_40 : vector<256xf32> to vector<256x1xf32>
    %eq3A_42 = vector.broadcast %broadcast_in_dim3A_41 : vector<256x1xf32> to vector<256x2048xf32>
    %eq3A_43 = arith.cmpf oeq, %select_n3A_36, %eq3A_42 : vector<256x2048xf32>
    %jit3A_44 = arith.constant 1073741824 : i32
    %broadcast_in_dim3A_45 = vector.broadcast %jit3A_44 : i32 to vector<256x2048xi32>
    %select_n3A_46 = arith.select %eq3A_43, %iota3A_28, %broadcast_in_dim3A_45 : vector<256x2048xi1>, vector<256x2048xi32>
    %reduce_min3A_47 = arith.constant dense<2147483647> : vector<256xi32>
    %reduce_min3A_48 = vector.multi_reduction <minsi>, %select_n3A_46, %reduce_min3A_47 [1] : vector<256x2048xi32> to vector<256xi32>
    %broadcast_in_dim3A_49 = vector.shape_cast %reduce_min3A_48 : vector<256xi32> to vector<256x1xi32>
    %eq3A_50 = arith.constant 0 : i32
    %eq3A_51 = vector.broadcast %eq3A_50 : i32 to vector<256x16xi32>
    %eq3A_52 = arith.cmpi eq, %iota3A_39, %eq3A_51 : vector<256x16xi32>
    %mul3A_53 = arith.constant 2000 : i32
    %mul3A_54 = arith.muli %arg0, %mul3A_53 : i32
    %add3A_55 = vector.broadcast %mul3A_54 : i32 to vector<256x1xi32>
    %add3A_56 = arith.addi %broadcast_in_dim3A_49, %add3A_55 : vector<256x1xi32>
    %broadcast_in_dim3A_57 = vector.shape_cast %add3A_56 : vector<256x1xi32> to vector<256x1xi32>
    %broadcast_in_dim3A_58 = vector.broadcast %broadcast_in_dim3A_57 : vector<256x1xi32> to vector<256x16xi32>
    %select_n3A_59 = arith.select %eq3A_52, %broadcast_in_dim3A_58, %broadcast_in_dim3A_38 : vector<256x16xi1>, vector<256x16xi32>
    %eq3A_60 = vector.broadcast %broadcast_in_dim3A_49 : vector<256x1xi32> to vector<256x2048xi32>
    %eq3A_61 = arith.cmpi eq, %iota3A_28, %eq3A_60 : vector<256x2048xi32>
    %jit3A_62 = arith.constant 0x7F800000 : f32
    %broadcast_in_dim3A_63 = vector.broadcast %jit3A_62 : f32 to vector<256x2048xf32>
    %select_n3A_64 = arith.select %eq3A_61, %broadcast_in_dim3A_63, %select_n3A_36 : vector<256x2048xi1>, vector<256x2048xf32>
    %reduce_min3A_65 = arith.constant dense<0x7F800000> : vector<256xf32>
    %reduce_min3A_66 = vector.multi_reduction <minimumf>, %select_n3A_64, %reduce_min3A_65 [1] : vector<256x2048xf32> to vector<256xf32>
    %broadcast_in_dim3A_67 = vector.shape_cast %reduce_min3A_66 : vector<256xf32> to vector<256x1xf32>
    %eq3A_68 = vector.broadcast %broadcast_in_dim3A_67 : vector<256x1xf32> to vector<256x2048xf32>
    %eq3A_69 = arith.cmpf oeq, %select_n3A_64, %eq3A_68 : vector<256x2048xf32>
    %jit3A_70 = arith.constant 1073741824 : i32
    %broadcast_in_dim3A_71 = vector.broadcast %jit3A_70 : i32 to vector<256x2048xi32>
    %select_n3A_72 = arith.select %eq3A_69, %iota3A_28, %broadcast_in_dim3A_71 : vector<256x2048xi1>, vector<256x2048xi32>
    %reduce_min3A_73 = arith.constant dense<2147483647> : vector<256xi32>
    %reduce_min3A_74 = vector.multi_reduction <minsi>, %select_n3A_72, %reduce_min3A_73 [1] : vector<256x2048xi32> to vector<256xi32>
    %broadcast_in_dim3A_75 = vector.shape_cast %reduce_min3A_74 : vector<256xi32> to vector<256x1xi32>
    %eq3A_76 = arith.constant 1 : i32
    %eq3A_77 = vector.broadcast %eq3A_76 : i32 to vector<256x16xi32>
    %eq3A_78 = arith.cmpi eq, %iota3A_39, %eq3A_77 : vector<256x16xi32>
    %mul3A_79 = arith.constant 2000 : i32
    %mul3A_80 = arith.muli %arg0, %mul3A_79 : i32
    %add3A_81 = vector.broadcast %mul3A_80 : i32 to vector<256x1xi32>
    %add3A_82 = arith.addi %broadcast_in_dim3A_75, %add3A_81 : vector<256x1xi32>
    %broadcast_in_dim3A_83 = vector.shape_cast %add3A_82 : vector<256x1xi32> to vector<256x1xi32>
    %broadcast_in_dim3A_84 = vector.broadcast %broadcast_in_dim3A_83 : vector<256x1xi32> to vector<256x16xi32>
    %select_n3A_85 = arith.select %eq3A_78, %broadcast_in_dim3A_84, %select_n3A_59 : vector<256x16xi1>, vector<256x16xi32>
    %eq3A_86 = vector.broadcast %broadcast_in_dim3A_75 : vector<256x1xi32> to vector<256x2048xi32>
    %eq3A_87 = arith.cmpi eq, %iota3A_28, %eq3A_86 : vector<256x2048xi32>
    %jit3A_88 = arith.constant 0x7F800000 : f32
    %broadcast_in_dim3A_89 = vector.broadcast %jit3A_88 : f32 to vector<256x2048xf32>
    %select_n3A_90 = arith.select %eq3A_87, %broadcast_in_dim3A_89, %select_n3A_64 : vector<256x2048xi1>, vector<256x2048xf32>
    %reduce_min3A_91 = arith.constant dense<0x7F800000> : vector<256xf32>
    %reduce_min3A_92 = vector.multi_reduction <minimumf>, %select_n3A_90, %reduce_min3A_91 [1] : vector<256x2048xf32> to vector<256xf32>
    %broadcast_in_dim3A_93 = vector.shape_cast %reduce_min3A_92 : vector<256xf32> to vector<256x1xf32>
    %eq3A_94 = vector.broadcast %broadcast_in_dim3A_93 : vector<256x1xf32> to vector<256x2048xf32>
    %eq3A_95 = arith.cmpf oeq, %select_n3A_90, %eq3A_94 : vector<256x2048xf32>
    %jit3A_96 = arith.constant 1073741824 : i32
    %broadcast_in_dim3A_97 = vector.broadcast %jit3A_96 : i32 to vector<256x2048xi32>
    %select_n3A_98 = arith.select %eq3A_95, %iota3A_28, %broadcast_in_dim3A_97 : vector<256x2048xi1>, vector<256x2048xi32>
    %reduce_min3A_99 = arith.constant dense<2147483647> : vector<256xi32>
    %reduce_min3A_100 = vector.multi_reduction <minsi>, %select_n3A_98, %reduce_min3A_99 [1] : vector<256x2048xi32> to vector<256xi32>
    %broadcast_in_dim3A_101 = vector.shape_cast %reduce_min3A_100 : vector<256xi32> to vector<256x1xi32>
    %eq3A_102 = arith.constant 2 : i32
    %eq3A_103 = vector.broadcast %eq3A_102 : i32 to vector<256x16xi32>
    %eq3A_104 = arith.cmpi eq, %iota3A_39, %eq3A_103 : vector<256x16xi32>
    %mul3A_105 = arith.constant 2000 : i32
    %mul3A_106 = arith.muli %arg0, %mul3A_105 : i32
    %add3A_107 = vector.broadcast %mul3A_106 : i32 to vector<256x1xi32>
    %add3A_108 = arith.addi %broadcast_in_dim3A_101, %add3A_107 : vector<256x1xi32>
    %broadcast_in_dim3A_109 = vector.shape_cast %add3A_108 : vector<256x1xi32> to vector<256x1xi32>
    %broadcast_in_dim3A_110 = vector.broadcast %broadcast_in_dim3A_109 : vector<256x1xi32> to vector<256x16xi32>
    %select_n3A_111 = arith.select %eq3A_104, %broadcast_in_dim3A_110, %select_n3A_85 : vector<256x16xi1>, vector<256x16xi32>
    %eq3A_112 = vector.broadcast %broadcast_in_dim3A_101 : vector<256x1xi32> to vector<256x2048xi32>
    %eq3A_113 = arith.cmpi eq, %iota3A_28, %eq3A_112 : vector<256x2048xi32>
    %jit3A_114 = arith.constant 0x7F800000 : f32
    %broadcast_in_dim3A_115 = vector.broadcast %jit3A_114 : f32 to vector<256x2048xf32>
    %select_n3A_116 = arith.select %eq3A_113, %broadcast_in_dim3A_115, %select_n3A_90 : vector<256x2048xi1>, vector<256x2048xf32>
    %reduce_min3A_117 = arith.constant dense<0x7F800000> : vector<256xf32>
    %reduce_min3A_118 = vector.multi_reduction <minimumf>, %select_n3A_116, %reduce_min3A_117 [1] : vector<256x2048xf32> to vector<256xf32>
    %broadcast_in_dim3A_119 = vector.shape_cast %reduce_min3A_118 : vector<256xf32> to vector<256x1xf32>
    %eq3A_120 = vector.broadcast %broadcast_in_dim3A_119 : vector<256x1xf32> to vector<256x2048xf32>
    %eq3A_121 = arith.cmpf oeq, %select_n3A_116, %eq3A_120 : vector<256x2048xf32>
    %jit3A_122 = arith.constant 1073741824 : i32
    %broadcast_in_dim3A_123 = vector.broadcast %jit3A_122 : i32 to vector<256x2048xi32>
    %select_n3A_124 = arith.select %eq3A_121, %iota3A_28, %broadcast_in_dim3A_123 : vector<256x2048xi1>, vector<256x2048xi32>
    %reduce_min3A_125 = arith.constant dense<2147483647> : vector<256xi32>
    %reduce_min3A_126 = vector.multi_reduction <minsi>, %select_n3A_124, %reduce_min3A_125 [1] : vector<256x2048xi32> to vector<256xi32>
    %broadcast_in_dim3A_127 = vector.shape_cast %reduce_min3A_126 : vector<256xi32> to vector<256x1xi32>
    %eq3A_128 = arith.constant 3 : i32
    %eq3A_129 = vector.broadcast %eq3A_128 : i32 to vector<256x16xi32>
    %eq3A_130 = arith.cmpi eq, %iota3A_39, %eq3A_129 : vector<256x16xi32>
    %mul3A_131 = arith.constant 2000 : i32
    %mul3A_132 = arith.muli %arg0, %mul3A_131 : i32
    %add3A_133 = vector.broadcast %mul3A_132 : i32 to vector<256x1xi32>
    %add3A_134 = arith.addi %broadcast_in_dim3A_127, %add3A_133 : vector<256x1xi32>
    %broadcast_in_dim3A_135 = vector.shape_cast %add3A_134 : vector<256x1xi32> to vector<256x1xi32>
    %broadcast_in_dim3A_136 = vector.broadcast %broadcast_in_dim3A_135 : vector<256x1xi32> to vector<256x16xi32>
    %select_n3A_137 = arith.select %eq3A_130, %broadcast_in_dim3A_136, %select_n3A_111 : vector<256x16xi1>, vector<256x16xi32>
    %eq3A_138 = vector.broadcast %broadcast_in_dim3A_127 : vector<256x1xi32> to vector<256x2048xi32>
    %eq3A_139 = arith.cmpi eq, %iota3A_28, %eq3A_138 : vector<256x2048xi32>
    %jit3A_140 = arith.constant 0x7F800000 : f32
    %broadcast_in_dim3A_141 = vector.broadcast %jit3A_140 : f32 to vector<256x2048xf32>
    %select_n3A_142 = arith.select %eq3A_139, %broadcast_in_dim3A_141, %select_n3A_116 : vector<256x2048xi1>, vector<256x2048xf32>
    %reduce_min3A_143 = arith.constant dense<0x7F800000> : vector<256xf32>
    %reduce_min3A_144 = vector.multi_reduction <minimumf>, %select_n3A_142, %reduce_min3A_143 [1] : vector<256x2048xf32> to vector<256xf32>
    %broadcast_in_dim3A_145 = vector.shape_cast %reduce_min3A_144 : vector<256xf32> to vector<256x1xf32>
    %eq3A_146 = vector.broadcast %broadcast_in_dim3A_145 : vector<256x1xf32> to vector<256x2048xf32>
    %eq3A_147 = arith.cmpf oeq, %select_n3A_142, %eq3A_146 : vector<256x2048xf32>
    %jit3A_148 = arith.constant 1073741824 : i32
    %broadcast_in_dim3A_149 = vector.broadcast %jit3A_148 : i32 to vector<256x2048xi32>
    %select_n3A_150 = arith.select %eq3A_147, %iota3A_28, %broadcast_in_dim3A_149 : vector<256x2048xi1>, vector<256x2048xi32>
    %reduce_min3A_151 = arith.constant dense<2147483647> : vector<256xi32>
    %reduce_min3A_152 = vector.multi_reduction <minsi>, %select_n3A_150, %reduce_min3A_151 [1] : vector<256x2048xi32> to vector<256xi32>
    %broadcast_in_dim3A_153 = vector.shape_cast %reduce_min3A_152 : vector<256xi32> to vector<256x1xi32>
    %eq3A_154 = arith.constant 4 : i32
    %eq3A_155 = vector.broadcast %eq3A_154 : i32 to vector<256x16xi32>
    %eq3A_156 = arith.cmpi eq, %iota3A_39, %eq3A_155 : vector<256x16xi32>
    %mul3A_157 = arith.constant 2000 : i32
    %mul3A_158 = arith.muli %arg0, %mul3A_157 : i32
    %add3A_159 = vector.broadcast %mul3A_158 : i32 to vector<256x1xi32>
    %add3A_160 = arith.addi %broadcast_in_dim3A_153, %add3A_159 : vector<256x1xi32>
    %broadcast_in_dim3A_161 = vector.shape_cast %add3A_160 : vector<256x1xi32> to vector<256x1xi32>
    %broadcast_in_dim3A_162 = vector.broadcast %broadcast_in_dim3A_161 : vector<256x1xi32> to vector<256x16xi32>
    %select_n3A_163 = arith.select %eq3A_156, %broadcast_in_dim3A_162, %select_n3A_137 : vector<256x16xi1>, vector<256x16xi32>
    %eq3A_164 = vector.broadcast %broadcast_in_dim3A_153 : vector<256x1xi32> to vector<256x2048xi32>
    %eq3A_165 = arith.cmpi eq, %iota3A_28, %eq3A_164 : vector<256x2048xi32>
    %jit3A_166 = arith.constant 0x7F800000 : f32
    %broadcast_in_dim3A_167 = vector.broadcast %jit3A_166 : f32 to vector<256x2048xf32>
    %select_n3A_168 = arith.select %eq3A_165, %broadcast_in_dim3A_167, %select_n3A_142 : vector<256x2048xi1>, vector<256x2048xf32>
    %reduce_min3A_169 = arith.constant dense<0x7F800000> : vector<256xf32>
    %reduce_min3A_170 = vector.multi_reduction <minimumf>, %select_n3A_168, %reduce_min3A_169 [1] : vector<256x2048xf32> to vector<256xf32>
    %broadcast_in_dim3A_171 = vector.shape_cast %reduce_min3A_170 : vector<256xf32> to vector<256x1xf32>
    %eq3A_172 = vector.broadcast %broadcast_in_dim3A_171 : vector<256x1xf32> to vector<256x2048xf32>
    %eq3A_173 = arith.cmpf oeq, %select_n3A_168, %eq3A_172 : vector<256x2048xf32>
    %jit3A_174 = arith.constant 1073741824 : i32
    %broadcast_in_dim3A_175 = vector.broadcast %jit3A_174 : i32 to vector<256x2048xi32>
    %select_n3A_176 = arith.select %eq3A_173, %iota3A_28, %broadcast_in_dim3A_175 : vector<256x2048xi1>, vector<256x2048xi32>
    %reduce_min3A_177 = arith.constant dense<2147483647> : vector<256xi32>
    %reduce_min3A_178 = vector.multi_reduction <minsi>, %select_n3A_176, %reduce_min3A_177 [1] : vector<256x2048xi32> to vector<256xi32>
    %broadcast_in_dim3A_179 = vector.shape_cast %reduce_min3A_178 : vector<256xi32> to vector<256x1xi32>
    %eq3A_180 = arith.constant 5 : i32
    %eq3A_181 = vector.broadcast %eq3A_180 : i32 to vector<256x16xi32>
    %eq3A_182 = arith.cmpi eq, %iota3A_39, %eq3A_181 : vector<256x16xi32>
    %mul3A_183 = arith.constant 2000 : i32
    %mul3A_184 = arith.muli %arg0, %mul3A_183 : i32
    %add3A_185 = vector.broadcast %mul3A_184 : i32 to vector<256x1xi32>
    %add3A_186 = arith.addi %broadcast_in_dim3A_179, %add3A_185 : vector<256x1xi32>
    %broadcast_in_dim3A_187 = vector.shape_cast %add3A_186 : vector<256x1xi32> to vector<256x1xi32>
    %broadcast_in_dim3A_188 = vector.broadcast %broadcast_in_dim3A_187 : vector<256x1xi32> to vector<256x16xi32>
    %select_n3A_189 = arith.select %eq3A_182, %broadcast_in_dim3A_188, %select_n3A_163 : vector<256x16xi1>, vector<256x16xi32>
    %eq3A_190 = vector.broadcast %broadcast_in_dim3A_179 : vector<256x1xi32> to vector<256x2048xi32>
    %eq3A_191 = arith.cmpi eq, %iota3A_28, %eq3A_190 : vector<256x2048xi32>
    %jit3A_192 = arith.constant 0x7F800000 : f32
    %broadcast_in_dim3A_193 = vector.broadcast %jit3A_192 : f32 to vector<256x2048xf32>
    %select_n3A_194 = arith.select %eq3A_191, %broadcast_in_dim3A_193, %select_n3A_168 : vector<256x2048xi1>, vector<256x2048xf32>
    %reduce_min3A_195 = arith.constant dense<0x7F800000> : vector<256xf32>
    %reduce_min3A_196 = vector.multi_reduction <minimumf>, %select_n3A_194, %reduce_min3A_195 [1] : vector<256x2048xf32> to vector<256xf32>
    %broadcast_in_dim3A_197 = vector.shape_cast %reduce_min3A_196 : vector<256xf32> to vector<256x1xf32>
    %eq3A_198 = vector.broadcast %broadcast_in_dim3A_197 : vector<256x1xf32> to vector<256x2048xf32>
    %eq3A_199 = arith.cmpf oeq, %select_n3A_194, %eq3A_198 : vector<256x2048xf32>
    %jit3A_200 = arith.constant 1073741824 : i32
    %broadcast_in_dim3A_201 = vector.broadcast %jit3A_200 : i32 to vector<256x2048xi32>
    %select_n3A_202 = arith.select %eq3A_199, %iota3A_28, %broadcast_in_dim3A_201 : vector<256x2048xi1>, vector<256x2048xi32>
    %reduce_min3A_203 = arith.constant dense<2147483647> : vector<256xi32>
    %reduce_min3A_204 = vector.multi_reduction <minsi>, %select_n3A_202, %reduce_min3A_203 [1] : vector<256x2048xi32> to vector<256xi32>
    %broadcast_in_dim3A_205 = vector.shape_cast %reduce_min3A_204 : vector<256xi32> to vector<256x1xi32>
    %eq3A_206 = arith.constant 6 : i32
    %eq3A_207 = vector.broadcast %eq3A_206 : i32 to vector<256x16xi32>
    %eq3A_208 = arith.cmpi eq, %iota3A_39, %eq3A_207 : vector<256x16xi32>
    %mul3A_209 = arith.constant 2000 : i32
    %mul3A_210 = arith.muli %arg0, %mul3A_209 : i32
    %add3A_211 = vector.broadcast %mul3A_210 : i32 to vector<256x1xi32>
    %add3A_212 = arith.addi %broadcast_in_dim3A_205, %add3A_211 : vector<256x1xi32>
    %broadcast_in_dim3A_213 = vector.shape_cast %add3A_212 : vector<256x1xi32> to vector<256x1xi32>
    %broadcast_in_dim3A_214 = vector.broadcast %broadcast_in_dim3A_213 : vector<256x1xi32> to vector<256x16xi32>
    %select_n3A_215 = arith.select %eq3A_208, %broadcast_in_dim3A_214, %select_n3A_189 : vector<256x16xi1>, vector<256x16xi32>
    %eq3A_216 = vector.broadcast %broadcast_in_dim3A_205 : vector<256x1xi32> to vector<256x2048xi32>
    %eq3A_217 = arith.cmpi eq, %iota3A_28, %eq3A_216 : vector<256x2048xi32>
    %jit3A_218 = arith.constant 0x7F800000 : f32
    %broadcast_in_dim3A_219 = vector.broadcast %jit3A_218 : f32 to vector<256x2048xf32>
    %select_n3A_220 = arith.select %eq3A_217, %broadcast_in_dim3A_219, %select_n3A_194 : vector<256x2048xi1>, vector<256x2048xf32>
    %reduce_min3A_221 = arith.constant dense<0x7F800000> : vector<256xf32>
    %reduce_min3A_222 = vector.multi_reduction <minimumf>, %select_n3A_220, %reduce_min3A_221 [1] : vector<256x2048xf32> to vector<256xf32>
    %broadcast_in_dim3A_223 = vector.shape_cast %reduce_min3A_222 : vector<256xf32> to vector<256x1xf32>
    %eq3A_224 = vector.broadcast %broadcast_in_dim3A_223 : vector<256x1xf32> to vector<256x2048xf32>
    %eq3A_225 = arith.cmpf oeq, %select_n3A_220, %eq3A_224 : vector<256x2048xf32>
    %jit3A_226 = arith.constant 1073741824 : i32
    %broadcast_in_dim3A_227 = vector.broadcast %jit3A_226 : i32 to vector<256x2048xi32>
    %select_n3A_228 = arith.select %eq3A_225, %iota3A_28, %broadcast_in_dim3A_227 : vector<256x2048xi1>, vector<256x2048xi32>
    %reduce_min3A_229 = arith.constant dense<2147483647> : vector<256xi32>
    %reduce_min3A_230 = vector.multi_reduction <minsi>, %select_n3A_228, %reduce_min3A_229 [1] : vector<256x2048xi32> to vector<256xi32>
    %broadcast_in_dim3A_231 = vector.shape_cast %reduce_min3A_230 : vector<256xi32> to vector<256x1xi32>
    %eq3A_232 = arith.constant 7 : i32
    %eq3A_233 = vector.broadcast %eq3A_232 : i32 to vector<256x16xi32>
    %eq3A_234 = arith.cmpi eq, %iota3A_39, %eq3A_233 : vector<256x16xi32>
    %mul3A_235 = arith.constant 2000 : i32
    %mul3A_236 = arith.muli %arg0, %mul3A_235 : i32
    %add3A_237 = vector.broadcast %mul3A_236 : i32 to vector<256x1xi32>
    %add3A_238 = arith.addi %broadcast_in_dim3A_231, %add3A_237 : vector<256x1xi32>
    %broadcast_in_dim3A_239 = vector.shape_cast %add3A_238 : vector<256x1xi32> to vector<256x1xi32>
    %broadcast_in_dim3A_240 = vector.broadcast %broadcast_in_dim3A_239 : vector<256x1xi32> to vector<256x16xi32>
    %select_n3A_241 = arith.select %eq3A_234, %broadcast_in_dim3A_240, %select_n3A_215 : vector<256x16xi1>, vector<256x16xi32>
    %eq3A_242 = vector.broadcast %broadcast_in_dim3A_231 : vector<256x1xi32> to vector<256x2048xi32>
    %eq3A_243 = arith.cmpi eq, %iota3A_28, %eq3A_242 : vector<256x2048xi32>
    %jit3A_244 = arith.constant 0x7F800000 : f32
    %broadcast_in_dim3A_245 = vector.broadcast %jit3A_244 : f32 to vector<256x2048xf32>
    %select_n3A_246 = arith.select %eq3A_243, %broadcast_in_dim3A_245, %select_n3A_220 : vector<256x2048xi1>, vector<256x2048xf32>
    %reduce_min3A_247 = arith.constant dense<0x7F800000> : vector<256xf32>
    %reduce_min3A_248 = vector.multi_reduction <minimumf>, %select_n3A_246, %reduce_min3A_247 [1] : vector<256x2048xf32> to vector<256xf32>
    %broadcast_in_dim3A_249 = vector.shape_cast %reduce_min3A_248 : vector<256xf32> to vector<256x1xf32>
    %eq3A_250 = vector.broadcast %broadcast_in_dim3A_249 : vector<256x1xf32> to vector<256x2048xf32>
    %eq3A_251 = arith.cmpf oeq, %select_n3A_246, %eq3A_250 : vector<256x2048xf32>
    %jit3A_252 = arith.constant 1073741824 : i32
    %broadcast_in_dim3A_253 = vector.broadcast %jit3A_252 : i32 to vector<256x2048xi32>
    %select_n3A_254 = arith.select %eq3A_251, %iota3A_28, %broadcast_in_dim3A_253 : vector<256x2048xi1>, vector<256x2048xi32>
    %reduce_min3A_255 = arith.constant dense<2147483647> : vector<256xi32>
    %reduce_min3A_256 = vector.multi_reduction <minsi>, %select_n3A_254, %reduce_min3A_255 [1] : vector<256x2048xi32> to vector<256xi32>
    %broadcast_in_dim3A_257 = vector.shape_cast %reduce_min3A_256 : vector<256xi32> to vector<256x1xi32>
    %eq3A_258 = arith.constant 8 : i32
    %eq3A_259 = vector.broadcast %eq3A_258 : i32 to vector<256x16xi32>
    %eq3A_260 = arith.cmpi eq, %iota3A_39, %eq3A_259 : vector<256x16xi32>
    %mul3A_261 = arith.constant 2000 : i32
    %mul3A_262 = arith.muli %arg0, %mul3A_261 : i32
    %add3A_263 = vector.broadcast %mul3A_262 : i32 to vector<256x1xi32>
    %add3A_264 = arith.addi %broadcast_in_dim3A_257, %add3A_263 : vector<256x1xi32>
    %broadcast_in_dim3A_265 = vector.shape_cast %add3A_264 : vector<256x1xi32> to vector<256x1xi32>
    %broadcast_in_dim3A_266 = vector.broadcast %broadcast_in_dim3A_265 : vector<256x1xi32> to vector<256x16xi32>
    %select_n3A_267 = arith.select %eq3A_260, %broadcast_in_dim3A_266, %select_n3A_241 : vector<256x16xi1>, vector<256x16xi32>
    %eq3A_268 = vector.broadcast %broadcast_in_dim3A_257 : vector<256x1xi32> to vector<256x2048xi32>
    %eq3A_269 = arith.cmpi eq, %iota3A_28, %eq3A_268 : vector<256x2048xi32>
    %jit3A_270 = arith.constant 0x7F800000 : f32
    %broadcast_in_dim3A_271 = vector.broadcast %jit3A_270 : f32 to vector<256x2048xf32>
    %select_n3A_272 = arith.select %eq3A_269, %broadcast_in_dim3A_271, %select_n3A_246 : vector<256x2048xi1>, vector<256x2048xf32>
    %reduce_min3A_273 = arith.constant dense<0x7F800000> : vector<256xf32>
    %reduce_min3A_274 = vector.multi_reduction <minimumf>, %select_n3A_272, %reduce_min3A_273 [1] : vector<256x2048xf32> to vector<256xf32>
    %broadcast_in_dim3A_275 = vector.shape_cast %reduce_min3A_274 : vector<256xf32> to vector<256x1xf32>
    %eq3A_276 = vector.broadcast %broadcast_in_dim3A_275 : vector<256x1xf32> to vector<256x2048xf32>
    %eq3A_277 = arith.cmpf oeq, %select_n3A_272, %eq3A_276 : vector<256x2048xf32>
    %jit3A_278 = arith.constant 1073741824 : i32
    %broadcast_in_dim3A_279 = vector.broadcast %jit3A_278 : i32 to vector<256x2048xi32>
    %select_n3A_280 = arith.select %eq3A_277, %iota3A_28, %broadcast_in_dim3A_279 : vector<256x2048xi1>, vector<256x2048xi32>
    %reduce_min3A_281 = arith.constant dense<2147483647> : vector<256xi32>
    %reduce_min3A_282 = vector.multi_reduction <minsi>, %select_n3A_280, %reduce_min3A_281 [1] : vector<256x2048xi32> to vector<256xi32>
    %broadcast_in_dim3A_283 = vector.shape_cast %reduce_min3A_282 : vector<256xi32> to vector<256x1xi32>
    %eq3A_284 = arith.constant 9 : i32
    %eq3A_285 = vector.broadcast %eq3A_284 : i32 to vector<256x16xi32>
    %eq3A_286 = arith.cmpi eq, %iota3A_39, %eq3A_285 : vector<256x16xi32>
    %mul3A_287 = arith.constant 2000 : i32
    %mul3A_288 = arith.muli %arg0, %mul3A_287 : i32
    %add3A_289 = vector.broadcast %mul3A_288 : i32 to vector<256x1xi32>
    %add3A_290 = arith.addi %broadcast_in_dim3A_283, %add3A_289 : vector<256x1xi32>
    %broadcast_in_dim3A_291 = vector.shape_cast %add3A_290 : vector<256x1xi32> to vector<256x1xi32>
    %broadcast_in_dim3A_292 = vector.broadcast %broadcast_in_dim3A_291 : vector<256x1xi32> to vector<256x16xi32>
    %select_n3A_293 = arith.select %eq3A_286, %broadcast_in_dim3A_292, %select_n3A_267 : vector<256x16xi1>, vector<256x16xi32>
    %eq3A_294 = vector.broadcast %broadcast_in_dim3A_283 : vector<256x1xi32> to vector<256x2048xi32>
    %eq3A_295 = arith.cmpi eq, %iota3A_28, %eq3A_294 : vector<256x2048xi32>
    %jit3A_296 = arith.constant 0x7F800000 : f32
    %broadcast_in_dim3A_297 = vector.broadcast %jit3A_296 : f32 to vector<256x2048xf32>
    %select_n3A_298 = arith.select %eq3A_295, %broadcast_in_dim3A_297, %select_n3A_272 : vector<256x2048xi1>, vector<256x2048xf32>
    %reduce_min3A_299 = arith.constant dense<0x7F800000> : vector<256xf32>
    %reduce_min3A_300 = vector.multi_reduction <minimumf>, %select_n3A_298, %reduce_min3A_299 [1] : vector<256x2048xf32> to vector<256xf32>
    %broadcast_in_dim3A_301 = vector.shape_cast %reduce_min3A_300 : vector<256xf32> to vector<256x1xf32>
    %eq3A_302 = vector.broadcast %broadcast_in_dim3A_301 : vector<256x1xf32> to vector<256x2048xf32>
    %eq3A_303 = arith.cmpf oeq, %select_n3A_298, %eq3A_302 : vector<256x2048xf32>
    %jit3A_304 = arith.constant 1073741824 : i32
    %broadcast_in_dim3A_305 = vector.broadcast %jit3A_304 : i32 to vector<256x2048xi32>
    %select_n3A_306 = arith.select %eq3A_303, %iota3A_28, %broadcast_in_dim3A_305 : vector<256x2048xi1>, vector<256x2048xi32>
    %reduce_min3A_307 = arith.constant dense<2147483647> : vector<256xi32>
    %reduce_min3A_308 = vector.multi_reduction <minsi>, %select_n3A_306, %reduce_min3A_307 [1] : vector<256x2048xi32> to vector<256xi32>
    %broadcast_in_dim3A_309 = vector.shape_cast %reduce_min3A_308 : vector<256xi32> to vector<256x1xi32>
    %eq3A_310 = arith.constant 10 : i32
    %eq3A_311 = vector.broadcast %eq3A_310 : i32 to vector<256x16xi32>
    %eq3A_312 = arith.cmpi eq, %iota3A_39, %eq3A_311 : vector<256x16xi32>
    %mul3A_313 = arith.constant 2000 : i32
    %mul3A_314 = arith.muli %arg0, %mul3A_313 : i32
    %add3A_315 = vector.broadcast %mul3A_314 : i32 to vector<256x1xi32>
    %add3A_316 = arith.addi %broadcast_in_dim3A_309, %add3A_315 : vector<256x1xi32>
    %broadcast_in_dim3A_317 = vector.shape_cast %add3A_316 : vector<256x1xi32> to vector<256x1xi32>
    %broadcast_in_dim3A_318 = vector.broadcast %broadcast_in_dim3A_317 : vector<256x1xi32> to vector<256x16xi32>
    %select_n3A_319 = arith.select %eq3A_312, %broadcast_in_dim3A_318, %select_n3A_293 : vector<256x16xi1>, vector<256x16xi32>
    %eq3A_320 = vector.broadcast %broadcast_in_dim3A_309 : vector<256x1xi32> to vector<256x2048xi32>
    %eq3A_321 = arith.cmpi eq, %iota3A_28, %eq3A_320 : vector<256x2048xi32>
    %jit3A_322 = arith.constant 0x7F800000 : f32
    %broadcast_in_dim3A_323 = vector.broadcast %jit3A_322 : f32 to vector<256x2048xf32>
    %select_n3A_324 = arith.select %eq3A_321, %broadcast_in_dim3A_323, %select_n3A_298 : vector<256x2048xi1>, vector<256x2048xf32>
    %reduce_min3A_325 = arith.constant dense<0x7F800000> : vector<256xf32>
    %reduce_min3A_326 = vector.multi_reduction <minimumf>, %select_n3A_324, %reduce_min3A_325 [1] : vector<256x2048xf32> to vector<256xf32>
    %broadcast_in_dim3A_327 = vector.shape_cast %reduce_min3A_326 : vector<256xf32> to vector<256x1xf32>
    %eq3A_328 = vector.broadcast %broadcast_in_dim3A_327 : vector<256x1xf32> to vector<256x2048xf32>
    %eq3A_329 = arith.cmpf oeq, %select_n3A_324, %eq3A_328 : vector<256x2048xf32>
    %jit3A_330 = arith.constant 1073741824 : i32
    %broadcast_in_dim3A_331 = vector.broadcast %jit3A_330 : i32 to vector<256x2048xi32>
    %select_n3A_332 = arith.select %eq3A_329, %iota3A_28, %broadcast_in_dim3A_331 : vector<256x2048xi1>, vector<256x2048xi32>
    %reduce_min3A_333 = arith.constant dense<2147483647> : vector<256xi32>
    %reduce_min3A_334 = vector.multi_reduction <minsi>, %select_n3A_332, %reduce_min3A_333 [1] : vector<256x2048xi32> to vector<256xi32>
    %broadcast_in_dim3A_335 = vector.shape_cast %reduce_min3A_334 : vector<256xi32> to vector<256x1xi32>
    %eq3A_336 = arith.constant 11 : i32
    %eq3A_337 = vector.broadcast %eq3A_336 : i32 to vector<256x16xi32>
    %eq3A_338 = arith.cmpi eq, %iota3A_39, %eq3A_337 : vector<256x16xi32>
    %mul3A_339 = arith.constant 2000 : i32
    %mul3A_340 = arith.muli %arg0, %mul3A_339 : i32
    %add3A_341 = vector.broadcast %mul3A_340 : i32 to vector<256x1xi32>
    %add3A_342 = arith.addi %broadcast_in_dim3A_335, %add3A_341 : vector<256x1xi32>
    %broadcast_in_dim3A_343 = vector.shape_cast %add3A_342 : vector<256x1xi32> to vector<256x1xi32>
    %broadcast_in_dim3A_344 = vector.broadcast %broadcast_in_dim3A_343 : vector<256x1xi32> to vector<256x16xi32>
    %select_n3A_345 = arith.select %eq3A_338, %broadcast_in_dim3A_344, %select_n3A_319 : vector<256x16xi1>, vector<256x16xi32>
    %eq3A_346 = vector.broadcast %broadcast_in_dim3A_335 : vector<256x1xi32> to vector<256x2048xi32>
    %eq3A_347 = arith.cmpi eq, %iota3A_28, %eq3A_346 : vector<256x2048xi32>
    %jit3A_348 = arith.constant 0x7F800000 : f32
    %broadcast_in_dim3A_349 = vector.broadcast %jit3A_348 : f32 to vector<256x2048xf32>
    %select_n3A_350 = arith.select %eq3A_347, %broadcast_in_dim3A_349, %select_n3A_324 : vector<256x2048xi1>, vector<256x2048xf32>
    %reduce_min3A_351 = arith.constant dense<0x7F800000> : vector<256xf32>
    %reduce_min3A_352 = vector.multi_reduction <minimumf>, %select_n3A_350, %reduce_min3A_351 [1] : vector<256x2048xf32> to vector<256xf32>
    %broadcast_in_dim3A_353 = vector.shape_cast %reduce_min3A_352 : vector<256xf32> to vector<256x1xf32>
    %eq3A_354 = vector.broadcast %broadcast_in_dim3A_353 : vector<256x1xf32> to vector<256x2048xf32>
    %eq3A_355 = arith.cmpf oeq, %select_n3A_350, %eq3A_354 : vector<256x2048xf32>
    %jit3A_356 = arith.constant 1073741824 : i32
    %broadcast_in_dim3A_357 = vector.broadcast %jit3A_356 : i32 to vector<256x2048xi32>
    %select_n3A_358 = arith.select %eq3A_355, %iota3A_28, %broadcast_in_dim3A_357 : vector<256x2048xi1>, vector<256x2048xi32>
    %reduce_min3A_359 = arith.constant dense<2147483647> : vector<256xi32>
    %reduce_min3A_360 = vector.multi_reduction <minsi>, %select_n3A_358, %reduce_min3A_359 [1] : vector<256x2048xi32> to vector<256xi32>
    %broadcast_in_dim3A_361 = vector.shape_cast %reduce_min3A_360 : vector<256xi32> to vector<256x1xi32>
    %eq3A_362 = arith.constant 12 : i32
    %eq3A_363 = vector.broadcast %eq3A_362 : i32 to vector<256x16xi32>
    %eq3A_364 = arith.cmpi eq, %iota3A_39, %eq3A_363 : vector<256x16xi32>
    %mul3A_365 = arith.constant 2000 : i32
    %mul3A_366 = arith.muli %arg0, %mul3A_365 : i32
    %add3A_367 = vector.broadcast %mul3A_366 : i32 to vector<256x1xi32>
    %add3A_368 = arith.addi %broadcast_in_dim3A_361, %add3A_367 : vector<256x1xi32>
    %broadcast_in_dim3A_369 = vector.shape_cast %add3A_368 : vector<256x1xi32> to vector<256x1xi32>
    %broadcast_in_dim3A_370 = vector.broadcast %broadcast_in_dim3A_369 : vector<256x1xi32> to vector<256x16xi32>
    %select_n3A_371 = arith.select %eq3A_364, %broadcast_in_dim3A_370, %select_n3A_345 : vector<256x16xi1>, vector<256x16xi32>
    %eq3A_372 = vector.broadcast %broadcast_in_dim3A_361 : vector<256x1xi32> to vector<256x2048xi32>
    %eq3A_373 = arith.cmpi eq, %iota3A_28, %eq3A_372 : vector<256x2048xi32>
    %jit3A_374 = arith.constant 0x7F800000 : f32
    %broadcast_in_dim3A_375 = vector.broadcast %jit3A_374 : f32 to vector<256x2048xf32>
    %select_n3A_376 = arith.select %eq3A_373, %broadcast_in_dim3A_375, %select_n3A_350 : vector<256x2048xi1>, vector<256x2048xf32>
    %reduce_min3A_377 = arith.constant dense<0x7F800000> : vector<256xf32>
    %reduce_min3A_378 = vector.multi_reduction <minimumf>, %select_n3A_376, %reduce_min3A_377 [1] : vector<256x2048xf32> to vector<256xf32>
    %broadcast_in_dim3A_379 = vector.shape_cast %reduce_min3A_378 : vector<256xf32> to vector<256x1xf32>
    %eq3A_380 = vector.broadcast %broadcast_in_dim3A_379 : vector<256x1xf32> to vector<256x2048xf32>
    %eq3A_381 = arith.cmpf oeq, %select_n3A_376, %eq3A_380 : vector<256x2048xf32>
    %jit3A_382 = arith.constant 1073741824 : i32
    %broadcast_in_dim3A_383 = vector.broadcast %jit3A_382 : i32 to vector<256x2048xi32>
    %select_n3A_384 = arith.select %eq3A_381, %iota3A_28, %broadcast_in_dim3A_383 : vector<256x2048xi1>, vector<256x2048xi32>
    %reduce_min3A_385 = arith.constant dense<2147483647> : vector<256xi32>
    %reduce_min3A_386 = vector.multi_reduction <minsi>, %select_n3A_384, %reduce_min3A_385 [1] : vector<256x2048xi32> to vector<256xi32>
    %broadcast_in_dim3A_387 = vector.shape_cast %reduce_min3A_386 : vector<256xi32> to vector<256x1xi32>
    %eq3A_388 = arith.constant 13 : i32
    %eq3A_389 = vector.broadcast %eq3A_388 : i32 to vector<256x16xi32>
    %eq3A_390 = arith.cmpi eq, %iota3A_39, %eq3A_389 : vector<256x16xi32>
    %mul3A_391 = arith.constant 2000 : i32
    %mul3A_392 = arith.muli %arg0, %mul3A_391 : i32
    %add3A_393 = vector.broadcast %mul3A_392 : i32 to vector<256x1xi32>
    %add3A_394 = arith.addi %broadcast_in_dim3A_387, %add3A_393 : vector<256x1xi32>
    %broadcast_in_dim3A_395 = vector.shape_cast %add3A_394 : vector<256x1xi32> to vector<256x1xi32>
    %broadcast_in_dim3A_396 = vector.broadcast %broadcast_in_dim3A_395 : vector<256x1xi32> to vector<256x16xi32>
    %select_n3A_397 = arith.select %eq3A_390, %broadcast_in_dim3A_396, %select_n3A_371 : vector<256x16xi1>, vector<256x16xi32>
    %eq3A_398 = vector.broadcast %broadcast_in_dim3A_387 : vector<256x1xi32> to vector<256x2048xi32>
    %eq3A_399 = arith.cmpi eq, %iota3A_28, %eq3A_398 : vector<256x2048xi32>
    %jit3A_400 = arith.constant 0x7F800000 : f32
    %broadcast_in_dim3A_401 = vector.broadcast %jit3A_400 : f32 to vector<256x2048xf32>
    %select_n3A_402 = arith.select %eq3A_399, %broadcast_in_dim3A_401, %select_n3A_376 : vector<256x2048xi1>, vector<256x2048xf32>
    %reduce_min3A_403 = arith.constant dense<0x7F800000> : vector<256xf32>
    %reduce_min3A_404 = vector.multi_reduction <minimumf>, %select_n3A_402, %reduce_min3A_403 [1] : vector<256x2048xf32> to vector<256xf32>
    %broadcast_in_dim3A_405 = vector.shape_cast %reduce_min3A_404 : vector<256xf32> to vector<256x1xf32>
    %eq3A_406 = vector.broadcast %broadcast_in_dim3A_405 : vector<256x1xf32> to vector<256x2048xf32>
    %eq3A_407 = arith.cmpf oeq, %select_n3A_402, %eq3A_406 : vector<256x2048xf32>
    %jit3A_408 = arith.constant 1073741824 : i32
    %broadcast_in_dim3A_409 = vector.broadcast %jit3A_408 : i32 to vector<256x2048xi32>
    %select_n3A_410 = arith.select %eq3A_407, %iota3A_28, %broadcast_in_dim3A_409 : vector<256x2048xi1>, vector<256x2048xi32>
    %reduce_min3A_411 = arith.constant dense<2147483647> : vector<256xi32>
    %reduce_min3A_412 = vector.multi_reduction <minsi>, %select_n3A_410, %reduce_min3A_411 [1] : vector<256x2048xi32> to vector<256xi32>
    %broadcast_in_dim3A_413 = vector.shape_cast %reduce_min3A_412 : vector<256xi32> to vector<256x1xi32>
    %eq3A_414 = arith.constant 14 : i32
    %eq3A_415 = vector.broadcast %eq3A_414 : i32 to vector<256x16xi32>
    %eq3A_416 = arith.cmpi eq, %iota3A_39, %eq3A_415 : vector<256x16xi32>
    %mul3A_417 = arith.constant 2000 : i32
    %mul3A_418 = arith.muli %arg0, %mul3A_417 : i32
    %add3A_419 = vector.broadcast %mul3A_418 : i32 to vector<256x1xi32>
    %add3A_420 = arith.addi %broadcast_in_dim3A_413, %add3A_419 : vector<256x1xi32>
    %broadcast_in_dim3A_421 = vector.shape_cast %add3A_420 : vector<256x1xi32> to vector<256x1xi32>
    %broadcast_in_dim3A_422 = vector.broadcast %broadcast_in_dim3A_421 : vector<256x1xi32> to vector<256x16xi32>
    %select_n3A_423 = arith.select %eq3A_416, %broadcast_in_dim3A_422, %select_n3A_397 : vector<256x16xi1>, vector<256x16xi32>
    %eq3A_424 = vector.broadcast %broadcast_in_dim3A_413 : vector<256x1xi32> to vector<256x2048xi32>
    %eq3A_425 = arith.cmpi eq, %iota3A_28, %eq3A_424 : vector<256x2048xi32>
    %jit3A_426 = arith.constant 0x7F800000 : f32
    %broadcast_in_dim3A_427 = vector.broadcast %jit3A_426 : f32 to vector<256x2048xf32>
    %select_n3A_428 = arith.select %eq3A_425, %broadcast_in_dim3A_427, %select_n3A_402 : vector<256x2048xi1>, vector<256x2048xf32>
    %reduce_min3A_429 = arith.constant dense<0x7F800000> : vector<256xf32>
    %reduce_min3A_430 = vector.multi_reduction <minimumf>, %select_n3A_428, %reduce_min3A_429 [1] : vector<256x2048xf32> to vector<256xf32>
    %broadcast_in_dim3A_431 = vector.shape_cast %reduce_min3A_430 : vector<256xf32> to vector<256x1xf32>
    %eq3A_432 = vector.broadcast %broadcast_in_dim3A_431 : vector<256x1xf32> to vector<256x2048xf32>
    %eq3A_433 = arith.cmpf oeq, %select_n3A_428, %eq3A_432 : vector<256x2048xf32>
    %jit3A_434 = arith.constant 1073741824 : i32
    %broadcast_in_dim3A_435 = vector.broadcast %jit3A_434 : i32 to vector<256x2048xi32>
    %select_n3A_436 = arith.select %eq3A_433, %iota3A_28, %broadcast_in_dim3A_435 : vector<256x2048xi1>, vector<256x2048xi32>
    %reduce_min3A_437 = arith.constant dense<2147483647> : vector<256xi32>
    %reduce_min3A_438 = vector.multi_reduction <minsi>, %select_n3A_436, %reduce_min3A_437 [1] : vector<256x2048xi32> to vector<256xi32>
    %broadcast_in_dim3A_439 = vector.shape_cast %reduce_min3A_438 : vector<256xi32> to vector<256x1xi32>
    %eq3A_440 = arith.constant 15 : i32
    %eq3A_441 = vector.broadcast %eq3A_440 : i32 to vector<256x16xi32>
    %eq3A_442 = arith.cmpi eq, %iota3A_39, %eq3A_441 : vector<256x16xi32>
    %mul3A_443 = arith.constant 2000 : i32
    %mul3A_444 = arith.muli %arg0, %mul3A_443 : i32
    %add3A_445 = vector.broadcast %mul3A_444 : i32 to vector<256x1xi32>
    %add3A_446 = arith.addi %broadcast_in_dim3A_439, %add3A_445 : vector<256x1xi32>
    %broadcast_in_dim3A_447 = vector.shape_cast %add3A_446 : vector<256x1xi32> to vector<256x1xi32>
    %broadcast_in_dim3A_448 = vector.broadcast %broadcast_in_dim3A_447 : vector<256x1xi32> to vector<256x16xi32>
    %select_n3A_449 = arith.select %eq3A_442, %broadcast_in_dim3A_448, %select_n3A_423 : vector<256x16xi1>, vector<256x16xi32>
    %swap3A = arith.constant 0 : index
    %swap3A_450 = arith.constant 0 : index
    %swap3A_451 = arith.constant 0 : index
    %swap3A_452 = vector.load %arg6[%swap3A, %swap3A_450, %swap3A_451] : memref<1x256x16xi32, #tpu.memory_space<vmem>>, vector<1x256x16xi32>
    %swap3A_453 = vector.shape_cast %swap3A_452 : vector<1x256x16xi32> to vector<256x16xi32>
    %swap3A_454 = vector.shape_cast %select_n3A_449 : vector<256x16xi32> to vector<1x256x16xi32>
    tpu.vector_store %arg6[%swap3A, %swap3A_450, %swap3A_451], %swap3A_454 {strides = array<i32>} : memref<1x256x16xi32, #tpu.memory_space<vmem>>, vector<1x256x16xi32>,
    return
  }
  func.func @transform_0(%arg0: i32, %arg1: i32) -> (i32, i32, i32) {
    %c0_i32 = arith.constant 0 : i32
    %c0_i32_0 = arith.constant 0 : i32
    return %arg0, %arg1, %c0_i32 : i32, i32, i32
  }
  func.func @transform_1(%arg0: i32, %arg1: i32) -> (i32, i32, i32) {
    %c0_i32 = arith.constant 0 : i32
    %c0_i32_0 = arith.constant 0 : i32
    %c0_i32_1 = arith.constant 0 : i32
    return %arg0, %c0_i32, %c0_i32_0 : i32, i32, i32
  }
  func.func @transform_2(%arg0: i32, %arg1: i32) -> (i32, i32, i32) {
    %c0_i32 = arith.constant 0 : i32
    %c0_i32_0 = arith.constant 0 : i32
    return %arg0, %arg1, %c0_i32 : i32, i32, i32
  }
  func.func @transform_3(%arg0: i32, %arg1: i32) -> (i32, i32, i32) {
    %c0_i32 = arith.constant 0 : i32
    %c0_i32_0 = arith.constant 0 : i32
    %c0_i32_1 = arith.constant 0 : i32
    return %arg0, %c0_i32, %c0_i32_0 : i32, i32, i32
  }
  func.func @transform_4(%arg0: i32, %arg1: i32) -> (i32, i32, i32) {
    %c0_i32 = arith.constant 0 : i32
    %c0_i32_0 = arith.constant 0 : i32
    return %arg0, %arg1, %c0_i32 : i32, i32, i32
  }
}

module attributes {stable_mosaic.version = 14 : i64} {
  func.func @_normu_body(%arg0: i32, %arg1: memref<1024x128xf32, #tpu.memory_space<vmem>>, %arg2: memref<40x2x128xf32, #tpu.memory_space<vmem>>, %arg3: memref<1x128xf32, #tpu.memory_space<vmem>>, %arg4: memref<1x128xf32, #tpu.memory_space<vmem>>, %arg5: memref<128x64xf32, #tpu.memory_space<vmem>>, %arg6: memref<1x64xf32, #tpu.memory_space<vmem>>, %arg7: memref<1024x128xf32, #tpu.memory_space<vmem>>, %arg8: memref<1024x64xf32, #tpu.memory_space<vmem>>) attributes {dimension_semantics = [#tpu.dimension_semantics<arbitrary>], iteration_bounds = array<i64: 10>, scalar_prefetch = 0 : i64, scratch_operands = 0 : i64, tpu.core_type = #tpu.core_type<tc>, window_params = [{transform_indices = @transform_0, window_bounds = array<i64: 1024, 128>}, {pipeline_mode = #tpu.pipeline_mode<synchronous>, transform_indices = @transform_1, window_bounds = array<i64: 40, 2, 128>}, {pipeline_mode = #tpu.pipeline_mode<synchronous>, transform_indices = @transform_2, window_bounds = array<i64: 1, 128>}, {pipeline_mode = #tpu.pipeline_mode<synchronous>, transform_indices = @transform_3, window_bounds = array<i64: 1, 128>}, {pipeline_mode = #tpu.pipeline_mode<synchronous>, transform_indices = @transform_4, window_bounds = array<i64: 128, 64>}, {pipeline_mode = #tpu.pipeline_mode<synchronous>, transform_indices = @transform_5, window_bounds = array<i64: 1, 64>}, {transform_indices = @transform_6, window_bounds = array<i64: 1024, 128>}, {transform_indices = @transform_7, window_bounds = array<i64: 1024, 64>}]} {
    %get3A = arith.constant 0 : index
    %get3A_0 = arith.constant 0 : index
    %get3A_1 = vector.load %arg1[%get3A, %get3A_0] : memref<1024x128xf32, #tpu.memory_space<vmem>>, vector<1024x128xf32>
    %swap3A = arith.constant 0 : index
    %swap3A_2 = arith.constant 0 : index
    %swap3A_3 = vector.load %arg7[%swap3A, %swap3A_2] : memref<1024x128xf32, #tpu.memory_space<vmem>>, vector<1024x128xf32>
    tpu.vector_store %arg7[%swap3A, %swap3A_2], %get3A_1 {strides = array<i32>} : memref<1024x128xf32, #tpu.memory_space<vmem>>, vector<1024x128xf32>,
    %get3A_4 = arith.constant 0 : index
    %get3A_5 = arith.constant 0 : index
    %get3A_6 = vector.load %arg5[%get3A_4, %get3A_5] : memref<128x64xf32, #tpu.memory_space<vmem>>, vector<128x64xf32>
    %dot_general3A = arith.constant dense<0.000000e+00> : vector<1024x64xf32>
    %dot_general3A_7 = tpu.matmul %get3A_1, %get3A_6, %dot_general3A {dimension_numbers = #tpu.dot_dimension_numbers<[1], [0], [0], [1], [0, 0, 1, 1], [], []>, transpose_lhs_hint = false} : vector<1024x128xf32>, vector<128x64xf32>, vector<1024x64xf32> -> vector<1024x64xf32>
    %get3A_8 = arith.constant 0 : index
    %get3A_9 = arith.constant 0 : index
    %get3A_10 = vector.load %arg6[%get3A_8, %get3A_9] : memref<1x64xf32, #tpu.memory_space<vmem>>, vector<1x64xf32>
    %add3A = vector.broadcast %get3A_10 : vector<1x64xf32> to vector<1024x64xf32>
    %add3A_11 = arith.addf %dot_general3A_7, %add3A : vector<1024x64xf32>
    %swap3A_12 = arith.constant 0 : index
    %swap3A_13 = arith.constant 0 : index
    %swap3A_14 = vector.load %arg8[%swap3A_12, %swap3A_13] : memref<1024x64xf32, #tpu.memory_space<vmem>>, vector<1024x64xf32>
    tpu.vector_store %arg8[%swap3A_12, %swap3A_13], %add3A_11 {strides = array<i32>} : memref<1024x64xf32, #tpu.memory_space<vmem>>, vector<1024x64xf32>,
    return
  }
  func.func @transform_0(%arg0: i32) -> (i32, i32) {
    %c0_i32 = arith.constant 0 : i32
    %c0_i32_0 = arith.constant 0 : i32
    return %arg0, %c0_i32 : i32, i32
  }
  func.func @transform_1(%arg0: i32) -> (i32, i32, i32) {
    %c0_i32 = arith.constant 0 : i32
    %c0_i32_0 = arith.constant 0 : i32
    %c0_i32_1 = arith.constant 0 : i32
    %c0_i32_2 = arith.constant 0 : i32
    return %c0_i32, %c0_i32_0, %c0_i32_1 : i32, i32, i32
  }
  func.func @transform_2(%arg0: i32) -> (i32, i32) {
    %c0_i32 = arith.constant 0 : i32
    %c0_i32_0 = arith.constant 0 : i32
    %c0_i32_1 = arith.constant 0 : i32
    return %c0_i32, %c0_i32_0 : i32, i32
  }
  func.func @transform_3(%arg0: i32) -> (i32, i32) {
    %c0_i32 = arith.constant 0 : i32
    %c0_i32_0 = arith.constant 0 : i32
    %c0_i32_1 = arith.constant 0 : i32
    return %c0_i32, %c0_i32_0 : i32, i32
  }
  func.func @transform_4(%arg0: i32) -> (i32, i32) {
    %c0_i32 = arith.constant 0 : i32
    %c0_i32_0 = arith.constant 0 : i32
    %c0_i32_1 = arith.constant 0 : i32
    return %c0_i32, %c0_i32_0 : i32, i32
  }
  func.func @transform_5(%arg0: i32) -> (i32, i32) {
    %c0_i32 = arith.constant 0 : i32
    %c0_i32_0 = arith.constant 0 : i32
    %c0_i32_1 = arith.constant 0 : i32
    return %c0_i32, %c0_i32_0 : i32, i32
  }
  func.func @transform_6(%arg0: i32) -> (i32, i32) {
    %c0_i32 = arith.constant 0 : i32
    %c0_i32_0 = arith.constant 0 : i32
    return %arg0, %c0_i32 : i32, i32
  }
  func.func @transform_7(%arg0: i32) -> (i32, i32) {
    %c0_i32 = arith.constant 0 : i32
    %c0_i32_0 = arith.constant 0 : i32
    return %arg0, %c0_i32 : i32, i32
  }
}

module attributes {stable_mosaic.version = 14 : i64} {
  func.func @_reduce_body(%arg0: i32, %arg1: memref<256x64xf32, #tpu.memory_space<vmem>>, %arg2: memref<16x256x128xf32, #tpu.memory_space<vmem>>, %arg3: memref<256x128xf32, #tpu.memory_space<vmem>>, %arg4: memref<128x64xf32, #tpu.memory_space<vmem>>, %arg5: memref<256x64xf32, #tpu.memory_space<vmem>>, %arg6: memref<1x2x64xf32, #tpu.memory_space<vmem>>) attributes {dimension_semantics = [#tpu.dimension_semantics<arbitrary>], iteration_bounds = array<i64: 40>, scalar_prefetch = 0 : i64, scratch_operands = 0 : i64, tpu.core_type = #tpu.core_type<tc>, window_params = [{transform_indices = @transform_0, window_bounds = array<i64: 256, 64>}, {transform_indices = @transform_1, window_bounds = array<i64: 16, 256, 128>}, {transform_indices = @transform_2, window_bounds = array<i64: 256, 128>}, {pipeline_mode = #tpu.pipeline_mode<synchronous>, transform_indices = @transform_3, window_bounds = array<i64: 128, 64>}, {transform_indices = @transform_4, window_bounds = array<i64: 256, 64>}, {transform_indices = @transform_5, window_bounds = array<i64: 1, 2, 64>}]} {
    %get3A = arith.constant 0 : index
    %get3A_0 = arith.constant 0 : index
    %get3A_1 = vector.load %arg1[%get3A, %get3A_0] : memref<256x64xf32, #tpu.memory_space<vmem>>, vector<256x64xf32>
    %get3A_2 = arith.constant 0 : index
    %get3A_3 = arith.constant 0 : index
    %get3A_4 = vector.load %arg3[%get3A_2, %get3A_3] : memref<256x128xf32, #tpu.memory_space<vmem>>, vector<256x128xf32>
    %get3A_5 = arith.constant 0 : index
    %get3A_6 = arith.constant 0 : index
    %get3A_7 = vector.load %arg4[%get3A_5, %get3A_6] : memref<128x64xf32, #tpu.memory_space<vmem>>, vector<128x64xf32>
    %mul3A = arith.constant 256 : i32
    %mul3A_8 = arith.muli %arg0, %mul3A : i32
    %iota3A = tpu.iota {dimensions = array<i32: 0>} : vector<256x64xi32>
    %add3A = vector.broadcast %mul3A_8 : i32 to vector<256x64xi32>
    %add3A_9 = arith.addi %add3A, %iota3A : vector<256x64xi32>
    %lt3A = arith.constant 10000 : i32
    %lt3A_10 = vector.broadcast %lt3A : i32 to vector<256x64xi32>
    %lt3A_11 = arith.cmpi slt, %add3A_9, %lt3A_10 : vector<256x64xi32>
    %get3A_12 = arith.constant 0 : index
    %get3A_13 = arith.constant 0 : index
    %get3A_14 = arith.constant 0 : index
    %get3A_15 = vector.load %arg2[%get3A_12, %get3A_13, %get3A_14] : memref<16x256x128xf32, #tpu.memory_space<vmem>>, vector<1x256x128xf32>
    %get3A_16 = vector.shape_cast %get3A_15 : vector<1x256x128xf32> to vector<256x128xf32>
    %sub3A = arith.subf %get3A_16, %get3A_4 : vector<256x128xf32>
    %dot_general3A = arith.constant dense<0.000000e+00> : vector<256x64xf32>
    %dot_general3A_17 = tpu.matmul %sub3A, %get3A_7, %dot_general3A {dimension_numbers = #tpu.dot_dimension_numbers<[1], [0], [0], [1], [0, 0, 1, 1], [], []>, transpose_lhs_hint = false} : vector<256x128xf32>, vector<128x64xf32>, vector<256x64xf32> -> vector<256x64xf32>
    %add3A_18 = arith.addf %get3A_1, %dot_general3A_17 : vector<256x64xf32>
    %ge3A = arith.constant 0.000000e+00 : f32
    %ge3A_19 = vector.broadcast %ge3A : f32 to vector<256x64xf32>
    %ge3A_20 = arith.cmpf oge, %add3A_18, %ge3A_19 : vector<256x64xf32>
    %mul3A_21 = arith.constant 2.000000e-01 : f32
    %mul3A_22 = vector.broadcast %mul3A_21 : f32 to vector<256x64xf32>
    %mul3A_23 = arith.mulf %mul3A_22, %add3A_18 : vector<256x64xf32>
    %select_n3A = arith.select %ge3A_20, %add3A_18, %mul3A_23 : vector<256x64xi1>, vector<256x64xf32>
    %jit3A = arith.constant 0.000000e+00 : f32
    %broadcast_in_dim3A = vector.broadcast %jit3A : f32 to vector<256x64xf32>
    %select_n3A_24 = arith.select %lt3A_11, %select_n3A, %broadcast_in_dim3A : vector<256x64xi1>, vector<256x64xf32>
    %reduce_sum3A = arith.constant dense<0.000000e+00> : vector<64xf32>
    %reduce_sum3A_25 = vector.multi_reduction <add>, %select_n3A_24, %reduce_sum3A [0] : vector<256x64xf32> to vector<64xf32>
    %broadcast_in_dim3A_26 = vector.shape_cast %reduce_sum3A_25 : vector<64xf32> to vector<1x64xf32>
    %mul3A_27 = arith.mulf %select_n3A_24, %select_n3A_24 : vector<256x64xf32>
    %reduce_sum3A_28 = arith.constant dense<0.000000e+00> : vector<64xf32>
    %reduce_sum3A_29 = vector.multi_reduction <add>, %mul3A_27, %reduce_sum3A_28 [0] : vector<256x64xf32> to vector<64xf32>
    %broadcast_in_dim3A_30 = vector.shape_cast %reduce_sum3A_29 : vector<64xf32> to vector<1x64xf32>
    %get3A_31 = arith.constant 1 : index
    %get3A_32 = arith.constant 0 : index
    %get3A_33 = arith.constant 0 : index
    %get3A_34 = vector.load %arg2[%get3A_31, %get3A_32, %get3A_33] : memref<16x256x128xf32, #tpu.memory_space<vmem>>, vector<1x256x128xf32>
    %get3A_35 = vector.shape_cast %get3A_34 : vector<1x256x128xf32> to vector<256x128xf32>
    %sub3A_36 = arith.subf %get3A_35, %get3A_4 : vector<256x128xf32>
    %dot_general3A_37 = arith.constant dense<0.000000e+00> : vector<256x64xf32>
    %dot_general3A_38 = tpu.matmul %sub3A_36, %get3A_7, %dot_general3A_37 {dimension_numbers = #tpu.dot_dimension_numbers<[1], [0], [0], [1], [0, 0, 1, 1], [], []>, transpose_lhs_hint = false} : vector<256x128xf32>, vector<128x64xf32>, vector<256x64xf32> -> vector<256x64xf32>
    %add3A_39 = arith.addf %get3A_1, %dot_general3A_38 : vector<256x64xf32>
    %ge3A_40 = arith.constant 0.000000e+00 : f32
    %ge3A_41 = vector.broadcast %ge3A_40 : f32 to vector<256x64xf32>
    %ge3A_42 = arith.cmpf oge, %add3A_39, %ge3A_41 : vector<256x64xf32>
    %mul3A_43 = arith.constant 2.000000e-01 : f32
    %mul3A_44 = vector.broadcast %mul3A_43 : f32 to vector<256x64xf32>
    %mul3A_45 = arith.mulf %mul3A_44, %add3A_39 : vector<256x64xf32>
    %select_n3A_46 = arith.select %ge3A_42, %add3A_39, %mul3A_45 : vector<256x64xi1>, vector<256x64xf32>
    %jit3A_47 = arith.constant 0.000000e+00 : f32
    %broadcast_in_dim3A_48 = vector.broadcast %jit3A_47 : f32 to vector<256x64xf32>
    %select_n3A_49 = arith.select %lt3A_11, %select_n3A_46, %broadcast_in_dim3A_48 : vector<256x64xi1>, vector<256x64xf32>
    %reduce_sum3A_50 = arith.constant dense<0.000000e+00> : vector<64xf32>
    %reduce_sum3A_51 = vector.multi_reduction <add>, %select_n3A_49, %reduce_sum3A_50 [0] : vector<256x64xf32> to vector<64xf32>
    %broadcast_in_dim3A_52 = vector.shape_cast %reduce_sum3A_51 : vector<64xf32> to vector<1x64xf32>
    %mul3A_53 = arith.mulf %select_n3A_49, %select_n3A_49 : vector<256x64xf32>
    %reduce_sum3A_54 = arith.constant dense<0.000000e+00> : vector<64xf32>
    %reduce_sum3A_55 = vector.multi_reduction <add>, %mul3A_53, %reduce_sum3A_54 [0] : vector<256x64xf32> to vector<64xf32>
    %broadcast_in_dim3A_56 = vector.shape_cast %reduce_sum3A_55 : vector<64xf32> to vector<1x64xf32>
    %max3A = arith.maximumf %select_n3A, %select_n3A_46 : vector<256x64xf32>
    %add3A_57 = arith.addf %broadcast_in_dim3A_26, %broadcast_in_dim3A_52 : vector<1x64xf32>
    %add3A_58 = arith.addf %broadcast_in_dim3A_30, %broadcast_in_dim3A_56 : vector<1x64xf32>
    %get3A_59 = arith.constant 2 : index
    %get3A_60 = arith.constant 0 : index
    %get3A_61 = arith.constant 0 : index
    %get3A_62 = vector.load %arg2[%get3A_59, %get3A_60, %get3A_61] : memref<16x256x128xf32, #tpu.memory_space<vmem>>, vector<1x256x128xf32>
    %get3A_63 = vector.shape_cast %get3A_62 : vector<1x256x128xf32> to vector<256x128xf32>
    %sub3A_64 = arith.subf %get3A_63, %get3A_4 : vector<256x128xf32>
    %dot_general3A_65 = arith.constant dense<0.000000e+00> : vector<256x64xf32>
    %dot_general3A_66 = tpu.matmul %sub3A_64, %get3A_7, %dot_general3A_65 {dimension_numbers = #tpu.dot_dimension_numbers<[1], [0], [0], [1], [0, 0, 1, 1], [], []>, transpose_lhs_hint = false} : vector<256x128xf32>, vector<128x64xf32>, vector<256x64xf32> -> vector<256x64xf32>
    %add3A_67 = arith.addf %get3A_1, %dot_general3A_66 : vector<256x64xf32>
    %ge3A_68 = arith.constant 0.000000e+00 : f32
    %ge3A_69 = vector.broadcast %ge3A_68 : f32 to vector<256x64xf32>
    %ge3A_70 = arith.cmpf oge, %add3A_67, %ge3A_69 : vector<256x64xf32>
    %mul3A_71 = arith.constant 2.000000e-01 : f32
    %mul3A_72 = vector.broadcast %mul3A_71 : f32 to vector<256x64xf32>
    %mul3A_73 = arith.mulf %mul3A_72, %add3A_67 : vector<256x64xf32>
    %select_n3A_74 = arith.select %ge3A_70, %add3A_67, %mul3A_73 : vector<256x64xi1>, vector<256x64xf32>
    %jit3A_75 = arith.constant 0.000000e+00 : f32
    %broadcast_in_dim3A_76 = vector.broadcast %jit3A_75 : f32 to vector<256x64xf32>
    %select_n3A_77 = arith.select %lt3A_11, %select_n3A_74, %broadcast_in_dim3A_76 : vector<256x64xi1>, vector<256x64xf32>
    %reduce_sum3A_78 = arith.constant dense<0.000000e+00> : vector<64xf32>
    %reduce_sum3A_79 = vector.multi_reduction <add>, %select_n3A_77, %reduce_sum3A_78 [0] : vector<256x64xf32> to vector<64xf32>
    %broadcast_in_dim3A_80 = vector.shape_cast %reduce_sum3A_79 : vector<64xf32> to vector<1x64xf32>
    %mul3A_81 = arith.mulf %select_n3A_77, %select_n3A_77 : vector<256x64xf32>
    %reduce_sum3A_82 = arith.constant dense<0.000000e+00> : vector<64xf32>
    %reduce_sum3A_83 = vector.multi_reduction <add>, %mul3A_81, %reduce_sum3A_82 [0] : vector<256x64xf32> to vector<64xf32>
    %broadcast_in_dim3A_84 = vector.shape_cast %reduce_sum3A_83 : vector<64xf32> to vector<1x64xf32>
    %max3A_85 = arith.maximumf %max3A, %select_n3A_74 : vector<256x64xf32>
    %add3A_86 = arith.addf %add3A_57, %broadcast_in_dim3A_80 : vector<1x64xf32>
    %add3A_87 = arith.addf %add3A_58, %broadcast_in_dim3A_84 : vector<1x64xf32>
    %get3A_88 = arith.constant 3 : index
    %get3A_89 = arith.constant 0 : index
    %get3A_90 = arith.constant 0 : index
    %get3A_91 = vector.load %arg2[%get3A_88, %get3A_89, %get3A_90] : memref<16x256x128xf32, #tpu.memory_space<vmem>>, vector<1x256x128xf32>
    %get3A_92 = vector.shape_cast %get3A_91 : vector<1x256x128xf32> to vector<256x128xf32>
    %sub3A_93 = arith.subf %get3A_92, %get3A_4 : vector<256x128xf32>
    %dot_general3A_94 = arith.constant dense<0.000000e+00> : vector<256x64xf32>
    %dot_general3A_95 = tpu.matmul %sub3A_93, %get3A_7, %dot_general3A_94 {dimension_numbers = #tpu.dot_dimension_numbers<[1], [0], [0], [1], [0, 0, 1, 1], [], []>, transpose_lhs_hint = false} : vector<256x128xf32>, vector<128x64xf32>, vector<256x64xf32> -> vector<256x64xf32>
    %add3A_96 = arith.addf %get3A_1, %dot_general3A_95 : vector<256x64xf32>
    %ge3A_97 = arith.constant 0.000000e+00 : f32
    %ge3A_98 = vector.broadcast %ge3A_97 : f32 to vector<256x64xf32>
    %ge3A_99 = arith.cmpf oge, %add3A_96, %ge3A_98 : vector<256x64xf32>
    %mul3A_100 = arith.constant 2.000000e-01 : f32
    %mul3A_101 = vector.broadcast %mul3A_100 : f32 to vector<256x64xf32>
    %mul3A_102 = arith.mulf %mul3A_101, %add3A_96 : vector<256x64xf32>
    %select_n3A_103 = arith.select %ge3A_99, %add3A_96, %mul3A_102 : vector<256x64xi1>, vector<256x64xf32>
    %jit3A_104 = arith.constant 0.000000e+00 : f32
    %broadcast_in_dim3A_105 = vector.broadcast %jit3A_104 : f32 to vector<256x64xf32>
    %select_n3A_106 = arith.select %lt3A_11, %select_n3A_103, %broadcast_in_dim3A_105 : vector<256x64xi1>, vector<256x64xf32>
    %reduce_sum3A_107 = arith.constant dense<0.000000e+00> : vector<64xf32>
    %reduce_sum3A_108 = vector.multi_reduction <add>, %select_n3A_106, %reduce_sum3A_107 [0] : vector<256x64xf32> to vector<64xf32>
    %broadcast_in_dim3A_109 = vector.shape_cast %reduce_sum3A_108 : vector<64xf32> to vector<1x64xf32>
    %mul3A_110 = arith.mulf %select_n3A_106, %select_n3A_106 : vector<256x64xf32>
    %reduce_sum3A_111 = arith.constant dense<0.000000e+00> : vector<64xf32>
    %reduce_sum3A_112 = vector.multi_reduction <add>, %mul3A_110, %reduce_sum3A_111 [0] : vector<256x64xf32> to vector<64xf32>
    %broadcast_in_dim3A_113 = vector.shape_cast %reduce_sum3A_112 : vector<64xf32> to vector<1x64xf32>
    %max3A_114 = arith.maximumf %max3A_85, %select_n3A_103 : vector<256x64xf32>
    %add3A_115 = arith.addf %add3A_86, %broadcast_in_dim3A_109 : vector<1x64xf32>
    %add3A_116 = arith.addf %add3A_87, %broadcast_in_dim3A_113 : vector<1x64xf32>
    %get3A_117 = arith.constant 4 : index
    %get3A_118 = arith.constant 0 : index
    %get3A_119 = arith.constant 0 : index
    %get3A_120 = vector.load %arg2[%get3A_117, %get3A_118, %get3A_119] : memref<16x256x128xf32, #tpu.memory_space<vmem>>, vector<1x256x128xf32>
    %get3A_121 = vector.shape_cast %get3A_120 : vector<1x256x128xf32> to vector<256x128xf32>
    %sub3A_122 = arith.subf %get3A_121, %get3A_4 : vector<256x128xf32>
    %dot_general3A_123 = arith.constant dense<0.000000e+00> : vector<256x64xf32>
    %dot_general3A_124 = tpu.matmul %sub3A_122, %get3A_7, %dot_general3A_123 {dimension_numbers = #tpu.dot_dimension_numbers<[1], [0], [0], [1], [0, 0, 1, 1], [], []>, transpose_lhs_hint = false} : vector<256x128xf32>, vector<128x64xf32>, vector<256x64xf32> -> vector<256x64xf32>
    %add3A_125 = arith.addf %get3A_1, %dot_general3A_124 : vector<256x64xf32>
    %ge3A_126 = arith.constant 0.000000e+00 : f32
    %ge3A_127 = vector.broadcast %ge3A_126 : f32 to vector<256x64xf32>
    %ge3A_128 = arith.cmpf oge, %add3A_125, %ge3A_127 : vector<256x64xf32>
    %mul3A_129 = arith.constant 2.000000e-01 : f32
    %mul3A_130 = vector.broadcast %mul3A_129 : f32 to vector<256x64xf32>
    %mul3A_131 = arith.mulf %mul3A_130, %add3A_125 : vector<256x64xf32>
    %select_n3A_132 = arith.select %ge3A_128, %add3A_125, %mul3A_131 : vector<256x64xi1>, vector<256x64xf32>
    %jit3A_133 = arith.constant 0.000000e+00 : f32
    %broadcast_in_dim3A_134 = vector.broadcast %jit3A_133 : f32 to vector<256x64xf32>
    %select_n3A_135 = arith.select %lt3A_11, %select_n3A_132, %broadcast_in_dim3A_134 : vector<256x64xi1>, vector<256x64xf32>
    %reduce_sum3A_136 = arith.constant dense<0.000000e+00> : vector<64xf32>
    %reduce_sum3A_137 = vector.multi_reduction <add>, %select_n3A_135, %reduce_sum3A_136 [0] : vector<256x64xf32> to vector<64xf32>
    %broadcast_in_dim3A_138 = vector.shape_cast %reduce_sum3A_137 : vector<64xf32> to vector<1x64xf32>
    %mul3A_139 = arith.mulf %select_n3A_135, %select_n3A_135 : vector<256x64xf32>
    %reduce_sum3A_140 = arith.constant dense<0.000000e+00> : vector<64xf32>
    %reduce_sum3A_141 = vector.multi_reduction <add>, %mul3A_139, %reduce_sum3A_140 [0] : vector<256x64xf32> to vector<64xf32>
    %broadcast_in_dim3A_142 = vector.shape_cast %reduce_sum3A_141 : vector<64xf32> to vector<1x64xf32>
    %max3A_143 = arith.maximumf %max3A_114, %select_n3A_132 : vector<256x64xf32>
    %add3A_144 = arith.addf %add3A_115, %broadcast_in_dim3A_138 : vector<1x64xf32>
    %add3A_145 = arith.addf %add3A_116, %broadcast_in_dim3A_142 : vector<1x64xf32>
    %get3A_146 = arith.constant 5 : index
    %get3A_147 = arith.constant 0 : index
    %get3A_148 = arith.constant 0 : index
    %get3A_149 = vector.load %arg2[%get3A_146, %get3A_147, %get3A_148] : memref<16x256x128xf32, #tpu.memory_space<vmem>>, vector<1x256x128xf32>
    %get3A_150 = vector.shape_cast %get3A_149 : vector<1x256x128xf32> to vector<256x128xf32>
    %sub3A_151 = arith.subf %get3A_150, %get3A_4 : vector<256x128xf32>
    %dot_general3A_152 = arith.constant dense<0.000000e+00> : vector<256x64xf32>
    %dot_general3A_153 = tpu.matmul %sub3A_151, %get3A_7, %dot_general3A_152 {dimension_numbers = #tpu.dot_dimension_numbers<[1], [0], [0], [1], [0, 0, 1, 1], [], []>, transpose_lhs_hint = false} : vector<256x128xf32>, vector<128x64xf32>, vector<256x64xf32> -> vector<256x64xf32>
    %add3A_154 = arith.addf %get3A_1, %dot_general3A_153 : vector<256x64xf32>
    %ge3A_155 = arith.constant 0.000000e+00 : f32
    %ge3A_156 = vector.broadcast %ge3A_155 : f32 to vector<256x64xf32>
    %ge3A_157 = arith.cmpf oge, %add3A_154, %ge3A_156 : vector<256x64xf32>
    %mul3A_158 = arith.constant 2.000000e-01 : f32
    %mul3A_159 = vector.broadcast %mul3A_158 : f32 to vector<256x64xf32>
    %mul3A_160 = arith.mulf %mul3A_159, %add3A_154 : vector<256x64xf32>
    %select_n3A_161 = arith.select %ge3A_157, %add3A_154, %mul3A_160 : vector<256x64xi1>, vector<256x64xf32>
    %jit3A_162 = arith.constant 0.000000e+00 : f32
    %broadcast_in_dim3A_163 = vector.broadcast %jit3A_162 : f32 to vector<256x64xf32>
    %select_n3A_164 = arith.select %lt3A_11, %select_n3A_161, %broadcast_in_dim3A_163 : vector<256x64xi1>, vector<256x64xf32>
    %reduce_sum3A_165 = arith.constant dense<0.000000e+00> : vector<64xf32>
    %reduce_sum3A_166 = vector.multi_reduction <add>, %select_n3A_164, %reduce_sum3A_165 [0] : vector<256x64xf32> to vector<64xf32>
    %broadcast_in_dim3A_167 = vector.shape_cast %reduce_sum3A_166 : vector<64xf32> to vector<1x64xf32>
    %mul3A_168 = arith.mulf %select_n3A_164, %select_n3A_164 : vector<256x64xf32>
    %reduce_sum3A_169 = arith.constant dense<0.000000e+00> : vector<64xf32>
    %reduce_sum3A_170 = vector.multi_reduction <add>, %mul3A_168, %reduce_sum3A_169 [0] : vector<256x64xf32> to vector<64xf32>
    %broadcast_in_dim3A_171 = vector.shape_cast %reduce_sum3A_170 : vector<64xf32> to vector<1x64xf32>
    %max3A_172 = arith.maximumf %max3A_143, %select_n3A_161 : vector<256x64xf32>
    %add3A_173 = arith.addf %add3A_144, %broadcast_in_dim3A_167 : vector<1x64xf32>
    %add3A_174 = arith.addf %add3A_145, %broadcast_in_dim3A_171 : vector<1x64xf32>
    %get3A_175 = arith.constant 6 : index
    %get3A_176 = arith.constant 0 : index
    %get3A_177 = arith.constant 0 : index
    %get3A_178 = vector.load %arg2[%get3A_175, %get3A_176, %get3A_177] : memref<16x256x128xf32, #tpu.memory_space<vmem>>, vector<1x256x128xf32>
    %get3A_179 = vector.shape_cast %get3A_178 : vector<1x256x128xf32> to vector<256x128xf32>
    %sub3A_180 = arith.subf %get3A_179, %get3A_4 : vector<256x128xf32>
    %dot_general3A_181 = arith.constant dense<0.000000e+00> : vector<256x64xf32>
    %dot_general3A_182 = tpu.matmul %sub3A_180, %get3A_7, %dot_general3A_181 {dimension_numbers = #tpu.dot_dimension_numbers<[1], [0], [0], [1], [0, 0, 1, 1], [], []>, transpose_lhs_hint = false} : vector<256x128xf32>, vector<128x64xf32>, vector<256x64xf32> -> vector<256x64xf32>
    %add3A_183 = arith.addf %get3A_1, %dot_general3A_182 : vector<256x64xf32>
    %ge3A_184 = arith.constant 0.000000e+00 : f32
    %ge3A_185 = vector.broadcast %ge3A_184 : f32 to vector<256x64xf32>
    %ge3A_186 = arith.cmpf oge, %add3A_183, %ge3A_185 : vector<256x64xf32>
    %mul3A_187 = arith.constant 2.000000e-01 : f32
    %mul3A_188 = vector.broadcast %mul3A_187 : f32 to vector<256x64xf32>
    %mul3A_189 = arith.mulf %mul3A_188, %add3A_183 : vector<256x64xf32>
    %select_n3A_190 = arith.select %ge3A_186, %add3A_183, %mul3A_189 : vector<256x64xi1>, vector<256x64xf32>
    %jit3A_191 = arith.constant 0.000000e+00 : f32
    %broadcast_in_dim3A_192 = vector.broadcast %jit3A_191 : f32 to vector<256x64xf32>
    %select_n3A_193 = arith.select %lt3A_11, %select_n3A_190, %broadcast_in_dim3A_192 : vector<256x64xi1>, vector<256x64xf32>
    %reduce_sum3A_194 = arith.constant dense<0.000000e+00> : vector<64xf32>
    %reduce_sum3A_195 = vector.multi_reduction <add>, %select_n3A_193, %reduce_sum3A_194 [0] : vector<256x64xf32> to vector<64xf32>
    %broadcast_in_dim3A_196 = vector.shape_cast %reduce_sum3A_195 : vector<64xf32> to vector<1x64xf32>
    %mul3A_197 = arith.mulf %select_n3A_193, %select_n3A_193 : vector<256x64xf32>
    %reduce_sum3A_198 = arith.constant dense<0.000000e+00> : vector<64xf32>
    %reduce_sum3A_199 = vector.multi_reduction <add>, %mul3A_197, %reduce_sum3A_198 [0] : vector<256x64xf32> to vector<64xf32>
    %broadcast_in_dim3A_200 = vector.shape_cast %reduce_sum3A_199 : vector<64xf32> to vector<1x64xf32>
    %max3A_201 = arith.maximumf %max3A_172, %select_n3A_190 : vector<256x64xf32>
    %add3A_202 = arith.addf %add3A_173, %broadcast_in_dim3A_196 : vector<1x64xf32>
    %add3A_203 = arith.addf %add3A_174, %broadcast_in_dim3A_200 : vector<1x64xf32>
    %get3A_204 = arith.constant 7 : index
    %get3A_205 = arith.constant 0 : index
    %get3A_206 = arith.constant 0 : index
    %get3A_207 = vector.load %arg2[%get3A_204, %get3A_205, %get3A_206] : memref<16x256x128xf32, #tpu.memory_space<vmem>>, vector<1x256x128xf32>
    %get3A_208 = vector.shape_cast %get3A_207 : vector<1x256x128xf32> to vector<256x128xf32>
    %sub3A_209 = arith.subf %get3A_208, %get3A_4 : vector<256x128xf32>
    %dot_general3A_210 = arith.constant dense<0.000000e+00> : vector<256x64xf32>
    %dot_general3A_211 = tpu.matmul %sub3A_209, %get3A_7, %dot_general3A_210 {dimension_numbers = #tpu.dot_dimension_numbers<[1], [0], [0], [1], [0, 0, 1, 1], [], []>, transpose_lhs_hint = false} : vector<256x128xf32>, vector<128x64xf32>, vector<256x64xf32> -> vector<256x64xf32>
    %add3A_212 = arith.addf %get3A_1, %dot_general3A_211 : vector<256x64xf32>
    %ge3A_213 = arith.constant 0.000000e+00 : f32
    %ge3A_214 = vector.broadcast %ge3A_213 : f32 to vector<256x64xf32>
    %ge3A_215 = arith.cmpf oge, %add3A_212, %ge3A_214 : vector<256x64xf32>
    %mul3A_216 = arith.constant 2.000000e-01 : f32
    %mul3A_217 = vector.broadcast %mul3A_216 : f32 to vector<256x64xf32>
    %mul3A_218 = arith.mulf %mul3A_217, %add3A_212 : vector<256x64xf32>
    %select_n3A_219 = arith.select %ge3A_215, %add3A_212, %mul3A_218 : vector<256x64xi1>, vector<256x64xf32>
    %jit3A_220 = arith.constant 0.000000e+00 : f32
    %broadcast_in_dim3A_221 = vector.broadcast %jit3A_220 : f32 to vector<256x64xf32>
    %select_n3A_222 = arith.select %lt3A_11, %select_n3A_219, %broadcast_in_dim3A_221 : vector<256x64xi1>, vector<256x64xf32>
    %reduce_sum3A_223 = arith.constant dense<0.000000e+00> : vector<64xf32>
    %reduce_sum3A_224 = vector.multi_reduction <add>, %select_n3A_222, %reduce_sum3A_223 [0] : vector<256x64xf32> to vector<64xf32>
    %broadcast_in_dim3A_225 = vector.shape_cast %reduce_sum3A_224 : vector<64xf32> to vector<1x64xf32>
    %mul3A_226 = arith.mulf %select_n3A_222, %select_n3A_222 : vector<256x64xf32>
    %reduce_sum3A_227 = arith.constant dense<0.000000e+00> : vector<64xf32>
    %reduce_sum3A_228 = vector.multi_reduction <add>, %mul3A_226, %reduce_sum3A_227 [0] : vector<256x64xf32> to vector<64xf32>
    %broadcast_in_dim3A_229 = vector.shape_cast %reduce_sum3A_228 : vector<64xf32> to vector<1x64xf32>
    %max3A_230 = arith.maximumf %max3A_201, %select_n3A_219 : vector<256x64xf32>
    %add3A_231 = arith.addf %add3A_202, %broadcast_in_dim3A_225 : vector<1x64xf32>
    %add3A_232 = arith.addf %add3A_203, %broadcast_in_dim3A_229 : vector<1x64xf32>
    %get3A_233 = arith.constant 8 : index
    %get3A_234 = arith.constant 0 : index
    %get3A_235 = arith.constant 0 : index
    %get3A_236 = vector.load %arg2[%get3A_233, %get3A_234, %get3A_235] : memref<16x256x128xf32, #tpu.memory_space<vmem>>, vector<1x256x128xf32>
    %get3A_237 = vector.shape_cast %get3A_236 : vector<1x256x128xf32> to vector<256x128xf32>
    %sub3A_238 = arith.subf %get3A_237, %get3A_4 : vector<256x128xf32>
    %dot_general3A_239 = arith.constant dense<0.000000e+00> : vector<256x64xf32>
    %dot_general3A_240 = tpu.matmul %sub3A_238, %get3A_7, %dot_general3A_239 {dimension_numbers = #tpu.dot_dimension_numbers<[1], [0], [0], [1], [0, 0, 1, 1], [], []>, transpose_lhs_hint = false} : vector<256x128xf32>, vector<128x64xf32>, vector<256x64xf32> -> vector<256x64xf32>
    %add3A_241 = arith.addf %get3A_1, %dot_general3A_240 : vector<256x64xf32>
    %ge3A_242 = arith.constant 0.000000e+00 : f32
    %ge3A_243 = vector.broadcast %ge3A_242 : f32 to vector<256x64xf32>
    %ge3A_244 = arith.cmpf oge, %add3A_241, %ge3A_243 : vector<256x64xf32>
    %mul3A_245 = arith.constant 2.000000e-01 : f32
    %mul3A_246 = vector.broadcast %mul3A_245 : f32 to vector<256x64xf32>
    %mul3A_247 = arith.mulf %mul3A_246, %add3A_241 : vector<256x64xf32>
    %select_n3A_248 = arith.select %ge3A_244, %add3A_241, %mul3A_247 : vector<256x64xi1>, vector<256x64xf32>
    %jit3A_249 = arith.constant 0.000000e+00 : f32
    %broadcast_in_dim3A_250 = vector.broadcast %jit3A_249 : f32 to vector<256x64xf32>
    %select_n3A_251 = arith.select %lt3A_11, %select_n3A_248, %broadcast_in_dim3A_250 : vector<256x64xi1>, vector<256x64xf32>
    %reduce_sum3A_252 = arith.constant dense<0.000000e+00> : vector<64xf32>
    %reduce_sum3A_253 = vector.multi_reduction <add>, %select_n3A_251, %reduce_sum3A_252 [0] : vector<256x64xf32> to vector<64xf32>
    %broadcast_in_dim3A_254 = vector.shape_cast %reduce_sum3A_253 : vector<64xf32> to vector<1x64xf32>
    %mul3A_255 = arith.mulf %select_n3A_251, %select_n3A_251 : vector<256x64xf32>
    %reduce_sum3A_256 = arith.constant dense<0.000000e+00> : vector<64xf32>
    %reduce_sum3A_257 = vector.multi_reduction <add>, %mul3A_255, %reduce_sum3A_256 [0] : vector<256x64xf32> to vector<64xf32>
    %broadcast_in_dim3A_258 = vector.shape_cast %reduce_sum3A_257 : vector<64xf32> to vector<1x64xf32>
    %max3A_259 = arith.maximumf %max3A_230, %select_n3A_248 : vector<256x64xf32>
    %add3A_260 = arith.addf %add3A_231, %broadcast_in_dim3A_254 : vector<1x64xf32>
    %add3A_261 = arith.addf %add3A_232, %broadcast_in_dim3A_258 : vector<1x64xf32>
    %get3A_262 = arith.constant 9 : index
    %get3A_263 = arith.constant 0 : index
    %get3A_264 = arith.constant 0 : index
    %get3A_265 = vector.load %arg2[%get3A_262, %get3A_263, %get3A_264] : memref<16x256x128xf32, #tpu.memory_space<vmem>>, vector<1x256x128xf32>
    %get3A_266 = vector.shape_cast %get3A_265 : vector<1x256x128xf32> to vector<256x128xf32>
    %sub3A_267 = arith.subf %get3A_266, %get3A_4 : vector<256x128xf32>
    %dot_general3A_268 = arith.constant dense<0.000000e+00> : vector<256x64xf32>
    %dot_general3A_269 = tpu.matmul %sub3A_267, %get3A_7, %dot_general3A_268 {dimension_numbers = #tpu.dot_dimension_numbers<[1], [0], [0], [1], [0, 0, 1, 1], [], []>, transpose_lhs_hint = false} : vector<256x128xf32>, vector<128x64xf32>, vector<256x64xf32> -> vector<256x64xf32>
    %add3A_270 = arith.addf %get3A_1, %dot_general3A_269 : vector<256x64xf32>
    %ge3A_271 = arith.constant 0.000000e+00 : f32
    %ge3A_272 = vector.broadcast %ge3A_271 : f32 to vector<256x64xf32>
    %ge3A_273 = arith.cmpf oge, %add3A_270, %ge3A_272 : vector<256x64xf32>
    %mul3A_274 = arith.constant 2.000000e-01 : f32
    %mul3A_275 = vector.broadcast %mul3A_274 : f32 to vector<256x64xf32>
    %mul3A_276 = arith.mulf %mul3A_275, %add3A_270 : vector<256x64xf32>
    %select_n3A_277 = arith.select %ge3A_273, %add3A_270, %mul3A_276 : vector<256x64xi1>, vector<256x64xf32>
    %jit3A_278 = arith.constant 0.000000e+00 : f32
    %broadcast_in_dim3A_279 = vector.broadcast %jit3A_278 : f32 to vector<256x64xf32>
    %select_n3A_280 = arith.select %lt3A_11, %select_n3A_277, %broadcast_in_dim3A_279 : vector<256x64xi1>, vector<256x64xf32>
    %reduce_sum3A_281 = arith.constant dense<0.000000e+00> : vector<64xf32>
    %reduce_sum3A_282 = vector.multi_reduction <add>, %select_n3A_280, %reduce_sum3A_281 [0] : vector<256x64xf32> to vector<64xf32>
    %broadcast_in_dim3A_283 = vector.shape_cast %reduce_sum3A_282 : vector<64xf32> to vector<1x64xf32>
    %mul3A_284 = arith.mulf %select_n3A_280, %select_n3A_280 : vector<256x64xf32>
    %reduce_sum3A_285 = arith.constant dense<0.000000e+00> : vector<64xf32>
    %reduce_sum3A_286 = vector.multi_reduction <add>, %mul3A_284, %reduce_sum3A_285 [0] : vector<256x64xf32> to vector<64xf32>
    %broadcast_in_dim3A_287 = vector.shape_cast %reduce_sum3A_286 : vector<64xf32> to vector<1x64xf32>
    %max3A_288 = arith.maximumf %max3A_259, %select_n3A_277 : vector<256x64xf32>
    %add3A_289 = arith.addf %add3A_260, %broadcast_in_dim3A_283 : vector<1x64xf32>
    %add3A_290 = arith.addf %add3A_261, %broadcast_in_dim3A_287 : vector<1x64xf32>
    %get3A_291 = arith.constant 10 : index
    %get3A_292 = arith.constant 0 : index
    %get3A_293 = arith.constant 0 : index
    %get3A_294 = vector.load %arg2[%get3A_291, %get3A_292, %get3A_293] : memref<16x256x128xf32, #tpu.memory_space<vmem>>, vector<1x256x128xf32>
    %get3A_295 = vector.shape_cast %get3A_294 : vector<1x256x128xf32> to vector<256x128xf32>
    %sub3A_296 = arith.subf %get3A_295, %get3A_4 : vector<256x128xf32>
    %dot_general3A_297 = arith.constant dense<0.000000e+00> : vector<256x64xf32>
    %dot_general3A_298 = tpu.matmul %sub3A_296, %get3A_7, %dot_general3A_297 {dimension_numbers = #tpu.dot_dimension_numbers<[1], [0], [0], [1], [0, 0, 1, 1], [], []>, transpose_lhs_hint = false} : vector<256x128xf32>, vector<128x64xf32>, vector<256x64xf32> -> vector<256x64xf32>
    %add3A_299 = arith.addf %get3A_1, %dot_general3A_298 : vector<256x64xf32>
    %ge3A_300 = arith.constant 0.000000e+00 : f32
    %ge3A_301 = vector.broadcast %ge3A_300 : f32 to vector<256x64xf32>
    %ge3A_302 = arith.cmpf oge, %add3A_299, %ge3A_301 : vector<256x64xf32>
    %mul3A_303 = arith.constant 2.000000e-01 : f32
    %mul3A_304 = vector.broadcast %mul3A_303 : f32 to vector<256x64xf32>
    %mul3A_305 = arith.mulf %mul3A_304, %add3A_299 : vector<256x64xf32>
    %select_n3A_306 = arith.select %ge3A_302, %add3A_299, %mul3A_305 : vector<256x64xi1>, vector<256x64xf32>
    %jit3A_307 = arith.constant 0.000000e+00 : f32
    %broadcast_in_dim3A_308 = vector.broadcast %jit3A_307 : f32 to vector<256x64xf32>
    %select_n3A_309 = arith.select %lt3A_11, %select_n3A_306, %broadcast_in_dim3A_308 : vector<256x64xi1>, vector<256x64xf32>
    %reduce_sum3A_310 = arith.constant dense<0.000000e+00> : vector<64xf32>
    %reduce_sum3A_311 = vector.multi_reduction <add>, %select_n3A_309, %reduce_sum3A_310 [0] : vector<256x64xf32> to vector<64xf32>
    %broadcast_in_dim3A_312 = vector.shape_cast %reduce_sum3A_311 : vector<64xf32> to vector<1x64xf32>
    %mul3A_313 = arith.mulf %select_n3A_309, %select_n3A_309 : vector<256x64xf32>
    %reduce_sum3A_314 = arith.constant dense<0.000000e+00> : vector<64xf32>
    %reduce_sum3A_315 = vector.multi_reduction <add>, %mul3A_313, %reduce_sum3A_314 [0] : vector<256x64xf32> to vector<64xf32>
    %broadcast_in_dim3A_316 = vector.shape_cast %reduce_sum3A_315 : vector<64xf32> to vector<1x64xf32>
    %max3A_317 = arith.maximumf %max3A_288, %select_n3A_306 : vector<256x64xf32>
    %add3A_318 = arith.addf %add3A_289, %broadcast_in_dim3A_312 : vector<1x64xf32>
    %add3A_319 = arith.addf %add3A_290, %broadcast_in_dim3A_316 : vector<1x64xf32>
    %get3A_320 = arith.constant 11 : index
    %get3A_321 = arith.constant 0 : index
    %get3A_322 = arith.constant 0 : index
    %get3A_323 = vector.load %arg2[%get3A_320, %get3A_321, %get3A_322] : memref<16x256x128xf32, #tpu.memory_space<vmem>>, vector<1x256x128xf32>
    %get3A_324 = vector.shape_cast %get3A_323 : vector<1x256x128xf32> to vector<256x128xf32>
    %sub3A_325 = arith.subf %get3A_324, %get3A_4 : vector<256x128xf32>
    %dot_general3A_326 = arith.constant dense<0.000000e+00> : vector<256x64xf32>
    %dot_general3A_327 = tpu.matmul %sub3A_325, %get3A_7, %dot_general3A_326 {dimension_numbers = #tpu.dot_dimension_numbers<[1], [0], [0], [1], [0, 0, 1, 1], [], []>, transpose_lhs_hint = false} : vector<256x128xf32>, vector<128x64xf32>, vector<256x64xf32> -> vector<256x64xf32>
    %add3A_328 = arith.addf %get3A_1, %dot_general3A_327 : vector<256x64xf32>
    %ge3A_329 = arith.constant 0.000000e+00 : f32
    %ge3A_330 = vector.broadcast %ge3A_329 : f32 to vector<256x64xf32>
    %ge3A_331 = arith.cmpf oge, %add3A_328, %ge3A_330 : vector<256x64xf32>
    %mul3A_332 = arith.constant 2.000000e-01 : f32
    %mul3A_333 = vector.broadcast %mul3A_332 : f32 to vector<256x64xf32>
    %mul3A_334 = arith.mulf %mul3A_333, %add3A_328 : vector<256x64xf32>
    %select_n3A_335 = arith.select %ge3A_331, %add3A_328, %mul3A_334 : vector<256x64xi1>, vector<256x64xf32>
    %jit3A_336 = arith.constant 0.000000e+00 : f32
    %broadcast_in_dim3A_337 = vector.broadcast %jit3A_336 : f32 to vector<256x64xf32>
    %select_n3A_338 = arith.select %lt3A_11, %select_n3A_335, %broadcast_in_dim3A_337 : vector<256x64xi1>, vector<256x64xf32>
    %reduce_sum3A_339 = arith.constant dense<0.000000e+00> : vector<64xf32>
    %reduce_sum3A_340 = vector.multi_reduction <add>, %select_n3A_338, %reduce_sum3A_339 [0] : vector<256x64xf32> to vector<64xf32>
    %broadcast_in_dim3A_341 = vector.shape_cast %reduce_sum3A_340 : vector<64xf32> to vector<1x64xf32>
    %mul3A_342 = arith.mulf %select_n3A_338, %select_n3A_338 : vector<256x64xf32>
    %reduce_sum3A_343 = arith.constant dense<0.000000e+00> : vector<64xf32>
    %reduce_sum3A_344 = vector.multi_reduction <add>, %mul3A_342, %reduce_sum3A_343 [0] : vector<256x64xf32> to vector<64xf32>
    %broadcast_in_dim3A_345 = vector.shape_cast %reduce_sum3A_344 : vector<64xf32> to vector<1x64xf32>
    %max3A_346 = arith.maximumf %max3A_317, %select_n3A_335 : vector<256x64xf32>
    %add3A_347 = arith.addf %add3A_318, %broadcast_in_dim3A_341 : vector<1x64xf32>
    %add3A_348 = arith.addf %add3A_319, %broadcast_in_dim3A_345 : vector<1x64xf32>
    %get3A_349 = arith.constant 12 : index
    %get3A_350 = arith.constant 0 : index
    %get3A_351 = arith.constant 0 : index
    %get3A_352 = vector.load %arg2[%get3A_349, %get3A_350, %get3A_351] : memref<16x256x128xf32, #tpu.memory_space<vmem>>, vector<1x256x128xf32>
    %get3A_353 = vector.shape_cast %get3A_352 : vector<1x256x128xf32> to vector<256x128xf32>
    %sub3A_354 = arith.subf %get3A_353, %get3A_4 : vector<256x128xf32>
    %dot_general3A_355 = arith.constant dense<0.000000e+00> : vector<256x64xf32>
    %dot_general3A_356 = tpu.matmul %sub3A_354, %get3A_7, %dot_general3A_355 {dimension_numbers = #tpu.dot_dimension_numbers<[1], [0], [0], [1], [0, 0, 1, 1], [], []>, transpose_lhs_hint = false} : vector<256x128xf32>, vector<128x64xf32>, vector<256x64xf32> -> vector<256x64xf32>
    %add3A_357 = arith.addf %get3A_1, %dot_general3A_356 : vector<256x64xf32>
    %ge3A_358 = arith.constant 0.000000e+00 : f32
    %ge3A_359 = vector.broadcast %ge3A_358 : f32 to vector<256x64xf32>
    %ge3A_360 = arith.cmpf oge, %add3A_357, %ge3A_359 : vector<256x64xf32>
    %mul3A_361 = arith.constant 2.000000e-01 : f32
    %mul3A_362 = vector.broadcast %mul3A_361 : f32 to vector<256x64xf32>
    %mul3A_363 = arith.mulf %mul3A_362, %add3A_357 : vector<256x64xf32>
    %select_n3A_364 = arith.select %ge3A_360, %add3A_357, %mul3A_363 : vector<256x64xi1>, vector<256x64xf32>
    %jit3A_365 = arith.constant 0.000000e+00 : f32
    %broadcast_in_dim3A_366 = vector.broadcast %jit3A_365 : f32 to vector<256x64xf32>
    %select_n3A_367 = arith.select %lt3A_11, %select_n3A_364, %broadcast_in_dim3A_366 : vector<256x64xi1>, vector<256x64xf32>
    %reduce_sum3A_368 = arith.constant dense<0.000000e+00> : vector<64xf32>
    %reduce_sum3A_369 = vector.multi_reduction <add>, %select_n3A_367, %reduce_sum3A_368 [0] : vector<256x64xf32> to vector<64xf32>
    %broadcast_in_dim3A_370 = vector.shape_cast %reduce_sum3A_369 : vector<64xf32> to vector<1x64xf32>
    %mul3A_371 = arith.mulf %select_n3A_367, %select_n3A_367 : vector<256x64xf32>
    %reduce_sum3A_372 = arith.constant dense<0.000000e+00> : vector<64xf32>
    %reduce_sum3A_373 = vector.multi_reduction <add>, %mul3A_371, %reduce_sum3A_372 [0] : vector<256x64xf32> to vector<64xf32>
    %broadcast_in_dim3A_374 = vector.shape_cast %reduce_sum3A_373 : vector<64xf32> to vector<1x64xf32>
    %max3A_375 = arith.maximumf %max3A_346, %select_n3A_364 : vector<256x64xf32>
    %add3A_376 = arith.addf %add3A_347, %broadcast_in_dim3A_370 : vector<1x64xf32>
    %add3A_377 = arith.addf %add3A_348, %broadcast_in_dim3A_374 : vector<1x64xf32>
    %get3A_378 = arith.constant 13 : index
    %get3A_379 = arith.constant 0 : index
    %get3A_380 = arith.constant 0 : index
    %get3A_381 = vector.load %arg2[%get3A_378, %get3A_379, %get3A_380] : memref<16x256x128xf32, #tpu.memory_space<vmem>>, vector<1x256x128xf32>
    %get3A_382 = vector.shape_cast %get3A_381 : vector<1x256x128xf32> to vector<256x128xf32>
    %sub3A_383 = arith.subf %get3A_382, %get3A_4 : vector<256x128xf32>
    %dot_general3A_384 = arith.constant dense<0.000000e+00> : vector<256x64xf32>
    %dot_general3A_385 = tpu.matmul %sub3A_383, %get3A_7, %dot_general3A_384 {dimension_numbers = #tpu.dot_dimension_numbers<[1], [0], [0], [1], [0, 0, 1, 1], [], []>, transpose_lhs_hint = false} : vector<256x128xf32>, vector<128x64xf32>, vector<256x64xf32> -> vector<256x64xf32>
    %add3A_386 = arith.addf %get3A_1, %dot_general3A_385 : vector<256x64xf32>
    %ge3A_387 = arith.constant 0.000000e+00 : f32
    %ge3A_388 = vector.broadcast %ge3A_387 : f32 to vector<256x64xf32>
    %ge3A_389 = arith.cmpf oge, %add3A_386, %ge3A_388 : vector<256x64xf32>
    %mul3A_390 = arith.constant 2.000000e-01 : f32
    %mul3A_391 = vector.broadcast %mul3A_390 : f32 to vector<256x64xf32>
    %mul3A_392 = arith.mulf %mul3A_391, %add3A_386 : vector<256x64xf32>
    %select_n3A_393 = arith.select %ge3A_389, %add3A_386, %mul3A_392 : vector<256x64xi1>, vector<256x64xf32>
    %jit3A_394 = arith.constant 0.000000e+00 : f32
    %broadcast_in_dim3A_395 = vector.broadcast %jit3A_394 : f32 to vector<256x64xf32>
    %select_n3A_396 = arith.select %lt3A_11, %select_n3A_393, %broadcast_in_dim3A_395 : vector<256x64xi1>, vector<256x64xf32>
    %reduce_sum3A_397 = arith.constant dense<0.000000e+00> : vector<64xf32>
    %reduce_sum3A_398 = vector.multi_reduction <add>, %select_n3A_396, %reduce_sum3A_397 [0] : vector<256x64xf32> to vector<64xf32>
    %broadcast_in_dim3A_399 = vector.shape_cast %reduce_sum3A_398 : vector<64xf32> to vector<1x64xf32>
    %mul3A_400 = arith.mulf %select_n3A_396, %select_n3A_396 : vector<256x64xf32>
    %reduce_sum3A_401 = arith.constant dense<0.000000e+00> : vector<64xf32>
    %reduce_sum3A_402 = vector.multi_reduction <add>, %mul3A_400, %reduce_sum3A_401 [0] : vector<256x64xf32> to vector<64xf32>
    %broadcast_in_dim3A_403 = vector.shape_cast %reduce_sum3A_402 : vector<64xf32> to vector<1x64xf32>
    %max3A_404 = arith.maximumf %max3A_375, %select_n3A_393 : vector<256x64xf32>
    %add3A_405 = arith.addf %add3A_376, %broadcast_in_dim3A_399 : vector<1x64xf32>
    %add3A_406 = arith.addf %add3A_377, %broadcast_in_dim3A_403 : vector<1x64xf32>
    %get3A_407 = arith.constant 14 : index
    %get3A_408 = arith.constant 0 : index
    %get3A_409 = arith.constant 0 : index
    %get3A_410 = vector.load %arg2[%get3A_407, %get3A_408, %get3A_409] : memref<16x256x128xf32, #tpu.memory_space<vmem>>, vector<1x256x128xf32>
    %get3A_411 = vector.shape_cast %get3A_410 : vector<1x256x128xf32> to vector<256x128xf32>
    %sub3A_412 = arith.subf %get3A_411, %get3A_4 : vector<256x128xf32>
    %dot_general3A_413 = arith.constant dense<0.000000e+00> : vector<256x64xf32>
    %dot_general3A_414 = tpu.matmul %sub3A_412, %get3A_7, %dot_general3A_413 {dimension_numbers = #tpu.dot_dimension_numbers<[1], [0], [0], [1], [0, 0, 1, 1], [], []>, transpose_lhs_hint = false} : vector<256x128xf32>, vector<128x64xf32>, vector<256x64xf32> -> vector<256x64xf32>
    %add3A_415 = arith.addf %get3A_1, %dot_general3A_414 : vector<256x64xf32>
    %ge3A_416 = arith.constant 0.000000e+00 : f32
    %ge3A_417 = vector.broadcast %ge3A_416 : f32 to vector<256x64xf32>
    %ge3A_418 = arith.cmpf oge, %add3A_415, %ge3A_417 : vector<256x64xf32>
    %mul3A_419 = arith.constant 2.000000e-01 : f32
    %mul3A_420 = vector.broadcast %mul3A_419 : f32 to vector<256x64xf32>
    %mul3A_421 = arith.mulf %mul3A_420, %add3A_415 : vector<256x64xf32>
    %select_n3A_422 = arith.select %ge3A_418, %add3A_415, %mul3A_421 : vector<256x64xi1>, vector<256x64xf32>
    %jit3A_423 = arith.constant 0.000000e+00 : f32
    %broadcast_in_dim3A_424 = vector.broadcast %jit3A_423 : f32 to vector<256x64xf32>
    %select_n3A_425 = arith.select %lt3A_11, %select_n3A_422, %broadcast_in_dim3A_424 : vector<256x64xi1>, vector<256x64xf32>
    %reduce_sum3A_426 = arith.constant dense<0.000000e+00> : vector<64xf32>
    %reduce_sum3A_427 = vector.multi_reduction <add>, %select_n3A_425, %reduce_sum3A_426 [0] : vector<256x64xf32> to vector<64xf32>
    %broadcast_in_dim3A_428 = vector.shape_cast %reduce_sum3A_427 : vector<64xf32> to vector<1x64xf32>
    %mul3A_429 = arith.mulf %select_n3A_425, %select_n3A_425 : vector<256x64xf32>
    %reduce_sum3A_430 = arith.constant dense<0.000000e+00> : vector<64xf32>
    %reduce_sum3A_431 = vector.multi_reduction <add>, %mul3A_429, %reduce_sum3A_430 [0] : vector<256x64xf32> to vector<64xf32>
    %broadcast_in_dim3A_432 = vector.shape_cast %reduce_sum3A_431 : vector<64xf32> to vector<1x64xf32>
    %max3A_433 = arith.maximumf %max3A_404, %select_n3A_422 : vector<256x64xf32>
    %add3A_434 = arith.addf %add3A_405, %broadcast_in_dim3A_428 : vector<1x64xf32>
    %add3A_435 = arith.addf %add3A_406, %broadcast_in_dim3A_432 : vector<1x64xf32>
    %get3A_436 = arith.constant 15 : index
    %get3A_437 = arith.constant 0 : index
    %get3A_438 = arith.constant 0 : index
    %get3A_439 = vector.load %arg2[%get3A_436, %get3A_437, %get3A_438] : memref<16x256x128xf32, #tpu.memory_space<vmem>>, vector<1x256x128xf32>
    %get3A_440 = vector.shape_cast %get3A_439 : vector<1x256x128xf32> to vector<256x128xf32>
    %sub3A_441 = arith.subf %get3A_440, %get3A_4 : vector<256x128xf32>
    %dot_general3A_442 = arith.constant dense<0.000000e+00> : vector<256x64xf32>
    %dot_general3A_443 = tpu.matmul %sub3A_441, %get3A_7, %dot_general3A_442 {dimension_numbers = #tpu.dot_dimension_numbers<[1], [0], [0], [1], [0, 0, 1, 1], [], []>, transpose_lhs_hint = false} : vector<256x128xf32>, vector<128x64xf32>, vector<256x64xf32> -> vector<256x64xf32>
    %add3A_444 = arith.addf %get3A_1, %dot_general3A_443 : vector<256x64xf32>
    %ge3A_445 = arith.constant 0.000000e+00 : f32
    %ge3A_446 = vector.broadcast %ge3A_445 : f32 to vector<256x64xf32>
    %ge3A_447 = arith.cmpf oge, %add3A_444, %ge3A_446 : vector<256x64xf32>
    %mul3A_448 = arith.constant 2.000000e-01 : f32
    %mul3A_449 = vector.broadcast %mul3A_448 : f32 to vector<256x64xf32>
    %mul3A_450 = arith.mulf %mul3A_449, %add3A_444 : vector<256x64xf32>
    %select_n3A_451 = arith.select %ge3A_447, %add3A_444, %mul3A_450 : vector<256x64xi1>, vector<256x64xf32>
    %jit3A_452 = arith.constant 0.000000e+00 : f32
    %broadcast_in_dim3A_453 = vector.broadcast %jit3A_452 : f32 to vector<256x64xf32>
    %select_n3A_454 = arith.select %lt3A_11, %select_n3A_451, %broadcast_in_dim3A_453 : vector<256x64xi1>, vector<256x64xf32>
    %reduce_sum3A_455 = arith.constant dense<0.000000e+00> : vector<64xf32>
    %reduce_sum3A_456 = vector.multi_reduction <add>, %select_n3A_454, %reduce_sum3A_455 [0] : vector<256x64xf32> to vector<64xf32>
    %broadcast_in_dim3A_457 = vector.shape_cast %reduce_sum3A_456 : vector<64xf32> to vector<1x64xf32>
    %mul3A_458 = arith.mulf %select_n3A_454, %select_n3A_454 : vector<256x64xf32>
    %reduce_sum3A_459 = arith.constant dense<0.000000e+00> : vector<64xf32>
    %reduce_sum3A_460 = vector.multi_reduction <add>, %mul3A_458, %reduce_sum3A_459 [0] : vector<256x64xf32> to vector<64xf32>
    %broadcast_in_dim3A_461 = vector.shape_cast %reduce_sum3A_460 : vector<64xf32> to vector<1x64xf32>
    %max3A_462 = arith.maximumf %max3A_433, %select_n3A_451 : vector<256x64xf32>
    %add3A_463 = arith.addf %add3A_434, %broadcast_in_dim3A_457 : vector<1x64xf32>
    %add3A_464 = arith.addf %add3A_435, %broadcast_in_dim3A_461 : vector<1x64xf32>
    %swap3A = arith.constant 0 : index
    %swap3A_465 = arith.constant 0 : index
    %swap3A_466 = vector.load %arg5[%swap3A, %swap3A_465] : memref<256x64xf32, #tpu.memory_space<vmem>>, vector<256x64xf32>
    tpu.vector_store %arg5[%swap3A, %swap3A_465], %max3A_462 {strides = array<i32>} : memref<256x64xf32, #tpu.memory_space<vmem>>, vector<256x64xf32>,
    %swap3A_467 = arith.constant 0 : index
    %swap3A_468 = arith.constant 0 : index
    %swap3A_469 = arith.constant 0 : index
    %swap3A_470 = vector.load %arg6[%swap3A_467, %swap3A_468, %swap3A_469] : memref<1x2x64xf32, #tpu.memory_space<vmem>>, vector<1x1x64xf32>
    %swap3A_471 = vector.shape_cast %swap3A_470 : vector<1x1x64xf32> to vector<1x64xf32>
    %swap3A_472 = vector.shape_cast %add3A_463 : vector<1x64xf32> to vector<1x1x64xf32>
    tpu.vector_store %arg6[%swap3A_467, %swap3A_468, %swap3A_469], %swap3A_472 {strides = array<i32>} : memref<1x2x64xf32, #tpu.memory_space<vmem>>, vector<1x1x64xf32>,
    %swap3A_473 = arith.constant 0 : index
    %swap3A_474 = arith.constant 1 : index
    %swap3A_475 = arith.constant 0 : index
    %swap3A_476 = vector.load %arg6[%swap3A_473, %swap3A_474, %swap3A_475] : memref<1x2x64xf32, #tpu.memory_space<vmem>>, vector<1x1x64xf32>
    %swap3A_477 = vector.shape_cast %swap3A_476 : vector<1x1x64xf32> to vector<1x64xf32>
    %swap3A_478 = vector.shape_cast %add3A_464 : vector<1x64xf32> to vector<1x1x64xf32>
    tpu.vector_store %arg6[%swap3A_473, %swap3A_474, %swap3A_475], %swap3A_478 {strides = array<i32>} : memref<1x2x64xf32, #tpu.memory_space<vmem>>, vector<1x1x64xf32>,
    return
  }
  func.func @transform_0(%arg0: i32) -> (i32, i32) {
    %c0_i32 = arith.constant 0 : i32
    %c0_i32_0 = arith.constant 0 : i32
    return %arg0, %c0_i32 : i32, i32
  }
  func.func @transform_1(%arg0: i32) -> (i32, i32, i32) {
    %c0_i32 = arith.constant 0 : i32
    %c0_i32_0 = arith.constant 0 : i32
    %c0_i32_1 = arith.constant 0 : i32
    return %c0_i32, %arg0, %c0_i32_0 : i32, i32, i32
  }
  func.func @transform_2(%arg0: i32) -> (i32, i32) {
    %c0_i32 = arith.constant 0 : i32
    %c0_i32_0 = arith.constant 0 : i32
    return %arg0, %c0_i32 : i32, i32
  }
  func.func @transform_3(%arg0: i32) -> (i32, i32) {
    %c0_i32 = arith.constant 0 : i32
    %c0_i32_0 = arith.constant 0 : i32
    %c0_i32_1 = arith.constant 0 : i32
    return %c0_i32, %c0_i32_0 : i32, i32
  }
  func.func @transform_4(%arg0: i32) -> (i32, i32) {
    %c0_i32 = arith.constant 0 : i32
    %c0_i32_0 = arith.constant 0 : i32
    return %arg0, %c0_i32 : i32, i32
  }
  func.func @transform_5(%arg0: i32) -> (i32, i32, i32) {
    %c0_i32 = arith.constant 0 : i32
    %c0_i32_0 = arith.constant 0 : i32
    %c0_i32_1 = arith.constant 0 : i32
    return %arg0, %c0_i32, %c0_i32_0 : i32, i32, i32
  }
}

module attributes {stable_mosaic.version = 14 : i64} {
  func.func @_normu_body(%arg0: i32, %arg1: memref<1024x64xf32, #tpu.memory_space<vmem>>, %arg2: memref<40x2x64xf32, #tpu.memory_space<vmem>>, %arg3: memref<1x64xf32, #tpu.memory_space<vmem>>, %arg4: memref<1x64xf32, #tpu.memory_space<vmem>>, %arg5: memref<64x128xf32, #tpu.memory_space<vmem>>, %arg6: memref<1x128xf32, #tpu.memory_space<vmem>>, %arg7: memref<1024x128xf32, #tpu.memory_space<vmem>>, %arg8: memref<1024x128xf32, #tpu.memory_space<vmem>>) attributes {dimension_semantics = [#tpu.dimension_semantics<arbitrary>], iteration_bounds = array<i64: 10>, scalar_prefetch = 0 : i64, scratch_operands = 0 : i64, tpu.core_type = #tpu.core_type<tc>, window_params = [{transform_indices = @transform_0, window_bounds = array<i64: 1024, 64>}, {pipeline_mode = #tpu.pipeline_mode<synchronous>, transform_indices = @transform_1, window_bounds = array<i64: 40, 2, 64>}, {pipeline_mode = #tpu.pipeline_mode<synchronous>, transform_indices = @transform_2, window_bounds = array<i64: 1, 64>}, {pipeline_mode = #tpu.pipeline_mode<synchronous>, transform_indices = @transform_3, window_bounds = array<i64: 1, 64>}, {pipeline_mode = #tpu.pipeline_mode<synchronous>, transform_indices = @transform_4, window_bounds = array<i64: 64, 128>}, {pipeline_mode = #tpu.pipeline_mode<synchronous>, transform_indices = @transform_5, window_bounds = array<i64: 1, 128>}, {transform_indices = @transform_6, window_bounds = array<i64: 1024, 128>}, {transform_indices = @transform_7, window_bounds = array<i64: 1024, 128>}]} {
    %get3A = arith.constant 0 : index
    %get3A_0 = arith.constant 0 : index
    %get3A_1 = vector.load %arg1[%get3A, %get3A_0] : memref<1024x64xf32, #tpu.memory_space<vmem>>, vector<1024x64xf32>
    %get3A_2 = arith.constant 0 : index
    %get3A_3 = arith.constant 0 : index
    %get3A_4 = arith.constant 0 : index
    %get3A_5 = vector.load %arg2[%get3A_2, %get3A_3, %get3A_4] : memref<40x2x64xf32, #tpu.memory_space<vmem>>, vector<40x2x64xf32>
    %slice3A = vector.extract_strided_slice %get3A_5 {offsets = [0, 0, 0], sizes = [40, 1, 64], strides = [1, 1, 1]} : vector<40x2x64xf32> to vector<40x1x64xf32>
    %squeeze3A = vector.shape_cast %slice3A : vector<40x1x64xf32> to vector<40x64xf32>
    %reduce_sum3A = arith.constant dense<0.000000e+00> : vector<64xf32>
    %reduce_sum3A_6 = vector.multi_reduction <add>, %squeeze3A, %reduce_sum3A [0] : vector<40x64xf32> to vector<64xf32>
    %broadcast_in_dim3A = vector.shape_cast %reduce_sum3A_6 : vector<64xf32> to vector<1x64xf32>
    %div3A = arith.constant 1.600000e+05 : f32
    %div3A_7 = vector.broadcast %div3A : f32 to vector<1x64xf32>
    %div3A_8 = arith.divf %broadcast_in_dim3A, %div3A_7 : vector<1x64xf32>
    %slice3A_9 = vector.extract_strided_slice %get3A_5 {offsets = [0, 1, 0], sizes = [40, 1, 64], strides = [1, 1, 1]} : vector<40x2x64xf32> to vector<40x1x64xf32>
    %squeeze3A_10 = vector.shape_cast %slice3A_9 : vector<40x1x64xf32> to vector<40x64xf32>
    %reduce_sum3A_11 = arith.constant dense<0.000000e+00> : vector<64xf32>
    %reduce_sum3A_12 = vector.multi_reduction <add>, %squeeze3A_10, %reduce_sum3A_11 [0] : vector<40x64xf32> to vector<64xf32>
    %broadcast_in_dim3A_13 = vector.shape_cast %reduce_sum3A_12 : vector<64xf32> to vector<1x64xf32>
    %div3A_14 = arith.constant 1.600000e+05 : f32
    %div3A_15 = vector.broadcast %div3A_14 : f32 to vector<1x64xf32>
    %div3A_16 = arith.divf %broadcast_in_dim3A_13, %div3A_15 : vector<1x64xf32>
    %mul3A = arith.mulf %div3A_8, %div3A_8 : vector<1x64xf32>
    %sub3A = arith.subf %div3A_16, %mul3A : vector<1x64xf32>
    %get3A_17 = arith.constant 0 : index
    %get3A_18 = arith.constant 0 : index
    %get3A_19 = vector.load %arg3[%get3A_17, %get3A_18] : memref<1x64xf32, #tpu.memory_space<vmem>>, vector<1x64xf32>
    %sub3A_20 = vector.broadcast %div3A_8 : vector<1x64xf32> to vector<1024x64xf32>
    %sub3A_21 = arith.subf %get3A_1, %sub3A_20 : vector<1024x64xf32>
    %mul3A_22 = vector.broadcast %get3A_19 : vector<1x64xf32> to vector<1024x64xf32>
    %mul3A_23 = arith.mulf %mul3A_22, %sub3A_21 : vector<1024x64xf32>
    %add3A = arith.constant 9.99999974E-6 : f32
    %add3A_24 = vector.broadcast %add3A : f32 to vector<1x64xf32>
    %add3A_25 = arith.addf %sub3A, %add3A_24 : vector<1x64xf32>
    %sqrt3A = math.sqrt %add3A_25 : vector<1x64xf32>
    %div3A_26 = vector.broadcast %sqrt3A : vector<1x64xf32> to vector<1024x64xf32>
    %div3A_27 = arith.divf %mul3A_23, %div3A_26 : vector<1024x64xf32>
    %get3A_28 = arith.constant 0 : index
    %get3A_29 = arith.constant 0 : index
    %get3A_30 = vector.load %arg4[%get3A_28, %get3A_29] : memref<1x64xf32, #tpu.memory_space<vmem>>, vector<1x64xf32>
    %add3A_31 = vector.broadcast %get3A_30 : vector<1x64xf32> to vector<1024x64xf32>
    %add3A_32 = arith.addf %div3A_27, %add3A_31 : vector<1024x64xf32>
    %swap3A = arith.constant 0 : index
    %swap3A_33 = arith.constant 0 : index
    %swap3A_34 = vector.load %arg7[%swap3A, %swap3A_33] : memref<1024x128xf32, #tpu.memory_space<vmem>>, vector<1024x64xf32>
    tpu.vector_store %arg7[%swap3A, %swap3A_33], %add3A_32 {strides = array<i32>} : memref<1024x128xf32, #tpu.memory_space<vmem>>, vector<1024x64xf32>,
    %broadcast_in_dim3A_35 = arith.constant 0.000000e+00 : f32
    %broadcast_in_dim3A_36 = vector.broadcast %broadcast_in_dim3A_35 : f32 to vector<1024x64xf32>
    %swap3A_37 = arith.constant 0 : index
    %swap3A_38 = arith.constant 64 : index
    %swap3A_39 = vector.load %arg7[%swap3A_37, %swap3A_38] : memref<1024x128xf32, #tpu.memory_space<vmem>>, vector<1024x64xf32>
    tpu.vector_store %arg7[%swap3A_37, %swap3A_38], %broadcast_in_dim3A_36 {strides = array<i32>} : memref<1024x128xf32, #tpu.memory_space<vmem>>, vector<1024x64xf32>,
    %get3A_40 = arith.constant 0 : index
    %get3A_41 = arith.constant 0 : index
    %get3A_42 = vector.load %arg5[%get3A_40, %get3A_41] : memref<64x128xf32, #tpu.memory_space<vmem>>, vector<64x128xf32>
    %dot_general3A = arith.constant dense<0.000000e+00> : vector<1024x128xf32>
    %dot_general3A_43 = tpu.matmul %add3A_32, %get3A_42, %dot_general3A {dimension_numbers = #tpu.dot_dimension_numbers<[1], [0], [0], [1], [0, 0, 1, 1], [], []>, transpose_lhs_hint = false} : vector<1024x64xf32>, vector<64x128xf32>, vector<1024x128xf32> -> vector<1024x128xf32>
    %get3A_44 = arith.constant 0 : index
    %get3A_45 = arith.constant 0 : index
    %get3A_46 = vector.load %arg6[%get3A_44, %get3A_45] : memref<1x128xf32, #tpu.memory_space<vmem>>, vector<1x128xf32>
    %add3A_47 = vector.broadcast %get3A_46 : vector<1x128xf32> to vector<1024x128xf32>
    %add3A_48 = arith.addf %dot_general3A_43, %add3A_47 : vector<1024x128xf32>
    %swap3A_49 = arith.constant 0 : index
    %swap3A_50 = arith.constant 0 : index
    %swap3A_51 = vector.load %arg8[%swap3A_49, %swap3A_50] : memref<1024x128xf32, #tpu.memory_space<vmem>>, vector<1024x128xf32>
    tpu.vector_store %arg8[%swap3A_49, %swap3A_50], %add3A_48 {strides = array<i32>} : memref<1024x128xf32, #tpu.memory_space<vmem>>, vector<1024x128xf32>,
    return
  }
  func.func @transform_0(%arg0: i32) -> (i32, i32) {
    %c0_i32 = arith.constant 0 : i32
    %c0_i32_0 = arith.constant 0 : i32
    return %arg0, %c0_i32 : i32, i32
  }
  func.func @transform_1(%arg0: i32) -> (i32, i32, i32) {
    %c0_i32 = arith.constant 0 : i32
    %c0_i32_0 = arith.constant 0 : i32
    %c0_i32_1 = arith.constant 0 : i32
    %c0_i32_2 = arith.constant 0 : i32
    return %c0_i32, %c0_i32_0, %c0_i32_1 : i32, i32, i32
  }
  func.func @transform_2(%arg0: i32) -> (i32, i32) {
    %c0_i32 = arith.constant 0 : i32
    %c0_i32_0 = arith.constant 0 : i32
    %c0_i32_1 = arith.constant 0 : i32
    return %c0_i32, %c0_i32_0 : i32, i32
  }
  func.func @transform_3(%arg0: i32) -> (i32, i32) {
    %c0_i32 = arith.constant 0 : i32
    %c0_i32_0 = arith.constant 0 : i32
    %c0_i32_1 = arith.constant 0 : i32
    return %c0_i32, %c0_i32_0 : i32, i32
  }
  func.func @transform_4(%arg0: i32) -> (i32, i32) {
    %c0_i32 = arith.constant 0 : i32
    %c0_i32_0 = arith.constant 0 : i32
    %c0_i32_1 = arith.constant 0 : i32
    return %c0_i32, %c0_i32_0 : i32, i32
  }
  func.func @transform_5(%arg0: i32) -> (i32, i32) {
    %c0_i32 = arith.constant 0 : i32
    %c0_i32_0 = arith.constant 0 : i32
    %c0_i32_1 = arith.constant 0 : i32
    return %c0_i32, %c0_i32_0 : i32, i32
  }
  func.func @transform_6(%arg0: i32) -> (i32, i32) {
    %c0_i32 = arith.constant 0 : i32
    %c0_i32_0 = arith.constant 0 : i32
    return %arg0, %c0_i32 : i32, i32
  }
  func.func @transform_7(%arg0: i32) -> (i32, i32) {
    %c0_i32 = arith.constant 0 : i32
    %c0_i32_0 = arith.constant 0 : i32
    return %arg0, %c0_i32 : i32, i32
  }
}

module attributes {stable_mosaic.version = 14 : i64} {
  func.func @_reduce_body(%arg0: i32, %arg1: memref<256x128xf32, #tpu.memory_space<vmem>>, %arg2: memref<16x256x128xf32, #tpu.memory_space<vmem>>, %arg3: memref<256x128xf32, #tpu.memory_space<vmem>>, %arg4: memref<128x128xf32, #tpu.memory_space<vmem>>, %arg5: memref<256x128xf32, #tpu.memory_space<vmem>>, %arg6: memref<1x2x128xf32, #tpu.memory_space<vmem>>) attributes {dimension_semantics = [#tpu.dimension_semantics<arbitrary>], iteration_bounds = array<i64: 40>, scalar_prefetch = 0 : i64, scratch_operands = 0 : i64, tpu.core_type = #tpu.core_type<tc>, window_params = [{transform_indices = @transform_0, window_bounds = array<i64: 256, 128>}, {transform_indices = @transform_1, window_bounds = array<i64: 16, 256, 128>}, {transform_indices = @transform_2, window_bounds = array<i64: 256, 128>}, {pipeline_mode = #tpu.pipeline_mode<synchronous>, transform_indices = @transform_3, window_bounds = array<i64: 128, 128>}, {transform_indices = @transform_4, window_bounds = array<i64: 256, 128>}, {transform_indices = @transform_5, window_bounds = array<i64: 1, 2, 128>}]} {
    %get3A = arith.constant 0 : index
    %get3A_0 = arith.constant 0 : index
    %get3A_1 = vector.load %arg1[%get3A, %get3A_0] : memref<256x128xf32, #tpu.memory_space<vmem>>, vector<256x128xf32>
    %get3A_2 = arith.constant 0 : index
    %get3A_3 = arith.constant 0 : index
    %get3A_4 = vector.load %arg3[%get3A_2, %get3A_3] : memref<256x128xf32, #tpu.memory_space<vmem>>, vector<256x128xf32>
    %get3A_5 = arith.constant 0 : index
    %get3A_6 = arith.constant 0 : index
    %get3A_7 = vector.load %arg4[%get3A_5, %get3A_6] : memref<128x128xf32, #tpu.memory_space<vmem>>, vector<128x128xf32>
    %mul3A = arith.constant 256 : i32
    %mul3A_8 = arith.muli %arg0, %mul3A : i32
    %iota3A = tpu.iota {dimensions = array<i32: 0>} : vector<256x128xi32>
    %add3A = vector.broadcast %mul3A_8 : i32 to vector<256x128xi32>
    %add3A_9 = arith.addi %add3A, %iota3A : vector<256x128xi32>
    %lt3A = arith.constant 10000 : i32
    %lt3A_10 = vector.broadcast %lt3A : i32 to vector<256x128xi32>
    %lt3A_11 = arith.cmpi slt, %add3A_9, %lt3A_10 : vector<256x128xi32>
    %get3A_12 = arith.constant 0 : index
    %get3A_13 = arith.constant 0 : index
    %get3A_14 = arith.constant 0 : index
    %get3A_15 = vector.load %arg2[%get3A_12, %get3A_13, %get3A_14] : memref<16x256x128xf32, #tpu.memory_space<vmem>>, vector<1x256x128xf32>
    %get3A_16 = vector.shape_cast %get3A_15 : vector<1x256x128xf32> to vector<256x128xf32>
    %sub3A = arith.subf %get3A_16, %get3A_4 : vector<256x128xf32>
    %dot_general3A = arith.constant dense<0.000000e+00> : vector<256x128xf32>
    %dot_general3A_17 = tpu.matmul %sub3A, %get3A_7, %dot_general3A {dimension_numbers = #tpu.dot_dimension_numbers<[1], [0], [0], [1], [0, 0, 1, 1], [], []>, transpose_lhs_hint = false} : vector<256x128xf32>, vector<128x128xf32>, vector<256x128xf32> -> vector<256x128xf32>
    %add3A_18 = arith.addf %get3A_1, %dot_general3A_17 : vector<256x128xf32>
    %ge3A = arith.constant 0.000000e+00 : f32
    %ge3A_19 = vector.broadcast %ge3A : f32 to vector<256x128xf32>
    %ge3A_20 = arith.cmpf oge, %add3A_18, %ge3A_19 : vector<256x128xf32>
    %mul3A_21 = arith.constant 2.000000e-01 : f32
    %mul3A_22 = vector.broadcast %mul3A_21 : f32 to vector<256x128xf32>
    %mul3A_23 = arith.mulf %mul3A_22, %add3A_18 : vector<256x128xf32>
    %select_n3A = arith.select %ge3A_20, %add3A_18, %mul3A_23 : vector<256x128xi1>, vector<256x128xf32>
    %jit3A = arith.constant 0.000000e+00 : f32
    %broadcast_in_dim3A = vector.broadcast %jit3A : f32 to vector<256x128xf32>
    %select_n3A_24 = arith.select %lt3A_11, %select_n3A, %broadcast_in_dim3A : vector<256x128xi1>, vector<256x128xf32>
    %reduce_sum3A = arith.constant dense<0.000000e+00> : vector<128xf32>
    %reduce_sum3A_25 = vector.multi_reduction <add>, %select_n3A_24, %reduce_sum3A [0] : vector<256x128xf32> to vector<128xf32>
    %broadcast_in_dim3A_26 = vector.shape_cast %reduce_sum3A_25 : vector<128xf32> to vector<1x128xf32>
    %mul3A_27 = arith.mulf %select_n3A_24, %select_n3A_24 : vector<256x128xf32>
    %reduce_sum3A_28 = arith.constant dense<0.000000e+00> : vector<128xf32>
    %reduce_sum3A_29 = vector.multi_reduction <add>, %mul3A_27, %reduce_sum3A_28 [0] : vector<256x128xf32> to vector<128xf32>
    %broadcast_in_dim3A_30 = vector.shape_cast %reduce_sum3A_29 : vector<128xf32> to vector<1x128xf32>
    %get3A_31 = arith.constant 1 : index
    %get3A_32 = arith.constant 0 : index
    %get3A_33 = arith.constant 0 : index
    %get3A_34 = vector.load %arg2[%get3A_31, %get3A_32, %get3A_33] : memref<16x256x128xf32, #tpu.memory_space<vmem>>, vector<1x256x128xf32>
    %get3A_35 = vector.shape_cast %get3A_34 : vector<1x256x128xf32> to vector<256x128xf32>
    %sub3A_36 = arith.subf %get3A_35, %get3A_4 : vector<256x128xf32>
    %dot_general3A_37 = arith.constant dense<0.000000e+00> : vector<256x128xf32>
    %dot_general3A_38 = tpu.matmul %sub3A_36, %get3A_7, %dot_general3A_37 {dimension_numbers = #tpu.dot_dimension_numbers<[1], [0], [0], [1], [0, 0, 1, 1], [], []>, transpose_lhs_hint = false} : vector<256x128xf32>, vector<128x128xf32>, vector<256x128xf32> -> vector<256x128xf32>
    %add3A_39 = arith.addf %get3A_1, %dot_general3A_38 : vector<256x128xf32>
    %ge3A_40 = arith.constant 0.000000e+00 : f32
    %ge3A_41 = vector.broadcast %ge3A_40 : f32 to vector<256x128xf32>
    %ge3A_42 = arith.cmpf oge, %add3A_39, %ge3A_41 : vector<256x128xf32>
    %mul3A_43 = arith.constant 2.000000e-01 : f32
    %mul3A_44 = vector.broadcast %mul3A_43 : f32 to vector<256x128xf32>
    %mul3A_45 = arith.mulf %mul3A_44, %add3A_39 : vector<256x128xf32>
    %select_n3A_46 = arith.select %ge3A_42, %add3A_39, %mul3A_45 : vector<256x128xi1>, vector<256x128xf32>
    %jit3A_47 = arith.constant 0.000000e+00 : f32
    %broadcast_in_dim3A_48 = vector.broadcast %jit3A_47 : f32 to vector<256x128xf32>
    %select_n3A_49 = arith.select %lt3A_11, %select_n3A_46, %broadcast_in_dim3A_48 : vector<256x128xi1>, vector<256x128xf32>
    %reduce_sum3A_50 = arith.constant dense<0.000000e+00> : vector<128xf32>
    %reduce_sum3A_51 = vector.multi_reduction <add>, %select_n3A_49, %reduce_sum3A_50 [0] : vector<256x128xf32> to vector<128xf32>
    %broadcast_in_dim3A_52 = vector.shape_cast %reduce_sum3A_51 : vector<128xf32> to vector<1x128xf32>
    %mul3A_53 = arith.mulf %select_n3A_49, %select_n3A_49 : vector<256x128xf32>
    %reduce_sum3A_54 = arith.constant dense<0.000000e+00> : vector<128xf32>
    %reduce_sum3A_55 = vector.multi_reduction <add>, %mul3A_53, %reduce_sum3A_54 [0] : vector<256x128xf32> to vector<128xf32>
    %broadcast_in_dim3A_56 = vector.shape_cast %reduce_sum3A_55 : vector<128xf32> to vector<1x128xf32>
    %max3A = arith.maximumf %select_n3A, %select_n3A_46 : vector<256x128xf32>
    %add3A_57 = arith.addf %broadcast_in_dim3A_26, %broadcast_in_dim3A_52 : vector<1x128xf32>
    %add3A_58 = arith.addf %broadcast_in_dim3A_30, %broadcast_in_dim3A_56 : vector<1x128xf32>
    %get3A_59 = arith.constant 2 : index
    %get3A_60 = arith.constant 0 : index
    %get3A_61 = arith.constant 0 : index
    %get3A_62 = vector.load %arg2[%get3A_59, %get3A_60, %get3A_61] : memref<16x256x128xf32, #tpu.memory_space<vmem>>, vector<1x256x128xf32>
    %get3A_63 = vector.shape_cast %get3A_62 : vector<1x256x128xf32> to vector<256x128xf32>
    %sub3A_64 = arith.subf %get3A_63, %get3A_4 : vector<256x128xf32>
    %dot_general3A_65 = arith.constant dense<0.000000e+00> : vector<256x128xf32>
    %dot_general3A_66 = tpu.matmul %sub3A_64, %get3A_7, %dot_general3A_65 {dimension_numbers = #tpu.dot_dimension_numbers<[1], [0], [0], [1], [0, 0, 1, 1], [], []>, transpose_lhs_hint = false} : vector<256x128xf32>, vector<128x128xf32>, vector<256x128xf32> -> vector<256x128xf32>
    %add3A_67 = arith.addf %get3A_1, %dot_general3A_66 : vector<256x128xf32>
    %ge3A_68 = arith.constant 0.000000e+00 : f32
    %ge3A_69 = vector.broadcast %ge3A_68 : f32 to vector<256x128xf32>
    %ge3A_70 = arith.cmpf oge, %add3A_67, %ge3A_69 : vector<256x128xf32>
    %mul3A_71 = arith.constant 2.000000e-01 : f32
    %mul3A_72 = vector.broadcast %mul3A_71 : f32 to vector<256x128xf32>
    %mul3A_73 = arith.mulf %mul3A_72, %add3A_67 : vector<256x128xf32>
    %select_n3A_74 = arith.select %ge3A_70, %add3A_67, %mul3A_73 : vector<256x128xi1>, vector<256x128xf32>
    %jit3A_75 = arith.constant 0.000000e+00 : f32
    %broadcast_in_dim3A_76 = vector.broadcast %jit3A_75 : f32 to vector<256x128xf32>
    %select_n3A_77 = arith.select %lt3A_11, %select_n3A_74, %broadcast_in_dim3A_76 : vector<256x128xi1>, vector<256x128xf32>
    %reduce_sum3A_78 = arith.constant dense<0.000000e+00> : vector<128xf32>
    %reduce_sum3A_79 = vector.multi_reduction <add>, %select_n3A_77, %reduce_sum3A_78 [0] : vector<256x128xf32> to vector<128xf32>
    %broadcast_in_dim3A_80 = vector.shape_cast %reduce_sum3A_79 : vector<128xf32> to vector<1x128xf32>
    %mul3A_81 = arith.mulf %select_n3A_77, %select_n3A_77 : vector<256x128xf32>
    %reduce_sum3A_82 = arith.constant dense<0.000000e+00> : vector<128xf32>
    %reduce_sum3A_83 = vector.multi_reduction <add>, %mul3A_81, %reduce_sum3A_82 [0] : vector<256x128xf32> to vector<128xf32>
    %broadcast_in_dim3A_84 = vector.shape_cast %reduce_sum3A_83 : vector<128xf32> to vector<1x128xf32>
    %max3A_85 = arith.maximumf %max3A, %select_n3A_74 : vector<256x128xf32>
    %add3A_86 = arith.addf %add3A_57, %broadcast_in_dim3A_80 : vector<1x128xf32>
    %add3A_87 = arith.addf %add3A_58, %broadcast_in_dim3A_84 : vector<1x128xf32>
    %get3A_88 = arith.constant 3 : index
    %get3A_89 = arith.constant 0 : index
    %get3A_90 = arith.constant 0 : index
    %get3A_91 = vector.load %arg2[%get3A_88, %get3A_89, %get3A_90] : memref<16x256x128xf32, #tpu.memory_space<vmem>>, vector<1x256x128xf32>
    %get3A_92 = vector.shape_cast %get3A_91 : vector<1x256x128xf32> to vector<256x128xf32>
    %sub3A_93 = arith.subf %get3A_92, %get3A_4 : vector<256x128xf32>
    %dot_general3A_94 = arith.constant dense<0.000000e+00> : vector<256x128xf32>
    %dot_general3A_95 = tpu.matmul %sub3A_93, %get3A_7, %dot_general3A_94 {dimension_numbers = #tpu.dot_dimension_numbers<[1], [0], [0], [1], [0, 0, 1, 1], [], []>, transpose_lhs_hint = false} : vector<256x128xf32>, vector<128x128xf32>, vector<256x128xf32> -> vector<256x128xf32>
    %add3A_96 = arith.addf %get3A_1, %dot_general3A_95 : vector<256x128xf32>
    %ge3A_97 = arith.constant 0.000000e+00 : f32
    %ge3A_98 = vector.broadcast %ge3A_97 : f32 to vector<256x128xf32>
    %ge3A_99 = arith.cmpf oge, %add3A_96, %ge3A_98 : vector<256x128xf32>
    %mul3A_100 = arith.constant 2.000000e-01 : f32
    %mul3A_101 = vector.broadcast %mul3A_100 : f32 to vector<256x128xf32>
    %mul3A_102 = arith.mulf %mul3A_101, %add3A_96 : vector<256x128xf32>
    %select_n3A_103 = arith.select %ge3A_99, %add3A_96, %mul3A_102 : vector<256x128xi1>, vector<256x128xf32>
    %jit3A_104 = arith.constant 0.000000e+00 : f32
    %broadcast_in_dim3A_105 = vector.broadcast %jit3A_104 : f32 to vector<256x128xf32>
    %select_n3A_106 = arith.select %lt3A_11, %select_n3A_103, %broadcast_in_dim3A_105 : vector<256x128xi1>, vector<256x128xf32>
    %reduce_sum3A_107 = arith.constant dense<0.000000e+00> : vector<128xf32>
    %reduce_sum3A_108 = vector.multi_reduction <add>, %select_n3A_106, %reduce_sum3A_107 [0] : vector<256x128xf32> to vector<128xf32>
    %broadcast_in_dim3A_109 = vector.shape_cast %reduce_sum3A_108 : vector<128xf32> to vector<1x128xf32>
    %mul3A_110 = arith.mulf %select_n3A_106, %select_n3A_106 : vector<256x128xf32>
    %reduce_sum3A_111 = arith.constant dense<0.000000e+00> : vector<128xf32>
    %reduce_sum3A_112 = vector.multi_reduction <add>, %mul3A_110, %reduce_sum3A_111 [0] : vector<256x128xf32> to vector<128xf32>
    %broadcast_in_dim3A_113 = vector.shape_cast %reduce_sum3A_112 : vector<128xf32> to vector<1x128xf32>
    %max3A_114 = arith.maximumf %max3A_85, %select_n3A_103 : vector<256x128xf32>
    %add3A_115 = arith.addf %add3A_86, %broadcast_in_dim3A_109 : vector<1x128xf32>
    %add3A_116 = arith.addf %add3A_87, %broadcast_in_dim3A_113 : vector<1x128xf32>
    %get3A_117 = arith.constant 4 : index
    %get3A_118 = arith.constant 0 : index
    %get3A_119 = arith.constant 0 : index
    %get3A_120 = vector.load %arg2[%get3A_117, %get3A_118, %get3A_119] : memref<16x256x128xf32, #tpu.memory_space<vmem>>, vector<1x256x128xf32>
    %get3A_121 = vector.shape_cast %get3A_120 : vector<1x256x128xf32> to vector<256x128xf32>
    %sub3A_122 = arith.subf %get3A_121, %get3A_4 : vector<256x128xf32>
    %dot_general3A_123 = arith.constant dense<0.000000e+00> : vector<256x128xf32>
    %dot_general3A_124 = tpu.matmul %sub3A_122, %get3A_7, %dot_general3A_123 {dimension_numbers = #tpu.dot_dimension_numbers<[1], [0], [0], [1], [0, 0, 1, 1], [], []>, transpose_lhs_hint = false} : vector<256x128xf32>, vector<128x128xf32>, vector<256x128xf32> -> vector<256x128xf32>
    %add3A_125 = arith.addf %get3A_1, %dot_general3A_124 : vector<256x128xf32>
    %ge3A_126 = arith.constant 0.000000e+00 : f32
    %ge3A_127 = vector.broadcast %ge3A_126 : f32 to vector<256x128xf32>
    %ge3A_128 = arith.cmpf oge, %add3A_125, %ge3A_127 : vector<256x128xf32>
    %mul3A_129 = arith.constant 2.000000e-01 : f32
    %mul3A_130 = vector.broadcast %mul3A_129 : f32 to vector<256x128xf32>
    %mul3A_131 = arith.mulf %mul3A_130, %add3A_125 : vector<256x128xf32>
    %select_n3A_132 = arith.select %ge3A_128, %add3A_125, %mul3A_131 : vector<256x128xi1>, vector<256x128xf32>
    %jit3A_133 = arith.constant 0.000000e+00 : f32
    %broadcast_in_dim3A_134 = vector.broadcast %jit3A_133 : f32 to vector<256x128xf32>
    %select_n3A_135 = arith.select %lt3A_11, %select_n3A_132, %broadcast_in_dim3A_134 : vector<256x128xi1>, vector<256x128xf32>
    %reduce_sum3A_136 = arith.constant dense<0.000000e+00> : vector<128xf32>
    %reduce_sum3A_137 = vector.multi_reduction <add>, %select_n3A_135, %reduce_sum3A_136 [0] : vector<256x128xf32> to vector<128xf32>
    %broadcast_in_dim3A_138 = vector.shape_cast %reduce_sum3A_137 : vector<128xf32> to vector<1x128xf32>
    %mul3A_139 = arith.mulf %select_n3A_135, %select_n3A_135 : vector<256x128xf32>
    %reduce_sum3A_140 = arith.constant dense<0.000000e+00> : vector<128xf32>
    %reduce_sum3A_141 = vector.multi_reduction <add>, %mul3A_139, %reduce_sum3A_140 [0] : vector<256x128xf32> to vector<128xf32>
    %broadcast_in_dim3A_142 = vector.shape_cast %reduce_sum3A_141 : vector<128xf32> to vector<1x128xf32>
    %max3A_143 = arith.maximumf %max3A_114, %select_n3A_132 : vector<256x128xf32>
    %add3A_144 = arith.addf %add3A_115, %broadcast_in_dim3A_138 : vector<1x128xf32>
    %add3A_145 = arith.addf %add3A_116, %broadcast_in_dim3A_142 : vector<1x128xf32>
    %get3A_146 = arith.constant 5 : index
    %get3A_147 = arith.constant 0 : index
    %get3A_148 = arith.constant 0 : index
    %get3A_149 = vector.load %arg2[%get3A_146, %get3A_147, %get3A_148] : memref<16x256x128xf32, #tpu.memory_space<vmem>>, vector<1x256x128xf32>
    %get3A_150 = vector.shape_cast %get3A_149 : vector<1x256x128xf32> to vector<256x128xf32>
    %sub3A_151 = arith.subf %get3A_150, %get3A_4 : vector<256x128xf32>
    %dot_general3A_152 = arith.constant dense<0.000000e+00> : vector<256x128xf32>
    %dot_general3A_153 = tpu.matmul %sub3A_151, %get3A_7, %dot_general3A_152 {dimension_numbers = #tpu.dot_dimension_numbers<[1], [0], [0], [1], [0, 0, 1, 1], [], []>, transpose_lhs_hint = false} : vector<256x128xf32>, vector<128x128xf32>, vector<256x128xf32> -> vector<256x128xf32>
    %add3A_154 = arith.addf %get3A_1, %dot_general3A_153 : vector<256x128xf32>
    %ge3A_155 = arith.constant 0.000000e+00 : f32
    %ge3A_156 = vector.broadcast %ge3A_155 : f32 to vector<256x128xf32>
    %ge3A_157 = arith.cmpf oge, %add3A_154, %ge3A_156 : vector<256x128xf32>
    %mul3A_158 = arith.constant 2.000000e-01 : f32
    %mul3A_159 = vector.broadcast %mul3A_158 : f32 to vector<256x128xf32>
    %mul3A_160 = arith.mulf %mul3A_159, %add3A_154 : vector<256x128xf32>
    %select_n3A_161 = arith.select %ge3A_157, %add3A_154, %mul3A_160 : vector<256x128xi1>, vector<256x128xf32>
    %jit3A_162 = arith.constant 0.000000e+00 : f32
    %broadcast_in_dim3A_163 = vector.broadcast %jit3A_162 : f32 to vector<256x128xf32>
    %select_n3A_164 = arith.select %lt3A_11, %select_n3A_161, %broadcast_in_dim3A_163 : vector<256x128xi1>, vector<256x128xf32>
    %reduce_sum3A_165 = arith.constant dense<0.000000e+00> : vector<128xf32>
    %reduce_sum3A_166 = vector.multi_reduction <add>, %select_n3A_164, %reduce_sum3A_165 [0] : vector<256x128xf32> to vector<128xf32>
    %broadcast_in_dim3A_167 = vector.shape_cast %reduce_sum3A_166 : vector<128xf32> to vector<1x128xf32>
    %mul3A_168 = arith.mulf %select_n3A_164, %select_n3A_164 : vector<256x128xf32>
    %reduce_sum3A_169 = arith.constant dense<0.000000e+00> : vector<128xf32>
    %reduce_sum3A_170 = vector.multi_reduction <add>, %mul3A_168, %reduce_sum3A_169 [0] : vector<256x128xf32> to vector<128xf32>
    %broadcast_in_dim3A_171 = vector.shape_cast %reduce_sum3A_170 : vector<128xf32> to vector<1x128xf32>
    %max3A_172 = arith.maximumf %max3A_143, %select_n3A_161 : vector<256x128xf32>
    %add3A_173 = arith.addf %add3A_144, %broadcast_in_dim3A_167 : vector<1x128xf32>
    %add3A_174 = arith.addf %add3A_145, %broadcast_in_dim3A_171 : vector<1x128xf32>
    %get3A_175 = arith.constant 6 : index
    %get3A_176 = arith.constant 0 : index
    %get3A_177 = arith.constant 0 : index
    %get3A_178 = vector.load %arg2[%get3A_175, %get3A_176, %get3A_177] : memref<16x256x128xf32, #tpu.memory_space<vmem>>, vector<1x256x128xf32>
    %get3A_179 = vector.shape_cast %get3A_178 : vector<1x256x128xf32> to vector<256x128xf32>
    %sub3A_180 = arith.subf %get3A_179, %get3A_4 : vector<256x128xf32>
    %dot_general3A_181 = arith.constant dense<0.000000e+00> : vector<256x128xf32>
    %dot_general3A_182 = tpu.matmul %sub3A_180, %get3A_7, %dot_general3A_181 {dimension_numbers = #tpu.dot_dimension_numbers<[1], [0], [0], [1], [0, 0, 1, 1], [], []>, transpose_lhs_hint = false} : vector<256x128xf32>, vector<128x128xf32>, vector<256x128xf32> -> vector<256x128xf32>
    %add3A_183 = arith.addf %get3A_1, %dot_general3A_182 : vector<256x128xf32>
    %ge3A_184 = arith.constant 0.000000e+00 : f32
    %ge3A_185 = vector.broadcast %ge3A_184 : f32 to vector<256x128xf32>
    %ge3A_186 = arith.cmpf oge, %add3A_183, %ge3A_185 : vector<256x128xf32>
    %mul3A_187 = arith.constant 2.000000e-01 : f32
    %mul3A_188 = vector.broadcast %mul3A_187 : f32 to vector<256x128xf32>
    %mul3A_189 = arith.mulf %mul3A_188, %add3A_183 : vector<256x128xf32>
    %select_n3A_190 = arith.select %ge3A_186, %add3A_183, %mul3A_189 : vector<256x128xi1>, vector<256x128xf32>
    %jit3A_191 = arith.constant 0.000000e+00 : f32
    %broadcast_in_dim3A_192 = vector.broadcast %jit3A_191 : f32 to vector<256x128xf32>
    %select_n3A_193 = arith.select %lt3A_11, %select_n3A_190, %broadcast_in_dim3A_192 : vector<256x128xi1>, vector<256x128xf32>
    %reduce_sum3A_194 = arith.constant dense<0.000000e+00> : vector<128xf32>
    %reduce_sum3A_195 = vector.multi_reduction <add>, %select_n3A_193, %reduce_sum3A_194 [0] : vector<256x128xf32> to vector<128xf32>
    %broadcast_in_dim3A_196 = vector.shape_cast %reduce_sum3A_195 : vector<128xf32> to vector<1x128xf32>
    %mul3A_197 = arith.mulf %select_n3A_193, %select_n3A_193 : vector<256x128xf32>
    %reduce_sum3A_198 = arith.constant dense<0.000000e+00> : vector<128xf32>
    %reduce_sum3A_199 = vector.multi_reduction <add>, %mul3A_197, %reduce_sum3A_198 [0] : vector<256x128xf32> to vector<128xf32>
    %broadcast_in_dim3A_200 = vector.shape_cast %reduce_sum3A_199 : vector<128xf32> to vector<1x128xf32>
    %max3A_201 = arith.maximumf %max3A_172, %select_n3A_190 : vector<256x128xf32>
    %add3A_202 = arith.addf %add3A_173, %broadcast_in_dim3A_196 : vector<1x128xf32>
    %add3A_203 = arith.addf %add3A_174, %broadcast_in_dim3A_200 : vector<1x128xf32>
    %get3A_204 = arith.constant 7 : index
    %get3A_205 = arith.constant 0 : index
    %get3A_206 = arith.constant 0 : index
    %get3A_207 = vector.load %arg2[%get3A_204, %get3A_205, %get3A_206] : memref<16x256x128xf32, #tpu.memory_space<vmem>>, vector<1x256x128xf32>
    %get3A_208 = vector.shape_cast %get3A_207 : vector<1x256x128xf32> to vector<256x128xf32>
    %sub3A_209 = arith.subf %get3A_208, %get3A_4 : vector<256x128xf32>
    %dot_general3A_210 = arith.constant dense<0.000000e+00> : vector<256x128xf32>
    %dot_general3A_211 = tpu.matmul %sub3A_209, %get3A_7, %dot_general3A_210 {dimension_numbers = #tpu.dot_dimension_numbers<[1], [0], [0], [1], [0, 0, 1, 1], [], []>, transpose_lhs_hint = false} : vector<256x128xf32>, vector<128x128xf32>, vector<256x128xf32> -> vector<256x128xf32>
    %add3A_212 = arith.addf %get3A_1, %dot_general3A_211 : vector<256x128xf32>
    %ge3A_213 = arith.constant 0.000000e+00 : f32
    %ge3A_214 = vector.broadcast %ge3A_213 : f32 to vector<256x128xf32>
    %ge3A_215 = arith.cmpf oge, %add3A_212, %ge3A_214 : vector<256x128xf32>
    %mul3A_216 = arith.constant 2.000000e-01 : f32
    %mul3A_217 = vector.broadcast %mul3A_216 : f32 to vector<256x128xf32>
    %mul3A_218 = arith.mulf %mul3A_217, %add3A_212 : vector<256x128xf32>
    %select_n3A_219 = arith.select %ge3A_215, %add3A_212, %mul3A_218 : vector<256x128xi1>, vector<256x128xf32>
    %jit3A_220 = arith.constant 0.000000e+00 : f32
    %broadcast_in_dim3A_221 = vector.broadcast %jit3A_220 : f32 to vector<256x128xf32>
    %select_n3A_222 = arith.select %lt3A_11, %select_n3A_219, %broadcast_in_dim3A_221 : vector<256x128xi1>, vector<256x128xf32>
    %reduce_sum3A_223 = arith.constant dense<0.000000e+00> : vector<128xf32>
    %reduce_sum3A_224 = vector.multi_reduction <add>, %select_n3A_222, %reduce_sum3A_223 [0] : vector<256x128xf32> to vector<128xf32>
    %broadcast_in_dim3A_225 = vector.shape_cast %reduce_sum3A_224 : vector<128xf32> to vector<1x128xf32>
    %mul3A_226 = arith.mulf %select_n3A_222, %select_n3A_222 : vector<256x128xf32>
    %reduce_sum3A_227 = arith.constant dense<0.000000e+00> : vector<128xf32>
    %reduce_sum3A_228 = vector.multi_reduction <add>, %mul3A_226, %reduce_sum3A_227 [0] : vector<256x128xf32> to vector<128xf32>
    %broadcast_in_dim3A_229 = vector.shape_cast %reduce_sum3A_228 : vector<128xf32> to vector<1x128xf32>
    %max3A_230 = arith.maximumf %max3A_201, %select_n3A_219 : vector<256x128xf32>
    %add3A_231 = arith.addf %add3A_202, %broadcast_in_dim3A_225 : vector<1x128xf32>
    %add3A_232 = arith.addf %add3A_203, %broadcast_in_dim3A_229 : vector<1x128xf32>
    %get3A_233 = arith.constant 8 : index
    %get3A_234 = arith.constant 0 : index
    %get3A_235 = arith.constant 0 : index
    %get3A_236 = vector.load %arg2[%get3A_233, %get3A_234, %get3A_235] : memref<16x256x128xf32, #tpu.memory_space<vmem>>, vector<1x256x128xf32>
    %get3A_237 = vector.shape_cast %get3A_236 : vector<1x256x128xf32> to vector<256x128xf32>
    %sub3A_238 = arith.subf %get3A_237, %get3A_4 : vector<256x128xf32>
    %dot_general3A_239 = arith.constant dense<0.000000e+00> : vector<256x128xf32>
    %dot_general3A_240 = tpu.matmul %sub3A_238, %get3A_7, %dot_general3A_239 {dimension_numbers = #tpu.dot_dimension_numbers<[1], [0], [0], [1], [0, 0, 1, 1], [], []>, transpose_lhs_hint = false} : vector<256x128xf32>, vector<128x128xf32>, vector<256x128xf32> -> vector<256x128xf32>
    %add3A_241 = arith.addf %get3A_1, %dot_general3A_240 : vector<256x128xf32>
    %ge3A_242 = arith.constant 0.000000e+00 : f32
    %ge3A_243 = vector.broadcast %ge3A_242 : f32 to vector<256x128xf32>
    %ge3A_244 = arith.cmpf oge, %add3A_241, %ge3A_243 : vector<256x128xf32>
    %mul3A_245 = arith.constant 2.000000e-01 : f32
    %mul3A_246 = vector.broadcast %mul3A_245 : f32 to vector<256x128xf32>
    %mul3A_247 = arith.mulf %mul3A_246, %add3A_241 : vector<256x128xf32>
    %select_n3A_248 = arith.select %ge3A_244, %add3A_241, %mul3A_247 : vector<256x128xi1>, vector<256x128xf32>
    %jit3A_249 = arith.constant 0.000000e+00 : f32
    %broadcast_in_dim3A_250 = vector.broadcast %jit3A_249 : f32 to vector<256x128xf32>
    %select_n3A_251 = arith.select %lt3A_11, %select_n3A_248, %broadcast_in_dim3A_250 : vector<256x128xi1>, vector<256x128xf32>
    %reduce_sum3A_252 = arith.constant dense<0.000000e+00> : vector<128xf32>
    %reduce_sum3A_253 = vector.multi_reduction <add>, %select_n3A_251, %reduce_sum3A_252 [0] : vector<256x128xf32> to vector<128xf32>
    %broadcast_in_dim3A_254 = vector.shape_cast %reduce_sum3A_253 : vector<128xf32> to vector<1x128xf32>
    %mul3A_255 = arith.mulf %select_n3A_251, %select_n3A_251 : vector<256x128xf32>
    %reduce_sum3A_256 = arith.constant dense<0.000000e+00> : vector<128xf32>
    %reduce_sum3A_257 = vector.multi_reduction <add>, %mul3A_255, %reduce_sum3A_256 [0] : vector<256x128xf32> to vector<128xf32>
    %broadcast_in_dim3A_258 = vector.shape_cast %reduce_sum3A_257 : vector<128xf32> to vector<1x128xf32>
    %max3A_259 = arith.maximumf %max3A_230, %select_n3A_248 : vector<256x128xf32>
    %add3A_260 = arith.addf %add3A_231, %broadcast_in_dim3A_254 : vector<1x128xf32>
    %add3A_261 = arith.addf %add3A_232, %broadcast_in_dim3A_258 : vector<1x128xf32>
    %get3A_262 = arith.constant 9 : index
    %get3A_263 = arith.constant 0 : index
    %get3A_264 = arith.constant 0 : index
    %get3A_265 = vector.load %arg2[%get3A_262, %get3A_263, %get3A_264] : memref<16x256x128xf32, #tpu.memory_space<vmem>>, vector<1x256x128xf32>
    %get3A_266 = vector.shape_cast %get3A_265 : vector<1x256x128xf32> to vector<256x128xf32>
    %sub3A_267 = arith.subf %get3A_266, %get3A_4 : vector<256x128xf32>
    %dot_general3A_268 = arith.constant dense<0.000000e+00> : vector<256x128xf32>
    %dot_general3A_269 = tpu.matmul %sub3A_267, %get3A_7, %dot_general3A_268 {dimension_numbers = #tpu.dot_dimension_numbers<[1], [0], [0], [1], [0, 0, 1, 1], [], []>, transpose_lhs_hint = false} : vector<256x128xf32>, vector<128x128xf32>, vector<256x128xf32> -> vector<256x128xf32>
    %add3A_270 = arith.addf %get3A_1, %dot_general3A_269 : vector<256x128xf32>
    %ge3A_271 = arith.constant 0.000000e+00 : f32
    %ge3A_272 = vector.broadcast %ge3A_271 : f32 to vector<256x128xf32>
    %ge3A_273 = arith.cmpf oge, %add3A_270, %ge3A_272 : vector<256x128xf32>
    %mul3A_274 = arith.constant 2.000000e-01 : f32
    %mul3A_275 = vector.broadcast %mul3A_274 : f32 to vector<256x128xf32>
    %mul3A_276 = arith.mulf %mul3A_275, %add3A_270 : vector<256x128xf32>
    %select_n3A_277 = arith.select %ge3A_273, %add3A_270, %mul3A_276 : vector<256x128xi1>, vector<256x128xf32>
    %jit3A_278 = arith.constant 0.000000e+00 : f32
    %broadcast_in_dim3A_279 = vector.broadcast %jit3A_278 : f32 to vector<256x128xf32>
    %select_n3A_280 = arith.select %lt3A_11, %select_n3A_277, %broadcast_in_dim3A_279 : vector<256x128xi1>, vector<256x128xf32>
    %reduce_sum3A_281 = arith.constant dense<0.000000e+00> : vector<128xf32>
    %reduce_sum3A_282 = vector.multi_reduction <add>, %select_n3A_280, %reduce_sum3A_281 [0] : vector<256x128xf32> to vector<128xf32>
    %broadcast_in_dim3A_283 = vector.shape_cast %reduce_sum3A_282 : vector<128xf32> to vector<1x128xf32>
    %mul3A_284 = arith.mulf %select_n3A_280, %select_n3A_280 : vector<256x128xf32>
    %reduce_sum3A_285 = arith.constant dense<0.000000e+00> : vector<128xf32>
    %reduce_sum3A_286 = vector.multi_reduction <add>, %mul3A_284, %reduce_sum3A_285 [0] : vector<256x128xf32> to vector<128xf32>
    %broadcast_in_dim3A_287 = vector.shape_cast %reduce_sum3A_286 : vector<128xf32> to vector<1x128xf32>
    %max3A_288 = arith.maximumf %max3A_259, %select_n3A_277 : vector<256x128xf32>
    %add3A_289 = arith.addf %add3A_260, %broadcast_in_dim3A_283 : vector<1x128xf32>
    %add3A_290 = arith.addf %add3A_261, %broadcast_in_dim3A_287 : vector<1x128xf32>
    %get3A_291 = arith.constant 10 : index
    %get3A_292 = arith.constant 0 : index
    %get3A_293 = arith.constant 0 : index
    %get3A_294 = vector.load %arg2[%get3A_291, %get3A_292, %get3A_293] : memref<16x256x128xf32, #tpu.memory_space<vmem>>, vector<1x256x128xf32>
    %get3A_295 = vector.shape_cast %get3A_294 : vector<1x256x128xf32> to vector<256x128xf32>
    %sub3A_296 = arith.subf %get3A_295, %get3A_4 : vector<256x128xf32>
    %dot_general3A_297 = arith.constant dense<0.000000e+00> : vector<256x128xf32>
    %dot_general3A_298 = tpu.matmul %sub3A_296, %get3A_7, %dot_general3A_297 {dimension_numbers = #tpu.dot_dimension_numbers<[1], [0], [0], [1], [0, 0, 1, 1], [], []>, transpose_lhs_hint = false} : vector<256x128xf32>, vector<128x128xf32>, vector<256x128xf32> -> vector<256x128xf32>
    %add3A_299 = arith.addf %get3A_1, %dot_general3A_298 : vector<256x128xf32>
    %ge3A_300 = arith.constant 0.000000e+00 : f32
    %ge3A_301 = vector.broadcast %ge3A_300 : f32 to vector<256x128xf32>
    %ge3A_302 = arith.cmpf oge, %add3A_299, %ge3A_301 : vector<256x128xf32>
    %mul3A_303 = arith.constant 2.000000e-01 : f32
    %mul3A_304 = vector.broadcast %mul3A_303 : f32 to vector<256x128xf32>
    %mul3A_305 = arith.mulf %mul3A_304, %add3A_299 : vector<256x128xf32>
    %select_n3A_306 = arith.select %ge3A_302, %add3A_299, %mul3A_305 : vector<256x128xi1>, vector<256x128xf32>
    %jit3A_307 = arith.constant 0.000000e+00 : f32
    %broadcast_in_dim3A_308 = vector.broadcast %jit3A_307 : f32 to vector<256x128xf32>
    %select_n3A_309 = arith.select %lt3A_11, %select_n3A_306, %broadcast_in_dim3A_308 : vector<256x128xi1>, vector<256x128xf32>
    %reduce_sum3A_310 = arith.constant dense<0.000000e+00> : vector<128xf32>
    %reduce_sum3A_311 = vector.multi_reduction <add>, %select_n3A_309, %reduce_sum3A_310 [0] : vector<256x128xf32> to vector<128xf32>
    %broadcast_in_dim3A_312 = vector.shape_cast %reduce_sum3A_311 : vector<128xf32> to vector<1x128xf32>
    %mul3A_313 = arith.mulf %select_n3A_309, %select_n3A_309 : vector<256x128xf32>
    %reduce_sum3A_314 = arith.constant dense<0.000000e+00> : vector<128xf32>
    %reduce_sum3A_315 = vector.multi_reduction <add>, %mul3A_313, %reduce_sum3A_314 [0] : vector<256x128xf32> to vector<128xf32>
    %broadcast_in_dim3A_316 = vector.shape_cast %reduce_sum3A_315 : vector<128xf32> to vector<1x128xf32>
    %max3A_317 = arith.maximumf %max3A_288, %select_n3A_306 : vector<256x128xf32>
    %add3A_318 = arith.addf %add3A_289, %broadcast_in_dim3A_312 : vector<1x128xf32>
    %add3A_319 = arith.addf %add3A_290, %broadcast_in_dim3A_316 : vector<1x128xf32>
    %get3A_320 = arith.constant 11 : index
    %get3A_321 = arith.constant 0 : index
    %get3A_322 = arith.constant 0 : index
    %get3A_323 = vector.load %arg2[%get3A_320, %get3A_321, %get3A_322] : memref<16x256x128xf32, #tpu.memory_space<vmem>>, vector<1x256x128xf32>
    %get3A_324 = vector.shape_cast %get3A_323 : vector<1x256x128xf32> to vector<256x128xf32>
    %sub3A_325 = arith.subf %get3A_324, %get3A_4 : vector<256x128xf32>
    %dot_general3A_326 = arith.constant dense<0.000000e+00> : vector<256x128xf32>
    %dot_general3A_327 = tpu.matmul %sub3A_325, %get3A_7, %dot_general3A_326 {dimension_numbers = #tpu.dot_dimension_numbers<[1], [0], [0], [1], [0, 0, 1, 1], [], []>, transpose_lhs_hint = false} : vector<256x128xf32>, vector<128x128xf32>, vector<256x128xf32> -> vector<256x128xf32>
    %add3A_328 = arith.addf %get3A_1, %dot_general3A_327 : vector<256x128xf32>
    %ge3A_329 = arith.constant 0.000000e+00 : f32
    %ge3A_330 = vector.broadcast %ge3A_329 : f32 to vector<256x128xf32>
    %ge3A_331 = arith.cmpf oge, %add3A_328, %ge3A_330 : vector<256x128xf32>
    %mul3A_332 = arith.constant 2.000000e-01 : f32
    %mul3A_333 = vector.broadcast %mul3A_332 : f32 to vector<256x128xf32>
    %mul3A_334 = arith.mulf %mul3A_333, %add3A_328 : vector<256x128xf32>
    %select_n3A_335 = arith.select %ge3A_331, %add3A_328, %mul3A_334 : vector<256x128xi1>, vector<256x128xf32>
    %jit3A_336 = arith.constant 0.000000e+00 : f32
    %broadcast_in_dim3A_337 = vector.broadcast %jit3A_336 : f32 to vector<256x128xf32>
    %select_n3A_338 = arith.select %lt3A_11, %select_n3A_335, %broadcast_in_dim3A_337 : vector<256x128xi1>, vector<256x128xf32>
    %reduce_sum3A_339 = arith.constant dense<0.000000e+00> : vector<128xf32>
    %reduce_sum3A_340 = vector.multi_reduction <add>, %select_n3A_338, %reduce_sum3A_339 [0] : vector<256x128xf32> to vector<128xf32>
    %broadcast_in_dim3A_341 = vector.shape_cast %reduce_sum3A_340 : vector<128xf32> to vector<1x128xf32>
    %mul3A_342 = arith.mulf %select_n3A_338, %select_n3A_338 : vector<256x128xf32>
    %reduce_sum3A_343 = arith.constant dense<0.000000e+00> : vector<128xf32>
    %reduce_sum3A_344 = vector.multi_reduction <add>, %mul3A_342, %reduce_sum3A_343 [0] : vector<256x128xf32> to vector<128xf32>
    %broadcast_in_dim3A_345 = vector.shape_cast %reduce_sum3A_344 : vector<128xf32> to vector<1x128xf32>
    %max3A_346 = arith.maximumf %max3A_317, %select_n3A_335 : vector<256x128xf32>
    %add3A_347 = arith.addf %add3A_318, %broadcast_in_dim3A_341 : vector<1x128xf32>
    %add3A_348 = arith.addf %add3A_319, %broadcast_in_dim3A_345 : vector<1x128xf32>
    %get3A_349 = arith.constant 12 : index
    %get3A_350 = arith.constant 0 : index
    %get3A_351 = arith.constant 0 : index
    %get3A_352 = vector.load %arg2[%get3A_349, %get3A_350, %get3A_351] : memref<16x256x128xf32, #tpu.memory_space<vmem>>, vector<1x256x128xf32>
    %get3A_353 = vector.shape_cast %get3A_352 : vector<1x256x128xf32> to vector<256x128xf32>
    %sub3A_354 = arith.subf %get3A_353, %get3A_4 : vector<256x128xf32>
    %dot_general3A_355 = arith.constant dense<0.000000e+00> : vector<256x128xf32>
    %dot_general3A_356 = tpu.matmul %sub3A_354, %get3A_7, %dot_general3A_355 {dimension_numbers = #tpu.dot_dimension_numbers<[1], [0], [0], [1], [0, 0, 1, 1], [], []>, transpose_lhs_hint = false} : vector<256x128xf32>, vector<128x128xf32>, vector<256x128xf32> -> vector<256x128xf32>
    %add3A_357 = arith.addf %get3A_1, %dot_general3A_356 : vector<256x128xf32>
    %ge3A_358 = arith.constant 0.000000e+00 : f32
    %ge3A_359 = vector.broadcast %ge3A_358 : f32 to vector<256x128xf32>
    %ge3A_360 = arith.cmpf oge, %add3A_357, %ge3A_359 : vector<256x128xf32>
    %mul3A_361 = arith.constant 2.000000e-01 : f32
    %mul3A_362 = vector.broadcast %mul3A_361 : f32 to vector<256x128xf32>
    %mul3A_363 = arith.mulf %mul3A_362, %add3A_357 : vector<256x128xf32>
    %select_n3A_364 = arith.select %ge3A_360, %add3A_357, %mul3A_363 : vector<256x128xi1>, vector<256x128xf32>
    %jit3A_365 = arith.constant 0.000000e+00 : f32
    %broadcast_in_dim3A_366 = vector.broadcast %jit3A_365 : f32 to vector<256x128xf32>
    %select_n3A_367 = arith.select %lt3A_11, %select_n3A_364, %broadcast_in_dim3A_366 : vector<256x128xi1>, vector<256x128xf32>
    %reduce_sum3A_368 = arith.constant dense<0.000000e+00> : vector<128xf32>
    %reduce_sum3A_369 = vector.multi_reduction <add>, %select_n3A_367, %reduce_sum3A_368 [0] : vector<256x128xf32> to vector<128xf32>
    %broadcast_in_dim3A_370 = vector.shape_cast %reduce_sum3A_369 : vector<128xf32> to vector<1x128xf32>
    %mul3A_371 = arith.mulf %select_n3A_367, %select_n3A_367 : vector<256x128xf32>
    %reduce_sum3A_372 = arith.constant dense<0.000000e+00> : vector<128xf32>
    %reduce_sum3A_373 = vector.multi_reduction <add>, %mul3A_371, %reduce_sum3A_372 [0] : vector<256x128xf32> to vector<128xf32>
    %broadcast_in_dim3A_374 = vector.shape_cast %reduce_sum3A_373 : vector<128xf32> to vector<1x128xf32>
    %max3A_375 = arith.maximumf %max3A_346, %select_n3A_364 : vector<256x128xf32>
    %add3A_376 = arith.addf %add3A_347, %broadcast_in_dim3A_370 : vector<1x128xf32>
    %add3A_377 = arith.addf %add3A_348, %broadcast_in_dim3A_374 : vector<1x128xf32>
    %get3A_378 = arith.constant 13 : index
    %get3A_379 = arith.constant 0 : index
    %get3A_380 = arith.constant 0 : index
    %get3A_381 = vector.load %arg2[%get3A_378, %get3A_379, %get3A_380] : memref<16x256x128xf32, #tpu.memory_space<vmem>>, vector<1x256x128xf32>
    %get3A_382 = vector.shape_cast %get3A_381 : vector<1x256x128xf32> to vector<256x128xf32>
    %sub3A_383 = arith.subf %get3A_382, %get3A_4 : vector<256x128xf32>
    %dot_general3A_384 = arith.constant dense<0.000000e+00> : vector<256x128xf32>
    %dot_general3A_385 = tpu.matmul %sub3A_383, %get3A_7, %dot_general3A_384 {dimension_numbers = #tpu.dot_dimension_numbers<[1], [0], [0], [1], [0, 0, 1, 1], [], []>, transpose_lhs_hint = false} : vector<256x128xf32>, vector<128x128xf32>, vector<256x128xf32> -> vector<256x128xf32>
    %add3A_386 = arith.addf %get3A_1, %dot_general3A_385 : vector<256x128xf32>
    %ge3A_387 = arith.constant 0.000000e+00 : f32
    %ge3A_388 = vector.broadcast %ge3A_387 : f32 to vector<256x128xf32>
    %ge3A_389 = arith.cmpf oge, %add3A_386, %ge3A_388 : vector<256x128xf32>
    %mul3A_390 = arith.constant 2.000000e-01 : f32
    %mul3A_391 = vector.broadcast %mul3A_390 : f32 to vector<256x128xf32>
    %mul3A_392 = arith.mulf %mul3A_391, %add3A_386 : vector<256x128xf32>
    %select_n3A_393 = arith.select %ge3A_389, %add3A_386, %mul3A_392 : vector<256x128xi1>, vector<256x128xf32>
    %jit3A_394 = arith.constant 0.000000e+00 : f32
    %broadcast_in_dim3A_395 = vector.broadcast %jit3A_394 : f32 to vector<256x128xf32>
    %select_n3A_396 = arith.select %lt3A_11, %select_n3A_393, %broadcast_in_dim3A_395 : vector<256x128xi1>, vector<256x128xf32>
    %reduce_sum3A_397 = arith.constant dense<0.000000e+00> : vector<128xf32>
    %reduce_sum3A_398 = vector.multi_reduction <add>, %select_n3A_396, %reduce_sum3A_397 [0] : vector<256x128xf32> to vector<128xf32>
    %broadcast_in_dim3A_399 = vector.shape_cast %reduce_sum3A_398 : vector<128xf32> to vector<1x128xf32>
    %mul3A_400 = arith.mulf %select_n3A_396, %select_n3A_396 : vector<256x128xf32>
    %reduce_sum3A_401 = arith.constant dense<0.000000e+00> : vector<128xf32>
    %reduce_sum3A_402 = vector.multi_reduction <add>, %mul3A_400, %reduce_sum3A_401 [0] : vector<256x128xf32> to vector<128xf32>
    %broadcast_in_dim3A_403 = vector.shape_cast %reduce_sum3A_402 : vector<128xf32> to vector<1x128xf32>
    %max3A_404 = arith.maximumf %max3A_375, %select_n3A_393 : vector<256x128xf32>
    %add3A_405 = arith.addf %add3A_376, %broadcast_in_dim3A_399 : vector<1x128xf32>
    %add3A_406 = arith.addf %add3A_377, %broadcast_in_dim3A_403 : vector<1x128xf32>
    %get3A_407 = arith.constant 14 : index
    %get3A_408 = arith.constant 0 : index
    %get3A_409 = arith.constant 0 : index
    %get3A_410 = vector.load %arg2[%get3A_407, %get3A_408, %get3A_409] : memref<16x256x128xf32, #tpu.memory_space<vmem>>, vector<1x256x128xf32>
    %get3A_411 = vector.shape_cast %get3A_410 : vector<1x256x128xf32> to vector<256x128xf32>
    %sub3A_412 = arith.subf %get3A_411, %get3A_4 : vector<256x128xf32>
    %dot_general3A_413 = arith.constant dense<0.000000e+00> : vector<256x128xf32>
    %dot_general3A_414 = tpu.matmul %sub3A_412, %get3A_7, %dot_general3A_413 {dimension_numbers = #tpu.dot_dimension_numbers<[1], [0], [0], [1], [0, 0, 1, 1], [], []>, transpose_lhs_hint = false} : vector<256x128xf32>, vector<128x128xf32>, vector<256x128xf32> -> vector<256x128xf32>
    %add3A_415 = arith.addf %get3A_1, %dot_general3A_414 : vector<256x128xf32>
    %ge3A_416 = arith.constant 0.000000e+00 : f32
    %ge3A_417 = vector.broadcast %ge3A_416 : f32 to vector<256x128xf32>
    %ge3A_418 = arith.cmpf oge, %add3A_415, %ge3A_417 : vector<256x128xf32>
    %mul3A_419 = arith.constant 2.000000e-01 : f32
    %mul3A_420 = vector.broadcast %mul3A_419 : f32 to vector<256x128xf32>
    %mul3A_421 = arith.mulf %mul3A_420, %add3A_415 : vector<256x128xf32>
    %select_n3A_422 = arith.select %ge3A_418, %add3A_415, %mul3A_421 : vector<256x128xi1>, vector<256x128xf32>
    %jit3A_423 = arith.constant 0.000000e+00 : f32
    %broadcast_in_dim3A_424 = vector.broadcast %jit3A_423 : f32 to vector<256x128xf32>
    %select_n3A_425 = arith.select %lt3A_11, %select_n3A_422, %broadcast_in_dim3A_424 : vector<256x128xi1>, vector<256x128xf32>
    %reduce_sum3A_426 = arith.constant dense<0.000000e+00> : vector<128xf32>
    %reduce_sum3A_427 = vector.multi_reduction <add>, %select_n3A_425, %reduce_sum3A_426 [0] : vector<256x128xf32> to vector<128xf32>
    %broadcast_in_dim3A_428 = vector.shape_cast %reduce_sum3A_427 : vector<128xf32> to vector<1x128xf32>
    %mul3A_429 = arith.mulf %select_n3A_425, %select_n3A_425 : vector<256x128xf32>
    %reduce_sum3A_430 = arith.constant dense<0.000000e+00> : vector<128xf32>
    %reduce_sum3A_431 = vector.multi_reduction <add>, %mul3A_429, %reduce_sum3A_430 [0] : vector<256x128xf32> to vector<128xf32>
    %broadcast_in_dim3A_432 = vector.shape_cast %reduce_sum3A_431 : vector<128xf32> to vector<1x128xf32>
    %max3A_433 = arith.maximumf %max3A_404, %select_n3A_422 : vector<256x128xf32>
    %add3A_434 = arith.addf %add3A_405, %broadcast_in_dim3A_428 : vector<1x128xf32>
    %add3A_435 = arith.addf %add3A_406, %broadcast_in_dim3A_432 : vector<1x128xf32>
    %get3A_436 = arith.constant 15 : index
    %get3A_437 = arith.constant 0 : index
    %get3A_438 = arith.constant 0 : index
    %get3A_439 = vector.load %arg2[%get3A_436, %get3A_437, %get3A_438] : memref<16x256x128xf32, #tpu.memory_space<vmem>>, vector<1x256x128xf32>
    %get3A_440 = vector.shape_cast %get3A_439 : vector<1x256x128xf32> to vector<256x128xf32>
    %sub3A_441 = arith.subf %get3A_440, %get3A_4 : vector<256x128xf32>
    %dot_general3A_442 = arith.constant dense<0.000000e+00> : vector<256x128xf32>
    %dot_general3A_443 = tpu.matmul %sub3A_441, %get3A_7, %dot_general3A_442 {dimension_numbers = #tpu.dot_dimension_numbers<[1], [0], [0], [1], [0, 0, 1, 1], [], []>, transpose_lhs_hint = false} : vector<256x128xf32>, vector<128x128xf32>, vector<256x128xf32> -> vector<256x128xf32>
    %add3A_444 = arith.addf %get3A_1, %dot_general3A_443 : vector<256x128xf32>
    %ge3A_445 = arith.constant 0.000000e+00 : f32
    %ge3A_446 = vector.broadcast %ge3A_445 : f32 to vector<256x128xf32>
    %ge3A_447 = arith.cmpf oge, %add3A_444, %ge3A_446 : vector<256x128xf32>
    %mul3A_448 = arith.constant 2.000000e-01 : f32
    %mul3A_449 = vector.broadcast %mul3A_448 : f32 to vector<256x128xf32>
    %mul3A_450 = arith.mulf %mul3A_449, %add3A_444 : vector<256x128xf32>
    %select_n3A_451 = arith.select %ge3A_447, %add3A_444, %mul3A_450 : vector<256x128xi1>, vector<256x128xf32>
    %jit3A_452 = arith.constant 0.000000e+00 : f32
    %broadcast_in_dim3A_453 = vector.broadcast %jit3A_452 : f32 to vector<256x128xf32>
    %select_n3A_454 = arith.select %lt3A_11, %select_n3A_451, %broadcast_in_dim3A_453 : vector<256x128xi1>, vector<256x128xf32>
    %reduce_sum3A_455 = arith.constant dense<0.000000e+00> : vector<128xf32>
    %reduce_sum3A_456 = vector.multi_reduction <add>, %select_n3A_454, %reduce_sum3A_455 [0] : vector<256x128xf32> to vector<128xf32>
    %broadcast_in_dim3A_457 = vector.shape_cast %reduce_sum3A_456 : vector<128xf32> to vector<1x128xf32>
    %mul3A_458 = arith.mulf %select_n3A_454, %select_n3A_454 : vector<256x128xf32>
    %reduce_sum3A_459 = arith.constant dense<0.000000e+00> : vector<128xf32>
    %reduce_sum3A_460 = vector.multi_reduction <add>, %mul3A_458, %reduce_sum3A_459 [0] : vector<256x128xf32> to vector<128xf32>
    %broadcast_in_dim3A_461 = vector.shape_cast %reduce_sum3A_460 : vector<128xf32> to vector<1x128xf32>
    %max3A_462 = arith.maximumf %max3A_433, %select_n3A_451 : vector<256x128xf32>
    %add3A_463 = arith.addf %add3A_434, %broadcast_in_dim3A_457 : vector<1x128xf32>
    %add3A_464 = arith.addf %add3A_435, %broadcast_in_dim3A_461 : vector<1x128xf32>
    %swap3A = arith.constant 0 : index
    %swap3A_465 = arith.constant 0 : index
    %swap3A_466 = vector.load %arg5[%swap3A, %swap3A_465] : memref<256x128xf32, #tpu.memory_space<vmem>>, vector<256x128xf32>
    tpu.vector_store %arg5[%swap3A, %swap3A_465], %max3A_462 {strides = array<i32>} : memref<256x128xf32, #tpu.memory_space<vmem>>, vector<256x128xf32>,
    %swap3A_467 = arith.constant 0 : index
    %swap3A_468 = arith.constant 0 : index
    %swap3A_469 = arith.constant 0 : index
    %swap3A_470 = vector.load %arg6[%swap3A_467, %swap3A_468, %swap3A_469] : memref<1x2x128xf32, #tpu.memory_space<vmem>>, vector<1x1x128xf32>
    %swap3A_471 = vector.shape_cast %swap3A_470 : vector<1x1x128xf32> to vector<1x128xf32>
    %swap3A_472 = vector.shape_cast %add3A_463 : vector<1x128xf32> to vector<1x1x128xf32>
    tpu.vector_store %arg6[%swap3A_467, %swap3A_468, %swap3A_469], %swap3A_472 {strides = array<i32>} : memref<1x2x128xf32, #tpu.memory_space<vmem>>, vector<1x1x128xf32>,
    %swap3A_473 = arith.constant 0 : index
    %swap3A_474 = arith.constant 1 : index
    %swap3A_475 = arith.constant 0 : index
    %swap3A_476 = vector.load %arg6[%swap3A_473, %swap3A_474, %swap3A_475] : memref<1x2x128xf32, #tpu.memory_space<vmem>>, vector<1x1x128xf32>
    %swap3A_477 = vector.shape_cast %swap3A_476 : vector<1x1x128xf32> to vector<1x128xf32>
    %swap3A_478 = vector.shape_cast %add3A_464 : vector<1x128xf32> to vector<1x1x128xf32>
    tpu.vector_store %arg6[%swap3A_473, %swap3A_474, %swap3A_475], %swap3A_478 {strides = array<i32>} : memref<1x2x128xf32, #tpu.memory_space<vmem>>, vector<1x1x128xf32>,
    return
  }
  func.func @transform_0(%arg0: i32) -> (i32, i32) {
    %c0_i32 = arith.constant 0 : i32
    %c0_i32_0 = arith.constant 0 : i32
    return %arg0, %c0_i32 : i32, i32
  }
  func.func @transform_1(%arg0: i32) -> (i32, i32, i32) {
    %c0_i32 = arith.constant 0 : i32
    %c0_i32_0 = arith.constant 0 : i32
    %c0_i32_1 = arith.constant 0 : i32
    return %c0_i32, %arg0, %c0_i32_0 : i32, i32, i32
  }
  func.func @transform_2(%arg0: i32) -> (i32, i32) {
    %c0_i32 = arith.constant 0 : i32
    %c0_i32_0 = arith.constant 0 : i32
    return %arg0, %c0_i32 : i32, i32
  }
  func.func @transform_3(%arg0: i32) -> (i32, i32) {
    %c0_i32 = arith.constant 0 : i32
    %c0_i32_0 = arith.constant 0 : i32
    %c0_i32_1 = arith.constant 0 : i32
    return %c0_i32, %c0_i32_0 : i32, i32
  }
  func.func @transform_4(%arg0: i32) -> (i32, i32) {
    %c0_i32 = arith.constant 0 : i32
    %c0_i32_0 = arith.constant 0 : i32
    return %arg0, %c0_i32 : i32, i32
  }
  func.func @transform_5(%arg0: i32) -> (i32, i32, i32) {
    %c0_i32 = arith.constant 0 : i32
    %c0_i32_0 = arith.constant 0 : i32
    %c0_i32_1 = arith.constant 0 : i32
    return %arg0, %c0_i32, %c0_i32_0 : i32, i32, i32
  }
}

module attributes {stable_mosaic.version = 14 : i64} {
  func.func @_normu_body(%arg0: i32, %arg1: memref<1024x128xf32, #tpu.memory_space<vmem>>, %arg2: memref<40x2x128xf32, #tpu.memory_space<vmem>>, %arg3: memref<1x128xf32, #tpu.memory_space<vmem>>, %arg4: memref<1x128xf32, #tpu.memory_space<vmem>>, %arg5: memref<128x256xf32, #tpu.memory_space<vmem>>, %arg6: memref<1x256xf32, #tpu.memory_space<vmem>>, %arg7: memref<1024x128xf32, #tpu.memory_space<vmem>>, %arg8: memref<1024x256xf32, #tpu.memory_space<vmem>>) attributes {dimension_semantics = [#tpu.dimension_semantics<arbitrary>], iteration_bounds = array<i64: 10>, scalar_prefetch = 0 : i64, scratch_operands = 0 : i64, tpu.core_type = #tpu.core_type<tc>, window_params = [{transform_indices = @transform_0, window_bounds = array<i64: 1024, 128>}, {pipeline_mode = #tpu.pipeline_mode<synchronous>, transform_indices = @transform_1, window_bounds = array<i64: 40, 2, 128>}, {pipeline_mode = #tpu.pipeline_mode<synchronous>, transform_indices = @transform_2, window_bounds = array<i64: 1, 128>}, {pipeline_mode = #tpu.pipeline_mode<synchronous>, transform_indices = @transform_3, window_bounds = array<i64: 1, 128>}, {pipeline_mode = #tpu.pipeline_mode<synchronous>, transform_indices = @transform_4, window_bounds = array<i64: 128, 256>}, {pipeline_mode = #tpu.pipeline_mode<synchronous>, transform_indices = @transform_5, window_bounds = array<i64: 1, 256>}, {transform_indices = @transform_6, window_bounds = array<i64: 1024, 128>}, {transform_indices = @transform_7, window_bounds = array<i64: 1024, 256>}]} {
    %get3A = arith.constant 0 : index
    %get3A_0 = arith.constant 0 : index
    %get3A_1 = vector.load %arg1[%get3A, %get3A_0] : memref<1024x128xf32, #tpu.memory_space<vmem>>, vector<1024x128xf32>
    %get3A_2 = arith.constant 0 : index
    %get3A_3 = arith.constant 0 : index
    %get3A_4 = arith.constant 0 : index
    %get3A_5 = vector.load %arg2[%get3A_2, %get3A_3, %get3A_4] : memref<40x2x128xf32, #tpu.memory_space<vmem>>, vector<40x2x128xf32>
    %slice3A = vector.extract_strided_slice %get3A_5 {offsets = [0, 0, 0], sizes = [40, 1, 128], strides = [1, 1, 1]} : vector<40x2x128xf32> to vector<40x1x128xf32>
    %squeeze3A = vector.shape_cast %slice3A : vector<40x1x128xf32> to vector<40x128xf32>
    %reduce_sum3A = arith.constant dense<0.000000e+00> : vector<128xf32>
    %reduce_sum3A_6 = vector.multi_reduction <add>, %squeeze3A, %reduce_sum3A [0] : vector<40x128xf32> to vector<128xf32>
    %broadcast_in_dim3A = vector.shape_cast %reduce_sum3A_6 : vector<128xf32> to vector<1x128xf32>
    %div3A = arith.constant 1.600000e+05 : f32
    %div3A_7 = vector.broadcast %div3A : f32 to vector<1x128xf32>
    %div3A_8 = arith.divf %broadcast_in_dim3A, %div3A_7 : vector<1x128xf32>
    %slice3A_9 = vector.extract_strided_slice %get3A_5 {offsets = [0, 1, 0], sizes = [40, 1, 128], strides = [1, 1, 1]} : vector<40x2x128xf32> to vector<40x1x128xf32>
    %squeeze3A_10 = vector.shape_cast %slice3A_9 : vector<40x1x128xf32> to vector<40x128xf32>
    %reduce_sum3A_11 = arith.constant dense<0.000000e+00> : vector<128xf32>
    %reduce_sum3A_12 = vector.multi_reduction <add>, %squeeze3A_10, %reduce_sum3A_11 [0] : vector<40x128xf32> to vector<128xf32>
    %broadcast_in_dim3A_13 = vector.shape_cast %reduce_sum3A_12 : vector<128xf32> to vector<1x128xf32>
    %div3A_14 = arith.constant 1.600000e+05 : f32
    %div3A_15 = vector.broadcast %div3A_14 : f32 to vector<1x128xf32>
    %div3A_16 = arith.divf %broadcast_in_dim3A_13, %div3A_15 : vector<1x128xf32>
    %mul3A = arith.mulf %div3A_8, %div3A_8 : vector<1x128xf32>
    %sub3A = arith.subf %div3A_16, %mul3A : vector<1x128xf32>
    %get3A_17 = arith.constant 0 : index
    %get3A_18 = arith.constant 0 : index
    %get3A_19 = vector.load %arg3[%get3A_17, %get3A_18] : memref<1x128xf32, #tpu.memory_space<vmem>>, vector<1x128xf32>
    %sub3A_20 = vector.broadcast %div3A_8 : vector<1x128xf32> to vector<1024x128xf32>
    %sub3A_21 = arith.subf %get3A_1, %sub3A_20 : vector<1024x128xf32>
    %mul3A_22 = vector.broadcast %get3A_19 : vector<1x128xf32> to vector<1024x128xf32>
    %mul3A_23 = arith.mulf %mul3A_22, %sub3A_21 : vector<1024x128xf32>
    %add3A = arith.constant 9.99999974E-6 : f32
    %add3A_24 = vector.broadcast %add3A : f32 to vector<1x128xf32>
    %add3A_25 = arith.addf %sub3A, %add3A_24 : vector<1x128xf32>
    %sqrt3A = math.sqrt %add3A_25 : vector<1x128xf32>
    %div3A_26 = vector.broadcast %sqrt3A : vector<1x128xf32> to vector<1024x128xf32>
    %div3A_27 = arith.divf %mul3A_23, %div3A_26 : vector<1024x128xf32>
    %get3A_28 = arith.constant 0 : index
    %get3A_29 = arith.constant 0 : index
    %get3A_30 = vector.load %arg4[%get3A_28, %get3A_29] : memref<1x128xf32, #tpu.memory_space<vmem>>, vector<1x128xf32>
    %add3A_31 = vector.broadcast %get3A_30 : vector<1x128xf32> to vector<1024x128xf32>
    %add3A_32 = arith.addf %div3A_27, %add3A_31 : vector<1024x128xf32>
    %swap3A = arith.constant 0 : index
    %swap3A_33 = arith.constant 0 : index
    %swap3A_34 = vector.load %arg7[%swap3A, %swap3A_33] : memref<1024x128xf32, #tpu.memory_space<vmem>>, vector<1024x128xf32>
    tpu.vector_store %arg7[%swap3A, %swap3A_33], %add3A_32 {strides = array<i32>} : memref<1024x128xf32, #tpu.memory_space<vmem>>, vector<1024x128xf32>,
    %get3A_35 = arith.constant 0 : index
    %get3A_36 = arith.constant 0 : index
    %get3A_37 = vector.load %arg5[%get3A_35, %get3A_36] : memref<128x256xf32, #tpu.memory_space<vmem>>, vector<128x256xf32>
    %dot_general3A = arith.constant dense<0.000000e+00> : vector<1024x256xf32>
    %dot_general3A_38 = tpu.matmul %add3A_32, %get3A_37, %dot_general3A {dimension_numbers = #tpu.dot_dimension_numbers<[1], [0], [0], [1], [0, 0, 1, 1], [], []>, transpose_lhs_hint = false} : vector<1024x128xf32>, vector<128x256xf32>, vector<1024x256xf32> -> vector<1024x256xf32>
    %get3A_39 = arith.constant 0 : index
    %get3A_40 = arith.constant 0 : index
    %get3A_41 = vector.load %arg6[%get3A_39, %get3A_40] : memref<1x256xf32, #tpu.memory_space<vmem>>, vector<1x256xf32>
    %add3A_42 = vector.broadcast %get3A_41 : vector<1x256xf32> to vector<1024x256xf32>
    %add3A_43 = arith.addf %dot_general3A_38, %add3A_42 : vector<1024x256xf32>
    %swap3A_44 = arith.constant 0 : index
    %swap3A_45 = arith.constant 0 : index
    %swap3A_46 = vector.load %arg8[%swap3A_44, %swap3A_45] : memref<1024x256xf32, #tpu.memory_space<vmem>>, vector<1024x256xf32>
    tpu.vector_store %arg8[%swap3A_44, %swap3A_45], %add3A_43 {strides = array<i32>} : memref<1024x256xf32, #tpu.memory_space<vmem>>, vector<1024x256xf32>,
    return
  }
  func.func @transform_0(%arg0: i32) -> (i32, i32) {
    %c0_i32 = arith.constant 0 : i32
    %c0_i32_0 = arith.constant 0 : i32
    return %arg0, %c0_i32 : i32, i32
  }
  func.func @transform_1(%arg0: i32) -> (i32, i32, i32) {
    %c0_i32 = arith.constant 0 : i32
    %c0_i32_0 = arith.constant 0 : i32
    %c0_i32_1 = arith.constant 0 : i32
    %c0_i32_2 = arith.constant 0 : i32
    return %c0_i32, %c0_i32_0, %c0_i32_1 : i32, i32, i32
  }
  func.func @transform_2(%arg0: i32) -> (i32, i32) {
    %c0_i32 = arith.constant 0 : i32
    %c0_i32_0 = arith.constant 0 : i32
    %c0_i32_1 = arith.constant 0 : i32
    return %c0_i32, %c0_i32_0 : i32, i32
  }
  func.func @transform_3(%arg0: i32) -> (i32, i32) {
    %c0_i32 = arith.constant 0 : i32
    %c0_i32_0 = arith.constant 0 : i32
    %c0_i32_1 = arith.constant 0 : i32
    return %c0_i32, %c0_i32_0 : i32, i32
  }
  func.func @transform_4(%arg0: i32) -> (i32, i32) {
    %c0_i32 = arith.constant 0 : i32
    %c0_i32_0 = arith.constant 0 : i32
    %c0_i32_1 = arith.constant 0 : i32
    return %c0_i32, %c0_i32_0 : i32, i32
  }
  func.func @transform_5(%arg0: i32) -> (i32, i32) {
    %c0_i32 = arith.constant 0 : i32
    %c0_i32_0 = arith.constant 0 : i32
    %c0_i32_1 = arith.constant 0 : i32
    return %c0_i32, %c0_i32_0 : i32, i32
  }
  func.func @transform_6(%arg0: i32) -> (i32, i32) {
    %c0_i32 = arith.constant 0 : i32
    %c0_i32_0 = arith.constant 0 : i32
    return %arg0, %c0_i32 : i32, i32
  }
  func.func @transform_7(%arg0: i32) -> (i32, i32) {
    %c0_i32 = arith.constant 0 : i32
    %c0_i32_0 = arith.constant 0 : i32
    return %arg0, %c0_i32 : i32, i32
  }
}

module attributes {stable_mosaic.version = 14 : i64} {
  func.func @_reduce_body(%arg0: i32, %arg1: memref<256x256xf32, #tpu.memory_space<vmem>>, %arg2: memref<16x256x128xf32, #tpu.memory_space<vmem>>, %arg3: memref<256x128xf32, #tpu.memory_space<vmem>>, %arg4: memref<128x256xf32, #tpu.memory_space<vmem>>, %arg5: memref<256x256xf32, #tpu.memory_space<vmem>>, %arg6: memref<1x2x256xf32, #tpu.memory_space<vmem>>) attributes {dimension_semantics = [#tpu.dimension_semantics<arbitrary>], iteration_bounds = array<i64: 40>, scalar_prefetch = 0 : i64, scratch_operands = 0 : i64, tpu.core_type = #tpu.core_type<tc>, window_params = [{transform_indices = @transform_0, window_bounds = array<i64: 256, 256>}, {transform_indices = @transform_1, window_bounds = array<i64: 16, 256, 128>}, {transform_indices = @transform_2, window_bounds = array<i64: 256, 128>}, {pipeline_mode = #tpu.pipeline_mode<synchronous>, transform_indices = @transform_3, window_bounds = array<i64: 128, 256>}, {transform_indices = @transform_4, window_bounds = array<i64: 256, 256>}, {transform_indices = @transform_5, window_bounds = array<i64: 1, 2, 256>}]} {
    %get3A = arith.constant 0 : index
    %get3A_0 = arith.constant 0 : index
    %get3A_1 = vector.load %arg1[%get3A, %get3A_0] : memref<256x256xf32, #tpu.memory_space<vmem>>, vector<256x256xf32>
    %get3A_2 = arith.constant 0 : index
    %get3A_3 = arith.constant 0 : index
    %get3A_4 = vector.load %arg3[%get3A_2, %get3A_3] : memref<256x128xf32, #tpu.memory_space<vmem>>, vector<256x128xf32>
    %get3A_5 = arith.constant 0 : index
    %get3A_6 = arith.constant 0 : index
    %get3A_7 = vector.load %arg4[%get3A_5, %get3A_6] : memref<128x256xf32, #tpu.memory_space<vmem>>, vector<128x256xf32>
    %mul3A = arith.constant 256 : i32
    %mul3A_8 = arith.muli %arg0, %mul3A : i32
    %iota3A = tpu.iota {dimensions = array<i32: 0>} : vector<256x256xi32>
    %add3A = vector.broadcast %mul3A_8 : i32 to vector<256x256xi32>
    %add3A_9 = arith.addi %add3A, %iota3A : vector<256x256xi32>
    %lt3A = arith.constant 10000 : i32
    %lt3A_10 = vector.broadcast %lt3A : i32 to vector<256x256xi32>
    %lt3A_11 = arith.cmpi slt, %add3A_9, %lt3A_10 : vector<256x256xi32>
    %get3A_12 = arith.constant 0 : index
    %get3A_13 = arith.constant 0 : index
    %get3A_14 = arith.constant 0 : index
    %get3A_15 = vector.load %arg2[%get3A_12, %get3A_13, %get3A_14] : memref<16x256x128xf32, #tpu.memory_space<vmem>>, vector<1x256x128xf32>
    %get3A_16 = vector.shape_cast %get3A_15 : vector<1x256x128xf32> to vector<256x128xf32>
    %sub3A = arith.subf %get3A_16, %get3A_4 : vector<256x128xf32>
    %dot_general3A = arith.constant dense<0.000000e+00> : vector<256x256xf32>
    %dot_general3A_17 = tpu.matmul %sub3A, %get3A_7, %dot_general3A {dimension_numbers = #tpu.dot_dimension_numbers<[1], [0], [0], [1], [0, 0, 1, 1], [], []>, transpose_lhs_hint = false} : vector<256x128xf32>, vector<128x256xf32>, vector<256x256xf32> -> vector<256x256xf32>
    %add3A_18 = arith.addf %get3A_1, %dot_general3A_17 : vector<256x256xf32>
    %ge3A = arith.constant 0.000000e+00 : f32
    %ge3A_19 = vector.broadcast %ge3A : f32 to vector<256x256xf32>
    %ge3A_20 = arith.cmpf oge, %add3A_18, %ge3A_19 : vector<256x256xf32>
    %mul3A_21 = arith.constant 2.000000e-01 : f32
    %mul3A_22 = vector.broadcast %mul3A_21 : f32 to vector<256x256xf32>
    %mul3A_23 = arith.mulf %mul3A_22, %add3A_18 : vector<256x256xf32>
    %select_n3A = arith.select %ge3A_20, %add3A_18, %mul3A_23 : vector<256x256xi1>, vector<256x256xf32>
    %jit3A = arith.constant 0.000000e+00 : f32
    %broadcast_in_dim3A = vector.broadcast %jit3A : f32 to vector<256x256xf32>
    %select_n3A_24 = arith.select %lt3A_11, %select_n3A, %broadcast_in_dim3A : vector<256x256xi1>, vector<256x256xf32>
    %reduce_sum3A = arith.constant dense<0.000000e+00> : vector<256xf32>
    %reduce_sum3A_25 = vector.multi_reduction <add>, %select_n3A_24, %reduce_sum3A [0] : vector<256x256xf32> to vector<256xf32>
    %broadcast_in_dim3A_26 = vector.shape_cast %reduce_sum3A_25 : vector<256xf32> to vector<1x256xf32>
    %mul3A_27 = arith.mulf %select_n3A_24, %select_n3A_24 : vector<256x256xf32>
    %reduce_sum3A_28 = arith.constant dense<0.000000e+00> : vector<256xf32>
    %reduce_sum3A_29 = vector.multi_reduction <add>, %mul3A_27, %reduce_sum3A_28 [0] : vector<256x256xf32> to vector<256xf32>
    %broadcast_in_dim3A_30 = vector.shape_cast %reduce_sum3A_29 : vector<256xf32> to vector<1x256xf32>
    %get3A_31 = arith.constant 1 : index
    %get3A_32 = arith.constant 0 : index
    %get3A_33 = arith.constant 0 : index
    %get3A_34 = vector.load %arg2[%get3A_31, %get3A_32, %get3A_33] : memref<16x256x128xf32, #tpu.memory_space<vmem>>, vector<1x256x128xf32>
    %get3A_35 = vector.shape_cast %get3A_34 : vector<1x256x128xf32> to vector<256x128xf32>
    %sub3A_36 = arith.subf %get3A_35, %get3A_4 : vector<256x128xf32>
    %dot_general3A_37 = arith.constant dense<0.000000e+00> : vector<256x256xf32>
    %dot_general3A_38 = tpu.matmul %sub3A_36, %get3A_7, %dot_general3A_37 {dimension_numbers = #tpu.dot_dimension_numbers<[1], [0], [0], [1], [0, 0, 1, 1], [], []>, transpose_lhs_hint = false} : vector<256x128xf32>, vector<128x256xf32>, vector<256x256xf32> -> vector<256x256xf32>
    %add3A_39 = arith.addf %get3A_1, %dot_general3A_38 : vector<256x256xf32>
    %ge3A_40 = arith.constant 0.000000e+00 : f32
    %ge3A_41 = vector.broadcast %ge3A_40 : f32 to vector<256x256xf32>
    %ge3A_42 = arith.cmpf oge, %add3A_39, %ge3A_41 : vector<256x256xf32>
    %mul3A_43 = arith.constant 2.000000e-01 : f32
    %mul3A_44 = vector.broadcast %mul3A_43 : f32 to vector<256x256xf32>
    %mul3A_45 = arith.mulf %mul3A_44, %add3A_39 : vector<256x256xf32>
    %select_n3A_46 = arith.select %ge3A_42, %add3A_39, %mul3A_45 : vector<256x256xi1>, vector<256x256xf32>
    %jit3A_47 = arith.constant 0.000000e+00 : f32
    %broadcast_in_dim3A_48 = vector.broadcast %jit3A_47 : f32 to vector<256x256xf32>
    %select_n3A_49 = arith.select %lt3A_11, %select_n3A_46, %broadcast_in_dim3A_48 : vector<256x256xi1>, vector<256x256xf32>
    %reduce_sum3A_50 = arith.constant dense<0.000000e+00> : vector<256xf32>
    %reduce_sum3A_51 = vector.multi_reduction <add>, %select_n3A_49, %reduce_sum3A_50 [0] : vector<256x256xf32> to vector<256xf32>
    %broadcast_in_dim3A_52 = vector.shape_cast %reduce_sum3A_51 : vector<256xf32> to vector<1x256xf32>
    %mul3A_53 = arith.mulf %select_n3A_49, %select_n3A_49 : vector<256x256xf32>
    %reduce_sum3A_54 = arith.constant dense<0.000000e+00> : vector<256xf32>
    %reduce_sum3A_55 = vector.multi_reduction <add>, %mul3A_53, %reduce_sum3A_54 [0] : vector<256x256xf32> to vector<256xf32>
    %broadcast_in_dim3A_56 = vector.shape_cast %reduce_sum3A_55 : vector<256xf32> to vector<1x256xf32>
    %max3A = arith.maximumf %select_n3A, %select_n3A_46 : vector<256x256xf32>
    %add3A_57 = arith.addf %broadcast_in_dim3A_26, %broadcast_in_dim3A_52 : vector<1x256xf32>
    %add3A_58 = arith.addf %broadcast_in_dim3A_30, %broadcast_in_dim3A_56 : vector<1x256xf32>
    %get3A_59 = arith.constant 2 : index
    %get3A_60 = arith.constant 0 : index
    %get3A_61 = arith.constant 0 : index
    %get3A_62 = vector.load %arg2[%get3A_59, %get3A_60, %get3A_61] : memref<16x256x128xf32, #tpu.memory_space<vmem>>, vector<1x256x128xf32>
    %get3A_63 = vector.shape_cast %get3A_62 : vector<1x256x128xf32> to vector<256x128xf32>
    %sub3A_64 = arith.subf %get3A_63, %get3A_4 : vector<256x128xf32>
    %dot_general3A_65 = arith.constant dense<0.000000e+00> : vector<256x256xf32>
    %dot_general3A_66 = tpu.matmul %sub3A_64, %get3A_7, %dot_general3A_65 {dimension_numbers = #tpu.dot_dimension_numbers<[1], [0], [0], [1], [0, 0, 1, 1], [], []>, transpose_lhs_hint = false} : vector<256x128xf32>, vector<128x256xf32>, vector<256x256xf32> -> vector<256x256xf32>
    %add3A_67 = arith.addf %get3A_1, %dot_general3A_66 : vector<256x256xf32>
    %ge3A_68 = arith.constant 0.000000e+00 : f32
    %ge3A_69 = vector.broadcast %ge3A_68 : f32 to vector<256x256xf32>
    %ge3A_70 = arith.cmpf oge, %add3A_67, %ge3A_69 : vector<256x256xf32>
    %mul3A_71 = arith.constant 2.000000e-01 : f32
    %mul3A_72 = vector.broadcast %mul3A_71 : f32 to vector<256x256xf32>
    %mul3A_73 = arith.mulf %mul3A_72, %add3A_67 : vector<256x256xf32>
    %select_n3A_74 = arith.select %ge3A_70, %add3A_67, %mul3A_73 : vector<256x256xi1>, vector<256x256xf32>
    %jit3A_75 = arith.constant 0.000000e+00 : f32
    %broadcast_in_dim3A_76 = vector.broadcast %jit3A_75 : f32 to vector<256x256xf32>
    %select_n3A_77 = arith.select %lt3A_11, %select_n3A_74, %broadcast_in_dim3A_76 : vector<256x256xi1>, vector<256x256xf32>
    %reduce_sum3A_78 = arith.constant dense<0.000000e+00> : vector<256xf32>
    %reduce_sum3A_79 = vector.multi_reduction <add>, %select_n3A_77, %reduce_sum3A_78 [0] : vector<256x256xf32> to vector<256xf32>
    %broadcast_in_dim3A_80 = vector.shape_cast %reduce_sum3A_79 : vector<256xf32> to vector<1x256xf32>
    %mul3A_81 = arith.mulf %select_n3A_77, %select_n3A_77 : vector<256x256xf32>
    %reduce_sum3A_82 = arith.constant dense<0.000000e+00> : vector<256xf32>
    %reduce_sum3A_83 = vector.multi_reduction <add>, %mul3A_81, %reduce_sum3A_82 [0] : vector<256x256xf32> to vector<256xf32>
    %broadcast_in_dim3A_84 = vector.shape_cast %reduce_sum3A_83 : vector<256xf32> to vector<1x256xf32>
    %max3A_85 = arith.maximumf %max3A, %select_n3A_74 : vector<256x256xf32>
    %add3A_86 = arith.addf %add3A_57, %broadcast_in_dim3A_80 : vector<1x256xf32>
    %add3A_87 = arith.addf %add3A_58, %broadcast_in_dim3A_84 : vector<1x256xf32>
    %get3A_88 = arith.constant 3 : index
    %get3A_89 = arith.constant 0 : index
    %get3A_90 = arith.constant 0 : index
    %get3A_91 = vector.load %arg2[%get3A_88, %get3A_89, %get3A_90] : memref<16x256x128xf32, #tpu.memory_space<vmem>>, vector<1x256x128xf32>
    %get3A_92 = vector.shape_cast %get3A_91 : vector<1x256x128xf32> to vector<256x128xf32>
    %sub3A_93 = arith.subf %get3A_92, %get3A_4 : vector<256x128xf32>
    %dot_general3A_94 = arith.constant dense<0.000000e+00> : vector<256x256xf32>
    %dot_general3A_95 = tpu.matmul %sub3A_93, %get3A_7, %dot_general3A_94 {dimension_numbers = #tpu.dot_dimension_numbers<[1], [0], [0], [1], [0, 0, 1, 1], [], []>, transpose_lhs_hint = false} : vector<256x128xf32>, vector<128x256xf32>, vector<256x256xf32> -> vector<256x256xf32>
    %add3A_96 = arith.addf %get3A_1, %dot_general3A_95 : vector<256x256xf32>
    %ge3A_97 = arith.constant 0.000000e+00 : f32
    %ge3A_98 = vector.broadcast %ge3A_97 : f32 to vector<256x256xf32>
    %ge3A_99 = arith.cmpf oge, %add3A_96, %ge3A_98 : vector<256x256xf32>
    %mul3A_100 = arith.constant 2.000000e-01 : f32
    %mul3A_101 = vector.broadcast %mul3A_100 : f32 to vector<256x256xf32>
    %mul3A_102 = arith.mulf %mul3A_101, %add3A_96 : vector<256x256xf32>
    %select_n3A_103 = arith.select %ge3A_99, %add3A_96, %mul3A_102 : vector<256x256xi1>, vector<256x256xf32>
    %jit3A_104 = arith.constant 0.000000e+00 : f32
    %broadcast_in_dim3A_105 = vector.broadcast %jit3A_104 : f32 to vector<256x256xf32>
    %select_n3A_106 = arith.select %lt3A_11, %select_n3A_103, %broadcast_in_dim3A_105 : vector<256x256xi1>, vector<256x256xf32>
    %reduce_sum3A_107 = arith.constant dense<0.000000e+00> : vector<256xf32>
    %reduce_sum3A_108 = vector.multi_reduction <add>, %select_n3A_106, %reduce_sum3A_107 [0] : vector<256x256xf32> to vector<256xf32>
    %broadcast_in_dim3A_109 = vector.shape_cast %reduce_sum3A_108 : vector<256xf32> to vector<1x256xf32>
    %mul3A_110 = arith.mulf %select_n3A_106, %select_n3A_106 : vector<256x256xf32>
    %reduce_sum3A_111 = arith.constant dense<0.000000e+00> : vector<256xf32>
    %reduce_sum3A_112 = vector.multi_reduction <add>, %mul3A_110, %reduce_sum3A_111 [0] : vector<256x256xf32> to vector<256xf32>
    %broadcast_in_dim3A_113 = vector.shape_cast %reduce_sum3A_112 : vector<256xf32> to vector<1x256xf32>
    %max3A_114 = arith.maximumf %max3A_85, %select_n3A_103 : vector<256x256xf32>
    %add3A_115 = arith.addf %add3A_86, %broadcast_in_dim3A_109 : vector<1x256xf32>
    %add3A_116 = arith.addf %add3A_87, %broadcast_in_dim3A_113 : vector<1x256xf32>
    %get3A_117 = arith.constant 4 : index
    %get3A_118 = arith.constant 0 : index
    %get3A_119 = arith.constant 0 : index
    %get3A_120 = vector.load %arg2[%get3A_117, %get3A_118, %get3A_119] : memref<16x256x128xf32, #tpu.memory_space<vmem>>, vector<1x256x128xf32>
    %get3A_121 = vector.shape_cast %get3A_120 : vector<1x256x128xf32> to vector<256x128xf32>
    %sub3A_122 = arith.subf %get3A_121, %get3A_4 : vector<256x128xf32>
    %dot_general3A_123 = arith.constant dense<0.000000e+00> : vector<256x256xf32>
    %dot_general3A_124 = tpu.matmul %sub3A_122, %get3A_7, %dot_general3A_123 {dimension_numbers = #tpu.dot_dimension_numbers<[1], [0], [0], [1], [0, 0, 1, 1], [], []>, transpose_lhs_hint = false} : vector<256x128xf32>, vector<128x256xf32>, vector<256x256xf32> -> vector<256x256xf32>
    %add3A_125 = arith.addf %get3A_1, %dot_general3A_124 : vector<256x256xf32>
    %ge3A_126 = arith.constant 0.000000e+00 : f32
    %ge3A_127 = vector.broadcast %ge3A_126 : f32 to vector<256x256xf32>
    %ge3A_128 = arith.cmpf oge, %add3A_125, %ge3A_127 : vector<256x256xf32>
    %mul3A_129 = arith.constant 2.000000e-01 : f32
    %mul3A_130 = vector.broadcast %mul3A_129 : f32 to vector<256x256xf32>
    %mul3A_131 = arith.mulf %mul3A_130, %add3A_125 : vector<256x256xf32>
    %select_n3A_132 = arith.select %ge3A_128, %add3A_125, %mul3A_131 : vector<256x256xi1>, vector<256x256xf32>
    %jit3A_133 = arith.constant 0.000000e+00 : f32
    %broadcast_in_dim3A_134 = vector.broadcast %jit3A_133 : f32 to vector<256x256xf32>
    %select_n3A_135 = arith.select %lt3A_11, %select_n3A_132, %broadcast_in_dim3A_134 : vector<256x256xi1>, vector<256x256xf32>
    %reduce_sum3A_136 = arith.constant dense<0.000000e+00> : vector<256xf32>
    %reduce_sum3A_137 = vector.multi_reduction <add>, %select_n3A_135, %reduce_sum3A_136 [0] : vector<256x256xf32> to vector<256xf32>
    %broadcast_in_dim3A_138 = vector.shape_cast %reduce_sum3A_137 : vector<256xf32> to vector<1x256xf32>
    %mul3A_139 = arith.mulf %select_n3A_135, %select_n3A_135 : vector<256x256xf32>
    %reduce_sum3A_140 = arith.constant dense<0.000000e+00> : vector<256xf32>
    %reduce_sum3A_141 = vector.multi_reduction <add>, %mul3A_139, %reduce_sum3A_140 [0] : vector<256x256xf32> to vector<256xf32>
    %broadcast_in_dim3A_142 = vector.shape_cast %reduce_sum3A_141 : vector<256xf32> to vector<1x256xf32>
    %max3A_143 = arith.maximumf %max3A_114, %select_n3A_132 : vector<256x256xf32>
    %add3A_144 = arith.addf %add3A_115, %broadcast_in_dim3A_138 : vector<1x256xf32>
    %add3A_145 = arith.addf %add3A_116, %broadcast_in_dim3A_142 : vector<1x256xf32>
    %get3A_146 = arith.constant 5 : index
    %get3A_147 = arith.constant 0 : index
    %get3A_148 = arith.constant 0 : index
    %get3A_149 = vector.load %arg2[%get3A_146, %get3A_147, %get3A_148] : memref<16x256x128xf32, #tpu.memory_space<vmem>>, vector<1x256x128xf32>
    %get3A_150 = vector.shape_cast %get3A_149 : vector<1x256x128xf32> to vector<256x128xf32>
    %sub3A_151 = arith.subf %get3A_150, %get3A_4 : vector<256x128xf32>
    %dot_general3A_152 = arith.constant dense<0.000000e+00> : vector<256x256xf32>
    %dot_general3A_153 = tpu.matmul %sub3A_151, %get3A_7, %dot_general3A_152 {dimension_numbers = #tpu.dot_dimension_numbers<[1], [0], [0], [1], [0, 0, 1, 1], [], []>, transpose_lhs_hint = false} : vector<256x128xf32>, vector<128x256xf32>, vector<256x256xf32> -> vector<256x256xf32>
    %add3A_154 = arith.addf %get3A_1, %dot_general3A_153 : vector<256x256xf32>
    %ge3A_155 = arith.constant 0.000000e+00 : f32
    %ge3A_156 = vector.broadcast %ge3A_155 : f32 to vector<256x256xf32>
    %ge3A_157 = arith.cmpf oge, %add3A_154, %ge3A_156 : vector<256x256xf32>
    %mul3A_158 = arith.constant 2.000000e-01 : f32
    %mul3A_159 = vector.broadcast %mul3A_158 : f32 to vector<256x256xf32>
    %mul3A_160 = arith.mulf %mul3A_159, %add3A_154 : vector<256x256xf32>
    %select_n3A_161 = arith.select %ge3A_157, %add3A_154, %mul3A_160 : vector<256x256xi1>, vector<256x256xf32>
    %jit3A_162 = arith.constant 0.000000e+00 : f32
    %broadcast_in_dim3A_163 = vector.broadcast %jit3A_162 : f32 to vector<256x256xf32>
    %select_n3A_164 = arith.select %lt3A_11, %select_n3A_161, %broadcast_in_dim3A_163 : vector<256x256xi1>, vector<256x256xf32>
    %reduce_sum3A_165 = arith.constant dense<0.000000e+00> : vector<256xf32>
    %reduce_sum3A_166 = vector.multi_reduction <add>, %select_n3A_164, %reduce_sum3A_165 [0] : vector<256x256xf32> to vector<256xf32>
    %broadcast_in_dim3A_167 = vector.shape_cast %reduce_sum3A_166 : vector<256xf32> to vector<1x256xf32>
    %mul3A_168 = arith.mulf %select_n3A_164, %select_n3A_164 : vector<256x256xf32>
    %reduce_sum3A_169 = arith.constant dense<0.000000e+00> : vector<256xf32>
    %reduce_sum3A_170 = vector.multi_reduction <add>, %mul3A_168, %reduce_sum3A_169 [0] : vector<256x256xf32> to vector<256xf32>
    %broadcast_in_dim3A_171 = vector.shape_cast %reduce_sum3A_170 : vector<256xf32> to vector<1x256xf32>
    %max3A_172 = arith.maximumf %max3A_143, %select_n3A_161 : vector<256x256xf32>
    %add3A_173 = arith.addf %add3A_144, %broadcast_in_dim3A_167 : vector<1x256xf32>
    %add3A_174 = arith.addf %add3A_145, %broadcast_in_dim3A_171 : vector<1x256xf32>
    %get3A_175 = arith.constant 6 : index
    %get3A_176 = arith.constant 0 : index
    %get3A_177 = arith.constant 0 : index
    %get3A_178 = vector.load %arg2[%get3A_175, %get3A_176, %get3A_177] : memref<16x256x128xf32, #tpu.memory_space<vmem>>, vector<1x256x128xf32>
    %get3A_179 = vector.shape_cast %get3A_178 : vector<1x256x128xf32> to vector<256x128xf32>
    %sub3A_180 = arith.subf %get3A_179, %get3A_4 : vector<256x128xf32>
    %dot_general3A_181 = arith.constant dense<0.000000e+00> : vector<256x256xf32>
    %dot_general3A_182 = tpu.matmul %sub3A_180, %get3A_7, %dot_general3A_181 {dimension_numbers = #tpu.dot_dimension_numbers<[1], [0], [0], [1], [0, 0, 1, 1], [], []>, transpose_lhs_hint = false} : vector<256x128xf32>, vector<128x256xf32>, vector<256x256xf32> -> vector<256x256xf32>
    %add3A_183 = arith.addf %get3A_1, %dot_general3A_182 : vector<256x256xf32>
    %ge3A_184 = arith.constant 0.000000e+00 : f32
    %ge3A_185 = vector.broadcast %ge3A_184 : f32 to vector<256x256xf32>
    %ge3A_186 = arith.cmpf oge, %add3A_183, %ge3A_185 : vector<256x256xf32>
    %mul3A_187 = arith.constant 2.000000e-01 : f32
    %mul3A_188 = vector.broadcast %mul3A_187 : f32 to vector<256x256xf32>
    %mul3A_189 = arith.mulf %mul3A_188, %add3A_183 : vector<256x256xf32>
    %select_n3A_190 = arith.select %ge3A_186, %add3A_183, %mul3A_189 : vector<256x256xi1>, vector<256x256xf32>
    %jit3A_191 = arith.constant 0.000000e+00 : f32
    %broadcast_in_dim3A_192 = vector.broadcast %jit3A_191 : f32 to vector<256x256xf32>
    %select_n3A_193 = arith.select %lt3A_11, %select_n3A_190, %broadcast_in_dim3A_192 : vector<256x256xi1>, vector<256x256xf32>
    %reduce_sum3A_194 = arith.constant dense<0.000000e+00> : vector<256xf32>
    %reduce_sum3A_195 = vector.multi_reduction <add>, %select_n3A_193, %reduce_sum3A_194 [0] : vector<256x256xf32> to vector<256xf32>
    %broadcast_in_dim3A_196 = vector.shape_cast %reduce_sum3A_195 : vector<256xf32> to vector<1x256xf32>
    %mul3A_197 = arith.mulf %select_n3A_193, %select_n3A_193 : vector<256x256xf32>
    %reduce_sum3A_198 = arith.constant dense<0.000000e+00> : vector<256xf32>
    %reduce_sum3A_199 = vector.multi_reduction <add>, %mul3A_197, %reduce_sum3A_198 [0] : vector<256x256xf32> to vector<256xf32>
    %broadcast_in_dim3A_200 = vector.shape_cast %reduce_sum3A_199 : vector<256xf32> to vector<1x256xf32>
    %max3A_201 = arith.maximumf %max3A_172, %select_n3A_190 : vector<256x256xf32>
    %add3A_202 = arith.addf %add3A_173, %broadcast_in_dim3A_196 : vector<1x256xf32>
    %add3A_203 = arith.addf %add3A_174, %broadcast_in_dim3A_200 : vector<1x256xf32>
    %get3A_204 = arith.constant 7 : index
    %get3A_205 = arith.constant 0 : index
    %get3A_206 = arith.constant 0 : index
    %get3A_207 = vector.load %arg2[%get3A_204, %get3A_205, %get3A_206] : memref<16x256x128xf32, #tpu.memory_space<vmem>>, vector<1x256x128xf32>
    %get3A_208 = vector.shape_cast %get3A_207 : vector<1x256x128xf32> to vector<256x128xf32>
    %sub3A_209 = arith.subf %get3A_208, %get3A_4 : vector<256x128xf32>
    %dot_general3A_210 = arith.constant dense<0.000000e+00> : vector<256x256xf32>
    %dot_general3A_211 = tpu.matmul %sub3A_209, %get3A_7, %dot_general3A_210 {dimension_numbers = #tpu.dot_dimension_numbers<[1], [0], [0], [1], [0, 0, 1, 1], [], []>, transpose_lhs_hint = false} : vector<256x128xf32>, vector<128x256xf32>, vector<256x256xf32> -> vector<256x256xf32>
    %add3A_212 = arith.addf %get3A_1, %dot_general3A_211 : vector<256x256xf32>
    %ge3A_213 = arith.constant 0.000000e+00 : f32
    %ge3A_214 = vector.broadcast %ge3A_213 : f32 to vector<256x256xf32>
    %ge3A_215 = arith.cmpf oge, %add3A_212, %ge3A_214 : vector<256x256xf32>
    %mul3A_216 = arith.constant 2.000000e-01 : f32
    %mul3A_217 = vector.broadcast %mul3A_216 : f32 to vector<256x256xf32>
    %mul3A_218 = arith.mulf %mul3A_217, %add3A_212 : vector<256x256xf32>
    %select_n3A_219 = arith.select %ge3A_215, %add3A_212, %mul3A_218 : vector<256x256xi1>, vector<256x256xf32>
    %jit3A_220 = arith.constant 0.000000e+00 : f32
    %broadcast_in_dim3A_221 = vector.broadcast %jit3A_220 : f32 to vector<256x256xf32>
    %select_n3A_222 = arith.select %lt3A_11, %select_n3A_219, %broadcast_in_dim3A_221 : vector<256x256xi1>, vector<256x256xf32>
    %reduce_sum3A_223 = arith.constant dense<0.000000e+00> : vector<256xf32>
    %reduce_sum3A_224 = vector.multi_reduction <add>, %select_n3A_222, %reduce_sum3A_223 [0] : vector<256x256xf32> to vector<256xf32>
    %broadcast_in_dim3A_225 = vector.shape_cast %reduce_sum3A_224 : vector<256xf32> to vector<1x256xf32>
    %mul3A_226 = arith.mulf %select_n3A_222, %select_n3A_222 : vector<256x256xf32>
    %reduce_sum3A_227 = arith.constant dense<0.000000e+00> : vector<256xf32>
    %reduce_sum3A_228 = vector.multi_reduction <add>, %mul3A_226, %reduce_sum3A_227 [0] : vector<256x256xf32> to vector<256xf32>
    %broadcast_in_dim3A_229 = vector.shape_cast %reduce_sum3A_228 : vector<256xf32> to vector<1x256xf32>
    %max3A_230 = arith.maximumf %max3A_201, %select_n3A_219 : vector<256x256xf32>
    %add3A_231 = arith.addf %add3A_202, %broadcast_in_dim3A_225 : vector<1x256xf32>
    %add3A_232 = arith.addf %add3A_203, %broadcast_in_dim3A_229 : vector<1x256xf32>
    %get3A_233 = arith.constant 8 : index
    %get3A_234 = arith.constant 0 : index
    %get3A_235 = arith.constant 0 : index
    %get3A_236 = vector.load %arg2[%get3A_233, %get3A_234, %get3A_235] : memref<16x256x128xf32, #tpu.memory_space<vmem>>, vector<1x256x128xf32>
    %get3A_237 = vector.shape_cast %get3A_236 : vector<1x256x128xf32> to vector<256x128xf32>
    %sub3A_238 = arith.subf %get3A_237, %get3A_4 : vector<256x128xf32>
    %dot_general3A_239 = arith.constant dense<0.000000e+00> : vector<256x256xf32>
    %dot_general3A_240 = tpu.matmul %sub3A_238, %get3A_7, %dot_general3A_239 {dimension_numbers = #tpu.dot_dimension_numbers<[1], [0], [0], [1], [0, 0, 1, 1], [], []>, transpose_lhs_hint = false} : vector<256x128xf32>, vector<128x256xf32>, vector<256x256xf32> -> vector<256x256xf32>
    %add3A_241 = arith.addf %get3A_1, %dot_general3A_240 : vector<256x256xf32>
    %ge3A_242 = arith.constant 0.000000e+00 : f32
    %ge3A_243 = vector.broadcast %ge3A_242 : f32 to vector<256x256xf32>
    %ge3A_244 = arith.cmpf oge, %add3A_241, %ge3A_243 : vector<256x256xf32>
    %mul3A_245 = arith.constant 2.000000e-01 : f32
    %mul3A_246 = vector.broadcast %mul3A_245 : f32 to vector<256x256xf32>
    %mul3A_247 = arith.mulf %mul3A_246, %add3A_241 : vector<256x256xf32>
    %select_n3A_248 = arith.select %ge3A_244, %add3A_241, %mul3A_247 : vector<256x256xi1>, vector<256x256xf32>
    %jit3A_249 = arith.constant 0.000000e+00 : f32
    %broadcast_in_dim3A_250 = vector.broadcast %jit3A_249 : f32 to vector<256x256xf32>
    %select_n3A_251 = arith.select %lt3A_11, %select_n3A_248, %broadcast_in_dim3A_250 : vector<256x256xi1>, vector<256x256xf32>
    %reduce_sum3A_252 = arith.constant dense<0.000000e+00> : vector<256xf32>
    %reduce_sum3A_253 = vector.multi_reduction <add>, %select_n3A_251, %reduce_sum3A_252 [0] : vector<256x256xf32> to vector<256xf32>
    %broadcast_in_dim3A_254 = vector.shape_cast %reduce_sum3A_253 : vector<256xf32> to vector<1x256xf32>
    %mul3A_255 = arith.mulf %select_n3A_251, %select_n3A_251 : vector<256x256xf32>
    %reduce_sum3A_256 = arith.constant dense<0.000000e+00> : vector<256xf32>
    %reduce_sum3A_257 = vector.multi_reduction <add>, %mul3A_255, %reduce_sum3A_256 [0] : vector<256x256xf32> to vector<256xf32>
    %broadcast_in_dim3A_258 = vector.shape_cast %reduce_sum3A_257 : vector<256xf32> to vector<1x256xf32>
    %max3A_259 = arith.maximumf %max3A_230, %select_n3A_248 : vector<256x256xf32>
    %add3A_260 = arith.addf %add3A_231, %broadcast_in_dim3A_254 : vector<1x256xf32>
    %add3A_261 = arith.addf %add3A_232, %broadcast_in_dim3A_258 : vector<1x256xf32>
    %get3A_262 = arith.constant 9 : index
    %get3A_263 = arith.constant 0 : index
    %get3A_264 = arith.constant 0 : index
    %get3A_265 = vector.load %arg2[%get3A_262, %get3A_263, %get3A_264] : memref<16x256x128xf32, #tpu.memory_space<vmem>>, vector<1x256x128xf32>
    %get3A_266 = vector.shape_cast %get3A_265 : vector<1x256x128xf32> to vector<256x128xf32>
    %sub3A_267 = arith.subf %get3A_266, %get3A_4 : vector<256x128xf32>
    %dot_general3A_268 = arith.constant dense<0.000000e+00> : vector<256x256xf32>
    %dot_general3A_269 = tpu.matmul %sub3A_267, %get3A_7, %dot_general3A_268 {dimension_numbers = #tpu.dot_dimension_numbers<[1], [0], [0], [1], [0, 0, 1, 1], [], []>, transpose_lhs_hint = false} : vector<256x128xf32>, vector<128x256xf32>, vector<256x256xf32> -> vector<256x256xf32>
    %add3A_270 = arith.addf %get3A_1, %dot_general3A_269 : vector<256x256xf32>
    %ge3A_271 = arith.constant 0.000000e+00 : f32
    %ge3A_272 = vector.broadcast %ge3A_271 : f32 to vector<256x256xf32>
    %ge3A_273 = arith.cmpf oge, %add3A_270, %ge3A_272 : vector<256x256xf32>
    %mul3A_274 = arith.constant 2.000000e-01 : f32
    %mul3A_275 = vector.broadcast %mul3A_274 : f32 to vector<256x256xf32>
    %mul3A_276 = arith.mulf %mul3A_275, %add3A_270 : vector<256x256xf32>
    %select_n3A_277 = arith.select %ge3A_273, %add3A_270, %mul3A_276 : vector<256x256xi1>, vector<256x256xf32>
    %jit3A_278 = arith.constant 0.000000e+00 : f32
    %broadcast_in_dim3A_279 = vector.broadcast %jit3A_278 : f32 to vector<256x256xf32>
    %select_n3A_280 = arith.select %lt3A_11, %select_n3A_277, %broadcast_in_dim3A_279 : vector<256x256xi1>, vector<256x256xf32>
    %reduce_sum3A_281 = arith.constant dense<0.000000e+00> : vector<256xf32>
    %reduce_sum3A_282 = vector.multi_reduction <add>, %select_n3A_280, %reduce_sum3A_281 [0] : vector<256x256xf32> to vector<256xf32>
    %broadcast_in_dim3A_283 = vector.shape_cast %reduce_sum3A_282 : vector<256xf32> to vector<1x256xf32>
    %mul3A_284 = arith.mulf %select_n3A_280, %select_n3A_280 : vector<256x256xf32>
    %reduce_sum3A_285 = arith.constant dense<0.000000e+00> : vector<256xf32>
    %reduce_sum3A_286 = vector.multi_reduction <add>, %mul3A_284, %reduce_sum3A_285 [0] : vector<256x256xf32> to vector<256xf32>
    %broadcast_in_dim3A_287 = vector.shape_cast %reduce_sum3A_286 : vector<256xf32> to vector<1x256xf32>
    %max3A_288 = arith.maximumf %max3A_259, %select_n3A_277 : vector<256x256xf32>
    %add3A_289 = arith.addf %add3A_260, %broadcast_in_dim3A_283 : vector<1x256xf32>
    %add3A_290 = arith.addf %add3A_261, %broadcast_in_dim3A_287 : vector<1x256xf32>
    %get3A_291 = arith.constant 10 : index
    %get3A_292 = arith.constant 0 : index
    %get3A_293 = arith.constant 0 : index
    %get3A_294 = vector.load %arg2[%get3A_291, %get3A_292, %get3A_293] : memref<16x256x128xf32, #tpu.memory_space<vmem>>, vector<1x256x128xf32>
    %get3A_295 = vector.shape_cast %get3A_294 : vector<1x256x128xf32> to vector<256x128xf32>
    %sub3A_296 = arith.subf %get3A_295, %get3A_4 : vector<256x128xf32>
    %dot_general3A_297 = arith.constant dense<0.000000e+00> : vector<256x256xf32>
    %dot_general3A_298 = tpu.matmul %sub3A_296, %get3A_7, %dot_general3A_297 {dimension_numbers = #tpu.dot_dimension_numbers<[1], [0], [0], [1], [0, 0, 1, 1], [], []>, transpose_lhs_hint = false} : vector<256x128xf32>, vector<128x256xf32>, vector<256x256xf32> -> vector<256x256xf32>
    %add3A_299 = arith.addf %get3A_1, %dot_general3A_298 : vector<256x256xf32>
    %ge3A_300 = arith.constant 0.000000e+00 : f32
    %ge3A_301 = vector.broadcast %ge3A_300 : f32 to vector<256x256xf32>
    %ge3A_302 = arith.cmpf oge, %add3A_299, %ge3A_301 : vector<256x256xf32>
    %mul3A_303 = arith.constant 2.000000e-01 : f32
    %mul3A_304 = vector.broadcast %mul3A_303 : f32 to vector<256x256xf32>
    %mul3A_305 = arith.mulf %mul3A_304, %add3A_299 : vector<256x256xf32>
    %select_n3A_306 = arith.select %ge3A_302, %add3A_299, %mul3A_305 : vector<256x256xi1>, vector<256x256xf32>
    %jit3A_307 = arith.constant 0.000000e+00 : f32
    %broadcast_in_dim3A_308 = vector.broadcast %jit3A_307 : f32 to vector<256x256xf32>
    %select_n3A_309 = arith.select %lt3A_11, %select_n3A_306, %broadcast_in_dim3A_308 : vector<256x256xi1>, vector<256x256xf32>
    %reduce_sum3A_310 = arith.constant dense<0.000000e+00> : vector<256xf32>
    %reduce_sum3A_311 = vector.multi_reduction <add>, %select_n3A_309, %reduce_sum3A_310 [0] : vector<256x256xf32> to vector<256xf32>
    %broadcast_in_dim3A_312 = vector.shape_cast %reduce_sum3A_311 : vector<256xf32> to vector<1x256xf32>
    %mul3A_313 = arith.mulf %select_n3A_309, %select_n3A_309 : vector<256x256xf32>
    %reduce_sum3A_314 = arith.constant dense<0.000000e+00> : vector<256xf32>
    %reduce_sum3A_315 = vector.multi_reduction <add>, %mul3A_313, %reduce_sum3A_314 [0] : vector<256x256xf32> to vector<256xf32>
    %broadcast_in_dim3A_316 = vector.shape_cast %reduce_sum3A_315 : vector<256xf32> to vector<1x256xf32>
    %max3A_317 = arith.maximumf %max3A_288, %select_n3A_306 : vector<256x256xf32>
    %add3A_318 = arith.addf %add3A_289, %broadcast_in_dim3A_312 : vector<1x256xf32>
    %add3A_319 = arith.addf %add3A_290, %broadcast_in_dim3A_316 : vector<1x256xf32>
    %get3A_320 = arith.constant 11 : index
    %get3A_321 = arith.constant 0 : index
    %get3A_322 = arith.constant 0 : index
    %get3A_323 = vector.load %arg2[%get3A_320, %get3A_321, %get3A_322] : memref<16x256x128xf32, #tpu.memory_space<vmem>>, vector<1x256x128xf32>
    %get3A_324 = vector.shape_cast %get3A_323 : vector<1x256x128xf32> to vector<256x128xf32>
    %sub3A_325 = arith.subf %get3A_324, %get3A_4 : vector<256x128xf32>
    %dot_general3A_326 = arith.constant dense<0.000000e+00> : vector<256x256xf32>
    %dot_general3A_327 = tpu.matmul %sub3A_325, %get3A_7, %dot_general3A_326 {dimension_numbers = #tpu.dot_dimension_numbers<[1], [0], [0], [1], [0, 0, 1, 1], [], []>, transpose_lhs_hint = false} : vector<256x128xf32>, vector<128x256xf32>, vector<256x256xf32> -> vector<256x256xf32>
    %add3A_328 = arith.addf %get3A_1, %dot_general3A_327 : vector<256x256xf32>
    %ge3A_329 = arith.constant 0.000000e+00 : f32
    %ge3A_330 = vector.broadcast %ge3A_329 : f32 to vector<256x256xf32>
    %ge3A_331 = arith.cmpf oge, %add3A_328, %ge3A_330 : vector<256x256xf32>
    %mul3A_332 = arith.constant 2.000000e-01 : f32
    %mul3A_333 = vector.broadcast %mul3A_332 : f32 to vector<256x256xf32>
    %mul3A_334 = arith.mulf %mul3A_333, %add3A_328 : vector<256x256xf32>
    %select_n3A_335 = arith.select %ge3A_331, %add3A_328, %mul3A_334 : vector<256x256xi1>, vector<256x256xf32>
    %jit3A_336 = arith.constant 0.000000e+00 : f32
    %broadcast_in_dim3A_337 = vector.broadcast %jit3A_336 : f32 to vector<256x256xf32>
    %select_n3A_338 = arith.select %lt3A_11, %select_n3A_335, %broadcast_in_dim3A_337 : vector<256x256xi1>, vector<256x256xf32>
    %reduce_sum3A_339 = arith.constant dense<0.000000e+00> : vector<256xf32>
    %reduce_sum3A_340 = vector.multi_reduction <add>, %select_n3A_338, %reduce_sum3A_339 [0] : vector<256x256xf32> to vector<256xf32>
    %broadcast_in_dim3A_341 = vector.shape_cast %reduce_sum3A_340 : vector<256xf32> to vector<1x256xf32>
    %mul3A_342 = arith.mulf %select_n3A_338, %select_n3A_338 : vector<256x256xf32>
    %reduce_sum3A_343 = arith.constant dense<0.000000e+00> : vector<256xf32>
    %reduce_sum3A_344 = vector.multi_reduction <add>, %mul3A_342, %reduce_sum3A_343 [0] : vector<256x256xf32> to vector<256xf32>
    %broadcast_in_dim3A_345 = vector.shape_cast %reduce_sum3A_344 : vector<256xf32> to vector<1x256xf32>
    %max3A_346 = arith.maximumf %max3A_317, %select_n3A_335 : vector<256x256xf32>
    %add3A_347 = arith.addf %add3A_318, %broadcast_in_dim3A_341 : vector<1x256xf32>
    %add3A_348 = arith.addf %add3A_319, %broadcast_in_dim3A_345 : vector<1x256xf32>
    %get3A_349 = arith.constant 12 : index
    %get3A_350 = arith.constant 0 : index
    %get3A_351 = arith.constant 0 : index
    %get3A_352 = vector.load %arg2[%get3A_349, %get3A_350, %get3A_351] : memref<16x256x128xf32, #tpu.memory_space<vmem>>, vector<1x256x128xf32>
    %get3A_353 = vector.shape_cast %get3A_352 : vector<1x256x128xf32> to vector<256x128xf32>
    %sub3A_354 = arith.subf %get3A_353, %get3A_4 : vector<256x128xf32>
    %dot_general3A_355 = arith.constant dense<0.000000e+00> : vector<256x256xf32>
    %dot_general3A_356 = tpu.matmul %sub3A_354, %get3A_7, %dot_general3A_355 {dimension_numbers = #tpu.dot_dimension_numbers<[1], [0], [0], [1], [0, 0, 1, 1], [], []>, transpose_lhs_hint = false} : vector<256x128xf32>, vector<128x256xf32>, vector<256x256xf32> -> vector<256x256xf32>
    %add3A_357 = arith.addf %get3A_1, %dot_general3A_356 : vector<256x256xf32>
    %ge3A_358 = arith.constant 0.000000e+00 : f32
    %ge3A_359 = vector.broadcast %ge3A_358 : f32 to vector<256x256xf32>
    %ge3A_360 = arith.cmpf oge, %add3A_357, %ge3A_359 : vector<256x256xf32>
    %mul3A_361 = arith.constant 2.000000e-01 : f32
    %mul3A_362 = vector.broadcast %mul3A_361 : f32 to vector<256x256xf32>
    %mul3A_363 = arith.mulf %mul3A_362, %add3A_357 : vector<256x256xf32>
    %select_n3A_364 = arith.select %ge3A_360, %add3A_357, %mul3A_363 : vector<256x256xi1>, vector<256x256xf32>
    %jit3A_365 = arith.constant 0.000000e+00 : f32
    %broadcast_in_dim3A_366 = vector.broadcast %jit3A_365 : f32 to vector<256x256xf32>
    %select_n3A_367 = arith.select %lt3A_11, %select_n3A_364, %broadcast_in_dim3A_366 : vector<256x256xi1>, vector<256x256xf32>
    %reduce_sum3A_368 = arith.constant dense<0.000000e+00> : vector<256xf32>
    %reduce_sum3A_369 = vector.multi_reduction <add>, %select_n3A_367, %reduce_sum3A_368 [0] : vector<256x256xf32> to vector<256xf32>
    %broadcast_in_dim3A_370 = vector.shape_cast %reduce_sum3A_369 : vector<256xf32> to vector<1x256xf32>
    %mul3A_371 = arith.mulf %select_n3A_367, %select_n3A_367 : vector<256x256xf32>
    %reduce_sum3A_372 = arith.constant dense<0.000000e+00> : vector<256xf32>
    %reduce_sum3A_373 = vector.multi_reduction <add>, %mul3A_371, %reduce_sum3A_372 [0] : vector<256x256xf32> to vector<256xf32>
    %broadcast_in_dim3A_374 = vector.shape_cast %reduce_sum3A_373 : vector<256xf32> to vector<1x256xf32>
    %max3A_375 = arith.maximumf %max3A_346, %select_n3A_364 : vector<256x256xf32>
    %add3A_376 = arith.addf %add3A_347, %broadcast_in_dim3A_370 : vector<1x256xf32>
    %add3A_377 = arith.addf %add3A_348, %broadcast_in_dim3A_374 : vector<1x256xf32>
    %get3A_378 = arith.constant 13 : index
    %get3A_379 = arith.constant 0 : index
    %get3A_380 = arith.constant 0 : index
    %get3A_381 = vector.load %arg2[%get3A_378, %get3A_379, %get3A_380] : memref<16x256x128xf32, #tpu.memory_space<vmem>>, vector<1x256x128xf32>
    %get3A_382 = vector.shape_cast %get3A_381 : vector<1x256x128xf32> to vector<256x128xf32>
    %sub3A_383 = arith.subf %get3A_382, %get3A_4 : vector<256x128xf32>
    %dot_general3A_384 = arith.constant dense<0.000000e+00> : vector<256x256xf32>
    %dot_general3A_385 = tpu.matmul %sub3A_383, %get3A_7, %dot_general3A_384 {dimension_numbers = #tpu.dot_dimension_numbers<[1], [0], [0], [1], [0, 0, 1, 1], [], []>, transpose_lhs_hint = false} : vector<256x128xf32>, vector<128x256xf32>, vector<256x256xf32> -> vector<256x256xf32>
    %add3A_386 = arith.addf %get3A_1, %dot_general3A_385 : vector<256x256xf32>
    %ge3A_387 = arith.constant 0.000000e+00 : f32
    %ge3A_388 = vector.broadcast %ge3A_387 : f32 to vector<256x256xf32>
    %ge3A_389 = arith.cmpf oge, %add3A_386, %ge3A_388 : vector<256x256xf32>
    %mul3A_390 = arith.constant 2.000000e-01 : f32
    %mul3A_391 = vector.broadcast %mul3A_390 : f32 to vector<256x256xf32>
    %mul3A_392 = arith.mulf %mul3A_391, %add3A_386 : vector<256x256xf32>
    %select_n3A_393 = arith.select %ge3A_389, %add3A_386, %mul3A_392 : vector<256x256xi1>, vector<256x256xf32>
    %jit3A_394 = arith.constant 0.000000e+00 : f32
    %broadcast_in_dim3A_395 = vector.broadcast %jit3A_394 : f32 to vector<256x256xf32>
    %select_n3A_396 = arith.select %lt3A_11, %select_n3A_393, %broadcast_in_dim3A_395 : vector<256x256xi1>, vector<256x256xf32>
    %reduce_sum3A_397 = arith.constant dense<0.000000e+00> : vector<256xf32>
    %reduce_sum3A_398 = vector.multi_reduction <add>, %select_n3A_396, %reduce_sum3A_397 [0] : vector<256x256xf32> to vector<256xf32>
    %broadcast_in_dim3A_399 = vector.shape_cast %reduce_sum3A_398 : vector<256xf32> to vector<1x256xf32>
    %mul3A_400 = arith.mulf %select_n3A_396, %select_n3A_396 : vector<256x256xf32>
    %reduce_sum3A_401 = arith.constant dense<0.000000e+00> : vector<256xf32>
    %reduce_sum3A_402 = vector.multi_reduction <add>, %mul3A_400, %reduce_sum3A_401 [0] : vector<256x256xf32> to vector<256xf32>
    %broadcast_in_dim3A_403 = vector.shape_cast %reduce_sum3A_402 : vector<256xf32> to vector<1x256xf32>
    %max3A_404 = arith.maximumf %max3A_375, %select_n3A_393 : vector<256x256xf32>
    %add3A_405 = arith.addf %add3A_376, %broadcast_in_dim3A_399 : vector<1x256xf32>
    %add3A_406 = arith.addf %add3A_377, %broadcast_in_dim3A_403 : vector<1x256xf32>
    %get3A_407 = arith.constant 14 : index
    %get3A_408 = arith.constant 0 : index
    %get3A_409 = arith.constant 0 : index
    %get3A_410 = vector.load %arg2[%get3A_407, %get3A_408, %get3A_409] : memref<16x256x128xf32, #tpu.memory_space<vmem>>, vector<1x256x128xf32>
    %get3A_411 = vector.shape_cast %get3A_410 : vector<1x256x128xf32> to vector<256x128xf32>
    %sub3A_412 = arith.subf %get3A_411, %get3A_4 : vector<256x128xf32>
    %dot_general3A_413 = arith.constant dense<0.000000e+00> : vector<256x256xf32>
    %dot_general3A_414 = tpu.matmul %sub3A_412, %get3A_7, %dot_general3A_413 {dimension_numbers = #tpu.dot_dimension_numbers<[1], [0], [0], [1], [0, 0, 1, 1], [], []>, transpose_lhs_hint = false} : vector<256x128xf32>, vector<128x256xf32>, vector<256x256xf32> -> vector<256x256xf32>
    %add3A_415 = arith.addf %get3A_1, %dot_general3A_414 : vector<256x256xf32>
    %ge3A_416 = arith.constant 0.000000e+00 : f32
    %ge3A_417 = vector.broadcast %ge3A_416 : f32 to vector<256x256xf32>
    %ge3A_418 = arith.cmpf oge, %add3A_415, %ge3A_417 : vector<256x256xf32>
    %mul3A_419 = arith.constant 2.000000e-01 : f32
    %mul3A_420 = vector.broadcast %mul3A_419 : f32 to vector<256x256xf32>
    %mul3A_421 = arith.mulf %mul3A_420, %add3A_415 : vector<256x256xf32>
    %select_n3A_422 = arith.select %ge3A_418, %add3A_415, %mul3A_421 : vector<256x256xi1>, vector<256x256xf32>
    %jit3A_423 = arith.constant 0.000000e+00 : f32
    %broadcast_in_dim3A_424 = vector.broadcast %jit3A_423 : f32 to vector<256x256xf32>
    %select_n3A_425 = arith.select %lt3A_11, %select_n3A_422, %broadcast_in_dim3A_424 : vector<256x256xi1>, vector<256x256xf32>
    %reduce_sum3A_426 = arith.constant dense<0.000000e+00> : vector<256xf32>
    %reduce_sum3A_427 = vector.multi_reduction <add>, %select_n3A_425, %reduce_sum3A_426 [0] : vector<256x256xf32> to vector<256xf32>
    %broadcast_in_dim3A_428 = vector.shape_cast %reduce_sum3A_427 : vector<256xf32> to vector<1x256xf32>
    %mul3A_429 = arith.mulf %select_n3A_425, %select_n3A_425 : vector<256x256xf32>
    %reduce_sum3A_430 = arith.constant dense<0.000000e+00> : vector<256xf32>
    %reduce_sum3A_431 = vector.multi_reduction <add>, %mul3A_429, %reduce_sum3A_430 [0] : vector<256x256xf32> to vector<256xf32>
    %broadcast_in_dim3A_432 = vector.shape_cast %reduce_sum3A_431 : vector<256xf32> to vector<1x256xf32>
    %max3A_433 = arith.maximumf %max3A_404, %select_n3A_422 : vector<256x256xf32>
    %add3A_434 = arith.addf %add3A_405, %broadcast_in_dim3A_428 : vector<1x256xf32>
    %add3A_435 = arith.addf %add3A_406, %broadcast_in_dim3A_432 : vector<1x256xf32>
    %get3A_436 = arith.constant 15 : index
    %get3A_437 = arith.constant 0 : index
    %get3A_438 = arith.constant 0 : index
    %get3A_439 = vector.load %arg2[%get3A_436, %get3A_437, %get3A_438] : memref<16x256x128xf32, #tpu.memory_space<vmem>>, vector<1x256x128xf32>
    %get3A_440 = vector.shape_cast %get3A_439 : vector<1x256x128xf32> to vector<256x128xf32>
    %sub3A_441 = arith.subf %get3A_440, %get3A_4 : vector<256x128xf32>
    %dot_general3A_442 = arith.constant dense<0.000000e+00> : vector<256x256xf32>
    %dot_general3A_443 = tpu.matmul %sub3A_441, %get3A_7, %dot_general3A_442 {dimension_numbers = #tpu.dot_dimension_numbers<[1], [0], [0], [1], [0, 0, 1, 1], [], []>, transpose_lhs_hint = false} : vector<256x128xf32>, vector<128x256xf32>, vector<256x256xf32> -> vector<256x256xf32>
    %add3A_444 = arith.addf %get3A_1, %dot_general3A_443 : vector<256x256xf32>
    %ge3A_445 = arith.constant 0.000000e+00 : f32
    %ge3A_446 = vector.broadcast %ge3A_445 : f32 to vector<256x256xf32>
    %ge3A_447 = arith.cmpf oge, %add3A_444, %ge3A_446 : vector<256x256xf32>
    %mul3A_448 = arith.constant 2.000000e-01 : f32
    %mul3A_449 = vector.broadcast %mul3A_448 : f32 to vector<256x256xf32>
    %mul3A_450 = arith.mulf %mul3A_449, %add3A_444 : vector<256x256xf32>
    %select_n3A_451 = arith.select %ge3A_447, %add3A_444, %mul3A_450 : vector<256x256xi1>, vector<256x256xf32>
    %jit3A_452 = arith.constant 0.000000e+00 : f32
    %broadcast_in_dim3A_453 = vector.broadcast %jit3A_452 : f32 to vector<256x256xf32>
    %select_n3A_454 = arith.select %lt3A_11, %select_n3A_451, %broadcast_in_dim3A_453 : vector<256x256xi1>, vector<256x256xf32>
    %reduce_sum3A_455 = arith.constant dense<0.000000e+00> : vector<256xf32>
    %reduce_sum3A_456 = vector.multi_reduction <add>, %select_n3A_454, %reduce_sum3A_455 [0] : vector<256x256xf32> to vector<256xf32>
    %broadcast_in_dim3A_457 = vector.shape_cast %reduce_sum3A_456 : vector<256xf32> to vector<1x256xf32>
    %mul3A_458 = arith.mulf %select_n3A_454, %select_n3A_454 : vector<256x256xf32>
    %reduce_sum3A_459 = arith.constant dense<0.000000e+00> : vector<256xf32>
    %reduce_sum3A_460 = vector.multi_reduction <add>, %mul3A_458, %reduce_sum3A_459 [0] : vector<256x256xf32> to vector<256xf32>
    %broadcast_in_dim3A_461 = vector.shape_cast %reduce_sum3A_460 : vector<256xf32> to vector<1x256xf32>
    %max3A_462 = arith.maximumf %max3A_433, %select_n3A_451 : vector<256x256xf32>
    %add3A_463 = arith.addf %add3A_434, %broadcast_in_dim3A_457 : vector<1x256xf32>
    %add3A_464 = arith.addf %add3A_435, %broadcast_in_dim3A_461 : vector<1x256xf32>
    %swap3A = arith.constant 0 : index
    %swap3A_465 = arith.constant 0 : index
    %swap3A_466 = vector.load %arg5[%swap3A, %swap3A_465] : memref<256x256xf32, #tpu.memory_space<vmem>>, vector<256x256xf32>
    tpu.vector_store %arg5[%swap3A, %swap3A_465], %max3A_462 {strides = array<i32>} : memref<256x256xf32, #tpu.memory_space<vmem>>, vector<256x256xf32>,
    %swap3A_467 = arith.constant 0 : index
    %swap3A_468 = arith.constant 0 : index
    %swap3A_469 = arith.constant 0 : index
    %swap3A_470 = vector.load %arg6[%swap3A_467, %swap3A_468, %swap3A_469] : memref<1x2x256xf32, #tpu.memory_space<vmem>>, vector<1x1x256xf32>
    %swap3A_471 = vector.shape_cast %swap3A_470 : vector<1x1x256xf32> to vector<1x256xf32>
    %swap3A_472 = vector.shape_cast %add3A_463 : vector<1x256xf32> to vector<1x1x256xf32>
    tpu.vector_store %arg6[%swap3A_467, %swap3A_468, %swap3A_469], %swap3A_472 {strides = array<i32>} : memref<1x2x256xf32, #tpu.memory_space<vmem>>, vector<1x1x256xf32>,
    %swap3A_473 = arith.constant 0 : index
    %swap3A_474 = arith.constant 1 : index
    %swap3A_475 = arith.constant 0 : index
    %swap3A_476 = vector.load %arg6[%swap3A_473, %swap3A_474, %swap3A_475] : memref<1x2x256xf32, #tpu.memory_space<vmem>>, vector<1x1x256xf32>
    %swap3A_477 = vector.shape_cast %swap3A_476 : vector<1x1x256xf32> to vector<1x256xf32>
    %swap3A_478 = vector.shape_cast %add3A_464 : vector<1x256xf32> to vector<1x1x256xf32>
    tpu.vector_store %arg6[%swap3A_473, %swap3A_474, %swap3A_475], %swap3A_478 {strides = array<i32>} : memref<1x2x256xf32, #tpu.memory_space<vmem>>, vector<1x1x256xf32>,
    return
  }
  func.func @transform_0(%arg0: i32) -> (i32, i32) {
    %c0_i32 = arith.constant 0 : i32
    %c0_i32_0 = arith.constant 0 : i32
    return %arg0, %c0_i32 : i32, i32
  }
  func.func @transform_1(%arg0: i32) -> (i32, i32, i32) {
    %c0_i32 = arith.constant 0 : i32
    %c0_i32_0 = arith.constant 0 : i32
    %c0_i32_1 = arith.constant 0 : i32
    return %c0_i32, %arg0, %c0_i32_0 : i32, i32, i32
  }
  func.func @transform_2(%arg0: i32) -> (i32, i32) {
    %c0_i32 = arith.constant 0 : i32
    %c0_i32_0 = arith.constant 0 : i32
    return %arg0, %c0_i32 : i32, i32
  }
  func.func @transform_3(%arg0: i32) -> (i32, i32) {
    %c0_i32 = arith.constant 0 : i32
    %c0_i32_0 = arith.constant 0 : i32
    %c0_i32_1 = arith.constant 0 : i32
    return %c0_i32, %c0_i32_0 : i32, i32
  }
  func.func @transform_4(%arg0: i32) -> (i32, i32) {
    %c0_i32 = arith.constant 0 : i32
    %c0_i32_0 = arith.constant 0 : i32
    return %arg0, %c0_i32 : i32, i32
  }
  func.func @transform_5(%arg0: i32) -> (i32, i32, i32) {
    %c0_i32 = arith.constant 0 : i32
    %c0_i32_0 = arith.constant 0 : i32
    %c0_i32_1 = arith.constant 0 : i32
    return %arg0, %c0_i32, %c0_i32_0 : i32, i32, i32
  }
}

module attributes {stable_mosaic.version = 14 : i64} {
  func.func @_final_body(%arg0: i32, %arg1: memref<2000x64xf32, #tpu.memory_space<vmem>>, %arg2: memref<2000x128xf32, #tpu.memory_space<vmem>>, %arg3: memref<2000x256xf32, #tpu.memory_space<vmem>>, %arg4: memref<40x2x64xf32, #tpu.memory_space<vmem>>, %arg5: memref<40x2x128xf32, #tpu.memory_space<vmem>>, %arg6: memref<40x2x256xf32, #tpu.memory_space<vmem>>, %arg7: memref<1x64xf32, #tpu.memory_space<vmem>>, %arg8: memref<1x64xf32, #tpu.memory_space<vmem>>, %arg9: memref<1x128xf32, #tpu.memory_space<vmem>>, %arg10: memref<1x128xf32, #tpu.memory_space<vmem>>, %arg11: memref<1x256xf32, #tpu.memory_space<vmem>>, %arg12: memref<1x256xf32, #tpu.memory_space<vmem>>, %arg13: memref<448x512xf32, #tpu.memory_space<vmem>>, %arg14: memref<1x512xf32, #tpu.memory_space<vmem>>, %arg15: memref<1x512xf32, #tpu.memory_space<vmem>>, %arg16: memref<1x512xf32, #tpu.memory_space<vmem>>, %arg17: memref<512x128xf32, #tpu.memory_space<vmem>>, %arg18: memref<1x128xf32, #tpu.memory_space<vmem>>, %arg19: memref<8x128xf32, #tpu.memory_space<vmem>>, %arg20: memref<8x64xf32, #tpu.memory_space<vmem>>, %arg21: memref<8x128xf32, #tpu.memory_space<vmem>>, %arg22: memref<8x256xf32, #tpu.memory_space<vmem>>) attributes {dimension_semantics = [#tpu.dimension_semantics<arbitrary>], iteration_bounds = array<i64: 5>, scalar_prefetch = 0 : i64, scratch_operands = 3 : i64, tpu.core_type = #tpu.core_type<tc>, window_params = [{transform_indices = @transform_0, window_bounds = array<i64: 2000, 64>}, {transform_indices = @transform_1, window_bounds = array<i64: 2000, 128>}, {transform_indices = @transform_2, window_bounds = array<i64: 2000, 256>}, {pipeline_mode = #tpu.pipeline_mode<synchronous>, transform_indices = @transform_3, window_bounds = array<i64: 40, 2, 64>}, {pipeline_mode = #tpu.pipeline_mode<synchronous>, transform_indices = @transform_4, window_bounds = array<i64: 40, 2, 128>}, {pipeline_mode = #tpu.pipeline_mode<synchronous>, transform_indices = @transform_5, window_bounds = array<i64: 40, 2, 256>}, {pipeline_mode = #tpu.pipeline_mode<synchronous>, transform_indices = @transform_6, window_bounds = array<i64: 1, 64>}, {pipeline_mode = #tpu.pipeline_mode<synchronous>, transform_indices = @transform_7, window_bounds = array<i64: 1, 64>}, {pipeline_mode = #tpu.pipeline_mode<synchronous>, transform_indices = @transform_8, window_bounds = array<i64: 1, 128>}, {pipeline_mode = #tpu.pipeline_mode<synchronous>, transform_indices = @transform_9, window_bounds = array<i64: 1, 128>}, {pipeline_mode = #tpu.pipeline_mode<synchronous>, transform_indices = @transform_10, window_bounds = array<i64: 1, 256>}, {pipeline_mode = #tpu.pipeline_mode<synchronous>, transform_indices = @transform_11, window_bounds = array<i64: 1, 256>}, {pipeline_mode = #tpu.pipeline_mode<synchronous>, transform_indices = @transform_12, window_bounds = array<i64: 448, 512>}, {pipeline_mode = #tpu.pipeline_mode<synchronous>, transform_indices = @transform_13, window_bounds = array<i64: 1, 512>}, {pipeline_mode = #tpu.pipeline_mode<synchronous>, transform_indices = @transform_14, window_bounds = array<i64: 1, 512>}, {pipeline_mode = #tpu.pipeline_mode<synchronous>, transform_indices = @transform_15, window_bounds = array<i64: 1, 512>}, {pipeline_mode = #tpu.pipeline_mode<synchronous>, transform_indices = @transform_16, window_bounds = array<i64: 512, 128>}, {pipeline_mode = #tpu.pipeline_mode<synchronous>, transform_indices = @transform_17, window_bounds = array<i64: 1, 128>}, {pipeline_mode = #tpu.pipeline_mode<synchronous>, transform_indices = @transform_18, window_bounds = array<i64: 8, 128>}]} {
    %get3A = arith.constant 0 : index
    %get3A_0 = arith.constant 0 : index
    %get3A_1 = vector.load %arg1[%get3A, %get3A_0] : memref<2000x64xf32, #tpu.memory_space<vmem>>, vector<2000x64xf32>
    %reduce_max3A = arith.constant dense<0xFF800000> : vector<64xf32>
    %reduce_max3A_2 = vector.multi_reduction <maximumf>, %get3A_1, %reduce_max3A [0] : vector<2000x64xf32> to vector<64xf32>
    %broadcast_in_dim3A = vector.shape_cast %reduce_max3A_2 : vector<64xf32> to vector<1x64xf32>
    %get3A_3 = arith.constant 0 : index
    %get3A_4 = arith.constant 0 : index
    %get3A_5 = arith.constant 0 : index
    %get3A_6 = vector.load %arg4[%get3A_3, %get3A_4, %get3A_5] : memref<40x2x64xf32, #tpu.memory_space<vmem>>, vector<40x2x64xf32>
    %slice3A = vector.extract_strided_slice %get3A_6 {offsets = [0, 0, 0], sizes = [40, 1, 64], strides = [1, 1, 1]} : vector<40x2x64xf32> to vector<40x1x64xf32>
    %squeeze3A = vector.shape_cast %slice3A : vector<40x1x64xf32> to vector<40x64xf32>
    %reduce_sum3A = arith.constant dense<0.000000e+00> : vector<64xf32>
    %reduce_sum3A_7 = vector.multi_reduction <add>, %squeeze3A, %reduce_sum3A [0] : vector<40x64xf32> to vector<64xf32>
    %broadcast_in_dim3A_8 = vector.shape_cast %reduce_sum3A_7 : vector<64xf32> to vector<1x64xf32>
    %div3A = arith.constant 1.600000e+05 : f32
    %div3A_9 = vector.broadcast %div3A : f32 to vector<1x64xf32>
    %div3A_10 = arith.divf %broadcast_in_dim3A_8, %div3A_9 : vector<1x64xf32>
    %slice3A_11 = vector.extract_strided_slice %get3A_6 {offsets = [0, 1, 0], sizes = [40, 1, 64], strides = [1, 1, 1]} : vector<40x2x64xf32> to vector<40x1x64xf32>
    %squeeze3A_12 = vector.shape_cast %slice3A_11 : vector<40x1x64xf32> to vector<40x64xf32>
    %reduce_sum3A_13 = arith.constant dense<0.000000e+00> : vector<64xf32>
    %reduce_sum3A_14 = vector.multi_reduction <add>, %squeeze3A_12, %reduce_sum3A_13 [0] : vector<40x64xf32> to vector<64xf32>
    %broadcast_in_dim3A_15 = vector.shape_cast %reduce_sum3A_14 : vector<64xf32> to vector<1x64xf32>
    %div3A_16 = arith.constant 1.600000e+05 : f32
    %div3A_17 = vector.broadcast %div3A_16 : f32 to vector<1x64xf32>
    %div3A_18 = arith.divf %broadcast_in_dim3A_15, %div3A_17 : vector<1x64xf32>
    %mul3A = arith.mulf %div3A_10, %div3A_10 : vector<1x64xf32>
    %sub3A = arith.subf %div3A_18, %mul3A : vector<1x64xf32>
    %get3A_19 = arith.constant 0 : index
    %get3A_20 = arith.constant 0 : index
    %get3A_21 = vector.load %arg7[%get3A_19, %get3A_20] : memref<1x64xf32, #tpu.memory_space<vmem>>, vector<1x64xf32>
    %sub3A_22 = arith.subf %broadcast_in_dim3A, %div3A_10 : vector<1x64xf32>
    %mul3A_23 = arith.mulf %get3A_21, %sub3A_22 : vector<1x64xf32>
    %add3A = arith.constant 9.99999974E-6 : f32
    %add3A_24 = vector.broadcast %add3A : f32 to vector<1x64xf32>
    %add3A_25 = arith.addf %sub3A, %add3A_24 : vector<1x64xf32>
    %sqrt3A = math.sqrt %add3A_25 : vector<1x64xf32>
    %div3A_26 = arith.divf %mul3A_23, %sqrt3A : vector<1x64xf32>
    %get3A_27 = arith.constant 0 : index
    %get3A_28 = arith.constant 0 : index
    %get3A_29 = vector.load %arg8[%get3A_27, %get3A_28] : memref<1x64xf32, #tpu.memory_space<vmem>>, vector<1x64xf32>
    %add3A_30 = arith.addf %div3A_26, %get3A_29 : vector<1x64xf32>
    %iota3A = tpu.iota {dimensions = array<i32: 0>} : vector<8x64xi32>
    %eq3A = vector.broadcast %arg0 : i32 to vector<8x64xi32>
    %eq3A_31 = arith.cmpi eq, %iota3A, %eq3A : vector<8x64xi32>
    %broadcast_in_dim3A_32 = vector.shape_cast %add3A_30 : vector<1x64xf32> to vector<1x64xf32>
    %broadcast_in_dim3A_33 = vector.broadcast %broadcast_in_dim3A_32 : vector<1x64xf32> to vector<8x64xf32>
    %get3A_34 = arith.constant 0 : index
    %get3A_35 = arith.constant 0 : index
    %get3A_36 = vector.load %arg20[%get3A_34, %get3A_35] : memref<8x64xf32, #tpu.memory_space<vmem>>, vector<8x64xf32>
    %select_n3A = arith.select %eq3A_31, %broadcast_in_dim3A_33, %get3A_36 : vector<8x64xi1>, vector<8x64xf32>
    %swap3A = arith.constant 0 : index
    %swap3A_37 = arith.constant 0 : index
    %swap3A_38 = vector.load %arg20[%swap3A, %swap3A_37] : memref<8x64xf32, #tpu.memory_space<vmem>>, vector<8x64xf32>
    tpu.vector_store %arg20[%swap3A, %swap3A_37], %select_n3A {strides = array<i32>} : memref<8x64xf32, #tpu.memory_space<vmem>>, vector<8x64xf32>,
    %get3A_39 = arith.constant 0 : index
    %get3A_40 = arith.constant 0 : index
    %get3A_41 = vector.load %arg2[%get3A_39, %get3A_40] : memref<2000x128xf32, #tpu.memory_space<vmem>>, vector<2000x128xf32>
    %reduce_max3A_42 = arith.constant dense<0xFF800000> : vector<128xf32>
    %reduce_max3A_43 = vector.multi_reduction <maximumf>, %get3A_41, %reduce_max3A_42 [0] : vector<2000x128xf32> to vector<128xf32>
    %broadcast_in_dim3A_44 = vector.shape_cast %reduce_max3A_43 : vector<128xf32> to vector<1x128xf32>
    %get3A_45 = arith.constant 0 : index
    %get3A_46 = arith.constant 0 : index
    %get3A_47 = arith.constant 0 : index
    %get3A_48 = vector.load %arg5[%get3A_45, %get3A_46, %get3A_47] : memref<40x2x128xf32, #tpu.memory_space<vmem>>, vector<40x2x128xf32>
    %slice3A_49 = vector.extract_strided_slice %get3A_48 {offsets = [0, 0, 0], sizes = [40, 1, 128], strides = [1, 1, 1]} : vector<40x2x128xf32> to vector<40x1x128xf32>
    %squeeze3A_50 = vector.shape_cast %slice3A_49 : vector<40x1x128xf32> to vector<40x128xf32>
    %reduce_sum3A_51 = arith.constant dense<0.000000e+00> : vector<128xf32>
    %reduce_sum3A_52 = vector.multi_reduction <add>, %squeeze3A_50, %reduce_sum3A_51 [0] : vector<40x128xf32> to vector<128xf32>
    %broadcast_in_dim3A_53 = vector.shape_cast %reduce_sum3A_52 : vector<128xf32> to vector<1x128xf32>
    %div3A_54 = arith.constant 1.600000e+05 : f32
    %div3A_55 = vector.broadcast %div3A_54 : f32 to vector<1x128xf32>
    %div3A_56 = arith.divf %broadcast_in_dim3A_53, %div3A_55 : vector<1x128xf32>
    %slice3A_57 = vector.extract_strided_slice %get3A_48 {offsets = [0, 1, 0], sizes = [40, 1, 128], strides = [1, 1, 1]} : vector<40x2x128xf32> to vector<40x1x128xf32>
    %squeeze3A_58 = vector.shape_cast %slice3A_57 : vector<40x1x128xf32> to vector<40x128xf32>
    %reduce_sum3A_59 = arith.constant dense<0.000000e+00> : vector<128xf32>
    %reduce_sum3A_60 = vector.multi_reduction <add>, %squeeze3A_58, %reduce_sum3A_59 [0] : vector<40x128xf32> to vector<128xf32>
    %broadcast_in_dim3A_61 = vector.shape_cast %reduce_sum3A_60 : vector<128xf32> to vector<1x128xf32>
    %div3A_62 = arith.constant 1.600000e+05 : f32
    %div3A_63 = vector.broadcast %div3A_62 : f32 to vector<1x128xf32>
    %div3A_64 = arith.divf %broadcast_in_dim3A_61, %div3A_63 : vector<1x128xf32>
    %mul3A_65 = arith.mulf %div3A_56, %div3A_56 : vector<1x128xf32>
    %sub3A_66 = arith.subf %div3A_64, %mul3A_65 : vector<1x128xf32>
    %get3A_67 = arith.constant 0 : index
    %get3A_68 = arith.constant 0 : index
    %get3A_69 = vector.load %arg9[%get3A_67, %get3A_68] : memref<1x128xf32, #tpu.memory_space<vmem>>, vector<1x128xf32>
    %sub3A_70 = arith.subf %broadcast_in_dim3A_44, %div3A_56 : vector<1x128xf32>
    %mul3A_71 = arith.mulf %get3A_69, %sub3A_70 : vector<1x128xf32>
    %add3A_72 = arith.constant 9.99999974E-6 : f32
    %add3A_73 = vector.broadcast %add3A_72 : f32 to vector<1x128xf32>
    %add3A_74 = arith.addf %sub3A_66, %add3A_73 : vector<1x128xf32>
    %sqrt3A_75 = math.sqrt %add3A_74 : vector<1x128xf32>
    %div3A_76 = arith.divf %mul3A_71, %sqrt3A_75 : vector<1x128xf32>
    %get3A_77 = arith.constant 0 : index
    %get3A_78 = arith.constant 0 : index
    %get3A_79 = vector.load %arg10[%get3A_77, %get3A_78] : memref<1x128xf32, #tpu.memory_space<vmem>>, vector<1x128xf32>
    %add3A_80 = arith.addf %div3A_76, %get3A_79 : vector<1x128xf32>
    %iota3A_81 = tpu.iota {dimensions = array<i32: 0>} : vector<8x128xi32>
    %eq3A_82 = vector.broadcast %arg0 : i32 to vector<8x128xi32>
    %eq3A_83 = arith.cmpi eq, %iota3A_81, %eq3A_82 : vector<8x128xi32>
    %broadcast_in_dim3A_84 = vector.shape_cast %add3A_80 : vector<1x128xf32> to vector<1x128xf32>
    %broadcast_in_dim3A_85 = vector.broadcast %broadcast_in_dim3A_84 : vector<1x128xf32> to vector<8x128xf32>
    %get3A_86 = arith.constant 0 : index
    %get3A_87 = arith.constant 0 : index
    %get3A_88 = vector.load %arg21[%get3A_86, %get3A_87] : memref<8x128xf32, #tpu.memory_space<vmem>>, vector<8x128xf32>
    %select_n3A_89 = arith.select %eq3A_83, %broadcast_in_dim3A_85, %get3A_88 : vector<8x128xi1>, vector<8x128xf32>
    %swap3A_90 = arith.constant 0 : index
    %swap3A_91 = arith.constant 0 : index
    %swap3A_92 = vector.load %arg21[%swap3A_90, %swap3A_91] : memref<8x128xf32, #tpu.memory_space<vmem>>, vector<8x128xf32>
    tpu.vector_store %arg21[%swap3A_90, %swap3A_91], %select_n3A_89 {strides = array<i32>} : memref<8x128xf32, #tpu.memory_space<vmem>>, vector<8x128xf32>,
    %get3A_93 = arith.constant 0 : index
    %get3A_94 = arith.constant 0 : index
    %get3A_95 = vector.load %arg3[%get3A_93, %get3A_94] : memref<2000x256xf32, #tpu.memory_space<vmem>>, vector<2000x256xf32>
    %reduce_max3A_96 = arith.constant dense<0xFF800000> : vector<256xf32>
    %reduce_max3A_97 = vector.multi_reduction <maximumf>, %get3A_95, %reduce_max3A_96 [0] : vector<2000x256xf32> to vector<256xf32>
    %broadcast_in_dim3A_98 = vector.shape_cast %reduce_max3A_97 : vector<256xf32> to vector<1x256xf32>
    %get3A_99 = arith.constant 0 : index
    %get3A_100 = arith.constant 0 : index
    %get3A_101 = arith.constant 0 : index
    %get3A_102 = vector.load %arg6[%get3A_99, %get3A_100, %get3A_101] : memref<40x2x256xf32, #tpu.memory_space<vmem>>, vector<40x2x256xf32>
    %slice3A_103 = vector.extract_strided_slice %get3A_102 {offsets = [0, 0, 0], sizes = [40, 1, 256], strides = [1, 1, 1]} : vector<40x2x256xf32> to vector<40x1x256xf32>
    %squeeze3A_104 = vector.shape_cast %slice3A_103 : vector<40x1x256xf32> to vector<40x256xf32>
    %reduce_sum3A_105 = arith.constant dense<0.000000e+00> : vector<256xf32>
    %reduce_sum3A_106 = vector.multi_reduction <add>, %squeeze3A_104, %reduce_sum3A_105 [0] : vector<40x256xf32> to vector<256xf32>
    %broadcast_in_dim3A_107 = vector.shape_cast %reduce_sum3A_106 : vector<256xf32> to vector<1x256xf32>
    %div3A_108 = arith.constant 1.600000e+05 : f32
    %div3A_109 = vector.broadcast %div3A_108 : f32 to vector<1x256xf32>
    %div3A_110 = arith.divf %broadcast_in_dim3A_107, %div3A_109 : vector<1x256xf32>
    %slice3A_111 = vector.extract_strided_slice %get3A_102 {offsets = [0, 1, 0], sizes = [40, 1, 256], strides = [1, 1, 1]} : vector<40x2x256xf32> to vector<40x1x256xf32>
    %squeeze3A_112 = vector.shape_cast %slice3A_111 : vector<40x1x256xf32> to vector<40x256xf32>
    %reduce_sum3A_113 = arith.constant dense<0.000000e+00> : vector<256xf32>
    %reduce_sum3A_114 = vector.multi_reduction <add>, %squeeze3A_112, %reduce_sum3A_113 [0] : vector<40x256xf32> to vector<256xf32>
    %broadcast_in_dim3A_115 = vector.shape_cast %reduce_sum3A_114 : vector<256xf32> to vector<1x256xf32>
    %div3A_116 = arith.constant 1.600000e+05 : f32
    %div3A_117 = vector.broadcast %div3A_116 : f32 to vector<1x256xf32>
    %div3A_118 = arith.divf %broadcast_in_dim3A_115, %div3A_117 : vector<1x256xf32>
    %mul3A_119 = arith.mulf %div3A_110, %div3A_110 : vector<1x256xf32>
    %sub3A_120 = arith.subf %div3A_118, %mul3A_119 : vector<1x256xf32>
    %get3A_121 = arith.constant 0 : index
    %get3A_122 = arith.constant 0 : index
    %get3A_123 = vector.load %arg11[%get3A_121, %get3A_122] : memref<1x256xf32, #tpu.memory_space<vmem>>, vector<1x256xf32>
    %sub3A_124 = arith.subf %broadcast_in_dim3A_98, %div3A_110 : vector<1x256xf32>
    %mul3A_125 = arith.mulf %get3A_123, %sub3A_124 : vector<1x256xf32>
    %add3A_126 = arith.constant 9.99999974E-6 : f32
    %add3A_127 = vector.broadcast %add3A_126 : f32 to vector<1x256xf32>
    %add3A_128 = arith.addf %sub3A_120, %add3A_127 : vector<1x256xf32>
    %sqrt3A_129 = math.sqrt %add3A_128 : vector<1x256xf32>
    %div3A_130 = arith.divf %mul3A_125, %sqrt3A_129 : vector<1x256xf32>
    %get3A_131 = arith.constant 0 : index
    %get3A_132 = arith.constant 0 : index
    %get3A_133 = vector.load %arg12[%get3A_131, %get3A_132] : memref<1x256xf32, #tpu.memory_space<vmem>>, vector<1x256xf32>
    %add3A_134 = arith.addf %div3A_130, %get3A_133 : vector<1x256xf32>
    %iota3A_135 = tpu.iota {dimensions = array<i32: 0>} : vector<8x256xi32>
    %eq3A_136 = vector.broadcast %arg0 : i32 to vector<8x256xi32>
    %eq3A_137 = arith.cmpi eq, %iota3A_135, %eq3A_136 : vector<8x256xi32>
    %broadcast_in_dim3A_138 = vector.shape_cast %add3A_134 : vector<1x256xf32> to vector<1x256xf32>
    %broadcast_in_dim3A_139 = vector.broadcast %broadcast_in_dim3A_138 : vector<1x256xf32> to vector<8x256xf32>
    %get3A_140 = arith.constant 0 : index
    %get3A_141 = arith.constant 0 : index
    %get3A_142 = vector.load %arg22[%get3A_140, %get3A_141] : memref<8x256xf32, #tpu.memory_space<vmem>>, vector<8x256xf32>
    %select_n3A_143 = arith.select %eq3A_137, %broadcast_in_dim3A_139, %get3A_142 : vector<8x256xi1>, vector<8x256xf32>
    %swap3A_144 = arith.constant 0 : index
    %swap3A_145 = arith.constant 0 : index
    %swap3A_146 = vector.load %arg22[%swap3A_144, %swap3A_145] : memref<8x256xf32, #tpu.memory_space<vmem>>, vector<8x256xf32>
    tpu.vector_store %arg22[%swap3A_144, %swap3A_145], %select_n3A_143 {strides = array<i32>} : memref<8x256xf32, #tpu.memory_space<vmem>>, vector<8x256xf32>,
    %eq3A_147 = arith.constant 4 : i32
    %eq3A_148 = arith.cmpi eq, %arg0, %eq3A_147 : i32
    %convert_element_type3A = arith.extui %eq3A_148 : i1 to i32
    %cond3A = arith.constant 0 : i32
    %cond3A_149 = arith.cmpi ne, %convert_element_type3A, %cond3A : i32
    scf.if %cond3A_149 {
      %get3A_150 = arith.constant 0 : index
      %get3A_151 = arith.constant 0 : index
      %get3A_152 = vector.load %arg13[%get3A_150, %get3A_151] : memref<448x512xf32, #tpu.memory_space<vmem>>, vector<448x512xf32>
      %get3A_153 = arith.constant 0 : index
      %get3A_154 = arith.constant 0 : index
      %get3A_155 = vector.load %arg20[%get3A_153, %get3A_154] : memref<8x64xf32, #tpu.memory_space<vmem>>, vector<8x64xf32>
      %slice3A_156 = vector.extract_strided_slice %get3A_152 {offsets = [0, 0], sizes = [64, 512], strides = [1, 1]} : vector<448x512xf32> to vector<64x512xf32>
      %dot_general3A = arith.constant dense<0.000000e+00> : vector<8x512xf32>
      %dot_general3A_157 = tpu.matmul %get3A_155, %slice3A_156, %dot_general3A {dimension_numbers = #tpu.dot_dimension_numbers<[1], [0], [0], [1], [0, 0, 1, 1], [], []>, transpose_lhs_hint = false} : vector<8x64xf32>, vector<64x512xf32>, vector<8x512xf32> -> vector<8x512xf32>
      %get3A_158 = arith.constant 0 : index
      %get3A_159 = arith.constant 0 : index
      %get3A_160 = vector.load %arg21[%get3A_158, %get3A_159] : memref<8x128xf32, #tpu.memory_space<vmem>>, vector<8x128xf32>
      %slice3A_161 = vector.extract_strided_slice %get3A_152 {offsets = [64, 0], sizes = [128, 512], strides = [1, 1]} : vector<448x512xf32> to vector<128x512xf32>
      %dot_general3A_162 = arith.constant dense<0.000000e+00> : vector<8x512xf32>
      %dot_general3A_163 = tpu.matmul %get3A_160, %slice3A_161, %dot_general3A_162 {dimension_numbers = #tpu.dot_dimension_numbers<[1], [0], [0], [1], [0, 0, 1, 1], [], []>, transpose_lhs_hint = false} : vector<8x128xf32>, vector<128x512xf32>, vector<8x512xf32> -> vector<8x512xf32>
      %add3A_164 = arith.addf %dot_general3A_157, %dot_general3A_163 : vector<8x512xf32>
      %get3A_165 = arith.constant 0 : index
      %get3A_166 = arith.constant 0 : index
      %get3A_167 = vector.load %arg22[%get3A_165, %get3A_166] : memref<8x256xf32, #tpu.memory_space<vmem>>, vector<8x256xf32>
      %slice3A_168 = vector.extract_strided_slice %get3A_152 {offsets = [192, 0], sizes = [256, 512], strides = [1, 1]} : vector<448x512xf32> to vector<256x512xf32>
      %dot_general3A_169 = arith.constant dense<0.000000e+00> : vector<8x512xf32>
      %dot_general3A_170 = tpu.matmul %get3A_167, %slice3A_168, %dot_general3A_169 {dimension_numbers = #tpu.dot_dimension_numbers<[1], [0], [0], [1], [0, 0, 1, 1], [], []>, transpose_lhs_hint = false} : vector<8x256xf32>, vector<256x512xf32>, vector<8x512xf32> -> vector<8x512xf32>
      %add3A_171 = arith.addf %add3A_164, %dot_general3A_170 : vector<8x512xf32>
      %get3A_172 = arith.constant 0 : index
      %get3A_173 = arith.constant 0 : index
      %get3A_174 = vector.load %arg14[%get3A_172, %get3A_173] : memref<1x512xf32, #tpu.memory_space<vmem>>, vector<1x512xf32>
      %add3A_175 = vector.broadcast %get3A_174 : vector<1x512xf32> to vector<8x512xf32>
      %add3A_176 = arith.addf %add3A_171, %add3A_175 : vector<8x512xf32>
      %ge3A = arith.constant 0.000000e+00 : f32
      %ge3A_177 = vector.broadcast %ge3A : f32 to vector<8x512xf32>
      %ge3A_178 = arith.cmpf oge, %add3A_176, %ge3A_177 : vector<8x512xf32>
      %mul3A_179 = arith.constant 2.000000e-01 : f32
      %mul3A_180 = vector.broadcast %mul3A_179 : f32 to vector<8x512xf32>
      %mul3A_181 = arith.mulf %mul3A_180, %add3A_176 : vector<8x512xf32>
      %select_n3A_182 = arith.select %ge3A_178, %add3A_176, %mul3A_181 : vector<8x512xi1>, vector<8x512xf32>
      %iota3A_183 = tpu.iota {dimensions = array<i32: 0>} : vector<8x512xi32>
      %lt3A = arith.constant 5 : i32
      %lt3A_184 = vector.broadcast %lt3A : i32 to vector<8x512xi32>
      %lt3A_185 = arith.cmpi slt, %iota3A_183, %lt3A_184 : vector<8x512xi32>
      %jit3A = arith.constant 0.000000e+00 : f32
      %broadcast_in_dim3A_186 = vector.broadcast %jit3A : f32 to vector<8x512xf32>
      %select_n3A_187 = arith.select %lt3A_185, %select_n3A_182, %broadcast_in_dim3A_186 : vector<8x512xi1>, vector<8x512xf32>
      %reduce_sum3A_188 = arith.constant dense<0.000000e+00> : vector<512xf32>
      %reduce_sum3A_189 = vector.multi_reduction <add>, %select_n3A_187, %reduce_sum3A_188 [0] : vector<8x512xf32> to vector<512xf32>
      %broadcast_in_dim3A_190 = vector.shape_cast %reduce_sum3A_189 : vector<512xf32> to vector<1x512xf32>
      %div3A_191 = arith.constant 5.000000e+00 : f32
      %div3A_192 = vector.broadcast %div3A_191 : f32 to vector<1x512xf32>
      %div3A_193 = arith.divf %broadcast_in_dim3A_190, %div3A_192 : vector<1x512xf32>
      %sub3A_194 = vector.broadcast %div3A_193 : vector<1x512xf32> to vector<8x512xf32>
      %sub3A_195 = arith.subf %select_n3A_182, %sub3A_194 : vector<8x512xf32>
      %mul3A_196 = arith.mulf %sub3A_195, %sub3A_195 : vector<8x512xf32>
      %jit3A_197 = arith.constant 0.000000e+00 : f32
      %broadcast_in_dim3A_198 = vector.broadcast %jit3A_197 : f32 to vector<8x512xf32>
      %select_n3A_199 = arith.select %lt3A_185, %mul3A_196, %broadcast_in_dim3A_198 : vector<8x512xi1>, vector<8x512xf32>
      %reduce_sum3A_200 = arith.constant dense<0.000000e+00> : vector<512xf32>
      %reduce_sum3A_201 = vector.multi_reduction <add>, %select_n3A_199, %reduce_sum3A_200 [0] : vector<8x512xf32> to vector<512xf32>
      %broadcast_in_dim3A_202 = vector.shape_cast %reduce_sum3A_201 : vector<512xf32> to vector<1x512xf32>
      %div3A_203 = arith.constant 5.000000e+00 : f32
      %div3A_204 = vector.broadcast %div3A_203 : f32 to vector<1x512xf32>
      %div3A_205 = arith.divf %broadcast_in_dim3A_202, %div3A_204 : vector<1x512xf32>
      %get3A_206 = arith.constant 0 : index
      %get3A_207 = arith.constant 0 : index
      %get3A_208 = vector.load %arg15[%get3A_206, %get3A_207] : memref<1x512xf32, #tpu.memory_space<vmem>>, vector<1x512xf32>
      %mul3A_209 = vector.broadcast %get3A_208 : vector<1x512xf32> to vector<8x512xf32>
      %mul3A_210 = arith.mulf %mul3A_209, %sub3A_195 : vector<8x512xf32>
      %add3A_211 = arith.constant 9.99999974E-6 : f32
      %add3A_212 = vector.broadcast %add3A_211 : f32 to vector<1x512xf32>
      %add3A_213 = arith.addf %div3A_205, %add3A_212 : vector<1x512xf32>
      %sqrt3A_214 = math.sqrt %add3A_213 : vector<1x512xf32>
      %div3A_215 = vector.broadcast %sqrt3A_214 : vector<1x512xf32> to vector<8x512xf32>
      %div3A_216 = arith.divf %mul3A_210, %div3A_215 : vector<8x512xf32>
      %get3A_217 = arith.constant 0 : index
      %get3A_218 = arith.constant 0 : index
      %get3A_219 = vector.load %arg16[%get3A_217, %get3A_218] : memref<1x512xf32, #tpu.memory_space<vmem>>, vector<1x512xf32>
      %add3A_220 = vector.broadcast %get3A_219 : vector<1x512xf32> to vector<8x512xf32>
      %add3A_221 = arith.addf %div3A_216, %add3A_220 : vector<8x512xf32>
      %get3A_222 = arith.constant 0 : index
      %get3A_223 = arith.constant 0 : index
      %get3A_224 = vector.load %arg17[%get3A_222, %get3A_223] : memref<512x128xf32, #tpu.memory_space<vmem>>, vector<512x128xf32>
      %dot_general3A_225 = arith.constant dense<0.000000e+00> : vector<8x128xf32>
      %dot_general3A_226 = tpu.matmul %add3A_221, %get3A_224, %dot_general3A_225 {dimension_numbers = #tpu.dot_dimension_numbers<[1], [0], [0], [1], [0, 0, 1, 1], [], []>, transpose_lhs_hint = false} : vector<8x512xf32>, vector<512x128xf32>, vector<8x128xf32> -> vector<8x128xf32>
      %get3A_227 = arith.constant 0 : index
      %get3A_228 = arith.constant 0 : index
      %get3A_229 = vector.load %arg18[%get3A_227, %get3A_228] : memref<1x128xf32, #tpu.memory_space<vmem>>, vector<1x128xf32>
      %add3A_230 = vector.broadcast %get3A_229 : vector<1x128xf32> to vector<8x128xf32>
      %add3A_231 = arith.addf %dot_general3A_226, %add3A_230 : vector<8x128xf32>
      %swap3A_232 = arith.constant 0 : index
      %swap3A_233 = arith.constant 0 : index
      %swap3A_234 = vector.load %arg19[%swap3A_232, %swap3A_233] : memref<8x128xf32, #tpu.memory_space<vmem>>, vector<8x128xf32>
      tpu.vector_store %arg19[%swap3A_232, %swap3A_233], %add3A_231 {strides = array<i32>} : memref<8x128xf32, #tpu.memory_space<vmem>>, vector<8x128xf32>,
    } else {
    }
    return
  }
  func.func @transform_0(%arg0: i32) -> (i32, i32) {
    %c0_i32 = arith.constant 0 : i32
    %c0_i32_0 = arith.constant 0 : i32
    return %arg0, %c0_i32 : i32, i32
  }
  func.func @transform_1(%arg0: i32) -> (i32, i32) {
    %c0_i32 = arith.constant 0 : i32
    %c0_i32_0 = arith.constant 0 : i32
    return %arg0, %c0_i32 : i32, i32
  }
  func.func @transform_2(%arg0: i32) -> (i32, i32) {
    %c0_i32 = arith.constant 0 : i32
    %c0_i32_0 = arith.constant 0 : i32
    return %arg0, %c0_i32 : i32, i32
  }
  func.func @transform_3(%arg0: i32) -> (i32, i32, i32) {
    %c0_i32 = arith.constant 0 : i32
    %c0_i32_0 = arith.constant 0 : i32
    %c0_i32_1 = arith.constant 0 : i32
    %c0_i32_2 = arith.constant 0 : i32
    return %c0_i32, %c0_i32_0, %c0_i32_1 : i32, i32, i32
  }
  func.func @transform_4(%arg0: i32) -> (i32, i32, i32) {
    %c0_i32 = arith.constant 0 : i32
    %c0_i32_0 = arith.constant 0 : i32
    %c0_i32_1 = arith.constant 0 : i32
    %c0_i32_2 = arith.constant 0 : i32
    return %c0_i32, %c0_i32_0, %c0_i32_1 : i32, i32, i32
  }
  func.func @transform_5(%arg0: i32) -> (i32, i32, i32) {
    %c0_i32 = arith.constant 0 : i32
    %c0_i32_0 = arith.constant 0 : i32
    %c0_i32_1 = arith.constant 0 : i32
    %c0_i32_2 = arith.constant 0 : i32
    return %c0_i32, %c0_i32_0, %c0_i32_1 : i32, i32, i32
  }
  func.func @transform_6(%arg0: i32) -> (i32, i32) {
    %c0_i32 = arith.constant 0 : i32
    %c0_i32_0 = arith.constant 0 : i32
    %c0_i32_1 = arith.constant 0 : i32
    return %c0_i32, %c0_i32_0 : i32, i32
  }
  func.func @transform_7(%arg0: i32) -> (i32, i32) {
    %c0_i32 = arith.constant 0 : i32
    %c0_i32_0 = arith.constant 0 : i32
    %c0_i32_1 = arith.constant 0 : i32
    return %c0_i32, %c0_i32_0 : i32, i32
  }
  func.func @transform_8(%arg0: i32) -> (i32, i32) {
    %c0_i32 = arith.constant 0 : i32
    %c0_i32_0 = arith.constant 0 : i32
    %c0_i32_1 = arith.constant 0 : i32
    return %c0_i32, %c0_i32_0 : i32, i32
  }
  func.func @transform_9(%arg0: i32) -> (i32, i32) {
    %c0_i32 = arith.constant 0 : i32
    %c0_i32_0 = arith.constant 0 : i32
    %c0_i32_1 = arith.constant 0 : i32
    return %c0_i32, %c0_i32_0 : i32, i32
  }
  func.func @transform_10(%arg0: i32) -> (i32, i32) {
    %c0_i32 = arith.constant 0 : i32
    %c0_i32_0 = arith.constant 0 : i32
    %c0_i32_1 = arith.constant 0 : i32
    return %c0_i32, %c0_i32_0 : i32, i32
  }
  func.func @transform_11(%arg0: i32) -> (i32, i32) {
    %c0_i32 = arith.constant 0 : i32
    %c0_i32_0 = arith.constant 0 : i32
    %c0_i32_1 = arith.constant 0 : i32
    return %c0_i32, %c0_i32_0 : i32, i32
  }
  func.func @transform_12(%arg0: i32) -> (i32, i32) {
    %c0_i32 = arith.constant 0 : i32
    %c0_i32_0 = arith.constant 0 : i32
    %c0_i32_1 = arith.constant 0 : i32
    return %c0_i32, %c0_i32_0 : i32, i32
  }
  func.func @transform_13(%arg0: i32) -> (i32, i32) {
    %c0_i32 = arith.constant 0 : i32
    %c0_i32_0 = arith.constant 0 : i32
    %c0_i32_1 = arith.constant 0 : i32
    return %c0_i32, %c0_i32_0 : i32, i32
  }
  func.func @transform_14(%arg0: i32) -> (i32, i32) {
    %c0_i32 = arith.constant 0 : i32
    %c0_i32_0 = arith.constant 0 : i32
    %c0_i32_1 = arith.constant 0 : i32
    return %c0_i32, %c0_i32_0 : i32, i32
  }
  func.func @transform_15(%arg0: i32) -> (i32, i32) {
    %c0_i32 = arith.constant 0 : i32
    %c0_i32_0 = arith.constant 0 : i32
    %c0_i32_1 = arith.constant 0 : i32
    return %c0_i32, %c0_i32_0 : i32, i32
  }
  func.func @transform_16(%arg0: i32) -> (i32, i32) {
    %c0_i32 = arith.constant 0 : i32
    %c0_i32_0 = arith.constant 0 : i32
    %c0_i32_1 = arith.constant 0 : i32
    return %c0_i32, %c0_i32_0 : i32, i32
  }
  func.func @transform_17(%arg0: i32) -> (i32, i32) {
    %c0_i32 = arith.constant 0 : i32
    %c0_i32_0 = arith.constant 0 : i32
    %c0_i32_1 = arith.constant 0 : i32
    return %c0_i32, %c0_i32_0 : i32, i32
  }
  func.func @transform_18(%arg0: i32) -> (i32, i32) {
    %c0_i32 = arith.constant 0 : i32
    %c0_i32_0 = arith.constant 0 : i32
    %c0_i32_1 = arith.constant 0 : i32
    return %c0_i32, %c0_i32_0 : i32, i32
  }
}

</mosaic_0001>

<sc_bundles>
// kernel: kernel.13.cloned.1.call-start
scs
__scs_entry_jumppad:
0x0: {  	(pc) =	sbr.rel $0x88, $3  }
0x1: {  	(tag) =	ssettag $0x0;
	lr =	simm.s32 $0x1  }
0x2: {  	[smem:$0x3F8E] =	sst lr;
	_ =	strace $0xD0000000  }
0x3: {  	_ = 	snop  }
0x4: {  	_ = 	snop  }
0x5: {  	_ = 	snop  }
0x6: {  	_ = 	snop  }
0x7: {  	_ = 	snop  }
__scs_overlays_trampoline_lowered:
0x8: {  	[smem:$0x3F9D] =	sst s0  }
0x9: {  	[smem:$0x3F9E] =	sst s1  }
0xa: {  	[smem:$0x3F9F] =	sst s2  }
0xb: {  	[smem:$0x3FA0] =	sst s3  }
0xc: {  	[smem:$0x3FA1] =	sst s4  }
0xd: {  	[smem:$0x3FA2] =	sst s5  }
0xe: {  	[smem:$0x3FA3] =	sst s6  }
0xf: {  	[smem:$0x3FA4] =	sst s7  }
0x10: {  	[smem:$0x3FA5] =	sst s8  }
0x11: {  	[smem:$0x3FA6] =	sst s9;
	s0 =	simm.s32 @!p0 $0x0  }
0x12: {  	s1 =	sld [smem:$0x3F8C];
	s0 =	simm.s32 @p0 $0x1  }
0x13: {  	[smem:$0x3FA7] =	sst s0;
	s0 =	simm.s32 @!p1 $0x0  }
0x14: {  	s2 =	sld [smem:$0x3F8B];
	s0 =	simm.s32 @p1 $0x1  }
0x15: {  	[smem:$0x3FA8] =	sst s0;
	s0 =	simm.s32 @!p2 $0x0  }
0x16: {  	s3 =	sld [smem:$0x3FDB];
	s0 =	simm.s32 @p2 $0x1  }
0x17: {  	s4 =	simm.s32 $0x1BF5;
	[smem:$0x3FAA] =	sst s0  }
0x18: {  	s0 =	sld [smem:$0x3F8D];
	_ =	swait.ge [sflag:s4], $0x0  }
0x19: {  	s7 =	sld [smem:$0x3F8E]  }
0x1a: {  	s8 =	sadd.s32 $0xFFFFE003, lr  }
0x1b: {  	s9 =	sadd.s32 $0xFFFFFEF7, lr;
	s5 =	simm.s32 $0xFFFFFFFF;
	p2 =	slt.u32 s8, $0xFFFFF086  }
0x1c: {  	p1 =	slt.u32 s9, $0xF7A;
	s5 =	simm.s32 @!p2 $0x0  }
0x1d: {  	s5 =	simm.s32 @p1 $0x1;
	p0 =	seq.s32 s7, s2  }
0x1e: {  	s7 =	smul.u32 @!p0 $0xF7A, s2;
	p2 =	seq.s32 @!p0 s5, $0x0  }
0x1f: {  	s9 =	smul.u32 $0xF7A, s1;
	s8 =	simm.s32 @!p0 $0x1BF5;
	p2 =	por !p2, p0  }
0x20: {  	[sflag:s8] =	ssyncset.s32 @!p0 $0xFFFFF086;
	s6 =	sadd.s32 @!p0 s3, s7;
	s7 =	simm.s32 @!p0 $0x108  }
0x21: {  	s3 =	sadd.s32 s3, s9;
	s6 =	sadd.s32 @!p0 $0x88, s6;
	s7 =	simm.s32 @p2 $0x1082  }
0x22: {  	[simem:s7], [sflag:s8] =	dma.local @!p0 [hbm:s6], $0xF7A  }
0x23: {  	s9 =	sor.u32 $0xD0000000, s2;
	s6 =	simm.s32 $0x108;
	_ =	swait.ge @!p0 [sflag:s8], $0x0  }
0x24: {  	s3 =	sadd.s32 $0x88, s3;
	s6 =	simm.s32 @!p1 $0x1082;
	[sflag:s4] =	ssyncset.s32 $0xFFFFF086  }
0x25: {  	[simem:s6], [sflag:s4] =	dma.local [hbm:s3], $0xF7A  }
0x26: {  	[smem:$0x3F8E] =	sst s1;
	(tag) =	ssettag s2;
	_ =	strace s9  }
0x27: {  	s1 =	sld [smem:$0x3F9E]  }
0x28: {  	s2 =	sld [smem:$0x3F9F]  }
0x29: {  	s4 =	sld [smem:$0x3FA1]  }
0x2a: {  	p0 =	seq.s32 s5, $0x0;
	s5 =	sld [smem:$0x3FA2]  }
0x2b: {  	s6 =	sld [smem:$0x3FA3]  }
0x2c: {  	s7 =	sld [smem:$0x3FA4]  }
0x2d: {  	s3 =	simm.s32 $0x108;
	s8 =	sld [smem:$0x3FA5]  }
0x2e: {  	s3 =	simm.s32 @!p0 $0x1082;
	s9 =	sld [smem:$0x3FA6]  }
0x2f: {  	lr =	sadd.s32 s0, s3;
	s0 =	sld [smem:$0x3F9D]  }
0x30: {  	s3 =	sld [smem:$0x3FA0]  }
0x31: {  	[smem:$0x3FA9] =	sst s10  }
0x32: {  	s10 =	sld [smem:$0x3FA7];
	_ =	sdelay $0x3  }
0x33: {  	p0 =	seq.s32 s10, $0x1;
	s10 =	sld [smem:$0x3FA9];
	_ =	sdelay $0x3  }
0x34: {  	[smem:$0x3FA9] =	sst s10  }
0x35: {  	s10 =	sld [smem:$0x3FA8];
	_ =	sdelay $0x3  }
0x36: {  	p1 =	seq.s32 s10, $0x1;
	s10 =	sld [smem:$0x3FA9];
	_ =	sdelay $0x3  }
0x37: {  	[smem:$0x3FA9] =	sst s10  }
0x38: {  	s10 =	sld [smem:$0x3FAA]  }
0x39: {  	_ = 	snop;
	(pc) =	sbr.ind lr, $3  }
0x3a: {  	_ = 	snop  }
0x3b: {  	_ = 	snop  }
0x3c: {  	p2 =	seq.s32 s10, $0x1;
	s10 =	sld [smem:$0x3FA9]  }
0x3d: {  	_ =	shalt  }
0x3e: {  	_ =	shalt  }
0x3f: {  	_ =	shalt  }
0x40: {  	_ =	shalt  }
0x41: {  	_ =	shalt  }
0x42: {  	_ =	shalt  }
0x43: {  	_ =	shalt  }
0x44: {  	_ =	shalt  }
0x45: {  	_ =	shalt  }
0x46: {  	_ =	shalt  }
0x47: {  	_ =	shalt  }
0x48: {  	_ =	shalt  }
0x49: {  	_ =	shalt  }
0x4a: {  	_ =	shalt  }
0x4b: {  	_ =	shalt  }
0x4c: {  	_ =	shalt  }
0x4d: {  	_ =	shalt  }
0x4e: {  	_ =	shalt  }
0x4f: {  	_ =	shalt  }
0x50: {  	_ =	shalt  }
0x51: {  	_ =	shalt  }
0x52: {  	_ =	shalt  }
0x53: {  	_ =	shalt  }
0x54: {  	_ =	shalt  }
0x55: {  	_ =	shalt  }
0x56: {  	_ =	shalt  }
0x57: {  	_ =	shalt  }
0x58: {  	_ =	shalt  }
0x59: {  	_ =	shalt  }
0x5a: {  	_ =	shalt  }
0x5b: {  	_ =	shalt  }
0x5c: {  	_ =	shalt  }
0x5d: {  	_ =	shalt  }
0x5e: {  	_ =	shalt  }
0x5f: {  	_ =	shalt  }
0x60: {  	_ =	shalt  }
0x61: {  	_ =	shalt  }
0x62: {  	_ =	shalt  }
0x63: {  	_ =	shalt  }
0x64: {  	_ =	shalt  }
0x65: {  	_ =	shalt  }
0x66: {  	_ =	shalt  }
0x67: {  	_ =	shalt  }
0x68: {  	_ =	shalt  }
0x69: {  	_ =	shalt  }
0x6a: {  	_ =	shalt  }
0x6b: {  	_ =	shalt  }
0x6c: {  	_ =	shalt  }
0x6d: {  	_ =	shalt  }
0x6e: {  	_ =	shalt  }
0x6f: {  	_ =	shalt  }
0x70: {  	_ =	shalt  }
0x71: {  	_ =	shalt  }
0x72: {  	_ =	shalt  }
0x73: {  	_ =	shalt  }
0x74: {  	_ =	shalt  }
0x75: {  	_ =	shalt  }
0x76: {  	_ =	shalt  }
0x77: {  	_ =	shalt  }
0x78: {  	_ =	shalt  }
0x79: {  	_ =	shalt  }
0x7a: {  	_ =	shalt  }
0x7b: {  	_ =	shalt  }
0x7c: {  	_ =	shalt  }
0x7d: {  	_ =	shalt  }
0x7e: {  	_ =	shalt  }
0x7f: {  	_ =	shalt  }
0x80: {  	_ =	shalt  }
0x81: {  	_ =	shalt  }
0x82: {  	_ =	shalt  }
0x83: {  	_ =	shalt  }
0x84: {  	_ =	shalt  }
0x85: {  	_ =	shalt  }
0x86: {  	_ =	shalt  }
0x87: {  	_ =	shalt  }
.Lfunc_end0:
.L_simem_size_0:
called_computation_lowered:
.L_overlay_start_0:
0x88: {  	s2 =	sld [smem:$0x3FD9]  }
0x89: {  	s3 =	sld [smem:$0x3FFE];
	_ =	sdelay $0x1  }
0x8a: {  	s1 =	srdreg.scid  }
0x8b: {  	s0 =	sand.u32 $0x1, s1  }
0x8c: {  	s16 =	sshll.u32 s0, $0xA;
	s2 =	sadd.s32 s3, s2  }
0x8d: {  	s2 =	sadd.s32 s2, s16  }
0x8e: {  	[smem:$0x3FB5] =	sst s2  }
0x8f: {  	_ = 	snop  }
0x90: {  	(tm) =	ssettm $0x1  }
0x91: {  	s17 =	sld [smem:$0x3FFB];
	_ =	sdelay $0x3  }
0x92: {  	_ =	strace s17  }
0x93: {  	s2 =	sld [smem:$0x3FFC];
	_ =	sdelay $0x3  }
0x94: {  	_ =	strace s2  }
0x95: {  	s2 =	sld [smem:$0x3FFD];
	_ =	sdelay $0x3  }
0x96: {  	_ =	strace s2  }
0x97: {  	_ =	strace $0x8FFFFFFF  }
0x98: {  	s18 =	sld [smem:$0x3FDB];
	_ =	sdelay $0x1  }
0x99: {  	s19 =	simm.s32 $_scs_section_size  }
0x9a: {  	s4 =	simm.s32 $_size__tile_overlayer_lowered;
	s5 =	simm.s32 $_tile_overlayer_lowered  }
0x9b: {  	s22 =	simm.s32 $0x1BFF;
	s21 =	sshll.u32 s5, $0x1;
	s2 =	sadd.s32 s19, s18  }
0x9c: {  	s6 =	simm.s32 $0x0;
	s20 =	sshll.u32 s4, $0x1;
	s4 =	sadd.s32 s21, s2  }
0x9d: {  	[timem:s6], [sflag:s22] =	dma.local [hbm:s4], s20  }
0x9e: {  	_ =	swait.ge [sflag:s22], s20  }
0x9f: {  	s3 =	ssub.s32 $0x0, s20;
	[sflag:s22] =	ssyncset.done $0x0  }
0xa0: {  	[sflag:s22] =	ssyncadd.s32 s3;
	_ =	sdelay $0x1  }
0xa1: {  	s23 =	simm.s32 $0x1B8B  }
0xa2: {  	_ =	swait.ge [sflag:s23], $0x1  }
0xa3: {  	[sflag:s23] =	ssyncset.done $0x0  }
0xa4: {  	s25 =	simm.s32 $0x1B8E;
	s24 =	sld [smem:$0x3FFE];
	[sflag:s23] =	ssyncadd.s32 $0xFFFFFFFF  }
0xa5: {  	s26 =	simm.s32 $execute0_lowered;
	[smem:$0x3FD2] =	sst s25  }
0xa6: {  	s4 =	sshll.u32 s26, $0x1;
	_ =	strace $0x80000046;
	[dreg:$0x1] =	wrdreg $0xFFFFFFFF  }
0xa7: {  	s28 =	simm.s32 $_size_execute0_lowered;
	s2 =	sadd.s32 s2, s4;
	[dreg:$0x0] =	wrdreg $0x0  }
0xa8: {  	s4 =	sshll.u32 s28, $0x1;
	[dreg:$0x2] =	wrdreg s2  }
0xa9: {  	[dreg:$0x3] =	wrdreg s4  }
0xaa: {  	[dreg:$0x4] =	wrdreg $0xC0  }
0xab: {  	_ =	task [dreg:s6], $0x5FFFF  }
0xac: {  	[dreg:$0x1] =	wrdreg $0xFFFFFFFF  }
0xad: {  	[dreg:$0x0] =	wrdreg $0x60  }
0xae: {  	[dreg:$0x2] =	wrdreg s24  }
0xaf: {  	[dreg:$0x3] =	wrdreg $0x9  }
0xb0: {  	_ =	task.clear_ibuf [dreg:s6], $0x4FFFF;
	_ =	strace $0x90000046  }
0xb1: {  	s29 =	simm.s32 $0x9;
	_ =	strace $0x80000048  }
0xb2: {  	_ =	swait.ge [sflag:s29], $0x1  }
0xb3: {  	[sflag:s29] =	ssyncadd.s32 $0xFFFFFFFF  }
0xb4: {  	_ =	strace $0x90000048  }
0xb5: {  	_ =	sfence  }
0xb6: {  	s30 =	sld [smem:$0x0];
	_ =	sdelay $0x2  }
0xb7: {  	s31 =	sshll.u32 s1, $0xD;
	s1 =	sshrl.u32 s1, $0x2  }
0xb8: {  	s3 =	sand.u32 $0x4000, s31;
	s1 =	sadd.s32 s1, s30  }
0xb9: {  	s0 =	sor.u32 s3, s0;
	s1 =	sshll.u32 s1, $0x11  }
0xba: {  	s0 =	sor.u32 s1, s0  }
0xbb: {  	s0 =	sadd.s32 $0x8F2B, s0  }
0xbc: {  	[sflag:s0] =	ssyncadd.remote.s32 $0x1  }
0xbd: {  	_ =	sfence.sel $0xFFFF  }
0xbe: {  	[dreg:$0x0] =	wrdreg $0xFFFFFFFF;
	(pc) =	sbr.abs _section_cstart, $3  }
0xbf: {  	[dreg:$0x1] =	wrdreg $0xFFFFFFFF  }
0xc0: {  	_ =	task.clear_ibuf [dreg:s6], $0x2FFFF;
	_ =	strace $0x9FFFFFFF  }
0xc1: {  	(tm) =	ssettm $0x7FFFFFFF  }
tec
execute0_lowered:
.L_overlay_start_1:
0x0: {  	(tag) =	ssettag $0x1  }
0x1: {  	s0 =	srdreg.scid  }
0x2: {  	s6 =	stileid.u32;
	s4 =	rddreg [dreg:$0x0]  }
0x3: {  	s2 =	simm.s32 $0x0;
	s5 =	simm.s32 $0x1;
	s7 =	simm.s32 $0xA0000  }
0x4: {  	s10 =	simm.s32 $0x80;
	s11 =	simm.s32 $0x1400;
	s12 =	simm.s32 $0x5400  }
0x5: {  	s14 =	simm.s32 $0x9400;
	s16 =	simm.s32 $0xD400;
	s17 =	simm.s32 $0x11400  }
0x6: {  	s18 =	simm.s32 $0x2;
	s19 =	simm.s32 $0x3;
	s20 =	simm.s32 $0x4  }
0x7: {  	s21 =	simm.s32 $0x5;
	s0 =	sand.u32 $0x1, s0;
	s1 =	sshll.u32 s6, $0x1  }
0x8: {  	s23 =	simm.s32 $0x7;
	s24 =	simm.s32 $0x8;
	s1 =	sor.u32 s0, s1  }
0x9: {  	s25 =	simm.s32 $0x9;
	p0 =	seq.s32 s0, $0x1;
	p1 =	seq.s32 s1, $0x0  }
0xa: {  	s26 =	simm.s32 $0xA;
	s28 =	simm.s32 $0x0;
	p1 =	por !p1, !p0  }
0xb: {  	[smem:$0x7FF] =	sst s2;
	s3 =	sadd.s32 $0x6A00, s4;
	p1 =	por !p1, !p1  }
0xc: {  	_ =	strace $0x80000047;
	s0 =	ssub.s32 $0x2, s0;
	s5 =	simm.s32 @!p1 $0x0  }
0xd: {  	s1 =	smul.u32 $0x280, s1;
	s30 =	sshrl.u32 s0, $0x1;
	s5 =	ssub.s32 s6, s5  }
0xe: {  	s7 =	simm.s32 @!p0 $0x0;
	s0 =	ssub.s32 s0, s30;
	s8 =	smul.u32 $0x140000, s5  }
0xf: {  	s1 =	sadd.s32 s1, s4;
	s4 =	sadd.s32 $0x33A00, s4;
	s0 =	smax.u32 s0, $0x1  }
0x10: {  	s1 =	sadd.s32 $0x2EA00, s1;
	[dreg:$0x3] =	wrdreg s0;
	s31 =	sadd.s32 s7, s8  }
0x11: {  	[dreg:$0x2] =	wrdreg s1;
	s5 =	simm.s32 $0x1;
	s8 =	sor.u32 $0x8000, s31  }
.LBB2_1:
0x12: {  	s0 =	rddreg [dreg:$0x2];
	s22 =	simm.s32 $0xB  }
0x13: {  	[tilespmem:s2], [sflag:$0xB] =	stream.linear.gather [hbm4b:s0+s2], $0x1400, $0x38;
	[tilespmem:$0x15400] =	vst v63  }
0x14: {  	_ =	swait.ge [sflag:s22], $0x1400  }
0x15: {  	[sflag:s22] =	ssyncset.done $0x0  }
0x16: {  	[sflag:s22] =	ssyncadd.s32 $0xFFFFEC00  }
0x17: {  	[tilespmem:s11], [sflag:$0x1] =	stream.indirect.gather [hbm4b:s3+s10], $0x80, s2, s10, $0xb8;
	[tilespmem:$0x15400] =	vst v63  }
0x18: {  	_ = 	snop  }
0x19: {  	[tilespmem:s12], [sflag:$0x2] =	stream.indirect.gather [hbm4b:s3+s10], $0x80, s10, s10, $0xb8;
	[tilespmem:$0x15400] =	vst v63  }
0x1a: {  	s1 =	simm.s32 $0x100;
	p0 =	por $0x1, $0x1  }
0x1b: {  	[tilespmem:s14], [sflag:$0x3] =	stream.indirect.gather [hbm4b:s3+s10], $0x80, s1, s10, $0xb8;
	[tilespmem:$0x15400] =	vst v63  }
0x1c: {  	s6 =	simm.s32 $0x180;
	s0 =	simm.s32 @!p0 $0xA  }
0x1d: {  	[tilespmem:s16], [sflag:$0x4] =	stream.indirect.gather [hbm4b:s3+s10], $0x80, s6, s10, $0xb8;
	[tilespmem:$0x15400] =	vst v63  }
0x1e: {  	_ =	swait.ge @!p0 [sflag:s0], $0x4000  }
0x1f: {  	[sflag:s0] =	ssyncset.done @!p0 $0x0  }
0x20: {  	s1 =	simm.s32 $0x200;
	[sflag:s0] =	ssyncadd.s32 @!p0 $0xFFFFC000  }
0x21: {  	[tilespmem:s17], [sflag:$0x5] =	stream.indirect.gather [hbm4b:s3+s10], $0x80, s1, s10, $0xb8;
	[tilespmem:$0x15400] =	vst v63  }
0x22: {  	s7 =	sadd.s32 $0xFFFF8000, s8;
	_ =	swait.ge [sflag:s5], $0x4000  }
0x23: {  	s0 =	sshrl.u32 s7, $0x3;
	p0 =	por $0x0, $0x0;
	[sflag:s5] =	ssyncset.done $0x0  }
0x24: {  	s0 =	sadd.s32 s4, s0;
	s1 =	simm.s32 @!p0 $0x6;
	[sflag:s5] =	ssyncadd.s32 $0xFFFFC000  }
0x25: {  	[hbm4b:s0+s2] =	stream.linear.scatter [tilespmem:s11], [sflag:$0x6], $0x4000, $0x38;
	[tilespmem:$0x15400] =	vst v63  }
0x26: {  	_ =	swait.ge @!p0 [sflag:s1], $0x4000  }
0x27: {  	s29 =	simm.s32 @!p0 $0x80;
	[sflag:s1] =	ssyncset.done @!p0 $0x0  }
0x28: {  	s30 =	simm.s32 @!p0 $0x1400;
	s0 =	simm.s32 @!p0 $0x280;
	[sflag:s1] =	ssyncadd.s32 @!p0 $0xFFFFC000  }
0x29: {  	[tilespmem:s30], [sflag:$0x1] =	stream.indirect.gather @!p0 [hbm4b:s3+s29], $0x80, s0, s29, $0xb8;
	[tilespmem:$0x15400] =	vst v63  }
0x2a: {  	s9 =	sadd.s32 $0xFFFFC000, s8;
	_ =	swait.ge [sflag:s18], $0x4000  }
0x2b: {  	s0 =	sshrl.u32 s9, $0x3;
	[sflag:s18] =	ssyncset.done $0x0  }
0x2c: {  	s1 =	simm.s32 @!p0 $0x7;
	s0 =	sadd.s32 s4, s0;
	[sflag:s18] =	ssyncadd.s32 $0xFFFFC000  }
0x2d: {  	[hbm4b:s0+s2] =	stream.linear.scatter [tilespmem:s12], [sflag:$0x7], $0x4000, $0x38;
	[tilespmem:$0x15400] =	vst v63  }
0x2e: {  	_ =	swait.ge @!p0 [sflag:s1], $0x4000  }
0x2f: {  	[sflag:s1] =	ssyncset.done @!p0 $0x0  }
0x30: {  	s30 =	simm.s32 @!p0 $0x5400;
	s0 =	simm.s32 @!p0 $0x300;
	[sflag:s1] =	ssyncadd.s32 @!p0 $0xFFFFC000  }
0x31: {  	[tilespmem:s30], [sflag:$0x2] =	stream.indirect.gather @!p0 [hbm4b:s3+s29], $0x80, s0, s29, $0xb8;
	[tilespmem:$0x15400] =	vst v63  }
0x32: {  	_ =	swait.ge [sflag:s19], $0x4000  }
0x33: {  	s13 =	sshrl.u32 s8, $0x3;
	[sflag:s19] =	ssyncset.done $0x0  }
0x34: {  	s1 =	simm.s32 @!p0 $0x8;
	s0 =	sadd.s32 s4, s13;
	[sflag:s19] =	ssyncadd.s32 $0xFFFFC000  }
0x35: {  	[hbm4b:s0+s2] =	stream.linear.scatter [tilespmem:s14], [sflag:$0x8], $0x4000, $0x38;
	[tilespmem:$0x15400] =	vst v63  }
0x36: {  	_ =	swait.ge @!p0 [sflag:s1], $0x4000  }
0x37: {  	[sflag:s1] =	ssyncset.done @!p0 $0x0  }
0x38: {  	s30 =	simm.s32 @!p0 $0x9400;
	s0 =	simm.s32 @!p0 $0x380;
	[sflag:s1] =	ssyncadd.s32 @!p0 $0xFFFFC000  }
0x39: {  	[tilespmem:s30], [sflag:$0x3] =	stream.indirect.gather @!p0 [hbm4b:s3+s29], $0x80, s0, s29, $0xb8;
	[tilespmem:$0x15400] =	vst v63  }
0x3a: {  	s15 =	sadd.s32 $0x4000, s8;
	_ =	swait.ge [sflag:s20], $0x4000  }
0x3b: {  	s0 =	sshrl.u32 s15, $0x3;
	[sflag:s20] =	ssyncset.done $0x0  }
0x3c: {  	s1 =	simm.s32 @!p0 $0x9;
	s0 =	sadd.s32 s4, s0;
	[sflag:s20] =	ssyncadd.s32 $0xFFFFC000  }
0x3d: {  	[hbm4b:s0+s2] =	stream.linear.scatter [tilespmem:s16], [sflag:$0x9], $0x4000, $0x38;
	[tilespmem:$0x15400] =	vst v63  }
0x3e: {  	s31 =	simm.s32 $0x1400;
	p1 =	por $0x0, $0x0;
	_ =	swait.ge @!p0 [sflag:s1], $0x4000  }
0x3f: {  	s22 =	sadd.s32 $0x8000, s8;
	s30 =	simm.s32 $0xA00;
	[sflag:s1] =	ssyncset.done @!p0 $0x0  }
0x40: {  	s0 =	simm.s32 @!p0 $0x400;
	[sflag:s1] =	ssyncadd.s32 @!p0 $0xFFFFC000;
	s1 =	simm.s32 @!p0 $0xD400  }
0x41: {  	[tilespmem:s1], [sflag:$0x4] =	stream.indirect.gather @!p0 [hbm4b:s3+s29], $0x80, s0, s29, $0xb8;
	[tilespmem:$0x15400] =	vst v63  }
0x42: {  	s29 =	sadd.s32 $0x14000, s8;
	s0 =	sshrl.u32 s22, $0x3;
	_ =	swait.ge [sflag:s21], $0x4000  }
.LBB2_2:
0x43: {  	s1 =	simm.s32 @!p1 $0xA  }
0x44: {  	[sflag:s21] =	ssyncset.done $0x0;
	s13 =	smov.u32 s31;
	s31 =	sadd.s32 $0xA00, s31  }
0x45: {  	s0 =	sadd.s32 s4, s0;
	p0 =	sne.s32 s31, $0x5000;
	[sflag:s21] =	ssyncadd.s32 $0xFFFFC000  }
0x46: {  	[hbm4b:s0+s2] =	stream.linear.scatter [tilespmem:s17], [sflag:$0xA], $0x4000, $0x38;
	[tilespmem:$0x15400] =	vst v63  }
0x47: {  	s0 =	sshra.s32 s30, $0x2;
	_ =	swait.ge @!p1 [sflag:s1], $0x4000  }
0x48: {  	s0 =	sadd.s32 $0x200, s0;
	[sflag:s1] =	ssyncset.done @!p1 $0x0  }
0x49: {  	[sflag:s1] =	ssyncadd.s32 @!p1 $0xFFFFC000;
	s1 =	sadd.s32 $0xFFFF8000, s29  }
0x4a: {  	[tilespmem:s17], [sflag:$0x5] =	stream.indirect.gather [hbm4b:s3+s10], $0x80, s0, s10, $0xb8;
	[tilespmem:$0x15400] =	vst v63  }
0x4b: {  	s15 =	sadd.s32 $0xFFFFC000, s29;
	s0 =	sshrl.u32 s1, $0x3;
	_ =	swait.ge [sflag:s5], $0x4000  }
0x4c: {  	p1 =	seq.s32 s30, $0x4600;
	s0 =	sadd.s32 s4, s0;
	[sflag:s5] =	ssyncset.done $0x0  }
0x4d: {  	s6 =	simm.s32 @!p1 $0x6;
	s30 =	sshra.s32 @!p1 s30, $0x2;
	[sflag:s5] =	ssyncadd.s32 $0xFFFFC000  }
0x4e: {  	[hbm4b:s0+s2] =	stream.linear.scatter [tilespmem:s11], [sflag:$0x6], $0x4000, $0x38;
	[tilespmem:$0x15400] =	vst v63  }
0x4f: {  	s7 =	sadd.s32 @!p1 $0x280, s30;
	s9 =	sadd.s32 @!p1 $0x300, s30;
	_ =	swait.ge @!p1 [sflag:s6], $0x4000  }
0x50: {  	s1 =	simm.s32 @!p1 $0x80;
	s22 =	simm.s32 @!p1 $0x1400;
	[sflag:s6] =	ssyncset.done @!p1 $0x0  }
0x51: {  	s0 =	sadd.s32 @!p1 $0x400, s30;
	[sflag:s6] =	ssyncadd.s32 @!p1 $0xFFFFC000;
	s6 =	sadd.s32 @!p1 $0x380, s30  }
0x52: {  	[tilespmem:s22], [sflag:$0x1] =	stream.indirect.gather @!p1 [hbm4b:s3+s1], $0x80, s7, s1, $0xb8;
	[tilespmem:$0x15400] =	vst v63  }
0x53: {  	s30 =	smov.u32 s13;
	s7 =	sshrl.u32 s15, $0x3;
	_ =	swait.ge [sflag:s18], $0x4000  }
0x54: {  	s7 =	sadd.s32 s4, s7;
	[sflag:s18] =	ssyncset.done $0x0  }
0x55: {  	s13 =	simm.s32 @!p1 $0x7;
	[sflag:s18] =	ssyncadd.s32 $0xFFFFC000  }
0x56: {  	[hbm4b:s7+s2] =	stream.linear.scatter [tilespmem:s12], [sflag:$0x7], $0x4000, $0x38;
	[tilespmem:$0x15400] =	vst v63  }
0x57: {  	_ =	swait.ge @!p1 [sflag:s13], $0x4000  }
0x58: {  	s7 =	simm.s32 @!p1 $0x5400;
	[sflag:s13] =	ssyncset.done @!p1 $0x0  }
0x59: {  	[sflag:s13] =	ssyncadd.s32 @!p1 $0xFFFFC000  }
0x5a: {  	[tilespmem:s7], [sflag:$0x2] =	stream.indirect.gather @!p1 [hbm4b:s3+s1], $0x80, s9, s1, $0xb8;
	[tilespmem:$0x15400] =	vst v63  }
0x5b: {  	s7 =	sshrl.u32 s29, $0x3;
	_ =	swait.ge [sflag:s19], $0x4000  }
0x5c: {  	s7 =	sadd.s32 s4, s7;
	[sflag:s19] =	ssyncset.done $0x0  }
0x5d: {  	s9 =	simm.s32 @!p1 $0x8;
	[sflag:s19] =	ssyncadd.s32 $0xFFFFC000  }
0x5e: {  	[hbm4b:s7+s2] =	stream.linear.scatter [tilespmem:s14], [sflag:$0x8], $0x4000, $0x38;
	[tilespmem:$0x15400] =	vst v63  }
0x5f: {  	_ =	swait.ge @!p1 [sflag:s9], $0x4000  }
0x60: {  	s7 =	simm.s32 @!p1 $0x9400;
	[sflag:s9] =	ssyncset.done @!p1 $0x0  }
0x61: {  	[sflag:s9] =	ssyncadd.s32 @!p1 $0xFFFFC000;
	s9 =	sadd.s32 $0x4000, s29  }
0x62: {  	[tilespmem:s7], [sflag:$0x3] =	stream.indirect.gather @!p1 [hbm4b:s3+s1], $0x80, s6, s1, $0xb8;
	[tilespmem:$0x15400] =	vst v63  }
0x63: {  	s6 =	sshrl.u32 s9, $0x3;
	_ =	swait.ge [sflag:s20], $0x4000  }
0x64: {  	s6 =	sadd.s32 s4, s6;
	[sflag:s20] =	ssyncset.done $0x0  }
0x65: {  	s7 =	simm.s32 @!p1 $0x9;
	[sflag:s20] =	ssyncadd.s32 $0xFFFFC000  }
0x66: {  	[hbm4b:s6+s2] =	stream.linear.scatter [tilespmem:s16], [sflag:$0x9], $0x4000, $0x38;
	[tilespmem:$0x15400] =	vst v63  }
.Ltmp0:
0x67: {  	_ =	swait.ge @!p1 [sflag:s7], $0x4000;
	(pc) =	sbr.rel @p0 .LBB2_2-.Ltmp0, $4  }
0x68: {  	s6 =	simm.s32 @!p1 $0xD400;
	[sflag:s7] =	ssyncset.done @!p1 $0x0  }
0x69: {  	[sflag:s7] =	ssyncadd.s32 @!p1 $0xFFFFC000;
	s7 =	sadd.s32 $0x8000, s29;
	s29 =	sadd.s32 $0x14000, s29  }
0x6a: {  	[tilespmem:s6], [sflag:$0x4] =	stream.indirect.gather @!p1 [hbm4b:s3+s1], $0x80, s0, s1, $0xb8;
	[tilespmem:$0x15400] =	vst v63  }
0x6b: {  	p1 =	seq.s32 s30, $0x0;
	s0 =	sshrl.u32 s7, $0x3;
	_ =	swait.ge [sflag:s21], $0x4000  }
0x6c: {  	[sflag:s21] =	ssyncset.done $0x0  }
0x6d: {  	s1 =	simm.s32 @!p1 $0xA;
	s0 =	sadd.s32 s4, s0;
	[sflag:s21] =	ssyncadd.s32 $0xFFFFC000  }
0x6e: {  	[hbm4b:s0+s2] =	stream.linear.scatter [tilespmem:s17], [sflag:$0xA], $0x4000, $0x38;
	[tilespmem:$0x15400] =	vst v63  }
0x6f: {  	_ =	swait.ge @!p1 [sflag:s1], $0x4000  }
0x70: {  	s7 =	sshra.s32 s30, $0x2;
	[sflag:s1] =	ssyncset.done @!p1 $0x0  }
0x71: {  	s0 =	sadd.s32 $0x200, s7;
	[sflag:s1] =	ssyncadd.s32 @!p1 $0xFFFFC000  }
0x72: {  	[tilespmem:s17], [sflag:$0x5] =	stream.indirect.gather [hbm4b:s3+s10], $0x80, s0, s10, $0xb8;
	[tilespmem:$0x15400] =	vst v63  }
0x73: {  	s9 =	sadd.s32 $0xFFFF8000, s29;
	_ =	swait.ge [sflag:s5], $0x4000  }
0x74: {  	p0 =	seq.s32 s30, $0x4600;
	s0 =	sshrl.u32 s9, $0x3;
	[sflag:s5] =	ssyncset.done $0x0  }
0x75: {  	s1 =	simm.s32 @!p0 $0x6;
	s0 =	sadd.s32 s4, s0;
	[sflag:s5] =	ssyncadd.s32 $0xFFFFC000  }
0x76: {  	[hbm4b:s0+s2] =	stream.linear.scatter [tilespmem:s11], [sflag:$0x6], $0x4000, $0x38;
	[tilespmem:$0x15400] =	vst v63  }
0x77: {  	_ =	swait.ge @!p0 [sflag:s1], $0x4000  }
0x78: {  	s7 =	simm.s32 @!p0 $0x80;
	s0 =	sshra.s32 @!p0 s30, $0x2;
	[sflag:s1] =	ssyncset.done @!p0 $0x0  }
0x79: {  	s6 =	sadd.s32 @!p0 $0x280, s0;
	[sflag:s1] =	ssyncadd.s32 @!p0 $0xFFFFC000;
	s1 =	simm.s32 @!p0 $0x1400  }
0x7a: {  	[tilespmem:s1], [sflag:$0x1] =	stream.indirect.gather @!p0 [hbm4b:s3+s7], $0x80, s6, s7, $0xb8;
	[tilespmem:$0x15400] =	vst v63  }
0x7b: {  	s13 =	sadd.s32 $0xFFFFC000, s29;
	_ =	swait.ge [sflag:s18], $0x4000  }
0x7c: {  	s1 =	sshrl.u32 s13, $0x3;
	[sflag:s18] =	ssyncset.done $0x0  }
0x7d: {  	s6 =	simm.s32 @!p0 $0x7;
	s1 =	sadd.s32 s4, s1;
	[sflag:s18] =	ssyncadd.s32 $0xFFFFC000  }
0x7e: {  	[hbm4b:s1+s2] =	stream.linear.scatter [tilespmem:s12], [sflag:$0x7], $0x4000, $0x38;
	[tilespmem:$0x15400] =	vst v63  }
0x7f: {  	_ =	swait.ge @!p0 [sflag:s6], $0x4000  }
0x80: {  	[sflag:s6] =	ssyncset.done @!p0 $0x0  }
0x81: {  	s1 =	sadd.s32 @!p0 $0x300, s0;
	[sflag:s6] =	ssyncadd.s32 @!p0 $0xFFFFC000;
	s6 =	simm.s32 @!p0 $0x5400  }
0x82: {  	[tilespmem:s6], [sflag:$0x2] =	stream.indirect.gather @!p0 [hbm4b:s3+s7], $0x80, s1, s7, $0xb8;
	[tilespmem:$0x15400] =	vst v63  }
0x83: {  	_ =	swait.ge [sflag:s19], $0x4000  }
0x84: {  	s15 =	sshrl.u32 s29, $0x3;
	[sflag:s19] =	ssyncset.done $0x0  }
0x85: {  	s1 =	sadd.s32 s4, s15;
	s6 =	simm.s32 @!p0 $0x8;
	[sflag:s19] =	ssyncadd.s32 $0xFFFFC000  }
0x86: {  	[hbm4b:s1+s2] =	stream.linear.scatter [tilespmem:s14], [sflag:$0x8], $0x4000, $0x38;
	[tilespmem:$0x15400] =	vst v63  }
0x87: {  	_ =	swait.ge @!p0 [sflag:s6], $0x4000  }
0x88: {  	[sflag:s6] =	ssyncset.done @!p0 $0x0  }
0x89: {  	s1 =	sadd.s32 @!p0 $0x380, s0;
	[sflag:s6] =	ssyncadd.s32 @!p0 $0xFFFFC000;
	s6 =	simm.s32 @!p0 $0x9400  }
0x8a: {  	[tilespmem:s6], [sflag:$0x3] =	stream.indirect.gather @!p0 [hbm4b:s3+s7], $0x80, s1, s7, $0xb8;
	[tilespmem:$0x15400] =	vst v63  }
0x8b: {  	s22 =	sadd.s32 $0x4000, s29;
	_ =	swait.ge [sflag:s20], $0x4000  }
0x8c: {  	s1 =	sshrl.u32 s22, $0x3;
	[sflag:s20] =	ssyncset.done $0x0  }
0x8d: {  	s1 =	sadd.s32 s4, s1;
	[sflag:s20] =	ssyncadd.s32 $0xFFFFC000  }
0x8e: {  	[hbm4b:s1+s2] =	stream.linear.scatter [tilespmem:s16], [sflag:$0x9], $0x4000, $0x38;
	[tilespmem:$0x15400] =	vst v63  }
0x8f: {  	s1 =	simm.s32 @!p0 $0x9  }
0x90: {  	_ =	swait.ge @!p0 [sflag:s1], $0x4000  }
0x91: {  	[sflag:s1] =	ssyncset.done @!p0 $0x0  }
0x92: {  	s0 =	sadd.s32 @!p0 $0x400, s0;
	[sflag:s1] =	ssyncadd.s32 @!p0 $0xFFFFC000;
	s1 =	simm.s32 @!p0 $0xD400  }
0x93: {  	[tilespmem:s1], [sflag:$0x4] =	stream.indirect.gather @!p0 [hbm4b:s3+s7], $0x80, s0, s7, $0xb8;
	[tilespmem:$0x15400] =	vst v63  }
0x94: {  	s29 =	sadd.s32 $0x8000, s29;
	_ =	swait.ge [sflag:s21], $0x4000  }
0x95: {  	s0 =	sshrl.u32 s29, $0x3;
	[sflag:s21] =	ssyncset.done $0x0  }
0x96: {  	s30 =	simm.s32 $0x6;
	s0 =	sadd.s32 s4, s0;
	[sflag:s21] =	ssyncadd.s32 $0xFFFFC000  }
0x97: {  	[hbm4b:s0+s2] =	stream.linear.scatter [tilespmem:s17], [sflag:$0xA], $0x4000, $0x38;
	[tilespmem:$0x15400] =	vst v63  }
0x98: {  	_ =	swait.ge [sflag:s30], $0x4000  }
0x99: {  	[sflag:s30] =	ssyncset.done $0x0  }
0x9a: {  	[sflag:s30] =	ssyncadd.s32 $0xFFFFC000  }
0x9b: {  	_ =	swait.ge [sflag:s23], $0x4000  }
0x9c: {  	[sflag:s23] =	ssyncset.done $0x0  }
0x9d: {  	[sflag:s23] =	ssyncadd.s32 $0xFFFFC000  }
0x9e: {  	_ =	swait.ge [sflag:s24], $0x4000  }
0x9f: {  	[sflag:s24] =	ssyncset.done $0x0  }
0xa0: {  	[sflag:s24] =	ssyncadd.s32 $0xFFFFC000  }
0xa1: {  	_ =	swait.ge [sflag:s25], $0x4000  }
0xa2: {  	[sflag:s25] =	ssyncset.done $0x0  }
0xa3: {  	[sflag:s25] =	ssyncadd.s32 $0xFFFFC000  }
0xa4: {  	_ =	swait.ge [sflag:s26], $0x4000  }
0xa5: {  	s28 =	sadd.s32 $0x1, s28;
	s31 =	rddreg [dreg:$0x3]  }
0xa6: {  	p0 =	sne.s32 s28, s31  }
.Ltmp1:
0xa7: {  	_ = 	snop;
	(pc) =	sbr.rel @p0 .LBB2_1-.Ltmp1, $3  }
0xa8: {  	_ =	sdelay $0x1  }
0xa9: {  	[sflag:s26] =	ssyncset.done $0x0  }
0xaa: {  	[sflag:s26] =	ssyncadd.s32 $0xFFFFC000  }
0xab: {  	_ =	sfence.sel $0x180000  }
0xac: {  	[bflag:$0x0] =	sbarrier.arrive $0xFFFF  }
0xad: {  	_ =	strace $0x90000047  }
0xae: {  	s0 =	stileid.u32;
	[bflag:$0x2] =	sbarrier.arrive $0xFFFF  }
0xaf: {  	p0 =	sne.s32 s0, $0x0;
	s0 =	rddreg [dreg:$0x1]  }
0xb0: {  	s0 =	sadd.s32 @!p0 $0x100000, s0  }
0xb1: {  	[sflag:s0] =	ssyncadd.tile.s32 @!p0 $0x1;
	_ =	shalt  }
.Lfunc_end2:
_tile_overlayer_lowered:
.L_overlay_start_2:
0xb2: {  	(tag) =	ssettag $0x2  }
0xb3: {  	s0 =	rddreg [dreg:$0x0];
	s2 =	stileid.u32  }
0xb4: {  	s1 =	rddreg [dreg:$0x1];
	p0 =	sne.s32 s2, $0x0  }
0xb5: {  	s3 =	rddreg [dreg:$0x2];
	[bflag:$0x3] =	sbarrier.arrive $0xFFFF;
	s2 =	simm.s32 @!p0 $0x1C0B  }
0xb6: {  	[timem:s3], [sflag:s2] =	dma.local @!p0 [hbm:s0], s1  }
0xb7: {  	s0 =	simm.s32 @!p0 $0xB  }
0xb8: {  	_ =	swait.ge @!p0 [sflag:s0], s1  }
0xb9: {  	s1 =	ssub.s32 @!p0 $0x0, s1;
	[sflag:s0] =	ssyncset.done @!p0 $0x0  }
0xba: {  	[sflag:s0] =	ssyncadd.s32 @!p0 s1  }
0xbb: {  	[bflag:$0x3] =	sbarrier.arrive $0xFFFF  }
0xbc: {  	_ =	shalt  }

// kernel: kernel.16.cloned.1.call-start
scs
__scs_entry_jumppad:
0x0: {  	(pc) =	sbr.rel $0x88, $3  }
0x1: {  	(tag) =	ssettag $0x0;
	lr =	simm.s32 $0x1  }
0x2: {  	[smem:$0x3F8E] =	sst lr;
	_ =	strace $0xD0000000  }
0x3: {  	_ = 	snop  }
0x4: {  	_ = 	snop  }
0x5: {  	_ = 	snop  }
0x6: {  	_ = 	snop  }
0x7: {  	_ = 	snop  }
__scs_overlays_trampoline_lowered:
0x8: {  	[smem:$0x3F9D] =	sst s0  }
0x9: {  	[smem:$0x3F9E] =	sst s1  }
0xa: {  	[smem:$0x3F9F] =	sst s2  }
0xb: {  	[smem:$0x3FA0] =	sst s3  }
0xc: {  	[smem:$0x3FA1] =	sst s4  }
0xd: {  	[smem:$0x3FA2] =	sst s5  }
0xe: {  	[smem:$0x3FA3] =	sst s6  }
0xf: {  	[smem:$0x3FA4] =	sst s7  }
0x10: {  	[smem:$0x3FA5] =	sst s8  }
0x11: {  	[smem:$0x3FA6] =	sst s9;
	s0 =	simm.s32 @!p0 $0x0  }
0x12: {  	s1 =	sld [smem:$0x3F8C];
	s0 =	simm.s32 @p0 $0x1  }
0x13: {  	[smem:$0x3FA7] =	sst s0;
	s0 =	simm.s32 @!p1 $0x0  }
0x14: {  	s2 =	sld [smem:$0x3F8B];
	s0 =	simm.s32 @p1 $0x1  }
0x15: {  	[smem:$0x3FA8] =	sst s0;
	s0 =	simm.s32 @!p2 $0x0  }
0x16: {  	s3 =	sld [smem:$0x3FDB];
	s0 =	simm.s32 @p2 $0x1  }
0x17: {  	s4 =	simm.s32 $0x1BF5;
	[smem:$0x3FAA] =	sst s0  }
0x18: {  	s0 =	sld [smem:$0x3F8D];
	_ =	swait.ge [sflag:s4], $0x0  }
0x19: {  	s7 =	sld [smem:$0x3F8E]  }
0x1a: {  	s8 =	sadd.s32 $0xFFFFE003, lr  }
0x1b: {  	s9 =	sadd.s32 $0xFFFFFEF7, lr;
	s5 =	simm.s32 $0xFFFFFFFF;
	p2 =	slt.u32 s8, $0xFFFFF086  }
0x1c: {  	p1 =	slt.u32 s9, $0xF7A;
	s5 =	simm.s32 @!p2 $0x0  }
0x1d: {  	s5 =	simm.s32 @p1 $0x1;
	p0 =	seq.s32 s7, s2  }
0x1e: {  	s7 =	smul.u32 @!p0 $0xF7A, s2;
	p2 =	seq.s32 @!p0 s5, $0x0  }
0x1f: {  	s9 =	smul.u32 $0xF7A, s1;
	s8 =	simm.s32 @!p0 $0x1BF5;
	p2 =	por !p2, p0  }
0x20: {  	[sflag:s8] =	ssyncset.s32 @!p0 $0xFFFFF086;
	s6 =	sadd.s32 @!p0 s3, s7;
	s7 =	simm.s32 @!p0 $0x108  }
0x21: {  	s3 =	sadd.s32 s3, s9;
	s6 =	sadd.s32 @!p0 $0x88, s6;
	s7 =	simm.s32 @p2 $0x1082  }
0x22: {  	[simem:s7], [sflag:s8] =	dma.local @!p0 [hbm:s6], $0xF7A  }
0x23: {  	s9 =	sor.u32 $0xD0000000, s2;
	s6 =	simm.s32 $0x108;
	_ =	swait.ge @!p0 [sflag:s8], $0x0  }
0x24: {  	s3 =	sadd.s32 $0x88, s3;
	s6 =	simm.s32 @!p1 $0x1082;
	[sflag:s4] =	ssyncset.s32 $0xFFFFF086  }
0x25: {  	[simem:s6], [sflag:s4] =	dma.local [hbm:s3], $0xF7A  }
0x26: {  	[smem:$0x3F8E] =	sst s1;
	(tag) =	ssettag s2;
	_ =	strace s9  }
0x27: {  	s1 =	sld [smem:$0x3F9E]  }
0x28: {  	s2 =	sld [smem:$0x3F9F]  }
0x29: {  	s4 =	sld [smem:$0x3FA1]  }
0x2a: {  	p0 =	seq.s32 s5, $0x0;
	s5 =	sld [smem:$0x3FA2]  }
0x2b: {  	s6 =	sld [smem:$0x3FA3]  }
0x2c: {  	s7 =	sld [smem:$0x3FA4]  }
0x2d: {  	s3 =	simm.s32 $0x108;
	s8 =	sld [smem:$0x3FA5]  }
0x2e: {  	s3 =	simm.s32 @!p0 $0x1082;
	s9 =	sld [smem:$0x3FA6]  }
0x2f: {  	lr =	sadd.s32 s0, s3;
	s0 =	sld [smem:$0x3F9D]  }
0x30: {  	s3 =	sld [smem:$0x3FA0]  }
0x31: {  	[smem:$0x3FA9] =	sst s10  }
0x32: {  	s10 =	sld [smem:$0x3FA7];
	_ =	sdelay $0x3  }
0x33: {  	p0 =	seq.s32 s10, $0x1;
	s10 =	sld [smem:$0x3FA9];
	_ =	sdelay $0x3  }
0x34: {  	[smem:$0x3FA9] =	sst s10  }
0x35: {  	s10 =	sld [smem:$0x3FA8];
	_ =	sdelay $0x3  }
0x36: {  	p1 =	seq.s32 s10, $0x1;
	s10 =	sld [smem:$0x3FA9];
	_ =	sdelay $0x3  }
0x37: {  	[smem:$0x3FA9] =	sst s10  }
0x38: {  	s10 =	sld [smem:$0x3FAA]  }
0x39: {  	_ = 	snop;
	(pc) =	sbr.ind lr, $3  }
0x3a: {  	_ = 	snop  }
0x3b: {  	_ = 	snop  }
0x3c: {  	p2 =	seq.s32 s10, $0x1;
	s10 =	sld [smem:$0x3FA9]  }
0x3d: {  	_ =	shalt  }
0x3e: {  	_ =	shalt  }
0x3f: {  	_ =	shalt  }
0x40: {  	_ =	shalt  }
0x41: {  	_ =	shalt  }
0x42: {  	_ =	shalt  }
0x43: {  	_ =	shalt  }
0x44: {  	_ =	shalt  }
0x45: {  	_ =	shalt  }
0x46: {  	_ =	shalt  }
0x47: {  	_ =	shalt  }
0x48: {  	_ =	shalt  }
0x49: {  	_ =	shalt  }
0x4a: {  	_ =	shalt  }
0x4b: {  	_ =	shalt  }
0x4c: {  	_ =	shalt  }
0x4d: {  	_ =	shalt  }
0x4e: {  	_ =	shalt  }
0x4f: {  	_ =	shalt  }
0x50: {  	_ =	shalt  }
0x51: {  	_ =	shalt  }
0x52: {  	_ =	shalt  }
0x53: {  	_ =	shalt  }
0x54: {  	_ =	shalt  }
0x55: {  	_ =	shalt  }
0x56: {  	_ =	shalt  }
0x57: {  	_ =	shalt  }
0x58: {  	_ =	shalt  }
0x59: {  	_ =	shalt  }
0x5a: {  	_ =	shalt  }
0x5b: {  	_ =	shalt  }
0x5c: {  	_ =	shalt  }
0x5d: {  	_ =	shalt  }
0x5e: {  	_ =	shalt  }
0x5f: {  	_ =	shalt  }
0x60: {  	_ =	shalt  }
0x61: {  	_ =	shalt  }
0x62: {  	_ =	shalt  }
0x63: {  	_ =	shalt  }
0x64: {  	_ =	shalt  }
0x65: {  	_ =	shalt  }
0x66: {  	_ =	shalt  }
0x67: {  	_ =	shalt  }
0x68: {  	_ =	shalt  }
0x69: {  	_ =	shalt  }
0x6a: {  	_ =	shalt  }
0x6b: {  	_ =	shalt  }
0x6c: {  	_ =	shalt  }
0x6d: {  	_ =	shalt  }
0x6e: {  	_ =	shalt  }
0x6f: {  	_ =	shalt  }
0x70: {  	_ =	shalt  }
0x71: {  	_ =	shalt  }
0x72: {  	_ =	shalt  }
0x73: {  	_ =	shalt  }
0x74: {  	_ =	shalt  }
0x75: {  	_ =	shalt  }
0x76: {  	_ =	shalt  }
0x77: {  	_ =	shalt  }
0x78: {  	_ =	shalt  }
0x79: {  	_ =	shalt  }
0x7a: {  	_ =	shalt  }
0x7b: {  	_ =	shalt  }
0x7c: {  	_ =	shalt  }
0x7d: {  	_ =	shalt  }
0x7e: {  	_ =	shalt  }
0x7f: {  	_ =	shalt  }
0x80: {  	_ =	shalt  }
0x81: {  	_ =	shalt  }
0x82: {  	_ =	shalt  }
0x83: {  	_ =	shalt  }
0x84: {  	_ =	shalt  }
0x85: {  	_ =	shalt  }
0x86: {  	_ =	shalt  }
0x87: {  	_ =	shalt  }
.Lfunc_end0:
.L_simem_size_0:
called_computation.1_lowered:
.L_overlay_start_0:
0x88: {  	s2 =	sld [smem:$0x3FD9]  }
0x89: {  	s3 =	sld [smem:$0x3FFE];
	_ =	sdelay $0x1  }
0x8a: {  	s1 =	srdreg.scid  }
0x8b: {  	s0 =	sand.u32 $0x1, s1  }
0x8c: {  	s16 =	sshll.u32 s0, $0xA;
	s2 =	sadd.s32 s3, s2  }
0x8d: {  	s2 =	sadd.s32 s2, s16  }
0x8e: {  	[smem:$0x3FB5] =	sst s2  }
0x8f: {  	_ = 	snop  }
0x90: {  	(tm) =	ssettm $0x1  }
0x91: {  	s17 =	sld [smem:$0x3FFB];
	_ =	sdelay $0x3  }
0x92: {  	_ =	strace s17  }
0x93: {  	s2 =	sld [smem:$0x3FFC];
	_ =	sdelay $0x3  }
0x94: {  	_ =	strace s2  }
0x95: {  	s2 =	sld [smem:$0x3FFD];
	_ =	sdelay $0x3  }
0x96: {  	_ =	strace s2  }
0x97: {  	_ =	strace $0x8FFFFFFF  }
0x98: {  	s18 =	sld [smem:$0x3FDB];
	_ =	sdelay $0x1  }
0x99: {  	s19 =	simm.s32 $_scs_section_size  }
0x9a: {  	s4 =	simm.s32 $_size__tile_overlayer_lowered;
	s5 =	simm.s32 $_tile_overlayer_lowered  }
0x9b: {  	s22 =	simm.s32 $0x1BFF;
	s21 =	sshll.u32 s5, $0x1;
	s2 =	sadd.s32 s19, s18  }
0x9c: {  	s6 =	simm.s32 $0x0;
	s20 =	sshll.u32 s4, $0x1;
	s4 =	sadd.s32 s21, s2  }
0x9d: {  	[timem:s6], [sflag:s22] =	dma.local [hbm:s4], s20  }
0x9e: {  	_ =	swait.ge [sflag:s22], s20  }
0x9f: {  	s3 =	ssub.s32 $0x0, s20;
	[sflag:s22] =	ssyncset.done $0x0  }
0xa0: {  	[sflag:s22] =	ssyncadd.s32 s3;
	_ =	sdelay $0x1  }
0xa1: {  	s23 =	simm.s32 $0x1B8B  }
0xa2: {  	_ =	swait.ge [sflag:s23], $0x1  }
0xa3: {  	[sflag:s23] =	ssyncset.done $0x0  }
0xa4: {  	s25 =	simm.s32 $0x1B8E;
	s24 =	sld [smem:$0x3FFE];
	[sflag:s23] =	ssyncadd.s32 $0xFFFFFFFF  }
0xa5: {  	s26 =	simm.s32 $execute0_lowered;
	[smem:$0x3FD2] =	sst s25  }
0xa6: {  	s4 =	sshll.u32 s26, $0x1;
	_ =	strace $0x80000049;
	[dreg:$0x1] =	wrdreg $0xFFFFFFFF  }
0xa7: {  	s28 =	simm.s32 $_size_execute0_lowered;
	s2 =	sadd.s32 s2, s4;
	[dreg:$0x0] =	wrdreg $0x0  }
0xa8: {  	s4 =	sshll.u32 s28, $0x1;
	[dreg:$0x2] =	wrdreg s2  }
0xa9: {  	[dreg:$0x3] =	wrdreg s4  }
0xaa: {  	[dreg:$0x4] =	wrdreg $0xC0  }
0xab: {  	_ =	task [dreg:s6], $0x5FFFF  }
0xac: {  	[dreg:$0x1] =	wrdreg $0xFFFFFFFF  }
0xad: {  	[dreg:$0x0] =	wrdreg $0x60  }
0xae: {  	[dreg:$0x2] =	wrdreg s24  }
0xaf: {  	[dreg:$0x3] =	wrdreg $0x9  }
0xb0: {  	_ =	task.clear_ibuf [dreg:s6], $0x4FFFF;
	_ =	strace $0x90000049  }
0xb1: {  	s29 =	simm.s32 $0x9;
	_ =	strace $0x8000004B  }
0xb2: {  	_ =	swait.ge [sflag:s29], $0x1  }
0xb3: {  	[sflag:s29] =	ssyncadd.s32 $0xFFFFFFFF  }
0xb4: {  	_ =	strace $0x9000004B  }
0xb5: {  	_ =	sfence  }
0xb6: {  	s30 =	sld [smem:$0x0];
	_ =	sdelay $0x2  }
0xb7: {  	s31 =	sshll.u32 s1, $0xD;
	s1 =	sshrl.u32 s1, $0x2  }
0xb8: {  	s3 =	sand.u32 $0x4000, s31;
	s1 =	sadd.s32 s1, s30  }
0xb9: {  	s0 =	sor.u32 s3, s0;
	s1 =	sshll.u32 s1, $0x11  }
0xba: {  	s0 =	sor.u32 s1, s0  }
0xbb: {  	s0 =	sadd.s32 $0x8F2B, s0  }
0xbc: {  	[sflag:s0] =	ssyncadd.remote.s32 $0x1  }
0xbd: {  	_ =	sfence.sel $0xFFFF  }
0xbe: {  	[dreg:$0x0] =	wrdreg $0xFFFFFFFF;
	(pc) =	sbr.abs _section_cstart, $3  }
0xbf: {  	[dreg:$0x1] =	wrdreg $0xFFFFFFFF  }
0xc0: {  	_ =	task.clear_ibuf [dreg:s6], $0x2FFFF;
	_ =	strace $0x9FFFFFFF  }
0xc1: {  	(tm) =	ssettm $0x7FFFFFFF  }
tec
execute0_lowered:
.L_overlay_start_1:
0x0: {  	(tag) =	ssettag $0x1  }
0x1: {  	s0 =	srdreg.scid  }
0x2: {  	s6 =	stileid.u32;
	s4 =	rddreg [dreg:$0x0]  }
0x3: {  	s2 =	simm.s32 $0x0;
	s5 =	simm.s32 $0x1;
	s7 =	simm.s32 $0xA0000  }
0x4: {  	s10 =	simm.s32 $0x80;
	s11 =	simm.s32 $0x1400;
	s12 =	simm.s32 $0x5400  }
0x5: {  	s14 =	simm.s32 $0x9400;
	s16 =	simm.s32 $0xD400;
	s17 =	simm.s32 $0x11400  }
0x6: {  	s18 =	simm.s32 $0x2;
	s19 =	simm.s32 $0x3;
	s20 =	simm.s32 $0x4  }
0x7: {  	s21 =	simm.s32 $0x5;
	s0 =	sand.u32 $0x1, s0;
	s1 =	sshll.u32 s6, $0x1  }
0x8: {  	s23 =	simm.s32 $0x7;
	s24 =	simm.s32 $0x8;
	s1 =	sor.u32 s0, s1  }
0x9: {  	s25 =	simm.s32 $0x9;
	p0 =	seq.s32 s0, $0x1;
	p1 =	seq.s32 s1, $0x0  }
0xa: {  	s26 =	simm.s32 $0xA;
	s28 =	simm.s32 $0x0;
	p1 =	por !p1, !p0  }
0xb: {  	[smem:$0x7FF] =	sst s2;
	s3 =	sadd.s32 $0x34000, s4;
	p1 =	por !p1, !p1  }
0xc: {  	_ =	strace $0x8000004A;
	s0 =	ssub.s32 $0x2, s0;
	s5 =	simm.s32 @!p1 $0x0  }
0xd: {  	s1 =	smul.u32 $0x280, s1;
	s30 =	sshrl.u32 s0, $0x1;
	s5 =	ssub.s32 s6, s5  }
0xe: {  	s7 =	simm.s32 @!p0 $0x0;
	s0 =	ssub.s32 s0, s30;
	s8 =	smul.u32 $0x140000, s5  }
0xf: {  	s1 =	sadd.s32 s1, s4;
	s4 =	sadd.s32 $0x5C000, s4;
	s0 =	smax.u32 s0, $0x1  }
0x10: {  	s1 =	sadd.s32 $0x2EA00, s1;
	[dreg:$0x3] =	wrdreg s0;
	s31 =	sadd.s32 s7, s8  }
0x11: {  	[dreg:$0x2] =	wrdreg s1;
	s5 =	simm.s32 $0x1;
	s8 =	sor.u32 $0x8000, s31  }
.LBB2_1:
0x12: {  	s0 =	rddreg [dreg:$0x2];
	s22 =	simm.s32 $0xB  }
0x13: {  	[tilespmem:s2], [sflag:$0xB] =	stream.linear.gather [hbm4b:s0+s2], $0x1400, $0x38;
	[tilespmem:$0x15400] =	vst v63  }
0x14: {  	_ =	swait.ge [sflag:s22], $0x1400  }
0x15: {  	[sflag:s22] =	ssyncset.done $0x0  }
0x16: {  	[sflag:s22] =	ssyncadd.s32 $0xFFFFEC00  }
0x17: {  	[tilespmem:s11], [sflag:$0x1] =	stream.indirect.gather [hbm4b:s3+s10], $0x80, s2, s10, $0xb8;
	[tilespmem:$0x15400] =	vst v63  }
0x18: {  	_ = 	snop  }
0x19: {  	[tilespmem:s12], [sflag:$0x2] =	stream.indirect.gather [hbm4b:s3+s10], $0x80, s10, s10, $0xb8;
	[tilespmem:$0x15400] =	vst v63  }
0x1a: {  	s1 =	simm.s32 $0x100;
	p0 =	por $0x1, $0x1  }
0x1b: {  	[tilespmem:s14], [sflag:$0x3] =	stream.indirect.gather [hbm4b:s3+s10], $0x80, s1, s10, $0xb8;
	[tilespmem:$0x15400] =	vst v63  }
0x1c: {  	s6 =	simm.s32 $0x180;
	s0 =	simm.s32 @!p0 $0xA  }
0x1d: {  	[tilespmem:s16], [sflag:$0x4] =	stream.indirect.gather [hbm4b:s3+s10], $0x80, s6, s10, $0xb8;
	[tilespmem:$0x15400] =	vst v63  }
0x1e: {  	_ =	swait.ge @!p0 [sflag:s0], $0x4000  }
0x1f: {  	[sflag:s0] =	ssyncset.done @!p0 $0x0  }
0x20: {  	s1 =	simm.s32 $0x200;
	[sflag:s0] =	ssyncadd.s32 @!p0 $0xFFFFC000  }
0x21: {  	[tilespmem:s17], [sflag:$0x5] =	stream.indirect.gather [hbm4b:s3+s10], $0x80, s1, s10, $0xb8;
	[tilespmem:$0x15400] =	vst v63  }
0x22: {  	s7 =	sadd.s32 $0xFFFF8000, s8;
	_ =	swait.ge [sflag:s5], $0x4000  }
0x23: {  	s0 =	sshrl.u32 s7, $0x3;
	p0 =	por $0x0, $0x0;
	[sflag:s5] =	ssyncset.done $0x0  }
0x24: {  	s0 =	sadd.s32 s4, s0;
	s1 =	simm.s32 @!p0 $0x6;
	[sflag:s5] =	ssyncadd.s32 $0xFFFFC000  }
0x25: {  	[hbm4b:s0+s2] =	stream.linear.scatter [tilespmem:s11], [sflag:$0x6], $0x4000, $0x38;
	[tilespmem:$0x15400] =	vst v63  }
0x26: {  	_ =	swait.ge @!p0 [sflag:s1], $0x4000  }
0x27: {  	s29 =	simm.s32 @!p0 $0x80;
	[sflag:s1] =	ssyncset.done @!p0 $0x0  }
0x28: {  	s30 =	simm.s32 @!p0 $0x1400;
	s0 =	simm.s32 @!p0 $0x280;
	[sflag:s1] =	ssyncadd.s32 @!p0 $0xFFFFC000  }
0x29: {  	[tilespmem:s30], [sflag:$0x1] =	stream.indirect.gather @!p0 [hbm4b:s3+s29], $0x80, s0, s29, $0xb8;
	[tilespmem:$0x15400] =	vst v63  }
0x2a: {  	s9 =	sadd.s32 $0xFFFFC000, s8;
	_ =	swait.ge [sflag:s18], $0x4000  }
0x2b: {  	s0 =	sshrl.u32 s9, $0x3;
	[sflag:s18] =	ssyncset.done $0x0  }
0x2c: {  	s1 =	simm.s32 @!p0 $0x7;
	s0 =	sadd.s32 s4, s0;
	[sflag:s18] =	ssyncadd.s32 $0xFFFFC000  }
0x2d: {  	[hbm4b:s0+s2] =	stream.linear.scatter [tilespmem:s12], [sflag:$0x7], $0x4000, $0x38;
	[tilespmem:$0x15400] =	vst v63  }
0x2e: {  	_ =	swait.ge @!p0 [sflag:s1], $0x4000  }
0x2f: {  	[sflag:s1] =	ssyncset.done @!p0 $0x0  }
0x30: {  	s30 =	simm.s32 @!p0 $0x5400;
	s0 =	simm.s32 @!p0 $0x300;
	[sflag:s1] =	ssyncadd.s32 @!p0 $0xFFFFC000  }
0x31: {  	[tilespmem:s30], [sflag:$0x2] =	stream.indirect.gather @!p0 [hbm4b:s3+s29], $0x80, s0, s29, $0xb8;
	[tilespmem:$0x15400] =	vst v63  }
0x32: {  	_ =	swait.ge [sflag:s19], $0x4000  }
0x33: {  	s13 =	sshrl.u32 s8, $0x3;
	[sflag:s19] =	ssyncset.done $0x0  }
0x34: {  	s1 =	simm.s32 @!p0 $0x8;
	s0 =	sadd.s32 s4, s13;
	[sflag:s19] =	ssyncadd.s32 $0xFFFFC000  }
0x35: {  	[hbm4b:s0+s2] =	stream.linear.scatter [tilespmem:s14], [sflag:$0x8], $0x4000, $0x38;
	[tilespmem:$0x15400] =	vst v63  }
0x36: {  	_ =	swait.ge @!p0 [sflag:s1], $0x4000  }
0x37: {  	[sflag:s1] =	ssyncset.done @!p0 $0x0  }
0x38: {  	s30 =	simm.s32 @!p0 $0x9400;
	s0 =	simm.s32 @!p0 $0x380;
	[sflag:s1] =	ssyncadd.s32 @!p0 $0xFFFFC000  }
0x39: {  	[tilespmem:s30], [sflag:$0x3] =	stream.indirect.gather @!p0 [hbm4b:s3+s29], $0x80, s0, s29, $0xb8;
	[tilespmem:$0x15400] =	vst v63  }
0x3a: {  	s15 =	sadd.s32 $0x4000, s8;
	_ =	swait.ge [sflag:s20], $0x4000  }
0x3b: {  	s0 =	sshrl.u32 s15, $0x3;
	[sflag:s20] =	ssyncset.done $0x0  }
0x3c: {  	s1 =	simm.s32 @!p0 $0x9;
	s0 =	sadd.s32 s4, s0;
	[sflag:s20] =	ssyncadd.s32 $0xFFFFC000  }
0x3d: {  	[hbm4b:s0+s2] =	stream.linear.scatter [tilespmem:s16], [sflag:$0x9], $0x4000, $0x38;
	[tilespmem:$0x15400] =	vst v63  }
0x3e: {  	s31 =	simm.s32 $0x1400;
	p1 =	por $0x0, $0x0;
	_ =	swait.ge @!p0 [sflag:s1], $0x4000  }
0x3f: {  	s22 =	sadd.s32 $0x8000, s8;
	s30 =	simm.s32 $0xA00;
	[sflag:s1] =	ssyncset.done @!p0 $0x0  }
0x40: {  	s0 =	simm.s32 @!p0 $0x400;
	[sflag:s1] =	ssyncadd.s32 @!p0 $0xFFFFC000;
	s1 =	simm.s32 @!p0 $0xD400  }
0x41: {  	[tilespmem:s1], [sflag:$0x4] =	stream.indirect.gather @!p0 [hbm4b:s3+s29], $0x80, s0, s29, $0xb8;
	[tilespmem:$0x15400] =	vst v63  }
0x42: {  	s29 =	sadd.s32 $0x14000, s8;
	s0 =	sshrl.u32 s22, $0x3;
	_ =	swait.ge [sflag:s21], $0x4000  }
.LBB2_2:
0x43: {  	s1 =	simm.s32 @!p1 $0xA  }
0x44: {  	[sflag:s21] =	ssyncset.done $0x0;
	s13 =	smov.u32 s31;
	s31 =	sadd.s32 $0xA00, s31  }
0x45: {  	s0 =	sadd.s32 s4, s0;
	p0 =	sne.s32 s31, $0x5000;
	[sflag:s21] =	ssyncadd.s32 $0xFFFFC000  }
0x46: {  	[hbm4b:s0+s2] =	stream.linear.scatter [tilespmem:s17], [sflag:$0xA], $0x4000, $0x38;
	[tilespmem:$0x15400] =	vst v63  }
0x47: {  	s0 =	sshra.s32 s30, $0x2;
	_ =	swait.ge @!p1 [sflag:s1], $0x4000  }
0x48: {  	s0 =	sadd.s32 $0x200, s0;
	[sflag:s1] =	ssyncset.done @!p1 $0x0  }
0x49: {  	[sflag:s1] =	ssyncadd.s32 @!p1 $0xFFFFC000;
	s1 =	sadd.s32 $0xFFFF8000, s29  }
0x4a: {  	[tilespmem:s17], [sflag:$0x5] =	stream.indirect.gather [hbm4b:s3+s10], $0x80, s0, s10, $0xb8;
	[tilespmem:$0x15400] =	vst v63  }
0x4b: {  	s15 =	sadd.s32 $0xFFFFC000, s29;
	s0 =	sshrl.u32 s1, $0x3;
	_ =	swait.ge [sflag:s5], $0x4000  }
0x4c: {  	p1 =	seq.s32 s30, $0x4600;
	s0 =	sadd.s32 s4, s0;
	[sflag:s5] =	ssyncset.done $0x0  }
0x4d: {  	s6 =	simm.s32 @!p1 $0x6;
	s30 =	sshra.s32 @!p1 s30, $0x2;
	[sflag:s5] =	ssyncadd.s32 $0xFFFFC000  }
0x4e: {  	[hbm4b:s0+s2] =	stream.linear.scatter [tilespmem:s11], [sflag:$0x6], $0x4000, $0x38;
	[tilespmem:$0x15400] =	vst v63  }
0x4f: {  	s7 =	sadd.s32 @!p1 $0x280, s30;
	s9 =	sadd.s32 @!p1 $0x300, s30;
	_ =	swait.ge @!p1 [sflag:s6], $0x4000  }
0x50: {  	s1 =	simm.s32 @!p1 $0x80;
	s22 =	simm.s32 @!p1 $0x1400;
	[sflag:s6] =	ssyncset.done @!p1 $0x0  }
0x51: {  	s0 =	sadd.s32 @!p1 $0x400, s30;
	[sflag:s6] =	ssyncadd.s32 @!p1 $0xFFFFC000;
	s6 =	sadd.s32 @!p1 $0x380, s30  }
0x52: {  	[tilespmem:s22], [sflag:$0x1] =	stream.indirect.gather @!p1 [hbm4b:s3+s1], $0x80, s7, s1, $0xb8;
	[tilespmem:$0x15400] =	vst v63  }
0x53: {  	s30 =	smov.u32 s13;
	s7 =	sshrl.u32 s15, $0x3;
	_ =	swait.ge [sflag:s18], $0x4000  }
0x54: {  	s7 =	sadd.s32 s4, s7;
	[sflag:s18] =	ssyncset.done $0x0  }
0x55: {  	s13 =	simm.s32 @!p1 $0x7;
	[sflag:s18] =	ssyncadd.s32 $0xFFFFC000  }
0x56: {  	[hbm4b:s7+s2] =	stream.linear.scatter [tilespmem:s12], [sflag:$0x7], $0x4000, $0x38;
	[tilespmem:$0x15400] =	vst v63  }
0x57: {  	_ =	swait.ge @!p1 [sflag:s13], $0x4000  }
0x58: {  	s7 =	simm.s32 @!p1 $0x5400;
	[sflag:s13] =	ssyncset.done @!p1 $0x0  }
0x59: {  	[sflag:s13] =	ssyncadd.s32 @!p1 $0xFFFFC000  }
0x5a: {  	[tilespmem:s7], [sflag:$0x2] =	stream.indirect.gather @!p1 [hbm4b:s3+s1], $0x80, s9, s1, $0xb8;
	[tilespmem:$0x15400] =	vst v63  }
0x5b: {  	s7 =	sshrl.u32 s29, $0x3;
	_ =	swait.ge [sflag:s19], $0x4000  }
0x5c: {  	s7 =	sadd.s32 s4, s7;
	[sflag:s19] =	ssyncset.done $0x0  }
0x5d: {  	s9 =	simm.s32 @!p1 $0x8;
	[sflag:s19] =	ssyncadd.s32 $0xFFFFC000  }
0x5e: {  	[hbm4b:s7+s2] =	stream.linear.scatter [tilespmem:s14], [sflag:$0x8], $0x4000, $0x38;
	[tilespmem:$0x15400] =	vst v63  }
0x5f: {  	_ =	swait.ge @!p1 [sflag:s9], $0x4000  }
0x60: {  	s7 =	simm.s32 @!p1 $0x9400;
	[sflag:s9] =	ssyncset.done @!p1 $0x0  }
0x61: {  	[sflag:s9] =	ssyncadd.s32 @!p1 $0xFFFFC000;
	s9 =	sadd.s32 $0x4000, s29  }
0x62: {  	[tilespmem:s7], [sflag:$0x3] =	stream.indirect.gather @!p1 [hbm4b:s3+s1], $0x80, s6, s1, $0xb8;
	[tilespmem:$0x15400] =	vst v63  }
0x63: {  	s6 =	sshrl.u32 s9, $0x3;
	_ =	swait.ge [sflag:s20], $0x4000  }
0x64: {  	s6 =	sadd.s32 s4, s6;
	[sflag:s20] =	ssyncset.done $0x0  }
0x65: {  	s7 =	simm.s32 @!p1 $0x9;
	[sflag:s20] =	ssyncadd.s32 $0xFFFFC000  }
0x66: {  	[hbm4b:s6+s2] =	stream.linear.scatter [tilespmem:s16], [sflag:$0x9], $0x4000, $0x38;
	[tilespmem:$0x15400] =	vst v63  }
.Ltmp0:
0x67: {  	_ =	swait.ge @!p1 [sflag:s7], $0x4000;
	(pc) =	sbr.rel @p0 .LBB2_2-.Ltmp0, $4  }
0x68: {  	s6 =	simm.s32 @!p1 $0xD400;
	[sflag:s7] =	ssyncset.done @!p1 $0x0  }
0x69: {  	[sflag:s7] =	ssyncadd.s32 @!p1 $0xFFFFC000;
	s7 =	sadd.s32 $0x8000, s29;
	s29 =	sadd.s32 $0x14000, s29  }
0x6a: {  	[tilespmem:s6], [sflag:$0x4] =	stream.indirect.gather @!p1 [hbm4b:s3+s1], $0x80, s0, s1, $0xb8;
	[tilespmem:$0x15400] =	vst v63  }
0x6b: {  	p1 =	seq.s32 s30, $0x0;
	s0 =	sshrl.u32 s7, $0x3;
	_ =	swait.ge [sflag:s21], $0x4000  }
0x6c: {  	[sflag:s21] =	ssyncset.done $0x0  }
0x6d: {  	s1 =	simm.s32 @!p1 $0xA;
	s0 =	sadd.s32 s4, s0;
	[sflag:s21] =	ssyncadd.s32 $0xFFFFC000  }
0x6e: {  	[hbm4b:s0+s2] =	stream.linear.scatter [tilespmem:s17], [sflag:$0xA], $0x4000, $0x38;
	[tilespmem:$0x15400] =	vst v63  }
0x6f: {  	_ =	swait.ge @!p1 [sflag:s1], $0x4000  }
0x70: {  	s7 =	sshra.s32 s30, $0x2;
	[sflag:s1] =	ssyncset.done @!p1 $0x0  }
0x71: {  	s0 =	sadd.s32 $0x200, s7;
	[sflag:s1] =	ssyncadd.s32 @!p1 $0xFFFFC000  }
0x72: {  	[tilespmem:s17], [sflag:$0x5] =	stream.indirect.gather [hbm4b:s3+s10], $0x80, s0, s10, $0xb8;
	[tilespmem:$0x15400] =	vst v63  }
0x73: {  	s9 =	sadd.s32 $0xFFFF8000, s29;
	_ =	swait.ge [sflag:s5], $0x4000  }
0x74: {  	p0 =	seq.s32 s30, $0x4600;
	s0 =	sshrl.u32 s9, $0x3;
	[sflag:s5] =	ssyncset.done $0x0  }
0x75: {  	s1 =	simm.s32 @!p0 $0x6;
	s0 =	sadd.s32 s4, s0;
	[sflag:s5] =	ssyncadd.s32 $0xFFFFC000  }
0x76: {  	[hbm4b:s0+s2] =	stream.linear.scatter [tilespmem:s11], [sflag:$0x6], $0x4000, $0x38;
	[tilespmem:$0x15400] =	vst v63  }
0x77: {  	_ =	swait.ge @!p0 [sflag:s1], $0x4000  }
0x78: {  	s7 =	simm.s32 @!p0 $0x80;
	s0 =	sshra.s32 @!p0 s30, $0x2;
	[sflag:s1] =	ssyncset.done @!p0 $0x0  }
0x79: {  	s6 =	sadd.s32 @!p0 $0x280, s0;
	[sflag:s1] =	ssyncadd.s32 @!p0 $0xFFFFC000;
	s1 =	simm.s32 @!p0 $0x1400  }
0x7a: {  	[tilespmem:s1], [sflag:$0x1] =	stream.indirect.gather @!p0 [hbm4b:s3+s7], $0x80, s6, s7, $0xb8;
	[tilespmem:$0x15400] =	vst v63  }
0x7b: {  	s13 =	sadd.s32 $0xFFFFC000, s29;
	_ =	swait.ge [sflag:s18], $0x4000  }
0x7c: {  	s1 =	sshrl.u32 s13, $0x3;
	[sflag:s18] =	ssyncset.done $0x0  }
0x7d: {  	s6 =	simm.s32 @!p0 $0x7;
	s1 =	sadd.s32 s4, s1;
	[sflag:s18] =	ssyncadd.s32 $0xFFFFC000  }
0x7e: {  	[hbm4b:s1+s2] =	stream.linear.scatter [tilespmem:s12], [sflag:$0x7], $0x4000, $0x38;
	[tilespmem:$0x15400] =	vst v63  }
0x7f: {  	_ =	swait.ge @!p0 [sflag:s6], $0x4000  }
0x80: {  	[sflag:s6] =	ssyncset.done @!p0 $0x0  }
0x81: {  	s1 =	sadd.s32 @!p0 $0x300, s0;
	[sflag:s6] =	ssyncadd.s32 @!p0 $0xFFFFC000;
	s6 =	simm.s32 @!p0 $0x5400  }
0x82: {  	[tilespmem:s6], [sflag:$0x2] =	stream.indirect.gather @!p0 [hbm4b:s3+s7], $0x80, s1, s7, $0xb8;
	[tilespmem:$0x15400] =	vst v63  }
0x83: {  	_ =	swait.ge [sflag:s19], $0x4000  }
0x84: {  	s15 =	sshrl.u32 s29, $0x3;
	[sflag:s19] =	ssyncset.done $0x0  }
0x85: {  	s1 =	sadd.s32 s4, s15;
	s6 =	simm.s32 @!p0 $0x8;
	[sflag:s19] =	ssyncadd.s32 $0xFFFFC000  }
0x86: {  	[hbm4b:s1+s2] =	stream.linear.scatter [tilespmem:s14], [sflag:$0x8], $0x4000, $0x38;
	[tilespmem:$0x15400] =	vst v63  }
0x87: {  	_ =	swait.ge @!p0 [sflag:s6], $0x4000  }
0x88: {  	[sflag:s6] =	ssyncset.done @!p0 $0x0  }
0x89: {  	s1 =	sadd.s32 @!p0 $0x380, s0;
	[sflag:s6] =	ssyncadd.s32 @!p0 $0xFFFFC000;
	s6 =	simm.s32 @!p0 $0x9400  }
0x8a: {  	[tilespmem:s6], [sflag:$0x3] =	stream.indirect.gather @!p0 [hbm4b:s3+s7], $0x80, s1, s7, $0xb8;
	[tilespmem:$0x15400] =	vst v63  }
0x8b: {  	s22 =	sadd.s32 $0x4000, s29;
	_ =	swait.ge [sflag:s20], $0x4000  }
0x8c: {  	s1 =	sshrl.u32 s22, $0x3;
	[sflag:s20] =	ssyncset.done $0x0  }
0x8d: {  	s1 =	sadd.s32 s4, s1;
	[sflag:s20] =	ssyncadd.s32 $0xFFFFC000  }
0x8e: {  	[hbm4b:s1+s2] =	stream.linear.scatter [tilespmem:s16], [sflag:$0x9], $0x4000, $0x38;
	[tilespmem:$0x15400] =	vst v63  }
0x8f: {  	s1 =	simm.s32 @!p0 $0x9  }
0x90: {  	_ =	swait.ge @!p0 [sflag:s1], $0x4000  }
0x91: {  	[sflag:s1] =	ssyncset.done @!p0 $0x0  }
0x92: {  	s0 =	sadd.s32 @!p0 $0x400, s0;
	[sflag:s1] =	ssyncadd.s32 @!p0 $0xFFFFC000;
	s1 =	simm.s32 @!p0 $0xD400  }
0x93: {  	[tilespmem:s1], [sflag:$0x4] =	stream.indirect.gather @!p0 [hbm4b:s3+s7], $0x80, s0, s7, $0xb8;
	[tilespmem:$0x15400] =	vst v63  }
0x94: {  	s29 =	sadd.s32 $0x8000, s29;
	_ =	swait.ge [sflag:s21], $0x4000  }
0x95: {  	s0 =	sshrl.u32 s29, $0x3;
	[sflag:s21] =	ssyncset.done $0x0  }
0x96: {  	s30 =	simm.s32 $0x6;
	s0 =	sadd.s32 s4, s0;
	[sflag:s21] =	ssyncadd.s32 $0xFFFFC000  }
0x97: {  	[hbm4b:s0+s2] =	stream.linear.scatter [tilespmem:s17], [sflag:$0xA], $0x4000, $0x38;
	[tilespmem:$0x15400] =	vst v63  }
0x98: {  	_ =	swait.ge [sflag:s30], $0x4000  }
0x99: {  	[sflag:s30] =	ssyncset.done $0x0  }
0x9a: {  	[sflag:s30] =	ssyncadd.s32 $0xFFFFC000  }
0x9b: {  	_ =	swait.ge [sflag:s23], $0x4000  }
0x9c: {  	[sflag:s23] =	ssyncset.done $0x0  }
0x9d: {  	[sflag:s23] =	ssyncadd.s32 $0xFFFFC000  }
0x9e: {  	_ =	swait.ge [sflag:s24], $0x4000  }
0x9f: {  	[sflag:s24] =	ssyncset.done $0x0  }
0xa0: {  	[sflag:s24] =	ssyncadd.s32 $0xFFFFC000  }
0xa1: {  	_ =	swait.ge [sflag:s25], $0x4000  }
0xa2: {  	[sflag:s25] =	ssyncset.done $0x0  }
0xa3: {  	[sflag:s25] =	ssyncadd.s32 $0xFFFFC000  }
0xa4: {  	_ =	swait.ge [sflag:s26], $0x4000  }
0xa5: {  	s28 =	sadd.s32 $0x1, s28;
	s31 =	rddreg [dreg:$0x3]  }
0xa6: {  	p0 =	sne.s32 s28, s31  }
.Ltmp1:
0xa7: {  	_ = 	snop;
	(pc) =	sbr.rel @p0 .LBB2_1-.Ltmp1, $3  }
0xa8: {  	_ =	sdelay $0x1  }
0xa9: {  	[sflag:s26] =	ssyncset.done $0x0  }
0xaa: {  	[sflag:s26] =	ssyncadd.s32 $0xFFFFC000  }
0xab: {  	_ =	sfence.sel $0x180000  }
0xac: {  	[bflag:$0x0] =	sbarrier.arrive $0xFFFF  }
0xad: {  	_ =	strace $0x9000004A  }
0xae: {  	s0 =	stileid.u32;
	[bflag:$0x2] =	sbarrier.arrive $0xFFFF  }
0xaf: {  	p0 =	sne.s32 s0, $0x0;
	s0 =	rddreg [dreg:$0x1]  }
0xb0: {  	s0 =	sadd.s32 @!p0 $0x100000, s0  }
0xb1: {  	[sflag:s0] =	ssyncadd.tile.s32 @!p0 $0x1;
	_ =	shalt  }
.Lfunc_end2:
_tile_overlayer_lowered:
.L_overlay_start_2:
0xb2: {  	(tag) =	ssettag $0x2  }
0xb3: {  	s0 =	rddreg [dreg:$0x0];
	s2 =	stileid.u32  }
0xb4: {  	s1 =	rddreg [dreg:$0x1];
	p0 =	sne.s32 s2, $0x0  }
0xb5: {  	s3 =	rddreg [dreg:$0x2];
	[bflag:$0x3] =	sbarrier.arrive $0xFFFF;
	s2 =	simm.s32 @!p0 $0x1C0B  }
0xb6: {  	[timem:s3], [sflag:s2] =	dma.local @!p0 [hbm:s0], s1  }
0xb7: {  	s0 =	simm.s32 @!p0 $0xB  }
0xb8: {  	_ =	swait.ge @!p0 [sflag:s0], s1  }
0xb9: {  	s1 =	ssub.s32 @!p0 $0x0, s1;
	[sflag:s0] =	ssyncset.done @!p0 $0x0  }
0xba: {  	[sflag:s0] =	ssyncadd.s32 @!p0 s1  }
0xbb: {  	[bflag:$0x3] =	sbarrier.arrive $0xFFFF  }
0xbc: {  	_ =	shalt  }

// kernel: kernel.19.cloned.1.call-start
scs
__scs_entry_jumppad:
0x0: {  	(pc) =	sbr.rel $0x88, $3  }
0x1: {  	(tag) =	ssettag $0x0;
	lr =	simm.s32 $0x1  }
0x2: {  	[smem:$0x3F8E] =	sst lr;
	_ =	strace $0xD0000000  }
0x3: {  	_ = 	snop  }
0x4: {  	_ = 	snop  }
0x5: {  	_ = 	snop  }
0x6: {  	_ = 	snop  }
0x7: {  	_ = 	snop  }
__scs_overlays_trampoline_lowered:
0x8: {  	[smem:$0x3F9D] =	sst s0  }
0x9: {  	[smem:$0x3F9E] =	sst s1  }
0xa: {  	[smem:$0x3F9F] =	sst s2  }
0xb: {  	[smem:$0x3FA0] =	sst s3  }
0xc: {  	[smem:$0x3FA1] =	sst s4  }
0xd: {  	[smem:$0x3FA2] =	sst s5  }
0xe: {  	[smem:$0x3FA3] =	sst s6  }
0xf: {  	[smem:$0x3FA4] =	sst s7  }
0x10: {  	[smem:$0x3FA5] =	sst s8  }
0x11: {  	[smem:$0x3FA6] =	sst s9;
	s0 =	simm.s32 @!p0 $0x0  }
0x12: {  	s1 =	sld [smem:$0x3F8C];
	s0 =	simm.s32 @p0 $0x1  }
0x13: {  	[smem:$0x3FA7] =	sst s0;
	s0 =	simm.s32 @!p1 $0x0  }
0x14: {  	s2 =	sld [smem:$0x3F8B];
	s0 =	simm.s32 @p1 $0x1  }
0x15: {  	[smem:$0x3FA8] =	sst s0;
	s0 =	simm.s32 @!p2 $0x0  }
0x16: {  	s3 =	sld [smem:$0x3FDB];
	s0 =	simm.s32 @p2 $0x1  }
0x17: {  	s4 =	simm.s32 $0x1BF5;
	[smem:$0x3FAA] =	sst s0  }
0x18: {  	s0 =	sld [smem:$0x3F8D];
	_ =	swait.ge [sflag:s4], $0x0  }
0x19: {  	s7 =	sld [smem:$0x3F8E]  }
0x1a: {  	s8 =	sadd.s32 $0xFFFFE003, lr  }
0x1b: {  	s9 =	sadd.s32 $0xFFFFFEF7, lr;
	s5 =	simm.s32 $0xFFFFFFFF;
	p2 =	slt.u32 s8, $0xFFFFF086  }
0x1c: {  	p1 =	slt.u32 s9, $0xF7A;
	s5 =	simm.s32 @!p2 $0x0  }
0x1d: {  	s5 =	simm.s32 @p1 $0x1;
	p0 =	seq.s32 s7, s2  }
0x1e: {  	s7 =	smul.u32 @!p0 $0xF7A, s2;
	p2 =	seq.s32 @!p0 s5, $0x0  }
0x1f: {  	s9 =	smul.u32 $0xF7A, s1;
	s8 =	simm.s32 @!p0 $0x1BF5;
	p2 =	por !p2, p0  }
0x20: {  	[sflag:s8] =	ssyncset.s32 @!p0 $0xFFFFF086;
	s6 =	sadd.s32 @!p0 s3, s7;
	s7 =	simm.s32 @!p0 $0x108  }
0x21: {  	s3 =	sadd.s32 s3, s9;
	s6 =	sadd.s32 @!p0 $0x88, s6;
	s7 =	simm.s32 @p2 $0x1082  }
0x22: {  	[simem:s7], [sflag:s8] =	dma.local @!p0 [hbm:s6], $0xF7A  }
0x23: {  	s9 =	sor.u32 $0xD0000000, s2;
	s6 =	simm.s32 $0x108;
	_ =	swait.ge @!p0 [sflag:s8], $0x0  }
0x24: {  	s3 =	sadd.s32 $0x88, s3;
	s6 =	simm.s32 @!p1 $0x1082;
	[sflag:s4] =	ssyncset.s32 $0xFFFFF086  }
0x25: {  	[simem:s6], [sflag:s4] =	dma.local [hbm:s3], $0xF7A  }
0x26: {  	[smem:$0x3F8E] =	sst s1;
	(tag) =	ssettag s2;
	_ =	strace s9  }
0x27: {  	s1 =	sld [smem:$0x3F9E]  }
0x28: {  	s2 =	sld [smem:$0x3F9F]  }
0x29: {  	s4 =	sld [smem:$0x3FA1]  }
0x2a: {  	p0 =	seq.s32 s5, $0x0;
	s5 =	sld [smem:$0x3FA2]  }
0x2b: {  	s6 =	sld [smem:$0x3FA3]  }
0x2c: {  	s7 =	sld [smem:$0x3FA4]  }
0x2d: {  	s3 =	simm.s32 $0x108;
	s8 =	sld [smem:$0x3FA5]  }
0x2e: {  	s3 =	simm.s32 @!p0 $0x1082;
	s9 =	sld [smem:$0x3FA6]  }
0x2f: {  	lr =	sadd.s32 s0, s3;
	s0 =	sld [smem:$0x3F9D]  }
0x30: {  	s3 =	sld [smem:$0x3FA0]  }
0x31: {  	[smem:$0x3FA9] =	sst s10  }
0x32: {  	s10 =	sld [smem:$0x3FA7];
	_ =	sdelay $0x3  }
0x33: {  	p0 =	seq.s32 s10, $0x1;
	s10 =	sld [smem:$0x3FA9];
	_ =	sdelay $0x3  }
0x34: {  	[smem:$0x3FA9] =	sst s10  }
0x35: {  	s10 =	sld [smem:$0x3FA8];
	_ =	sdelay $0x3  }
0x36: {  	p1 =	seq.s32 s10, $0x1;
	s10 =	sld [smem:$0x3FA9];
	_ =	sdelay $0x3  }
0x37: {  	[smem:$0x3FA9] =	sst s10  }
0x38: {  	s10 =	sld [smem:$0x3FAA]  }
0x39: {  	_ = 	snop;
	(pc) =	sbr.ind lr, $3  }
0x3a: {  	_ = 	snop  }
0x3b: {  	_ = 	snop  }
0x3c: {  	p2 =	seq.s32 s10, $0x1;
	s10 =	sld [smem:$0x3FA9]  }
0x3d: {  	_ =	shalt  }
0x3e: {  	_ =	shalt  }
0x3f: {  	_ =	shalt  }
0x40: {  	_ =	shalt  }
0x41: {  	_ =	shalt  }
0x42: {  	_ =	shalt  }
0x43: {  	_ =	shalt  }
0x44: {  	_ =	shalt  }
0x45: {  	_ =	shalt  }
0x46: {  	_ =	shalt  }
0x47: {  	_ =	shalt  }
0x48: {  	_ =	shalt  }
0x49: {  	_ =	shalt  }
0x4a: {  	_ =	shalt  }
0x4b: {  	_ =	shalt  }
0x4c: {  	_ =	shalt  }
0x4d: {  	_ =	shalt  }
0x4e: {  	_ =	shalt  }
0x4f: {  	_ =	shalt  }
0x50: {  	_ =	shalt  }
0x51: {  	_ =	shalt  }
0x52: {  	_ =	shalt  }
0x53: {  	_ =	shalt  }
0x54: {  	_ =	shalt  }
0x55: {  	_ =	shalt  }
0x56: {  	_ =	shalt  }
0x57: {  	_ =	shalt  }
0x58: {  	_ =	shalt  }
0x59: {  	_ =	shalt  }
0x5a: {  	_ =	shalt  }
0x5b: {  	_ =	shalt  }
0x5c: {  	_ =	shalt  }
0x5d: {  	_ =	shalt  }
0x5e: {  	_ =	shalt  }
0x5f: {  	_ =	shalt  }
0x60: {  	_ =	shalt  }
0x61: {  	_ =	shalt  }
0x62: {  	_ =	shalt  }
0x63: {  	_ =	shalt  }
0x64: {  	_ =	shalt  }
0x65: {  	_ =	shalt  }
0x66: {  	_ =	shalt  }
0x67: {  	_ =	shalt  }
0x68: {  	_ =	shalt  }
0x69: {  	_ =	shalt  }
0x6a: {  	_ =	shalt  }
0x6b: {  	_ =	shalt  }
0x6c: {  	_ =	shalt  }
0x6d: {  	_ =	shalt  }
0x6e: {  	_ =	shalt  }
0x6f: {  	_ =	shalt  }
0x70: {  	_ =	shalt  }
0x71: {  	_ =	shalt  }
0x72: {  	_ =	shalt  }
0x73: {  	_ =	shalt  }
0x74: {  	_ =	shalt  }
0x75: {  	_ =	shalt  }
0x76: {  	_ =	shalt  }
0x77: {  	_ =	shalt  }
0x78: {  	_ =	shalt  }
0x79: {  	_ =	shalt  }
0x7a: {  	_ =	shalt  }
0x7b: {  	_ =	shalt  }
0x7c: {  	_ =	shalt  }
0x7d: {  	_ =	shalt  }
0x7e: {  	_ =	shalt  }
0x7f: {  	_ =	shalt  }
0x80: {  	_ =	shalt  }
0x81: {  	_ =	shalt  }
0x82: {  	_ =	shalt  }
0x83: {  	_ =	shalt  }
0x84: {  	_ =	shalt  }
0x85: {  	_ =	shalt  }
0x86: {  	_ =	shalt  }
0x87: {  	_ =	shalt  }
.Lfunc_end0:
.L_simem_size_0:
called_computation.2_lowered:
.L_overlay_start_0:
0x88: {  	s2 =	sld [smem:$0x3FD9]  }
0x89: {  	s3 =	sld [smem:$0x3FFE];
	_ =	sdelay $0x1  }
0x8a: {  	s1 =	srdreg.scid  }
0x8b: {  	s0 =	sand.u32 $0x1, s1  }
0x8c: {  	s16 =	sshll.u32 s0, $0xA;
	s2 =	sadd.s32 s3, s2  }
0x8d: {  	s2 =	sadd.s32 s2, s16  }
0x8e: {  	[smem:$0x3FB5] =	sst s2  }
0x8f: {  	_ = 	snop  }
0x90: {  	(tm) =	ssettm $0x1  }
0x91: {  	s17 =	sld [smem:$0x3FFB];
	_ =	sdelay $0x3  }
0x92: {  	_ =	strace s17  }
0x93: {  	s2 =	sld [smem:$0x3FFC];
	_ =	sdelay $0x3  }
0x94: {  	_ =	strace s2  }
0x95: {  	s2 =	sld [smem:$0x3FFD];
	_ =	sdelay $0x3  }
0x96: {  	_ =	strace s2  }
0x97: {  	_ =	strace $0x8FFFFFFF  }
0x98: {  	s18 =	sld [smem:$0x3FDB];
	_ =	sdelay $0x1  }
0x99: {  	s19 =	simm.s32 $_scs_section_size  }
0x9a: {  	s4 =	simm.s32 $_size__tile_overlayer_lowered;
	s5 =	simm.s32 $_tile_overlayer_lowered  }
0x9b: {  	s22 =	simm.s32 $0x1BFF;
	s21 =	sshll.u32 s5, $0x1;
	s2 =	sadd.s32 s19, s18  }
0x9c: {  	s6 =	simm.s32 $0x0;
	s20 =	sshll.u32 s4, $0x1;
	s4 =	sadd.s32 s21, s2  }
0x9d: {  	[timem:s6], [sflag:s22] =	dma.local [hbm:s4], s20  }
0x9e: {  	_ =	swait.ge [sflag:s22], s20  }
0x9f: {  	s3 =	ssub.s32 $0x0, s20;
	[sflag:s22] =	ssyncset.done $0x0  }
0xa0: {  	[sflag:s22] =	ssyncadd.s32 s3;
	_ =	sdelay $0x1  }
0xa1: {  	s23 =	simm.s32 $0x1B8B  }
0xa2: {  	_ =	swait.ge [sflag:s23], $0x1  }
0xa3: {  	[sflag:s23] =	ssyncset.done $0x0  }
0xa4: {  	s25 =	simm.s32 $0x1B8E;
	s24 =	sld [smem:$0x3FFE];
	[sflag:s23] =	ssyncadd.s32 $0xFFFFFFFF  }
0xa5: {  	s26 =	simm.s32 $execute0_lowered;
	[smem:$0x3FD2] =	sst s25  }
0xa6: {  	s4 =	sshll.u32 s26, $0x1;
	_ =	strace $0x8000004C;
	[dreg:$0x1] =	wrdreg $0xFFFFFFFF  }
0xa7: {  	s28 =	simm.s32 $_size_execute0_lowered;
	s2 =	sadd.s32 s2, s4;
	[dreg:$0x0] =	wrdreg $0x0  }
0xa8: {  	s4 =	sshll.u32 s28, $0x1;
	[dreg:$0x2] =	wrdreg s2  }
0xa9: {  	[dreg:$0x3] =	wrdreg s4  }
0xaa: {  	[dreg:$0x4] =	wrdreg $0xC0  }
0xab: {  	_ =	task [dreg:s6], $0x5FFFF  }
0xac: {  	[dreg:$0x1] =	wrdreg $0xFFFFFFFF  }
0xad: {  	[dreg:$0x0] =	wrdreg $0x60  }
0xae: {  	[dreg:$0x2] =	wrdreg s24  }
0xaf: {  	[dreg:$0x3] =	wrdreg $0x9  }
0xb0: {  	_ =	task.clear_ibuf [dreg:s6], $0x4FFFF;
	_ =	strace $0x9000004C  }
0xb1: {  	s29 =	simm.s32 $0x9;
	_ =	strace $0x8000004E  }
0xb2: {  	_ =	swait.ge [sflag:s29], $0x1  }
0xb3: {  	[sflag:s29] =	ssyncadd.s32 $0xFFFFFFFF  }
0xb4: {  	_ =	strace $0x9000004E  }
0xb5: {  	_ =	sfence  }
0xb6: {  	s30 =	sld [smem:$0x0];
	_ =	sdelay $0x2  }
0xb7: {  	s31 =	sshll.u32 s1, $0xD;
	s1 =	sshrl.u32 s1, $0x2  }
0xb8: {  	s3 =	sand.u32 $0x4000, s31;
	s1 =	sadd.s32 s1, s30  }
0xb9: {  	s0 =	sor.u32 s3, s0;
	s1 =	sshll.u32 s1, $0x11  }
0xba: {  	s0 =	sor.u32 s1, s0  }
0xbb: {  	s0 =	sadd.s32 $0x8F2B, s0  }
0xbc: {  	[sflag:s0] =	ssyncadd.remote.s32 $0x1  }
0xbd: {  	_ =	sfence.sel $0xFFFF  }
0xbe: {  	[dreg:$0x0] =	wrdreg $0xFFFFFFFF;
	(pc) =	sbr.abs _section_cstart, $3  }
0xbf: {  	[dreg:$0x1] =	wrdreg $0xFFFFFFFF  }
0xc0: {  	_ =	task.clear_ibuf [dreg:s6], $0x2FFFF;
	_ =	strace $0x9FFFFFFF  }
0xc1: {  	(tm) =	ssettm $0x7FFFFFFF  }
tec
execute0_lowered:
.L_overlay_start_1:
0x0: {  	(tag) =	ssettag $0x1  }
0x1: {  	s0 =	srdreg.scid  }
0x2: {  	s6 =	stileid.u32;
	s4 =	rddreg [dreg:$0x0]  }
0x3: {  	s2 =	simm.s32 $0x0;
	s5 =	simm.s32 $0x1;
	s7 =	simm.s32 $0xA0000  }
0x4: {  	s10 =	simm.s32 $0x80;
	s11 =	simm.s32 $0x1400;
	s12 =	simm.s32 $0x5400  }
0x5: {  	s14 =	simm.s32 $0x9400;
	s16 =	simm.s32 $0xD400;
	s17 =	simm.s32 $0x11400  }
0x6: {  	s18 =	simm.s32 $0x2;
	s19 =	simm.s32 $0x3;
	s20 =	simm.s32 $0x4  }
0x7: {  	s21 =	simm.s32 $0x5;
	s0 =	sand.u32 $0x1, s0;
	s1 =	sshll.u32 s6, $0x1  }
0x8: {  	s23 =	simm.s32 $0x7;
	s24 =	simm.s32 $0x8;
	s1 =	sor.u32 s0, s1  }
0x9: {  	s25 =	simm.s32 $0x9;
	p0 =	seq.s32 s0, $0x1;
	p1 =	seq.s32 s1, $0x0  }
0xa: {  	s26 =	simm.s32 $0xA;
	s28 =	simm.s32 $0x0;
	p1 =	por !p1, !p0  }
0xb: {  	[smem:$0x7FF] =	sst s2;
	s3 =	sadd.s32 $0x34000, s4;
	p1 =	por !p1, !p1  }
0xc: {  	_ =	strace $0x8000004D;
	s0 =	ssub.s32 $0x2, s0;
	s5 =	simm.s32 @!p1 $0x0  }
0xd: {  	s1 =	smul.u32 $0x280, s1;
	s30 =	sshrl.u32 s0, $0x1;
	s5 =	ssub.s32 s6, s5  }
0xe: {  	s7 =	simm.s32 @!p0 $0x0;
	s0 =	ssub.s32 s0, s30;
	s8 =	smul.u32 $0x140000, s5  }
0xf: {  	s1 =	sadd.s32 s1, s4;
	s4 =	sadd.s32 $0xAC000, s4;
	s0 =	smax.u32 s0, $0x1  }
0x10: {  	s1 =	sadd.s32 $0x2EA00, s1;
	[dreg:$0x3] =	wrdreg s0;
	s31 =	sadd.s32 s7, s8  }
0x11: {  	[dreg:$0x2] =	wrdreg s1;
	s5 =	simm.s32 $0x1;
	s8 =	sor.u32 $0x8000, s31  }
.LBB2_1:
0x12: {  	s0 =	rddreg [dreg:$0x2];
	s22 =	simm.s32 $0xB  }
0x13: {  	[tilespmem:s2], [sflag:$0xB] =	stream.linear.gather [hbm4b:s0+s2], $0x1400, $0x38;
	[tilespmem:$0x15400] =	vst v63  }
0x14: {  	_ =	swait.ge [sflag:s22], $0x1400  }
0x15: {  	[sflag:s22] =	ssyncset.done $0x0  }
0x16: {  	[sflag:s22] =	ssyncadd.s32 $0xFFFFEC00  }
0x17: {  	[tilespmem:s11], [sflag:$0x1] =	stream.indirect.gather [hbm4b:s3+s10], $0x80, s2, s10, $0xb8;
	[tilespmem:$0x15400] =	vst v63  }
0x18: {  	_ = 	snop  }
0x19: {  	[tilespmem:s12], [sflag:$0x2] =	stream.indirect.gather [hbm4b:s3+s10], $0x80, s10, s10, $0xb8;
	[tilespmem:$0x15400] =	vst v63  }
0x1a: {  	s1 =	simm.s32 $0x100;
	p0 =	por $0x1, $0x1  }
0x1b: {  	[tilespmem:s14], [sflag:$0x3] =	stream.indirect.gather [hbm4b:s3+s10], $0x80, s1, s10, $0xb8;
	[tilespmem:$0x15400] =	vst v63  }
0x1c: {  	s6 =	simm.s32 $0x180;
	s0 =	simm.s32 @!p0 $0xA  }
0x1d: {  	[tilespmem:s16], [sflag:$0x4] =	stream.indirect.gather [hbm4b:s3+s10], $0x80, s6, s10, $0xb8;
	[tilespmem:$0x15400] =	vst v63  }
0x1e: {  	_ =	swait.ge @!p0 [sflag:s0], $0x4000  }
0x1f: {  	[sflag:s0] =	ssyncset.done @!p0 $0x0  }
0x20: {  	s1 =	simm.s32 $0x200;
	[sflag:s0] =	ssyncadd.s32 @!p0 $0xFFFFC000  }
0x21: {  	[tilespmem:s17], [sflag:$0x5] =	stream.indirect.gather [hbm4b:s3+s10], $0x80, s1, s10, $0xb8;
	[tilespmem:$0x15400] =	vst v63  }
0x22: {  	s7 =	sadd.s32 $0xFFFF8000, s8;
	_ =	swait.ge [sflag:s5], $0x4000  }
0x23: {  	s0 =	sshrl.u32 s7, $0x3;
	p0 =	por $0x0, $0x0;
	[sflag:s5] =	ssyncset.done $0x0  }
0x24: {  	s0 =	sadd.s32 s4, s0;
	s1 =	simm.s32 @!p0 $0x6;
	[sflag:s5] =	ssyncadd.s32 $0xFFFFC000  }
0x25: {  	[hbm4b:s0+s2] =	stream.linear.scatter [tilespmem:s11], [sflag:$0x6], $0x4000, $0x38;
	[tilespmem:$0x15400] =	vst v63  }
0x26: {  	_ =	swait.ge @!p0 [sflag:s1], $0x4000  }
0x27: {  	s29 =	simm.s32 @!p0 $0x80;
	[sflag:s1] =	ssyncset.done @!p0 $0x0  }
0x28: {  	s30 =	simm.s32 @!p0 $0x1400;
	s0 =	simm.s32 @!p0 $0x280;
	[sflag:s1] =	ssyncadd.s32 @!p0 $0xFFFFC000  }
0x29: {  	[tilespmem:s30], [sflag:$0x1] =	stream.indirect.gather @!p0 [hbm4b:s3+s29], $0x80, s0, s29, $0xb8;
	[tilespmem:$0x15400] =	vst v63  }
0x2a: {  	s9 =	sadd.s32 $0xFFFFC000, s8;
	_ =	swait.ge [sflag:s18], $0x4000  }
0x2b: {  	s0 =	sshrl.u32 s9, $0x3;
	[sflag:s18] =	ssyncset.done $0x0  }
0x2c: {  	s1 =	simm.s32 @!p0 $0x7;
	s0 =	sadd.s32 s4, s0;
	[sflag:s18] =	ssyncadd.s32 $0xFFFFC000  }
0x2d: {  	[hbm4b:s0+s2] =	stream.linear.scatter [tilespmem:s12], [sflag:$0x7], $0x4000, $0x38;
	[tilespmem:$0x15400] =	vst v63  }
0x2e: {  	_ =	swait.ge @!p0 [sflag:s1], $0x4000  }
0x2f: {  	[sflag:s1] =	ssyncset.done @!p0 $0x0  }
0x30: {  	s30 =	simm.s32 @!p0 $0x5400;
	s0 =	simm.s32 @!p0 $0x300;
	[sflag:s1] =	ssyncadd.s32 @!p0 $0xFFFFC000  }
0x31: {  	[tilespmem:s30], [sflag:$0x2] =	stream.indirect.gather @!p0 [hbm4b:s3+s29], $0x80, s0, s29, $0xb8;
	[tilespmem:$0x15400] =	vst v63  }
0x32: {  	_ =	swait.ge [sflag:s19], $0x4000  }
0x33: {  	s13 =	sshrl.u32 s8, $0x3;
	[sflag:s19] =	ssyncset.done $0x0  }
0x34: {  	s1 =	simm.s32 @!p0 $0x8;
	s0 =	sadd.s32 s4, s13;
	[sflag:s19] =	ssyncadd.s32 $0xFFFFC000  }
0x35: {  	[hbm4b:s0+s2] =	stream.linear.scatter [tilespmem:s14], [sflag:$0x8], $0x4000, $0x38;
	[tilespmem:$0x15400] =	vst v63  }
0x36: {  	_ =	swait.ge @!p0 [sflag:s1], $0x4000  }
0x37: {  	[sflag:s1] =	ssyncset.done @!p0 $0x0  }
0x38: {  	s30 =	simm.s32 @!p0 $0x9400;
	s0 =	simm.s32 @!p0 $0x380;
	[sflag:s1] =	ssyncadd.s32 @!p0 $0xFFFFC000  }
0x39: {  	[tilespmem:s30], [sflag:$0x3] =	stream.indirect.gather @!p0 [hbm4b:s3+s29], $0x80, s0, s29, $0xb8;
	[tilespmem:$0x15400] =	vst v63  }
0x3a: {  	s15 =	sadd.s32 $0x4000, s8;
	_ =	swait.ge [sflag:s20], $0x4000  }
0x3b: {  	s0 =	sshrl.u32 s15, $0x3;
	[sflag:s20] =	ssyncset.done $0x0  }
0x3c: {  	s1 =	simm.s32 @!p0 $0x9;
	s0 =	sadd.s32 s4, s0;
	[sflag:s20] =	ssyncadd.s32 $0xFFFFC000  }
0x3d: {  	[hbm4b:s0+s2] =	stream.linear.scatter [tilespmem:s16], [sflag:$0x9], $0x4000, $0x38;
	[tilespmem:$0x15400] =	vst v63  }
0x3e: {  	s31 =	simm.s32 $0x1400;
	p1 =	por $0x0, $0x0;
	_ =	swait.ge @!p0 [sflag:s1], $0x4000  }
0x3f: {  	s22 =	sadd.s32 $0x8000, s8;
	s30 =	simm.s32 $0xA00;
	[sflag:s1] =	ssyncset.done @!p0 $0x0  }
0x40: {  	s0 =	simm.s32 @!p0 $0x400;
	[sflag:s1] =	ssyncadd.s32 @!p0 $0xFFFFC000;
	s1 =	simm.s32 @!p0 $0xD400  }
0x41: {  	[tilespmem:s1], [sflag:$0x4] =	stream.indirect.gather @!p0 [hbm4b:s3+s29], $0x80, s0, s29, $0xb8;
	[tilespmem:$0x15400] =	vst v63  }
0x42: {  	s29 =	sadd.s32 $0x14000, s8;
	s0 =	sshrl.u32 s22, $0x3;
	_ =	swait.ge [sflag:s21], $0x4000  }
.LBB2_2:
0x43: {  	s1 =	simm.s32 @!p1 $0xA  }
0x44: {  	[sflag:s21] =	ssyncset.done $0x0;
	s13 =	smov.u32 s31;
	s31 =	sadd.s32 $0xA00, s31  }
0x45: {  	s0 =	sadd.s32 s4, s0;
	p0 =	sne.s32 s31, $0x5000;
	[sflag:s21] =	ssyncadd.s32 $0xFFFFC000  }
0x46: {  	[hbm4b:s0+s2] =	stream.linear.scatter [tilespmem:s17], [sflag:$0xA], $0x4000, $0x38;
	[tilespmem:$0x15400] =	vst v63  }
0x47: {  	s0 =	sshra.s32 s30, $0x2;
	_ =	swait.ge @!p1 [sflag:s1], $0x4000  }
0x48: {  	s0 =	sadd.s32 $0x200, s0;
	[sflag:s1] =	ssyncset.done @!p1 $0x0  }
0x49: {  	[sflag:s1] =	ssyncadd.s32 @!p1 $0xFFFFC000;
	s1 =	sadd.s32 $0xFFFF8000, s29  }
0x4a: {  	[tilespmem:s17], [sflag:$0x5] =	stream.indirect.gather [hbm4b:s3+s10], $0x80, s0, s10, $0xb8;
	[tilespmem:$0x15400] =	vst v63  }
0x4b: {  	s15 =	sadd.s32 $0xFFFFC000, s29;
	s0 =	sshrl.u32 s1, $0x3;
	_ =	swait.ge [sflag:s5], $0x4000  }
0x4c: {  	p1 =	seq.s32 s30, $0x4600;
	s0 =	sadd.s32 s4, s0;
	[sflag:s5] =	ssyncset.done $0x0  }
0x4d: {  	s6 =	simm.s32 @!p1 $0x6;
	s30 =	sshra.s32 @!p1 s30, $0x2;
	[sflag:s5] =	ssyncadd.s32 $0xFFFFC000  }
0x4e: {  	[hbm4b:s0+s2] =	stream.linear.scatter [tilespmem:s11], [sflag:$0x6], $0x4000, $0x38;
	[tilespmem:$0x15400] =	vst v63  }
0x4f: {  	s7 =	sadd.s32 @!p1 $0x280, s30;
	s9 =	sadd.s32 @!p1 $0x300, s30;
	_ =	swait.ge @!p1 [sflag:s6], $0x4000  }
0x50: {  	s1 =	simm.s32 @!p1 $0x80;
	s22 =	simm.s32 @!p1 $0x1400;
	[sflag:s6] =	ssyncset.done @!p1 $0x0  }
0x51: {  	s0 =	sadd.s32 @!p1 $0x400, s30;
	[sflag:s6] =	ssyncadd.s32 @!p1 $0xFFFFC000;
	s6 =	sadd.s32 @!p1 $0x380, s30  }
0x52: {  	[tilespmem:s22], [sflag:$0x1] =	stream.indirect.gather @!p1 [hbm4b:s3+s1], $0x80, s7, s1, $0xb8;
	[tilespmem:$0x15400] =	vst v63  }
0x53: {  	s30 =	smov.u32 s13;
	s7 =	sshrl.u32 s15, $0x3;
	_ =	swait.ge [sflag:s18], $0x4000  }
0x54: {  	s7 =	sadd.s32 s4, s7;
	[sflag:s18] =	ssyncset.done $0x0  }
0x55: {  	s13 =	simm.s32 @!p1 $0x7;
	[sflag:s18] =	ssyncadd.s32 $0xFFFFC000  }
0x56: {  	[hbm4b:s7+s2] =	stream.linear.scatter [tilespmem:s12], [sflag:$0x7], $0x4000, $0x38;
	[tilespmem:$0x15400] =	vst v63  }
0x57: {  	_ =	swait.ge @!p1 [sflag:s13], $0x4000  }
0x58: {  	s7 =	simm.s32 @!p1 $0x5400;
	[sflag:s13] =	ssyncset.done @!p1 $0x0  }
0x59: {  	[sflag:s13] =	ssyncadd.s32 @!p1 $0xFFFFC000  }
0x5a: {  	[tilespmem:s7], [sflag:$0x2] =	stream.indirect.gather @!p1 [hbm4b:s3+s1], $0x80, s9, s1, $0xb8;
	[tilespmem:$0x15400] =	vst v63  }
0x5b: {  	s7 =	sshrl.u32 s29, $0x3;
	_ =	swait.ge [sflag:s19], $0x4000  }
0x5c: {  	s7 =	sadd.s32 s4, s7;
	[sflag:s19] =	ssyncset.done $0x0  }
0x5d: {  	s9 =	simm.s32 @!p1 $0x8;
	[sflag:s19] =	ssyncadd.s32 $0xFFFFC000  }
0x5e: {  	[hbm4b:s7+s2] =	stream.linear.scatter [tilespmem:s14], [sflag:$0x8], $0x4000, $0x38;
	[tilespmem:$0x15400] =	vst v63  }
0x5f: {  	_ =	swait.ge @!p1 [sflag:s9], $0x4000  }
0x60: {  	s7 =	simm.s32 @!p1 $0x9400;
	[sflag:s9] =	ssyncset.done @!p1 $0x0  }
0x61: {  	[sflag:s9] =	ssyncadd.s32 @!p1 $0xFFFFC000;
	s9 =	sadd.s32 $0x4000, s29  }
0x62: {  	[tilespmem:s7], [sflag:$0x3] =	stream.indirect.gather @!p1 [hbm4b:s3+s1], $0x80, s6, s1, $0xb8;
	[tilespmem:$0x15400] =	vst v63  }
0x63: {  	s6 =	sshrl.u32 s9, $0x3;
	_ =	swait.ge [sflag:s20], $0x4000  }
0x64: {  	s6 =	sadd.s32 s4, s6;
	[sflag:s20] =	ssyncset.done $0x0  }
0x65: {  	s7 =	simm.s32 @!p1 $0x9;
	[sflag:s20] =	ssyncadd.s32 $0xFFFFC000  }
0x66: {  	[hbm4b:s6+s2] =	stream.linear.scatter [tilespmem:s16], [sflag:$0x9], $0x4000, $0x38;
	[tilespmem:$0x15400] =	vst v63  }
.Ltmp0:
0x67: {  	_ =	swait.ge @!p1 [sflag:s7], $0x4000;
	(pc) =	sbr.rel @p0 .LBB2_2-.Ltmp0, $4  }
0x68: {  	s6 =	simm.s32 @!p1 $0xD400;
	[sflag:s7] =	ssyncset.done @!p1 $0x0  }
0x69: {  	[sflag:s7] =	ssyncadd.s32 @!p1 $0xFFFFC000;
	s7 =	sadd.s32 $0x8000, s29;
	s29 =	sadd.s32 $0x14000, s29  }
0x6a: {  	[tilespmem:s6], [sflag:$0x4] =	stream.indirect.gather @!p1 [hbm4b:s3+s1], $0x80, s0, s1, $0xb8;
	[tilespmem:$0x15400] =	vst v63  }
0x6b: {  	p1 =	seq.s32 s30, $0x0;
	s0 =	sshrl.u32 s7, $0x3;
	_ =	swait.ge [sflag:s21], $0x4000  }
0x6c: {  	[sflag:s21] =	ssyncset.done $0x0  }
0x6d: {  	s1 =	simm.s32 @!p1 $0xA;
	s0 =	sadd.s32 s4, s0;
	[sflag:s21] =	ssyncadd.s32 $0xFFFFC000  }
0x6e: {  	[hbm4b:s0+s2] =	stream.linear.scatter [tilespmem:s17], [sflag:$0xA], $0x4000, $0x38;
	[tilespmem:$0x15400] =	vst v63  }
0x6f: {  	_ =	swait.ge @!p1 [sflag:s1], $0x4000  }
0x70: {  	s7 =	sshra.s32 s30, $0x2;
	[sflag:s1] =	ssyncset.done @!p1 $0x0  }
0x71: {  	s0 =	sadd.s32 $0x200, s7;
	[sflag:s1] =	ssyncadd.s32 @!p1 $0xFFFFC000  }
0x72: {  	[tilespmem:s17], [sflag:$0x5] =	stream.indirect.gather [hbm4b:s3+s10], $0x80, s0, s10, $0xb8;
	[tilespmem:$0x15400] =	vst v63  }
0x73: {  	s9 =	sadd.s32 $0xFFFF8000, s29;
	_ =	swait.ge [sflag:s5], $0x4000  }
0x74: {  	p0 =	seq.s32 s30, $0x4600;
	s0 =	sshrl.u32 s9, $0x3;
	[sflag:s5] =	ssyncset.done $0x0  }
0x75: {  	s1 =	simm.s32 @!p0 $0x6;
	s0 =	sadd.s32 s4, s0;
	[sflag:s5] =	ssyncadd.s32 $0xFFFFC000  }
0x76: {  	[hbm4b:s0+s2] =	stream.linear.scatter [tilespmem:s11], [sflag:$0x6], $0x4000, $0x38;
	[tilespmem:$0x15400] =	vst v63  }
0x77: {  	_ =	swait.ge @!p0 [sflag:s1], $0x4000  }
0x78: {  	s7 =	simm.s32 @!p0 $0x80;
	s0 =	sshra.s32 @!p0 s30, $0x2;
	[sflag:s1] =	ssyncset.done @!p0 $0x0  }
0x79: {  	s6 =	sadd.s32 @!p0 $0x280, s0;
	[sflag:s1] =	ssyncadd.s32 @!p0 $0xFFFFC000;
	s1 =	simm.s32 @!p0 $0x1400  }
0x7a: {  	[tilespmem:s1], [sflag:$0x1] =	stream.indirect.gather @!p0 [hbm4b:s3+s7], $0x80, s6, s7, $0xb8;
	[tilespmem:$0x15400] =	vst v63  }
0x7b: {  	s13 =	sadd.s32 $0xFFFFC000, s29;
	_ =	swait.ge [sflag:s18], $0x4000  }
0x7c: {  	s1 =	sshrl.u32 s13, $0x3;
	[sflag:s18] =	ssyncset.done $0x0  }
0x7d: {  	s6 =	simm.s32 @!p0 $0x7;
	s1 =	sadd.s32 s4, s1;
	[sflag:s18] =	ssyncadd.s32 $0xFFFFC000  }
0x7e: {  	[hbm4b:s1+s2] =	stream.linear.scatter [tilespmem:s12], [sflag:$0x7], $0x4000, $0x38;
	[tilespmem:$0x15400] =	vst v63  }
0x7f: {  	_ =	swait.ge @!p0 [sflag:s6], $0x4000  }
0x80: {  	[sflag:s6] =	ssyncset.done @!p0 $0x0  }
0x81: {  	s1 =	sadd.s32 @!p0 $0x300, s0;
	[sflag:s6] =	ssyncadd.s32 @!p0 $0xFFFFC000;
	s6 =	simm.s32 @!p0 $0x5400  }
0x82: {  	[tilespmem:s6], [sflag:$0x2] =	stream.indirect.gather @!p0 [hbm4b:s3+s7], $0x80, s1, s7, $0xb8;
	[tilespmem:$0x15400] =	vst v63  }
0x83: {  	_ =	swait.ge [sflag:s19], $0x4000  }
0x84: {  	s15 =	sshrl.u32 s29, $0x3;
	[sflag:s19] =	ssyncset.done $0x0  }
0x85: {  	s1 =	sadd.s32 s4, s15;
	s6 =	simm.s32 @!p0 $0x8;
	[sflag:s19] =	ssyncadd.s32 $0xFFFFC000  }
0x86: {  	[hbm4b:s1+s2] =	stream.linear.scatter [tilespmem:s14], [sflag:$0x8], $0x4000, $0x38;
	[tilespmem:$0x15400] =	vst v63  }
0x87: {  	_ =	swait.ge @!p0 [sflag:s6], $0x4000  }
0x88: {  	[sflag:s6] =	ssyncset.done @!p0 $0x0  }
0x89: {  	s1 =	sadd.s32 @!p0 $0x380, s0;
	[sflag:s6] =	ssyncadd.s32 @!p0 $0xFFFFC000;
	s6 =	simm.s32 @!p0 $0x9400  }
0x8a: {  	[tilespmem:s6], [sflag:$0x3] =	stream.indirect.gather @!p0 [hbm4b:s3+s7], $0x80, s1, s7, $0xb8;
	[tilespmem:$0x15400] =	vst v63  }
0x8b: {  	s22 =	sadd.s32 $0x4000, s29;
	_ =	swait.ge [sflag:s20], $0x4000  }
0x8c: {  	s1 =	sshrl.u32 s22, $0x3;
	[sflag:s20] =	ssyncset.done $0x0  }
0x8d: {  	s1 =	sadd.s32 s4, s1;
	[sflag:s20] =	ssyncadd.s32 $0xFFFFC000  }
0x8e: {  	[hbm4b:s1+s2] =	stream.linear.scatter [tilespmem:s16], [sflag:$0x9], $0x4000, $0x38;
	[tilespmem:$0x15400] =	vst v63  }
0x8f: {  	s1 =	simm.s32 @!p0 $0x9  }
0x90: {  	_ =	swait.ge @!p0 [sflag:s1], $0x4000  }
0x91: {  	[sflag:s1] =	ssyncset.done @!p0 $0x0  }
0x92: {  	s0 =	sadd.s32 @!p0 $0x400, s0;
	[sflag:s1] =	ssyncadd.s32 @!p0 $0xFFFFC000;
	s1 =	simm.s32 @!p0 $0xD400  }
0x93: {  	[tilespmem:s1], [sflag:$0x4] =	stream.indirect.gather @!p0 [hbm4b:s3+s7], $0x80, s0, s7, $0xb8;
	[tilespmem:$0x15400] =	vst v63  }
0x94: {  	s29 =	sadd.s32 $0x8000, s29;
	_ =	swait.ge [sflag:s21], $0x4000  }
0x95: {  	s0 =	sshrl.u32 s29, $0x3;
	[sflag:s21] =	ssyncset.done $0x0  }
0x96: {  	s30 =	simm.s32 $0x6;
	s0 =	sadd.s32 s4, s0;
	[sflag:s21] =	ssyncadd.s32 $0xFFFFC000  }
0x97: {  	[hbm4b:s0+s2] =	stream.linear.scatter [tilespmem:s17], [sflag:$0xA], $0x4000, $0x38;
	[tilespmem:$0x15400] =	vst v63  }
0x98: {  	_ =	swait.ge [sflag:s30], $0x4000  }
0x99: {  	[sflag:s30] =	ssyncset.done $0x0  }
0x9a: {  	[sflag:s30] =	ssyncadd.s32 $0xFFFFC000  }
0x9b: {  	_ =	swait.ge [sflag:s23], $0x4000  }
0x9c: {  	[sflag:s23] =	ssyncset.done $0x0  }
0x9d: {  	[sflag:s23] =	ssyncadd.s32 $0xFFFFC000  }
0x9e: {  	_ =	swait.ge [sflag:s24], $0x4000  }
0x9f: {  	[sflag:s24] =	ssyncset.done $0x0  }
0xa0: {  	[sflag:s24] =	ssyncadd.s32 $0xFFFFC000  }
0xa1: {  	_ =	swait.ge [sflag:s25], $0x4000  }
0xa2: {  	[sflag:s25] =	ssyncset.done $0x0  }
0xa3: {  	[sflag:s25] =	ssyncadd.s32 $0xFFFFC000  }
0xa4: {  	_ =	swait.ge [sflag:s26], $0x4000  }
0xa5: {  	s28 =	sadd.s32 $0x1, s28;
	s31 =	rddreg [dreg:$0x3]  }
0xa6: {  	p0 =	sne.s32 s28, s31  }
.Ltmp1:
0xa7: {  	_ = 	snop;
	(pc) =	sbr.rel @p0 .LBB2_1-.Ltmp1, $3  }
0xa8: {  	_ =	sdelay $0x1  }
0xa9: {  	[sflag:s26] =	ssyncset.done $0x0  }
0xaa: {  	[sflag:s26] =	ssyncadd.s32 $0xFFFFC000  }
0xab: {  	_ =	sfence.sel $0x180000  }
0xac: {  	[bflag:$0x0] =	sbarrier.arrive $0xFFFF  }
0xad: {  	_ =	strace $0x9000004D  }
0xae: {  	s0 =	stileid.u32;
	[bflag:$0x2] =	sbarrier.arrive $0xFFFF  }
0xaf: {  	p0 =	sne.s32 s0, $0x0;
	s0 =	rddreg [dreg:$0x1]  }
0xb0: {  	s0 =	sadd.s32 @!p0 $0x100000, s0  }
0xb1: {  	[sflag:s0] =	ssyncadd.tile.s32 @!p0 $0x1;
	_ =	shalt  }
.Lfunc_end2:
_tile_overlayer_lowered:
.L_overlay_start_2:
0xb2: {  	(tag) =	ssettag $0x2  }
0xb3: {  	s0 =	rddreg [dreg:$0x0];
	s2 =	stileid.u32  }
0xb4: {  	s1 =	rddreg [dreg:$0x1];
	p0 =	sne.s32 s2, $0x0  }
0xb5: {  	s3 =	rddreg [dreg:$0x2];
	[bflag:$0x3] =	sbarrier.arrive $0xFFFF;
	s2 =	simm.s32 @!p0 $0x1C0B  }
0xb6: {  	[timem:s3], [sflag:s2] =	dma.local @!p0 [hbm:s0], s1  }
0xb7: {  	s0 =	simm.s32 @!p0 $0xB  }
0xb8: {  	_ =	swait.ge @!p0 [sflag:s0], s1  }
0xb9: {  	s1 =	ssub.s32 @!p0 $0x0, s1;
	[sflag:s0] =	ssyncset.done @!p0 $0x0  }
0xba: {  	[sflag:s0] =	ssyncadd.s32 @!p0 s1  }
0xbb: {  	[bflag:$0x3] =	sbarrier.arrive $0xFFFF  }
0xbc: {  	_ =	shalt  }

</sc_bundles>
